<compile_context>
chip_gen: v7x
topology: tpu7x:2x2x1
jax: 0.10.2.dev20260603
libtpu: 0.0.44.dev20260713+nightly
codegen_flags: <defaults>
</compile_context>

<pallas_src>
import functools

import jax
import jax.numpy as jnp
from jax import lax
from jax.experimental import pallas as pl
from jax.experimental.pallas import tpu as pltpu
from jax.experimental.pallas import tpu_sc as plsc

_NU = 10000
_NUP = 10240
_PF = 128
_NP = 10
_EP = 131072
_NCH = 32
_CH = 128
_LP = 163840
_DNCH = 40
_DCH = 128

_GD = lax.GatherDimensionNumbers(
    offset_dims=(), collapsed_slice_dims=(0,), start_index_map=(0,))


def _bcast_lane(vec, lane):
    idx = jnp.full((16, 1), lane, jnp.int32)
    return lax.gather(vec, idx, _GD, slice_sizes=(1,),
                      mode=lax.GatherScatterMode.PROMISE_IN_BOUNDS)


def _agg_body(tables, src_hbm, dst_hbm, vals_hbm, out_hbm,
              src_v, dst_v, vals_v, rows_a, rows_b, zeros_v, accum,
              sem_a, sem_b):
    c = lax.axis_index("c")
    s = lax.axis_index("s")
    wid = c * 16 + s
    row0 = s * 640

    z16 = jnp.zeros((16,), jnp.float32)

    def zfill(i, carry):
        zeros_v[i // 8, pl.ds((i % 8) * 16, 16)] = z16
        return carry

    lax.fori_loop(0, 16 * 8, zfill, 0)

    def one_pass(p, carry):
        def zdma(b, cz):
            pltpu.sync_copy(zeros_v, accum.at[pl.ds(row0 + b * 16, 16)])
            return cz

        lax.fori_loop(0, 40, zdma, 0)
        plsc.subcore_barrier()
        pltpu.sync_copy(src_hbm.at[p, wid], src_v)
        pltpu.sync_copy(dst_hbm.at[p, wid], dst_v)
        pltpu.sync_copy(vals_hbm.at[p, wid], vals_v)

        def scale(ch, rows):
            @plsc.parallel_loop(0, _CH // 16, unroll=2)
            def _scale(g):
                valv = vals_v[ch, pl.ds(g * 16, 16)]
                for e16 in range(16):
                    vv = _bcast_lane(valv, e16)
                    e = g * 16 + e16
                    for j in range(7):
                        rows[e, pl.ds(j * 16, 16)] = (
                            rows[e, pl.ds(j * 16, 16)] * vv)

        pltpu.async_copy(tables.at[src_v.at[0]], rows_a, sem_a)

        def two_chunks(k, carry2):
            ch0 = 2 * k
            ch1 = ch0 + 1
            pltpu.async_copy(tables.at[src_v.at[ch1]], rows_b, sem_b)
            pltpu.make_async_copy(tables.at[src_v.at[ch0]], rows_a,
                                  sem_a).wait()
            scale(ch0, rows_a)
            pltpu.sync_copy(rows_a, accum.at[dst_v.at[ch0]], add=True)

            @pl.when(k < _NCH // 2 - 1)
            def _():
                pltpu.async_copy(tables.at[src_v.at[ch0 + 2]], rows_a, sem_a)

            pltpu.make_async_copy(tables.at[src_v.at[ch1]], rows_b,
                                  sem_b).wait()
            scale(ch1, rows_b)
            pltpu.sync_copy(rows_b, accum.at[dst_v.at[ch1]], add=True)
            return carry2

        lax.fori_loop(0, _NCH // 2, two_chunks, 0)
        plsc.subcore_barrier()
        for b in range(5):
            pltpu.sync_copy(
                accum.at[pl.ds(row0 + b * _CH, _CH)],
                out_hbm.at[c, p, pl.ds(row0 + b * _CH, _CH)])
        return carry

    lax.fori_loop(0, _NP, one_pass, 0)


def _dec_body(qcat, vtab, uidx, vidx, cvec, out_hbm,
              uix_v, vix_v, q_a, q_b, v_a, v_b, o_v, c_v,
              sem_qa, sem_qb, sem_va, sem_vb):
    c = lax.axis_index("c")
    s = lax.axis_index("s")
    wid = c * 16 + s
    pltpu.sync_copy(uidx.at[wid], uix_v)
    pltpu.sync_copy(vidx.at[wid], vix_v)
    pltpu.sync_copy(cvec, c_v)
    c0 = c_v[pl.ds(0, 16)]
    c1 = c_v[pl.ds(16, 16)]

    def process(ch, q_v, v_v):
        @plsc.parallel_loop(0, _DCH, unroll=4)
        def link(e):
            vs0 = v_v[e, pl.ds(0, 16)]
            acc0 = q_v[e, pl.ds(0, 16)] * vs0
            acc1 = q_v[e, pl.ds(_PF, 16)] * vs0
            for j in range(1, 5):
                vsj = v_v[e, pl.ds(16 * j, 16)]
                acc0 = acc0 + q_v[e, pl.ds(16 * j, 16)] * vsj
                acc1 = acc1 + q_v[e, pl.ds(_PF + 16 * j, 16)] * vsj
            b0 = jnp.sum(acc0)
            b1 = jnp.sum(acc1)
            o_v[e // 8, pl.ds((e % 8) * 16, 16)] = b0 * c0 + b1 * c1

        pltpu.sync_copy(o_v, out_hbm.at[pl.ds(wid * 640 + ch * 16, 16)])

    pltpu.async_copy(qcat.at[uix_v.at[0]], q_a, sem_qa)
    pltpu.async_copy(vtab.at[vix_v.at[0]], v_a, sem_va)

    def two_chunks(k, carry):
        ch0 = 2 * k
        ch1 = ch0 + 1
        pltpu.async_copy(qcat.at[uix_v.at[ch1]], q_b, sem_qb)
        pltpu.async_copy(vtab.at[vix_v.at[ch1]], v_b, sem_vb)
        pltpu.make_async_copy(qcat.at[uix_v.at[ch0]], q_a, sem_qa).wait()
        pltpu.make_async_copy(vtab.at[vix_v.at[ch0]], v_a, sem_va).wait()
        process(ch0, q_a, v_a)

        @pl.when(k < _DNCH // 2 - 1)
        def _():
            pltpu.async_copy(qcat.at[uix_v.at[ch0 + 2]], q_a, sem_qa)
            pltpu.async_copy(vtab.at[vix_v.at[ch0 + 2]], v_a, sem_va)

        pltpu.make_async_copy(qcat.at[uix_v.at[ch1]], q_b, sem_qb).wait()
        pltpu.make_async_copy(vtab.at[vix_v.at[ch1]], v_b, sem_vb).wait()
        process(ch1, q_b, v_b)
        return carry

    lax.fori_loop(0, _DNCH // 2, two_chunks, 0)


@functools.cache
def _build_sc_kernels():
    mesh = plsc.VectorSubcoreMesh(core_axis_name="c", subcore_axis_name="s",
                                  num_cores=2, num_subcores=16)
    params = pltpu.CompilerParams(needs_layout_passes=False)
    agg = pl.kernel(
        _agg_body,
        out_type=jax.ShapeDtypeStruct((2, _NP, _NUP, _PF), jnp.float32),
        mesh=mesh,
        compiler_params=params,
        scratch_types=[
            pltpu.VMEM((_NCH, _CH), jnp.int32),
            pltpu.VMEM((_NCH, _CH), jnp.int32),
            pltpu.VMEM((_NCH, _CH), jnp.float32),
            pltpu.VMEM((_CH, _PF), jnp.float32),
            pltpu.VMEM((_CH, _PF), jnp.float32),
            pltpu.VMEM((16, _PF), jnp.float32),
            pltpu.VMEM_SHARED((_NUP, _PF), jnp.float32),
            pltpu.SemaphoreType.DMA,
            pltpu.SemaphoreType.DMA,
        ],
    )
    dec = pl.kernel(
        _dec_body,
        out_type=jax.ShapeDtypeStruct((_LP // 8, _PF), jnp.float32),
        mesh=mesh,
        compiler_params=params,
        scratch_types=[
            pltpu.VMEM((_DNCH, _DCH), jnp.int32),
            pltpu.VMEM((_DNCH, _DCH), jnp.int32),
            pltpu.VMEM((_DCH, 2 * _PF), jnp.float32),
            pltpu.VMEM((_DCH, 2 * _PF), jnp.float32),
            pltpu.VMEM((_DCH, _PF), jnp.float32),
            pltpu.VMEM((_DCH, _PF), jnp.float32),
            pltpu.VMEM((16, _PF), jnp.float32),
            pltpu.VMEM((32,), jnp.float32),
            pltpu.SemaphoreType.DMA,
            pltpu.SemaphoreType.DMA,
            pltpu.SemaphoreType.DMA,
            pltpu.SemaphoreType.DMA,
        ],
    )
    return agg, dec


def _mm1_body(uv_ref, w_ref, o_ref):
    o_ref[0] = jnp.dot(uv_ref[0], w_ref[0],
                       preferred_element_type=jnp.float32)


_tc_tables = pl.pallas_call(
    _mm1_body,
    grid=(10, 10),
    in_specs=[
        pl.BlockSpec((1, 1000, 128), lambda p, m: (p % 2, m, 0)),
        pl.BlockSpec((1, 128, _PF), lambda p, m: (p, 0, 0)),
    ],
    out_specs=pl.BlockSpec((1, 1000, _PF), lambda p, m: (p, m, 0)),
    out_shape=jax.ShapeDtypeStruct((_NP, _NU, _PF), jnp.float32),
)


def _dense_body(a0_ref, a1_ref, wd_ref, pc_ref, o_ref, q_ref):
    r = pl.program_id(2)
    z = jnp.maximum(a0_ref[0] + a1_ref[0], 0.0)
    part = jnp.dot(z, wd_ref[0], preferred_element_type=jnp.float32)

    @pl.when(r == 0)
    def _():
        o_ref[0] = part

    @pl.when(r != 0)
    def _():
        o_ref[0] = o_ref[0] + part

    @pl.when(r == 4)
    def _():
        q_ref[0] = jnp.dot(o_ref[0], pc_ref[0],
                           preferred_element_type=jnp.float32)


_tc_dense = pl.pallas_call(
    _dense_body,
    grid=(2, 10, 5),
    in_specs=[
        pl.BlockSpec((1, 1024, _PF), lambda d, m, r: (2 * r + d, m, 0)),
        pl.BlockSpec((1, 1024, _PF), lambda d, m, r: (2 * r + d, m, 0)),
        pl.BlockSpec((1, _PF, _PF), lambda d, m, r: (r, 0, 0)),
        pl.BlockSpec((1, _PF, 2 * _PF), lambda d, m, r: (0, 0, 0)),
    ],
    out_specs=[
        pl.BlockSpec((1, 1024, _PF), lambda d, m, r: (d, m, 0)),
        pl.BlockSpec((1, 1024, 2 * _PF), lambda d, m, r: (d, m, 0)),
    ],
    out_shape=[
        jax.ShapeDtypeStruct((2, _NUP, _PF), jnp.float32),
        jax.ShapeDtypeStruct((2, _NUP, 2 * _PF), jnp.float32),
    ],
)


def kernel(u_features, v_features, support_rows, support_cols, support_vals,
           u_indices, v_indices, W_gcn, W_dense, P, coeffs):
    f32 = jnp.float32
    i32 = jnp.int32

    w5 = jnp.pad(W_gcn.reshape(128, 5, 100).transpose(1, 0, 2),
                 ((0, 0), (0, 0), (0, _PF - 100)))
    w_stack = jnp.repeat(w5, 2, axis=0)
    uv = jnp.stack([v_features, u_features])
    wd_stack = jnp.pad(W_dense.reshape(5, 100, 75),
                       ((0, 0), (0, _PF - 100), (0, _PF - 75)))
    p0 = jnp.pad(P[0], ((0, _PF - 75), (0, _PF - 75)))
    p1 = jnp.pad(P[1], ((0, _PF - 75), (0, _PF - 75)))
    pcat = jnp.concatenate([p0, p1], axis=1)
    cvec = jnp.concatenate([
        coeffs[0], jnp.zeros((11,), f32),
        coeffs[1], jnp.zeros((11,), f32)])

    pad_e = (jnp.arange(_EP - 128000, dtype=i32) * 97) % _NU
    zval = jnp.zeros((_EP - 128000,), f32)
    srcs, dsts, valsl = [], [], []
    for r in range(5):
        for d in range(2):
            p = 2 * r + d
            src = support_cols[r] if d == 0 else support_rows[r]
            dst = support_rows[r] if d == 0 else support_cols[r]
            srcs.append(jnp.concatenate([src, pad_e]) + p * _NU)
            dsts.append(jnp.concatenate([dst, pad_e]))
            valsl.append(jnp.concatenate([support_vals[r], zval]))
    src_hbm = jnp.stack(srcs).reshape(_NP, 32, _NCH, _CH)
    dst_hbm = jnp.stack(dsts).reshape(_NP, 32, _NCH, _CH)
    vals_hbm = jnp.stack(valsl).reshape(_NP, 32, _NCH, _CH)

    pad_l = (jnp.arange(_LP - 160000, dtype=i32) * 131) % _NU
    uix = jnp.concatenate([u_indices, pad_l]).reshape(32, _DNCH, _DCH)
    vix = jnp.concatenate([v_indices, pad_l]).reshape(32, _DNCH, _DCH)

    sc_aggregate, sc_decoder = _build_sc_kernels()
    tables = _tc_tables(uv, w_stack).reshape(_NP * _NU, _PF)
    aggs = sc_aggregate(tables, src_hbm, dst_hbm, vals_hbm)
    h, qcat = _tc_dense(aggs[0], aggs[1], wd_stack, pcat[None])
    out = sc_decoder(qcat[0], h[1], uix, vix, cvec)
    return out.reshape(_LP, 16)[:160000, :5]

# --- scband reference (transcript-rebuilt; emitter-appended) ---
"""Pipeline reference for scband-recommender-gae-57140244906514 (READ-ONLY COPY).

The authoritative reference and input builder live on the scoring server;
editing this copy changes nothing except your own understanding.
"""

import jax, jax.numpy as jnp
import numpy as np

NUM_USERS = 10000
NUM_ITEMS = 10000
INPUT_DIM = 128
HIDDEN = [500, 75]
NUM_SUPPORT = 5
NUM_CLASSES = 5
NUM_BASIS = 2
E_PER_SUPPORT = 128000
NUM_LINKS = 160000


def setup_inputs(seed: int = 0):
    key = jax.random.key(seed)
    ks = jax.random.split(key, 12)
    u_features = jax.random.normal(ks[0], (NUM_USERS, INPUT_DIM), dtype=jnp.float32)
    v_features = jax.random.normal(ks[1], (NUM_ITEMS, INPUT_DIM), dtype=jnp.float32)
    support_rows = jax.random.randint(ks[2], (NUM_SUPPORT, E_PER_SUPPORT), 0, NUM_USERS, dtype=jnp.int32)
    support_cols = jax.random.randint(ks[3], (NUM_SUPPORT, E_PER_SUPPORT), 0, NUM_ITEMS, dtype=jnp.int32)
    support_vals = jax.random.uniform(ks[4], (NUM_SUPPORT, E_PER_SUPPORT), dtype=jnp.float32)
    u_indices = jax.random.randint(ks[5], (NUM_LINKS,), 0, NUM_USERS, dtype=jnp.int32)
    v_indices = jax.random.randint(ks[6], (NUM_LINKS,), 0, NUM_ITEMS, dtype=jnp.int32)
    # learned parameters
    W_gcn = jax.random.uniform(ks[7], (INPUT_DIM, HIDDEN[0]), minval=-0.1, maxval=0.1, dtype=jnp.float32)
    W_dense = jax.random.uniform(ks[8], (HIDDEN[0], HIDDEN[1]), minval=-0.1, maxval=0.1, dtype=jnp.float32)
    P = jax.random.normal(ks[9], (NUM_BASIS, HIDDEN[1], HIDDEN[1]), dtype=jnp.float32) * 0.1
    coeffs = jax.random.normal(ks[10], (NUM_BASIS, NUM_CLASSES), dtype=jnp.float32) * 0.1
    return {
        'u_features': u_features, 'v_features': v_features,
        'support_rows': support_rows, 'support_cols': support_cols,
        'support_vals': support_vals, 'u_indices': u_indices, 'v_indices': v_indices,
        'W_gcn': W_gcn, 'W_dense': W_dense, 'P': P, 'coeffs': coeffs,
    }


def reference(u_features, v_features, support_rows, support_cols, support_vals,
              u_indices, v_indices, W_gcn, W_dense, P, coeffs):
    # --- StackGCN layer (accum='stack', share_user_item_weights=True) ---
    W_parts = jnp.split(W_gcn, NUM_SUPPORT, axis=1)
    sup_u, sup_v = [], []
    for r in range(NUM_SUPPORT):
        tmp_u = v_features @ W_parts[r]          # [num_items, hidden0/num_support]
        tmp_v = u_features @ W_parts[r]          # [num_users, hidden0/num_support]
        # support[r] @ tmp_u : sparse matmul as gather + scale + scatter-add
        msg_u = jnp.take(tmp_u, support_cols[r], axis=0) * support_vals[r][:, None]
        agg_u = jnp.zeros((NUM_USERS, tmp_u.shape[1]), dtype=jnp.float32).at[support_rows[r]].add(msg_u)
        # support_t[r] @ tmp_v
        msg_v = jnp.take(tmp_v, support_rows[r], axis=0) * support_vals[r][:, None]
        agg_v = jnp.zeros((NUM_ITEMS, tmp_v.shape[1]), dtype=jnp.float32).at[support_cols[r]].add(msg_v)
        sup_u.append(agg_u)
        sup_v.append(agg_v)
    z_u = jax.nn.relu(jnp.concatenate(sup_u, axis=1))
    z_v = jax.nn.relu(jnp.concatenate(sup_v, axis=1))
    # --- Dense layer (shared weights, identity activation) ---
    h_u = z_u @ W_dense
    h_v = z_v @ W_dense
    # --- BilinearMixture decoder (diagonal=False, user_item_bias=False) ---
    u = jnp.take(h_u, u_indices, axis=0)   # [num_links, hidden1]
    v = jnp.take(h_v, v_indices, axis=0)
    basis = [jnp.sum((u @ P[i]) * v, axis=1) for i in range(NUM_BASIS)]
    basis = jnp.stack(basis, axis=1)       # [num_links, num_basis]
    logits = basis @ coeffs                # [num_links, num_classes]
    return logits

if __name__ == "__main__":
    import jax
    _d = setup_inputs()
    print(jax.jit(kernel)(*tuple(_d.values())))

</pallas_src>

<mosaic_0001>
#map = affine_map<(d0, d1) -> (0, 0)>
#map1 = affine_map<(d0, d1) -> (0, 0, 0, 0)>
module attributes {stable_mosaic.version = 14 : i64} {
  func.func @_agg_body(%arg0: i32, %arg1: i32, %arg2: memref<100000x128xf32, #tpu.memory_space<hbm>>, %arg3: memref<10x32x32x128xi32, #tpu.memory_space<hbm>>, %arg4: memref<10x32x32x128xi32, #tpu.memory_space<hbm>>, %arg5: memref<10x32x32x128xf32, #tpu.memory_space<hbm>>, %arg6: memref<2x10x10240x128xf32, #tpu.memory_space<hbm>>, %arg7: memref<32x128xi32, #tpu.memory_space<vmem>>, %arg8: memref<32x128xi32, #tpu.memory_space<vmem>>, %arg9: memref<32x128xf32, #tpu.memory_space<vmem>>, %arg10: memref<128x128xf32, #tpu.memory_space<vmem>>, %arg11: memref<128x128xf32, #tpu.memory_space<vmem>>, %arg12: memref<16x128xf32, #tpu.memory_space<vmem>>, %arg13: memref<10240x128xf32, #tpu.memory_space<vmem_shared>>, %arg14: memref<!tpu.dma_semaphore, #tpu.memory_space<semaphore_mem>>, %arg15: memref<!tpu.dma_semaphore, #tpu.memory_space<semaphore_mem>>) attributes {dimension_semantics = [#tpu.dimension_semantics<core_parallel>, #tpu.dimension_semantics<subcore_parallel>], iteration_bounds = array<i64: 2, 16>, scalar_prefetch = 0 : i64, scratch_operands = 9 : i64, tpu.core_type = #tpu.core_type<sc_vector_subcore>, window_params = [{transform_indices = #map}, {transform_indices = #map1}, {transform_indices = #map1}, {transform_indices = #map1}, {transform_indices = #map1}]} {
    %mul3A = arith.constant 16 : i32
    %mul3A_0 = arith.muli %arg0, %mul3A : i32
    %add3A = arith.addi %mul3A_0, %arg1 : i32
    %mul3A_1 = arith.constant 640 : i32
    %mul3A_2 = arith.muli %arg1, %mul3A_1 : i32
    %broadcast_in_dim3A = arith.constant 0.000000e+00 : f32
    %broadcast_in_dim3A_3 = vector.broadcast %broadcast_in_dim3A : f32 to vector<16xf32>
    %scan3A = arith.constant 0 : i32
    %scan3A_4 = arith.constant 0 : i32
    %scan3A_5 = arith.constant 128 : i32
    %scan3A_6 = arith.addi %scan3A_4, %scan3A_5 : i32
    %scan3A_7 = arith.constant 1 : i32
    scf.for %scan3A_15 = %scan3A_4 to %scan3A_6 step %scan3A_7  : i32 {
      %jit3A = arith.constant 8 : i32
      %div3A = arith.divsi %scan3A_15, %jit3A : i32
      %sign3A = arith.constant 0 : i32
      %sign3A_16 = arith.cmpi sgt, %scan3A_15, %sign3A : i32
      %sign3A_17 = arith.extui %sign3A_16 : i1 to i32
      %sign3A_18 = arith.constant 0 : i32
      %sign3A_19 = arith.cmpi slt, %scan3A_15, %sign3A_18 : i32
      %sign3A_20 = arith.extui %sign3A_19 : i1 to i32
      %sign3A_21 = arith.subi %sign3A_17, %sign3A_20 : i32
      %sign3A_22 = arith.constant 0 : i32
      %sign3A_23 = arith.cmpi sgt, %jit3A, %sign3A_22 : i32
      %sign3A_24 = arith.extui %sign3A_23 : i1 to i32
      %sign3A_25 = arith.constant 0 : i32
      %sign3A_26 = arith.cmpi slt, %jit3A, %sign3A_25 : i32
      %sign3A_27 = arith.extui %sign3A_26 : i1 to i32
      %sign3A_28 = arith.subi %sign3A_24, %sign3A_27 : i32
      %ne3A = arith.cmpi ne, %sign3A_21, %sign3A_28 : i32
      %rem3A = arith.remsi %scan3A_15, %jit3A : i32
      %ne3A_29 = arith.constant 0 : i32
      %ne3A_30 = arith.cmpi ne, %rem3A, %ne3A_29 : i32
      %and3A = arith.andi %ne3A, %ne3A_30 : i1
      %sub3A = arith.constant 1 : i32
      %sub3A_31 = arith.subi %div3A, %sub3A : i32
      %select_n3A = arith.select %and3A, %sub3A_31, %div3A : i32
      %jit3A_32 = arith.constant 8 : i32
      %eq3A = arith.constant 0 : i32
      %eq3A_33 = arith.cmpi eq, %jit3A_32, %eq3A : i32
      %jit3A_34 = arith.constant 1 : i32
      %select_n3A_35 = arith.select %eq3A_33, %jit3A_34, %jit3A_32 : i32
      %rem3A_36 = arith.remsi %scan3A_15, %select_n3A_35 : i32
      %ne3A_37 = arith.constant 0 : i32
      %ne3A_38 = arith.cmpi ne, %rem3A_36, %ne3A_37 : i32
      %lt3A = arith.constant 0 : i32
      %lt3A_39 = arith.cmpi slt, %rem3A_36, %lt3A : i32
      %lt3A_40 = arith.constant 0 : i32
      %lt3A_41 = arith.cmpi slt, %select_n3A_35, %lt3A_40 : i32
      %ne3A_42 = arith.xori %lt3A_39, %lt3A_41 : i1
      %and3A_43 = arith.andi %ne3A_42, %ne3A_38 : i1
      %add3A_44 = arith.addi %rem3A_36, %select_n3A_35 : i32
      %select_n3A_45 = arith.select %and3A_43, %add3A_44, %rem3A_36 : i32
      %mul3A_46 = arith.constant 16 : i32
      %mul3A_47 = arith.muli %select_n3A_45, %mul3A_46 : i32
      %swap3A = arith.index_cast %select_n3A : i32 to index
      %swap3A_48 = arith.index_cast %mul3A_47 : i32 to index
      %swap3A_49 = tpu.vector_load %arg12[%swap3A, %swap3A_48] {strides = array<i32>} : memref<16x128xf32, #tpu.memory_space<vmem>>, vector<16xf32>,
      tpu.vector_store %arg12[%swap3A, %swap3A_48], %broadcast_in_dim3A_3 {strides = array<i32>} : memref<16x128xf32, #tpu.memory_space<vmem>>, vector<16xf32>,
    }
    %scan3A_8 = arith.constant 128 : i32
    %scan3A_9 = arith.constant 0 : i32
    %scan3A_10 = arith.constant 0 : i32
    %scan3A_11 = arith.constant 10 : i32
    %scan3A_12 = arith.addi %scan3A_10, %scan3A_11 : i32
    %scan3A_13 = arith.constant 1 : i32
    scf.for %scan3A_15 = %scan3A_10 to %scan3A_12 step %scan3A_13  : i32 {
      %scan3A_16 = arith.constant 0 : i32
      %scan3A_17 = arith.constant 0 : i32
      %scan3A_18 = arith.constant 40 : i32
      %scan3A_19 = arith.addi %scan3A_17, %scan3A_18 : i32
      %scan3A_20 = arith.constant 1 : i32
      scf.for %scan3A_55 = %scan3A_17 to %scan3A_19 step %scan3A_20  : i32 {
        %mul3A_56 = arith.constant 16 : i32
        %mul3A_57 = arith.muli %scan3A_55, %mul3A_56 : i32
        %add3A_58 = arith.addi %mul3A_2, %mul3A_57 : i32
        "tpu.region"() ({
          %run_scoped3A = tpu.sem_alloc : memref<!tpu.dma_semaphore, #tpu.memory_space<semaphore_mem>>
          %dma_start3A_59 = arith.constant 0 : i32
          %dma_start3A_60 = tpu.memref_slice %arg13[%add3A_58, %dma_start3A_59] : memref<10240x128xf32, #tpu.memory_space<vmem_shared>> -> memref<16x128xf32, #tpu.memory_space<vmem_shared>>
          %dma_start3A_61 = arith.constant 0 : i32
          %dma_start3A_62 = tpu.memref_slice %arg13[%add3A_58, %dma_start3A_61] : memref<10240x128xf32, #tpu.memory_space<vmem_shared>> -> memref<16x128xf32, #tpu.memory_space<vmem_shared>>
          tpu.enqueue_dma source(%arg12 : memref<16x128xf32, #tpu.memory_space<vmem>>) target(%dma_start3A_62 : memref<16x128xf32, #tpu.memory_space<vmem_shared>>) target_semaphore(%run_scoped3A : memref<!tpu.dma_semaphore, #tpu.memory_space<semaphore_mem>>)
          %dma_wait3A = arith.constant 0 : i32
          %dma_wait3A_63 = tpu.memref_slice %arg13[%add3A_58, %dma_wait3A] : memref<10240x128xf32, #tpu.memory_space<vmem_shared>> -> memref<16x128xf32, #tpu.memory_space<vmem_shared>>
          %dma_wait3A_64 = arith.constant 0 : i32
          %dma_wait3A_65 = tpu.memref_slice %arg13[%add3A_58, %dma_wait3A_64] : memref<10240x128xf32, #tpu.memory_space<vmem_shared>> -> memref<16x128xf32, #tpu.memory_space<vmem_shared>>
          tpu.wait_dma2 semaphore(%run_scoped3A : memref<!tpu.dma_semaphore, #tpu.memory_space<semaphore_mem>>) src(%arg12 : memref<16x128xf32, #tpu.memory_space<vmem>>) dst(%dma_wait3A_65 : memref<16x128xf32, #tpu.memory_space<vmem_shared>>)
          tpu.yield
        }) : () -> ()
      }
      %scan3A_21 = arith.constant 40 : i32
      %barrier3A = arith.constant 0 : index
      tpu.barrier barrier_id(%barrier3A)
      "tpu.region"() ({
        %run_scoped3A = tpu.sem_alloc : memref<!tpu.dma_semaphore, #tpu.memory_space<semaphore_mem>>
        %dma_start3A_55 = arith.constant 0 : i32
        %dma_start3A_56 = arith.constant 0 : i32
        %dma_start3A_57 = tpu.memref_slice %arg3[%scan3A_15, %add3A, %dma_start3A_55, %dma_start3A_56] : memref<10x32x32x128xi32, #tpu.memory_space<hbm>> -> memref<1x1x32x128xi32, #tpu.memory_space<hbm>>
        %dma_start3A_58 = tpu.memref_squeeze %dma_start3A_57 : memref<1x1x32x128xi32, #tpu.memory_space<hbm>> -> memref<32x128xi32, #tpu.memory_space<hbm>>
        %dma_start3A_59 = arith.constant 0 : i32
        %dma_start3A_60 = arith.constant 0 : i32
        %dma_start3A_61 = tpu.memref_slice %arg3[%scan3A_15, %add3A, %dma_start3A_59, %dma_start3A_60] : memref<10x32x32x128xi32, #tpu.memory_space<hbm>> -> memref<1x1x32x128xi32, #tpu.memory_space<hbm>>
        %dma_start3A_62 = tpu.memref_squeeze %dma_start3A_61 : memref<1x1x32x128xi32, #tpu.memory_space<hbm>> -> memref<32x128xi32, #tpu.memory_space<hbm>>
        tpu.enqueue_dma source(%dma_start3A_62 : memref<32x128xi32, #tpu.memory_space<hbm>>) target(%arg7 : memref<32x128xi32, #tpu.memory_space<vmem>>) target_semaphore(%run_scoped3A : memref<!tpu.dma_semaphore, #tpu.memory_space<semaphore_mem>>)
        %dma_wait3A = arith.constant 0 : i32
        %dma_wait3A_63 = arith.constant 0 : i32
        %dma_wait3A_64 = tpu.memref_slice %arg3[%scan3A_15, %add3A, %dma_wait3A, %dma_wait3A_63] : memref<10x32x32x128xi32, #tpu.memory_space<hbm>> -> memref<1x1x32x128xi32, #tpu.memory_space<hbm>>
        %dma_wait3A_65 = tpu.memref_squeeze %dma_wait3A_64 : memref<1x1x32x128xi32, #tpu.memory_space<hbm>> -> memref<32x128xi32, #tpu.memory_space<hbm>>
        %dma_wait3A_66 = arith.constant 0 : i32
        %dma_wait3A_67 = arith.constant 0 : i32
        %dma_wait3A_68 = tpu.memref_slice %arg3[%scan3A_15, %add3A, %dma_wait3A_66, %dma_wait3A_67] : memref<10x32x32x128xi32, #tpu.memory_space<hbm>> -> memref<1x1x32x128xi32, #tpu.memory_space<hbm>>
        %dma_wait3A_69 = tpu.memref_squeeze %dma_wait3A_68 : memref<1x1x32x128xi32, #tpu.memory_space<hbm>> -> memref<32x128xi32, #tpu.memory_space<hbm>>
        tpu.wait_dma2 semaphore(%run_scoped3A : memref<!tpu.dma_semaphore, #tpu.memory_space<semaphore_mem>>) src(%dma_wait3A_69 : memref<32x128xi32, #tpu.memory_space<hbm>>) dst(%arg7 : memref<32x128xi32, #tpu.memory_space<vmem>>)
        tpu.yield
      }) : () -> ()
      "tpu.region"() ({
        %run_scoped3A = tpu.sem_alloc : memref<!tpu.dma_semaphore, #tpu.memory_space<semaphore_mem>>
        %dma_start3A_55 = arith.constant 0 : i32
        %dma_start3A_56 = arith.constant 0 : i32
        %dma_start3A_57 = tpu.memref_slice %arg4[%scan3A_15, %add3A, %dma_start3A_55, %dma_start3A_56] : memref<10x32x32x128xi32, #tpu.memory_space<hbm>> -> memref<1x1x32x128xi32, #tpu.memory_space<hbm>>
        %dma_start3A_58 = tpu.memref_squeeze %dma_start3A_57 : memref<1x1x32x128xi32, #tpu.memory_space<hbm>> -> memref<32x128xi32, #tpu.memory_space<hbm>>
        %dma_start3A_59 = arith.constant 0 : i32
        %dma_start3A_60 = arith.constant 0 : i32
        %dma_start3A_61 = tpu.memref_slice %arg4[%scan3A_15, %add3A, %dma_start3A_59, %dma_start3A_60] : memref<10x32x32x128xi32, #tpu.memory_space<hbm>> -> memref<1x1x32x128xi32, #tpu.memory_space<hbm>>
        %dma_start3A_62 = tpu.memref_squeeze %dma_start3A_61 : memref<1x1x32x128xi32, #tpu.memory_space<hbm>> -> memref<32x128xi32, #tpu.memory_space<hbm>>
        tpu.enqueue_dma source(%dma_start3A_62 : memref<32x128xi32, #tpu.memory_space<hbm>>) target(%arg8 : memref<32x128xi32, #tpu.memory_space<vmem>>) target_semaphore(%run_scoped3A : memref<!tpu.dma_semaphore, #tpu.memory_space<semaphore_mem>>)
        %dma_wait3A = arith.constant 0 : i32
        %dma_wait3A_63 = arith.constant 0 : i32
        %dma_wait3A_64 = tpu.memref_slice %arg4[%scan3A_15, %add3A, %dma_wait3A, %dma_wait3A_63] : memref<10x32x32x128xi32, #tpu.memory_space<hbm>> -> memref<1x1x32x128xi32, #tpu.memory_space<hbm>>
        %dma_wait3A_65 = tpu.memref_squeeze %dma_wait3A_64 : memref<1x1x32x128xi32, #tpu.memory_space<hbm>> -> memref<32x128xi32, #tpu.memory_space<hbm>>
        %dma_wait3A_66 = arith.constant 0 : i32
        %dma_wait3A_67 = arith.constant 0 : i32
        %dma_wait3A_68 = tpu.memref_slice %arg4[%scan3A_15, %add3A, %dma_wait3A_66, %dma_wait3A_67] : memref<10x32x32x128xi32, #tpu.memory_space<hbm>> -> memref<1x1x32x128xi32, #tpu.memory_space<hbm>>
        %dma_wait3A_69 = tpu.memref_squeeze %dma_wait3A_68 : memref<1x1x32x128xi32, #tpu.memory_space<hbm>> -> memref<32x128xi32, #tpu.memory_space<hbm>>
        tpu.wait_dma2 semaphore(%run_scoped3A : memref<!tpu.dma_semaphore, #tpu.memory_space<semaphore_mem>>) src(%dma_wait3A_69 : memref<32x128xi32, #tpu.memory_space<hbm>>) dst(%arg8 : memref<32x128xi32, #tpu.memory_space<vmem>>)
        tpu.yield
      }) : () -> ()
      "tpu.region"() ({
        %run_scoped3A = tpu.sem_alloc : memref<!tpu.dma_semaphore, #tpu.memory_space<semaphore_mem>>
        %dma_start3A_55 = arith.constant 0 : i32
        %dma_start3A_56 = arith.constant 0 : i32
        %dma_start3A_57 = tpu.memref_slice %arg5[%scan3A_15, %add3A, %dma_start3A_55, %dma_start3A_56] : memref<10x32x32x128xf32, #tpu.memory_space<hbm>> -> memref<1x1x32x128xf32, #tpu.memory_space<hbm>>
        %dma_start3A_58 = tpu.memref_squeeze %dma_start3A_57 : memref<1x1x32x128xf32, #tpu.memory_space<hbm>> -> memref<32x128xf32, #tpu.memory_space<hbm>>
        %dma_start3A_59 = arith.constant 0 : i32
        %dma_start3A_60 = arith.constant 0 : i32
        %dma_start3A_61 = tpu.memref_slice %arg5[%scan3A_15, %add3A, %dma_start3A_59, %dma_start3A_60] : memref<10x32x32x128xf32, #tpu.memory_space<hbm>> -> memref<1x1x32x128xf32, #tpu.memory_space<hbm>>
        %dma_start3A_62 = tpu.memref_squeeze %dma_start3A_61 : memref<1x1x32x128xf32, #tpu.memory_space<hbm>> -> memref<32x128xf32, #tpu.memory_space<hbm>>
        tpu.enqueue_dma source(%dma_start3A_62 : memref<32x128xf32, #tpu.memory_space<hbm>>) target(%arg9 : memref<32x128xf32, #tpu.memory_space<vmem>>) target_semaphore(%run_scoped3A : memref<!tpu.dma_semaphore, #tpu.memory_space<semaphore_mem>>)
        %dma_wait3A = arith.constant 0 : i32
        %dma_wait3A_63 = arith.constant 0 : i32
        %dma_wait3A_64 = tpu.memref_slice %arg5[%scan3A_15, %add3A, %dma_wait3A, %dma_wait3A_63] : memref<10x32x32x128xf32, #tpu.memory_space<hbm>> -> memref<1x1x32x128xf32, #tpu.memory_space<hbm>>
        %dma_wait3A_65 = tpu.memref_squeeze %dma_wait3A_64 : memref<1x1x32x128xf32, #tpu.memory_space<hbm>> -> memref<32x128xf32, #tpu.memory_space<hbm>>
        %dma_wait3A_66 = arith.constant 0 : i32
        %dma_wait3A_67 = arith.constant 0 : i32
        %dma_wait3A_68 = tpu.memref_slice %arg5[%scan3A_15, %add3A, %dma_wait3A_66, %dma_wait3A_67] : memref<10x32x32x128xf32, #tpu.memory_space<hbm>> -> memref<1x1x32x128xf32, #tpu.memory_space<hbm>>
        %dma_wait3A_69 = tpu.memref_squeeze %dma_wait3A_68 : memref<1x1x32x128xf32, #tpu.memory_space<hbm>> -> memref<32x128xf32, #tpu.memory_space<hbm>>
        tpu.wait_dma2 semaphore(%run_scoped3A : memref<!tpu.dma_semaphore, #tpu.memory_space<semaphore_mem>>) src(%dma_wait3A_69 : memref<32x128xf32, #tpu.memory_space<hbm>>) dst(%arg9 : memref<32x128xf32, #tpu.memory_space<vmem>>)
        tpu.yield
      }) : () -> ()
      %dma_start3A = arith.constant 0 : i32
      %dma_start3A_22 = arith.constant 0 : i32
      %dma_start3A_23 = tpu.memref_slice %arg7[%dma_start3A, %dma_start3A_22] : memref<32x128xi32, #tpu.memory_space<vmem>> -> memref<1x128xi32, #tpu.memory_space<vmem>>
      %dma_start3A_24 = tpu.memref_squeeze %dma_start3A_23 : memref<1x128xi32, #tpu.memory_space<vmem>> -> memref<128xi32, #tpu.memory_space<vmem>>
      %dma_start3A_25 = arith.constant 0 : i32
      %dma_start3A_26 = arith.constant 0 : i32
      %dma_start3A_27 = tpu.memref_slice %arg2[%dma_start3A_25, %dma_start3A_26] : memref<100000x128xf32, #tpu.memory_space<hbm>> -> memref<100000x128xf32, #tpu.memory_space<hbm>>
      tpu.enqueue_indirect_dma source(%dma_start3A_27 : memref<100000x128xf32, #tpu.memory_space<hbm>>) target(%arg10 : memref<128x128xf32, #tpu.memory_space<vmem>>) offsets(%dma_start3A_24 : memref<128xi32, #tpu.memory_space<vmem>>) semaphore(%arg14 : memref<!tpu.dma_semaphore, #tpu.memory_space<semaphore_mem>>)
      %scan3A_28 = arith.constant 0 : i32
      %scan3A_29 = arith.constant 0 : i32
      %scan3A_30 = arith.constant 16 : i32
      %scan3A_31 = arith.addi %scan3A_29, %scan3A_30 : i32
      %scan3A_32 = arith.constant 1 : i32
      scf.for %scan3A_55 = %scan3A_29 to %scan3A_31 step %scan3A_32  : i32 {
        %mul3A_56 = arith.constant 2 : i32
        %mul3A_57 = arith.muli %mul3A_56, %scan3A_55 : i32
        %add3A_58 = arith.constant 1 : i32
        %add3A_59 = arith.addi %mul3A_57, %add3A_58 : i32
        %dma_start3A_60 = arith.constant 0 : i32
        %dma_start3A_61 = tpu.memref_slice %arg7[%add3A_59, %dma_start3A_60] : memref<32x128xi32, #tpu.memory_space<vmem>> -> memref<1x128xi32, #tpu.memory_space<vmem>>
        %dma_start3A_62 = tpu.memref_squeeze %dma_start3A_61 : memref<1x128xi32, #tpu.memory_space<vmem>> -> memref<128xi32, #tpu.memory_space<vmem>>
        %dma_start3A_63 = arith.constant 0 : i32
        %dma_start3A_64 = arith.constant 0 : i32
        %dma_start3A_65 = tpu.memref_slice %arg2[%dma_start3A_63, %dma_start3A_64] : memref<100000x128xf32, #tpu.memory_space<hbm>> -> memref<100000x128xf32, #tpu.memory_space<hbm>>
        tpu.enqueue_indirect_dma source(%dma_start3A_65 : memref<100000x128xf32, #tpu.memory_space<hbm>>) target(%arg11 : memref<128x128xf32, #tpu.memory_space<vmem>>) offsets(%dma_start3A_62 : memref<128xi32, #tpu.memory_space<vmem>>) semaphore(%arg15 : memref<!tpu.dma_semaphore, #tpu.memory_space<semaphore_mem>>)
        %dma_wait3A = arith.constant 0 : i32
        %dma_wait3A_66 = tpu.memref_slice %arg7[%mul3A_57, %dma_wait3A] : memref<32x128xi32, #tpu.memory_space<vmem>> -> memref<1x128xi32, #tpu.memory_space<vmem>>
        %dma_wait3A_67 = tpu.memref_squeeze %dma_wait3A_66 : memref<1x128xi32, #tpu.memory_space<vmem>> -> memref<128xi32, #tpu.memory_space<vmem>>
        %dma_wait3A_68 = arith.constant 0 : i32
        %dma_wait3A_69 = arith.constant 0 : i32
        %dma_wait3A_70 = tpu.memref_slice %arg2[%dma_wait3A_68, %dma_wait3A_69] : memref<100000x128xf32, #tpu.memory_space<hbm>> -> memref<100000x128xf32, #tpu.memory_space<hbm>>
        tpu.wait_indirect_dma semaphore(%arg14 : memref<!tpu.dma_semaphore, #tpu.memory_space<semaphore_mem>>) src(%dma_wait3A_70 : memref<100000x128xf32, #tpu.memory_space<hbm>>) dst(%arg10 : memref<128x128xf32, #tpu.memory_space<vmem>>)
        %parallel_loop3A = arith.constant 0 : i32
        %parallel_loop3A_71 = arith.constant 8 : i32
        %parallel_loop3A_72 = arith.constant 1 : i32
        scf.for %parallel_loop3A_84 = %parallel_loop3A to %parallel_loop3A_71 step %parallel_loop3A_72  : i32 {
          %parallel_loop3A_85 = arith.constant 16 : i32
          %parallel_loop3A_86 = arith.muli %parallel_loop3A_84, %parallel_loop3A_85 : i32
          %parallel_loop3A_87 = arith.index_cast %mul3A_57 : i32 to index
          %parallel_loop3A_88 = arith.index_cast %parallel_loop3A_86 : i32 to index
          %parallel_loop3A_89 = tpu.vector_load %arg9[%parallel_loop3A_87, %parallel_loop3A_88] {strides = array<i32>} : memref<32x128xf32, #tpu.memory_space<vmem>>, vector<16xf32>,
          %parallel_loop3A_90 = arith.constant 0 : i32
          %parallel_loop3A_91 = vector.broadcast %parallel_loop3A_90 : i32 to vector<16x1xi32>
          %parallel_loop3A_92 = vector.shape_cast %parallel_loop3A_91 : vector<16x1xi32> to vector<16xi32>
          %parallel_loop3A_93 = tpu.dynamic_gather %parallel_loop3A_89[%parallel_loop3A_92] in [0] : vector<16xf32>, vector<16xi32> -> vector<16xf32>
          %parallel_loop3A_94 = arith.constant 16 : i32
          %parallel_loop3A_95 = arith.muli %parallel_loop3A_84, %parallel_loop3A_94 : i32
          %parallel_loop3A_96 = arith.constant 0 : i32
          %parallel_loop3A_97 = arith.addi %parallel_loop3A_95, %parallel_loop3A_96 : i32
          %parallel_loop3A_98 = arith.index_cast %parallel_loop3A_97 : i32 to index
          %parallel_loop3A_99 = arith.constant 0 : index
          %parallel_loop3A_100 = tpu.vector_load %arg10[%parallel_loop3A_98, %parallel_loop3A_99] {strides = array<i32>} : memref<128x128xf32, #tpu.memory_space<vmem>>, vector<16xf32>,
          %parallel_loop3A_101 = arith.mulf %parallel_loop3A_100, %parallel_loop3A_93 : vector<16xf32>
          %parallel_loop3A_102 = arith.index_cast %parallel_loop3A_97 : i32 to index
          %parallel_loop3A_103 = arith.constant 0 : index
          %parallel_loop3A_104 = tpu.vector_load %arg10[%parallel_loop3A_102, %parallel_loop3A_103] {strides = array<i32>} : memref<128x128xf32, #tpu.memory_space<vmem>>, vector<16xf32>,
          tpu.vector_store %arg10[%parallel_loop3A_102, %parallel_loop3A_103], %parallel_loop3A_101 {strides = array<i32>} : memref<128x128xf32, #tpu.memory_space<vmem>>, vector<16xf32>,
          %parallel_loop3A_105 = arith.index_cast %parallel_loop3A_97 : i32 to index
          %parallel_loop3A_106 = arith.constant 16 : index
          %parallel_loop3A_107 = tpu.vector_load %arg10[%parallel_loop3A_105, %parallel_loop3A_106] {strides = array<i32>} : memref<128x128xf32, #tpu.memory_space<vmem>>, vector<16xf32>,
          %parallel_loop3A_108 = arith.mulf %parallel_loop3A_107, %parallel_loop3A_93 : vector<16xf32>
          %parallel_loop3A_109 = arith.index_cast %parallel_loop3A_97 : i32 to index
          %parallel_loop3A_110 = arith.constant 16 : index
          %parallel_loop3A_111 = tpu.vector_load %arg10[%parallel_loop3A_109, %parallel_loop3A_110] {strides = array<i32>} : memref<128x128xf32, #tpu.memory_space<vmem>>, vector<16xf32>,
          tpu.vector_store %arg10[%parallel_loop3A_109, %parallel_loop3A_110], %parallel_loop3A_108 {strides = array<i32>} : memref<128x128xf32, #tpu.memory_space<vmem>>, vector<16xf32>,
          %parallel_loop3A_112 = arith.index_cast %parallel_loop3A_97 : i32 to index
          %parallel_loop3A_113 = arith.constant 32 : index
          %parallel_loop3A_114 = tpu.vector_load %arg10[%parallel_loop3A_112, %parallel_loop3A_113] {strides = array<i32>} : memref<128x128xf32, #tpu.memory_space<vmem>>, vector<16xf32>,
          %parallel_loop3A_115 = arith.mulf %parallel_loop3A_114, %parallel_loop3A_93 : vector<16xf32>
          %parallel_loop3A_116 = arith.index_cast %parallel_loop3A_97 : i32 to index
          %parallel_loop3A_117 = arith.constant 32 : index
          %parallel_loop3A_118 = tpu.vector_load %arg10[%parallel_loop3A_116, %parallel_loop3A_117] {strides = array<i32>} : memref<128x128xf32, #tpu.memory_space<vmem>>, vector<16xf32>,
          tpu.vector_store %arg10[%parallel_loop3A_116, %parallel_loop3A_117], %parallel_loop3A_115 {strides = array<i32>} : memref<128x128xf32, #tpu.memory_space<vmem>>, vector<16xf32>,
          %parallel_loop3A_119 = arith.index_cast %parallel_loop3A_97 : i32 to index
          %parallel_loop3A_120 = arith.constant 48 : index
          %parallel_loop3A_121 = tpu.vector_load %arg10[%parallel_loop3A_119, %parallel_loop3A_120] {strides = array<i32>} : memref<128x128xf32, #tpu.memory_space<vmem>>, vector<16xf32>,
          %parallel_loop3A_122 = arith.mulf %parallel_loop3A_121, %parallel_loop3A_93 : vector<16xf32>
          %parallel_loop3A_123 = arith.index_cast %parallel_loop3A_97 : i32 to index
          %parallel_loop3A_124 = arith.constant 48 : index
          %parallel_loop3A_125 = tpu.vector_load %arg10[%parallel_loop3A_123, %parallel_loop3A_124] {strides = array<i32>} : memref<128x128xf32, #tpu.memory_space<vmem>>, vector<16xf32>,
          tpu.vector_store %arg10[%parallel_loop3A_123, %parallel_loop3A_124], %parallel_loop3A_122 {strides = array<i32>} : memref<128x128xf32, #tpu.memory_space<vmem>>, vector<16xf32>,
          %parallel_loop3A_126 = arith.index_cast %parallel_loop3A_97 : i32 to index
          %parallel_loop3A_127 = arith.constant 64 : index
          %parallel_loop3A_128 = tpu.vector_load %arg10[%parallel_loop3A_126, %parallel_loop3A_127] {strides = array<i32>} : memref<128x128xf32, #tpu.memory_space<vmem>>, vector<16xf32>,
          %parallel_loop3A_129 = arith.mulf %parallel_loop3A_128, %parallel_loop3A_93 : vector<16xf32>
          %parallel_loop3A_130 = arith.index_cast %parallel_loop3A_97 : i32 to index
          %parallel_loop3A_131 = arith.constant 64 : index
          %parallel_loop3A_132 = tpu.vector_load %arg10[%parallel_loop3A_130, %parallel_loop3A_131] {strides = array<i32>} : memref<128x128xf32, #tpu.memory_space<vmem>>, vector<16xf32>,
          tpu.vector_store %arg10[%parallel_loop3A_130, %parallel_loop3A_131], %parallel_loop3A_129 {strides = array<i32>} : memref<128x128xf32, #tpu.memory_space<vmem>>, vector<16xf32>,
          %parallel_loop3A_133 = arith.index_cast %parallel_loop3A_97 : i32 to index
          %parallel_loop3A_134 = arith.constant 80 : index
          %parallel_loop3A_135 = tpu.vector_load %arg10[%parallel_loop3A_133, %parallel_loop3A_134] {strides = array<i32>} : memref<128x128xf32, #tpu.memory_space<vmem>>, vector<16xf32>,
          %parallel_loop3A_136 = arith.mulf %parallel_loop3A_135, %parallel_loop3A_93 : vector<16xf32>
          %parallel_loop3A_137 = arith.index_cast %parallel_loop3A_97 : i32 to index
          %parallel_loop3A_138 = arith.constant 80 : index
          %parallel_loop3A_139 = tpu.vector_load %arg10[%parallel_loop3A_137, %parallel_loop3A_138] {strides = array<i32>} : memref<128x128xf32, #tpu.memory_space<vmem>>, vector<16xf32>,
          tpu.vector_store %arg10[%parallel_loop3A_137, %parallel_loop3A_138], %parallel_loop3A_136 {strides = array<i32>} : memref<128x128xf32, #tpu.memory_space<vmem>>, vector<16xf32>,
          %parallel_loop3A_140 = arith.index_cast %parallel_loop3A_97 : i32 to index
          %parallel_loop3A_141 = arith.constant 96 : index
          %parallel_loop3A_142 = tpu.vector_load %arg10[%parallel_loop3A_140, %parallel_loop3A_141] {strides = array<i32>} : memref<128x128xf32, #tpu.memory_space<vmem>>, vector<16xf32>,
          %parallel_loop3A_143 = arith.mulf %parallel_loop3A_142, %parallel_loop3A_93 : vector<16xf32>
          %parallel_loop3A_144 = arith.index_cast %parallel_loop3A_97 : i32 to index
          %parallel_loop3A_145 = arith.constant 96 : index
          %parallel_loop3A_146 = tpu.vector_load %arg10[%parallel_loop3A_144, %parallel_loop3A_145] {strides = array<i32>} : memref<128x128xf32, #tpu.memory_space<vmem>>, vector<16xf32>,
          tpu.vector_store %arg10[%parallel_loop3A_144, %parallel_loop3A_145], %parallel_loop3A_143 {strides = array<i32>} : memref<128x128xf32, #tpu.memory_space<vmem>>, vector<16xf32>,
          %parallel_loop3A_147 = arith.constant 1 : i32
          %parallel_loop3A_148 = vector.broadcast %parallel_loop3A_147 : i32 to vector<16x1xi32>
          %parallel_loop3A_149 = vector.shape_cast %parallel_loop3A_148 : vector<16x1xi32> to vector<16xi32>
          %parallel_loop3A_150 = tpu.dynamic_gather %parallel_loop3A_89[%parallel_loop3A_149] in [0] : vector<16xf32>, vector<16xi32> -> vector<16xf32>
          %parallel_loop3A_151 = arith.constant 16 : i32
          %parallel_loop3A_152 = arith.muli %parallel_loop3A_84, %parallel_loop3A_151 : i32
          %parallel_loop3A_153 = arith.constant 1 : i32
          %parallel_loop3A_154 = arith.addi %parallel_loop3A_152, %parallel_loop3A_153 : i32
          %parallel_loop3A_155 = arith.index_cast %parallel_loop3A_154 : i32 to index
          %parallel_loop3A_156 = arith.constant 0 : index
          %parallel_loop3A_157 = tpu.vector_load %arg10[%parallel_loop3A_155, %parallel_loop3A_156] {strides = array<i32>} : memref<128x128xf32, #tpu.memory_space<vmem>>, vector<16xf32>,
          %parallel_loop3A_158 = arith.mulf %parallel_loop3A_157, %parallel_loop3A_150 : vector<16xf32>
          %parallel_loop3A_159 = arith.index_cast %parallel_loop3A_154 : i32 to index
          %parallel_loop3A_160 = arith.constant 0 : index
          %parallel_loop3A_161 = tpu.vector_load %arg10[%parallel_loop3A_159, %parallel_loop3A_160] {strides = array<i32>} : memref<128x128xf32, #tpu.memory_space<vmem>>, vector<16xf32>,
          tpu.vector_store %arg10[%parallel_loop3A_159, %parallel_loop3A_160], %parallel_loop3A_158 {strides = array<i32>} : memref<128x128xf32, #tpu.memory_space<vmem>>, vector<16xf32>,
          %parallel_loop3A_162 = arith.index_cast %parallel_loop3A_154 : i32 to index
          %parallel_loop3A_163 = arith.constant 16 : index
          %parallel_loop3A_164 = tpu.vector_load %arg10[%parallel_loop3A_162, %parallel_loop3A_163] {strides = array<i32>} : memref<128x128xf32, #tpu.memory_space<vmem>>, vector<16xf32>,
          %parallel_loop3A_165 = arith.mulf %parallel_loop3A_164, %parallel_loop3A_150 : vector<16xf32>
          %parallel_loop3A_166 = arith.index_cast %parallel_loop3A_154 : i32 to index
          %parallel_loop3A_167 = arith.constant 16 : index
          %parallel_loop3A_168 = tpu.vector_load %arg10[%parallel_loop3A_166, %parallel_loop3A_167] {strides = array<i32>} : memref<128x128xf32, #tpu.memory_space<vmem>>, vector<16xf32>,
          tpu.vector_store %arg10[%parallel_loop3A_166, %parallel_loop3A_167], %parallel_loop3A_165 {strides = array<i32>} : memref<128x128xf32, #tpu.memory_space<vmem>>, vector<16xf32>,
          %parallel_loop3A_169 = arith.index_cast %parallel_loop3A_154 : i32 to index
          %parallel_loop3A_170 = arith.constant 32 : index
          %parallel_loop3A_171 = tpu.vector_load %arg10[%parallel_loop3A_169, %parallel_loop3A_170] {strides = array<i32>} : memref<128x128xf32, #tpu.memory_space<vmem>>, vector<16xf32>,
          %parallel_loop3A_172 = arith.mulf %parallel_loop3A_171, %parallel_loop3A_150 : vector<16xf32>
          %parallel_loop3A_173 = arith.index_cast %parallel_loop3A_154 : i32 to index
          %parallel_loop3A_174 = arith.constant 32 : index
          %parallel_loop3A_175 = tpu.vector_load %arg10[%parallel_loop3A_173, %parallel_loop3A_174] {strides = array<i32>} : memref<128x128xf32, #tpu.memory_space<vmem>>, vector<16xf32>,
          tpu.vector_store %arg10[%parallel_loop3A_173, %parallel_loop3A_174], %parallel_loop3A_172 {strides = array<i32>} : memref<128x128xf32, #tpu.memory_space<vmem>>, vector<16xf32>,
          %parallel_loop3A_176 = arith.index_cast %parallel_loop3A_154 : i32 to index
          %parallel_loop3A_177 = arith.constant 48 : index
          %parallel_loop3A_178 = tpu.vector_load %arg10[%parallel_loop3A_176, %parallel_loop3A_177] {strides = array<i32>} : memref<128x128xf32, #tpu.memory_space<vmem>>, vector<16xf32>,
          %parallel_loop3A_179 = arith.mulf %parallel_loop3A_178, %parallel_loop3A_150 : vector<16xf32>
          %parallel_loop3A_180 = arith.index_cast %parallel_loop3A_154 : i32 to index
          %parallel_loop3A_181 = arith.constant 48 : index
          %parallel_loop3A_182 = tpu.vector_load %arg10[%parallel_loop3A_180, %parallel_loop3A_181] {strides = array<i32>} : memref<128x128xf32, #tpu.memory_space<vmem>>, vector<16xf32>,
          tpu.vector_store %arg10[%parallel_loop3A_180, %parallel_loop3A_181], %parallel_loop3A_179 {strides = array<i32>} : memref<128x128xf32, #tpu.memory_space<vmem>>, vector<16xf32>,
          %parallel_loop3A_183 = arith.index_cast %parallel_loop3A_154 : i32 to index
          %parallel_loop3A_184 = arith.constant 64 : index
          %parallel_loop3A_185 = tpu.vector_load %arg10[%parallel_loop3A_183, %parallel_loop3A_184] {strides = array<i32>} : memref<128x128xf32, #tpu.memory_space<vmem>>, vector<16xf32>,
          %parallel_loop3A_186 = arith.mulf %parallel_loop3A_185, %parallel_loop3A_150 : vector<16xf32>
          %parallel_loop3A_187 = arith.index_cast %parallel_loop3A_154 : i32 to index
          %parallel_loop3A_188 = arith.constant 64 : index
          %parallel_loop3A_189 = tpu.vector_load %arg10[%parallel_loop3A_187, %parallel_loop3A_188] {strides = array<i32>} : memref<128x128xf32, #tpu.memory_space<vmem>>, vector<16xf32>,
          tpu.vector_store %arg10[%parallel_loop3A_187, %parallel_loop3A_188], %parallel_loop3A_186 {strides = array<i32>} : memref<128x128xf32, #tpu.memory_space<vmem>>, vector<16xf32>,
          %parallel_loop3A_190 = arith.index_cast %parallel_loop3A_154 : i32 to index
          %parallel_loop3A_191 = arith.constant 80 : index
          %parallel_loop3A_192 = tpu.vector_load %arg10[%parallel_loop3A_190, %parallel_loop3A_191] {strides = array<i32>} : memref<128x128xf32, #tpu.memory_space<vmem>>, vector<16xf32>,
          %parallel_loop3A_193 = arith.mulf %parallel_loop3A_192, %parallel_loop3A_150 : vector<16xf32>
          %parallel_loop3A_194 = arith.index_cast %parallel_loop3A_154 : i32 to index
          %parallel_loop3A_195 = arith.constant 80 : index
          %parallel_loop3A_196 = tpu.vector_load %arg10[%parallel_loop3A_194, %parallel_loop3A_195] {strides = array<i32>} : memref<128x128xf32, #tpu.memory_space<vmem>>, vector<16xf32>,
          tpu.vector_store %arg10[%parallel_loop3A_194, %parallel_loop3A_195], %parallel_loop3A_193 {strides = array<i32>} : memref<128x128xf32, #tpu.memory_space<vmem>>, vector<16xf32>,
          %parallel_loop3A_197 = arith.index_cast %parallel_loop3A_154 : i32 to index
          %parallel_loop3A_198 = arith.constant 96 : index
          %parallel_loop3A_199 = tpu.vector_load %arg10[%parallel_loop3A_197, %parallel_loop3A_198] {strides = array<i32>} : memref<128x128xf32, #tpu.memory_space<vmem>>, vector<16xf32>,
          %parallel_loop3A_200 = arith.mulf %parallel_loop3A_199, %parallel_loop3A_150 : vector<16xf32>
          %parallel_loop3A_201 = arith.index_cast %parallel_loop3A_154 : i32 to index
          %parallel_loop3A_202 = arith.constant 96 : index
          %parallel_loop3A_203 = tpu.vector_load %arg10[%parallel_loop3A_201, %parallel_loop3A_202] {strides = array<i32>} : memref<128x128xf32, #tpu.memory_space<vmem>>, vector<16xf32>,
          tpu.vector_store %arg10[%parallel_loop3A_201, %parallel_loop3A_202], %parallel_loop3A_200 {strides = array<i32>} : memref<128x128xf32, #tpu.memory_space<vmem>>, vector<16xf32>,
          %parallel_loop3A_204 = arith.constant 2 : i32
          %parallel_loop3A_205 = vector.broadcast %parallel_loop3A_204 : i32 to vector<16x1xi32>
          %parallel_loop3A_206 = vector.shape_cast %parallel_loop3A_205 : vector<16x1xi32> to vector<16xi32>
          %parallel_loop3A_207 = tpu.dynamic_gather %parallel_loop3A_89[%parallel_loop3A_206] in [0] : vector<16xf32>, vector<16xi32> -> vector<16xf32>
          %parallel_loop3A_208 = arith.constant 16 : i32
          %parallel_loop3A_209 = arith.muli %parallel_loop3A_84, %parallel_loop3A_208 : i32
          %parallel_loop3A_210 = arith.constant 2 : i32
          %parallel_loop3A_211 = arith.addi %parallel_loop3A_209, %parallel_loop3A_210 : i32
          %parallel_loop3A_212 = arith.index_cast %parallel_loop3A_211 : i32 to index
          %parallel_loop3A_213 = arith.constant 0 : index
          %parallel_loop3A_214 = tpu.vector_load %arg10[%parallel_loop3A_212, %parallel_loop3A_213] {strides = array<i32>} : memref<128x128xf32, #tpu.memory_space<vmem>>, vector<16xf32>,
          %parallel_loop3A_215 = arith.mulf %parallel_loop3A_214, %parallel_loop3A_207 : vector<16xf32>
          %parallel_loop3A_216 = arith.index_cast %parallel_loop3A_211 : i32 to index
          %parallel_loop3A_217 = arith.constant 0 : index
          %parallel_loop3A_218 = tpu.vector_load %arg10[%parallel_loop3A_216, %parallel_loop3A_217] {strides = array<i32>} : memref<128x128xf32, #tpu.memory_space<vmem>>, vector<16xf32>,
          tpu.vector_store %arg10[%parallel_loop3A_216, %parallel_loop3A_217], %parallel_loop3A_215 {strides = array<i32>} : memref<128x128xf32, #tpu.memory_space<vmem>>, vector<16xf32>,
          %parallel_loop3A_219 = arith.index_cast %parallel_loop3A_211 : i32 to index
          %parallel_loop3A_220 = arith.constant 16 : index
          %parallel_loop3A_221 = tpu.vector_load %arg10[%parallel_loop3A_219, %parallel_loop3A_220] {strides = array<i32>} : memref<128x128xf32, #tpu.memory_space<vmem>>, vector<16xf32>,
          %parallel_loop3A_222 = arith.mulf %parallel_loop3A_221, %parallel_loop3A_207 : vector<16xf32>
          %parallel_loop3A_223 = arith.index_cast %parallel_loop3A_211 : i32 to index
          %parallel_loop3A_224 = arith.constant 16 : index
          %parallel_loop3A_225 = tpu.vector_load %arg10[%parallel_loop3A_223, %parallel_loop3A_224] {strides = array<i32>} : memref<128x128xf32, #tpu.memory_space<vmem>>, vector<16xf32>,
          tpu.vector_store %arg10[%parallel_loop3A_223, %parallel_loop3A_224], %parallel_loop3A_222 {strides = array<i32>} : memref<128x128xf32, #tpu.memory_space<vmem>>, vector<16xf32>,
          %parallel_loop3A_226 = arith.index_cast %parallel_loop3A_211 : i32 to index
          %parallel_loop3A_227 = arith.constant 32 : index
          %parallel_loop3A_228 = tpu.vector_load %arg10[%parallel_loop3A_226, %parallel_loop3A_227] {strides = array<i32>} : memref<128x128xf32, #tpu.memory_space<vmem>>, vector<16xf32>,
          %parallel_loop3A_229 = arith.mulf %parallel_loop3A_228, %parallel_loop3A_207 : vector<16xf32>
          %parallel_loop3A_230 = arith.index_cast %parallel_loop3A_211 : i32 to index
          %parallel_loop3A_231 = arith.constant 32 : index
          %parallel_loop3A_232 = tpu.vector_load %arg10[%parallel_loop3A_230, %parallel_loop3A_231] {strides = array<i32>} : memref<128x128xf32, #tpu.memory_space<vmem>>, vector<16xf32>,
          tpu.vector_store %arg10[%parallel_loop3A_230, %parallel_loop3A_231], %parallel_loop3A_229 {strides = array<i32>} : memref<128x128xf32, #tpu.memory_space<vmem>>, vector<16xf32>,
          %parallel_loop3A_233 = arith.index_cast %parallel_loop3A_211 : i32 to index
          %parallel_loop3A_234 = arith.constant 48 : index
          %parallel_loop3A_235 = tpu.vector_load %arg10[%parallel_loop3A_233, %parallel_loop3A_234] {strides = array<i32>} : memref<128x128xf32, #tpu.memory_space<vmem>>, vector<16xf32>,
          %parallel_loop3A_236 = arith.mulf %parallel_loop3A_235, %parallel_loop3A_207 : vector<16xf32>
          %parallel_loop3A_237 = arith.index_cast %parallel_loop3A_211 : i32 to index
          %parallel_loop3A_238 = arith.constant 48 : index
          %parallel_loop3A_239 = tpu.vector_load %arg10[%parallel_loop3A_237, %parallel_loop3A_238] {strides = array<i32>} : memref<128x128xf32, #tpu.memory_space<vmem>>, vector<16xf32>,
          tpu.vector_store %arg10[%parallel_loop3A_237, %parallel_loop3A_238], %parallel_loop3A_236 {strides = array<i32>} : memref<128x128xf32, #tpu.memory_space<vmem>>, vector<16xf32>,
          %parallel_loop3A_240 = arith.index_cast %parallel_loop3A_211 : i32 to index
          %parallel_loop3A_241 = arith.constant 64 : index
          %parallel_loop3A_242 = tpu.vector_load %arg10[%parallel_loop3A_240, %parallel_loop3A_241] {strides = array<i32>} : memref<128x128xf32, #tpu.memory_space<vmem>>, vector<16xf32>,
          %parallel_loop3A_243 = arith.mulf %parallel_loop3A_242, %parallel_loop3A_207 : vector<16xf32>
          %parallel_loop3A_244 = arith.index_cast %parallel_loop3A_211 : i32 to index
          %parallel_loop3A_245 = arith.constant 64 : index
          %parallel_loop3A_246 = tpu.vector_load %arg10[%parallel_loop3A_244, %parallel_loop3A_245] {strides = array<i32>} : memref<128x128xf32, #tpu.memory_space<vmem>>, vector<16xf32>,
          tpu.vector_store %arg10[%parallel_loop3A_244, %parallel_loop3A_245], %parallel_loop3A_243 {strides = array<i32>} : memref<128x128xf32, #tpu.memory_space<vmem>>, vector<16xf32>,
          %parallel_loop3A_247 = arith.index_cast %parallel_loop3A_211 : i32 to index
          %parallel_loop3A_248 = arith.constant 80 : index
          %parallel_loop3A_249 = tpu.vector_load %arg10[%parallel_loop3A_247, %parallel_loop3A_248] {strides = array<i32>} : memref<128x128xf32, #tpu.memory_space<vmem>>, vector<16xf32>,
          %parallel_loop3A_250 = arith.mulf %parallel_loop3A_249, %parallel_loop3A_207 : vector<16xf32>
          %parallel_loop3A_251 = arith.index_cast %parallel_loop3A_211 : i32 to index
          %parallel_loop3A_252 = arith.constant 80 : index
          %parallel_loop3A_253 = tpu.vector_load %arg10[%parallel_loop3A_251, %parallel_loop3A_252] {strides = array<i32>} : memref<128x128xf32, #tpu.memory_space<vmem>>, vector<16xf32>,
          tpu.vector_store %arg10[%parallel_loop3A_251, %parallel_loop3A_252], %parallel_loop3A_250 {strides = array<i32>} : memref<128x128xf32, #tpu.memory_space<vmem>>, vector<16xf32>,
          %parallel_loop3A_254 = arith.index_cast %parallel_loop3A_211 : i32 to index
          %parallel_loop3A_255 = arith.constant 96 : index
          %parallel_loop3A_256 = tpu.vector_load %arg10[%parallel_loop3A_254, %parallel_loop3A_255] {strides = array<i32>} : memref<128x128xf32, #tpu.memory_space<vmem>>, vector<16xf32>,
          %parallel_loop3A_257 = arith.mulf %parallel_loop3A_256, %parallel_loop3A_207 : vector<16xf32>
          %parallel_loop3A_258 = arith.index_cast %parallel_loop3A_211 : i32 to index
          %parallel_loop3A_259 = arith.constant 96 : index
          %parallel_loop3A_260 = tpu.vector_load %arg10[%parallel_loop3A_258, %parallel_loop3A_259] {strides = array<i32>} : memref<128x128xf32, #tpu.memory_space<vmem>>, vector<16xf32>,
          tpu.vector_store %arg10[%parallel_loop3A_258, %parallel_loop3A_259], %parallel_loop3A_257 {strides = array<i32>} : memref<128x128xf32, #tpu.memory_space<vmem>>, vector<16xf32>,
          %parallel_loop3A_261 = arith.constant 3 : i32
          %parallel_loop3A_262 = vector.broadcast %parallel_loop3A_261 : i32 to vector<16x1xi32>
          %parallel_loop3A_263 = vector.shape_cast %parallel_loop3A_262 : vector<16x1xi32> to vector<16xi32>
          %parallel_loop3A_264 = tpu.dynamic_gather %parallel_loop3A_89[%parallel_loop3A_263] in [0] : vector<16xf32>, vector<16xi32> -> vector<16xf32>
          %parallel_loop3A_265 = arith.constant 16 : i32
          %parallel_loop3A_266 = arith.muli %parallel_loop3A_84, %parallel_loop3A_265 : i32
          %parallel_loop3A_267 = arith.constant 3 : i32
          %parallel_loop3A_268 = arith.addi %parallel_loop3A_266, %parallel_loop3A_267 : i32
          %parallel_loop3A_269 = arith.index_cast %parallel_loop3A_268 : i32 to index
          %parallel_loop3A_270 = arith.constant 0 : index
          %parallel_loop3A_271 = tpu.vector_load %arg10[%parallel_loop3A_269, %parallel_loop3A_270] {strides = array<i32>} : memref<128x128xf32, #tpu.memory_space<vmem>>, vector<16xf32>,
          %parallel_loop3A_272 = arith.mulf %parallel_loop3A_271, %parallel_loop3A_264 : vector<16xf32>
          %parallel_loop3A_273 = arith.index_cast %parallel_loop3A_268 : i32 to index
          %parallel_loop3A_274 = arith.constant 0 : index
          %parallel_loop3A_275 = tpu.vector_load %arg10[%parallel_loop3A_273, %parallel_loop3A_274] {strides = array<i32>} : memref<128x128xf32, #tpu.memory_space<vmem>>, vector<16xf32>,
          tpu.vector_store %arg10[%parallel_loop3A_273, %parallel_loop3A_274], %parallel_loop3A_272 {strides = array<i32>} : memref<128x128xf32, #tpu.memory_space<vmem>>, vector<16xf32>,
          %parallel_loop3A_276 = arith.index_cast %parallel_loop3A_268 : i32 to index
          %parallel_loop3A_277 = arith.constant 16 : index
          %parallel_loop3A_278 = tpu.vector_load %arg10[%parallel_loop3A_276, %parallel_loop3A_277] {strides = array<i32>} : memref<128x128xf32, #tpu.memory_space<vmem>>, vector<16xf32>,
          %parallel_loop3A_279 = arith.mulf %parallel_loop3A_278, %parallel_loop3A_264 : vector<16xf32>
          %parallel_loop3A_280 = arith.index_cast %parallel_loop3A_268 : i32 to index
          %parallel_loop3A_281 = arith.constant 16 : index
          %parallel_loop3A_282 = tpu.vector_load %arg10[%parallel_loop3A_280, %parallel_loop3A_281] {strides = array<i32>} : memref<128x128xf32, #tpu.memory_space<vmem>>, vector<16xf32>,
          tpu.vector_store %arg10[%parallel_loop3A_280, %parallel_loop3A_281], %parallel_loop3A_279 {strides = array<i32>} : memref<128x128xf32, #tpu.memory_space<vmem>>, vector<16xf32>,
          %parallel_loop3A_283 = arith.index_cast %parallel_loop3A_268 : i32 to index
          %parallel_loop3A_284 = arith.constant 32 : index
          %parallel_loop3A_285 = tpu.vector_load %arg10[%parallel_loop3A_283, %parallel_loop3A_284] {strides = array<i32>} : memref<128x128xf32, #tpu.memory_space<vmem>>, vector<16xf32>,
          %parallel_loop3A_286 = arith.mulf %parallel_loop3A_285, %parallel_loop3A_264 : vector<16xf32>
          %parallel_loop3A_287 = arith.index_cast %parallel_loop3A_268 : i32 to index
          %parallel_loop3A_288 = arith.constant 32 : index
          %parallel_loop3A_289 = tpu.vector_load %arg10[%parallel_loop3A_287, %parallel_loop3A_288] {strides = array<i32>} : memref<128x128xf32, #tpu.memory_space<vmem>>, vector<16xf32>,
          tpu.vector_store %arg10[%parallel_loop3A_287, %parallel_loop3A_288], %parallel_loop3A_286 {strides = array<i32>} : memref<128x128xf32, #tpu.memory_space<vmem>>, vector<16xf32>,
          %parallel_loop3A_290 = arith.index_cast %parallel_loop3A_268 : i32 to index
          %parallel_loop3A_291 = arith.constant 48 : index
          %parallel_loop3A_292 = tpu.vector_load %arg10[%parallel_loop3A_290, %parallel_loop3A_291] {strides = array<i32>} : memref<128x128xf32, #tpu.memory_space<vmem>>, vector<16xf32>,
          %parallel_loop3A_293 = arith.mulf %parallel_loop3A_292, %parallel_loop3A_264 : vector<16xf32>
          %parallel_loop3A_294 = arith.index_cast %parallel_loop3A_268 : i32 to index
          %parallel_loop3A_295 = arith.constant 48 : index
          %parallel_loop3A_296 = tpu.vector_load %arg10[%parallel_loop3A_294, %parallel_loop3A_295] {strides = array<i32>} : memref<128x128xf32, #tpu.memory_space<vmem>>, vector<16xf32>,
          tpu.vector_store %arg10[%parallel_loop3A_294, %parallel_loop3A_295], %parallel_loop3A_293 {strides = array<i32>} : memref<128x128xf32, #tpu.memory_space<vmem>>, vector<16xf32>,
          %parallel_loop3A_297 = arith.index_cast %parallel_loop3A_268 : i32 to index
          %parallel_loop3A_298 = arith.constant 64 : index
          %parallel_loop3A_299 = tpu.vector_load %arg10[%parallel_loop3A_297, %parallel_loop3A_298] {strides = array<i32>} : memref<128x128xf32, #tpu.memory_space<vmem>>, vector<16xf32>,
          %parallel_loop3A_300 = arith.mulf %parallel_loop3A_299, %parallel_loop3A_264 : vector<16xf32>
          %parallel_loop3A_301 = arith.index_cast %parallel_loop3A_268 : i32 to index
          %parallel_loop3A_302 = arith.constant 64 : index
          %parallel_loop3A_303 = tpu.vector_load %arg10[%parallel_loop3A_301, %parallel_loop3A_302] {strides = array<i32>} : memref<128x128xf32, #tpu.memory_space<vmem>>, vector<16xf32>,
          tpu.vector_store %arg10[%parallel_loop3A_301, %parallel_loop3A_302], %parallel_loop3A_300 {strides = array<i32>} : memref<128x128xf32, #tpu.memory_space<vmem>>, vector<16xf32>,
          %parallel_loop3A_304 = arith.index_cast %parallel_loop3A_268 : i32 to index
          %parallel_loop3A_305 = arith.constant 80 : index
          %parallel_loop3A_306 = tpu.vector_load %arg10[%parallel_loop3A_304, %parallel_loop3A_305] {strides = array<i32>} : memref<128x128xf32, #tpu.memory_space<vmem>>, vector<16xf32>,
          %parallel_loop3A_307 = arith.mulf %parallel_loop3A_306, %parallel_loop3A_264 : vector<16xf32>
          %parallel_loop3A_308 = arith.index_cast %parallel_loop3A_268 : i32 to index
          %parallel_loop3A_309 = arith.constant 80 : index
          %parallel_loop3A_310 = tpu.vector_load %arg10[%parallel_loop3A_308, %parallel_loop3A_309] {strides = array<i32>} : memref<128x128xf32, #tpu.memory_space<vmem>>, vector<16xf32>,
          tpu.vector_store %arg10[%parallel_loop3A_308, %parallel_loop3A_309], %parallel_loop3A_307 {strides = array<i32>} : memref<128x128xf32, #tpu.memory_space<vmem>>, vector<16xf32>,
          %parallel_loop3A_311 = arith.index_cast %parallel_loop3A_268 : i32 to index
          %parallel_loop3A_312 = arith.constant 96 : index
          %parallel_loop3A_313 = tpu.vector_load %arg10[%parallel_loop3A_311, %parallel_loop3A_312] {strides = array<i32>} : memref<128x128xf32, #tpu.memory_space<vmem>>, vector<16xf32>,
          %parallel_loop3A_314 = arith.mulf %parallel_loop3A_313, %parallel_loop3A_264 : vector<16xf32>
          %parallel_loop3A_315 = arith.index_cast %parallel_loop3A_268 : i32 to index
          %parallel_loop3A_316 = arith.constant 96 : index
          %parallel_loop3A_317 = tpu.vector_load %arg10[%parallel_loop3A_315, %parallel_loop3A_316] {strides = array<i32>} : memref<128x128xf32, #tpu.memory_space<vmem>>, vector<16xf32>,
          tpu.vector_store %arg10[%parallel_loop3A_315, %parallel_loop3A_316], %parallel_loop3A_314 {strides = array<i32>} : memref<128x128xf32, #tpu.memory_space<vmem>>, vector<16xf32>,
          %parallel_loop3A_318 = arith.constant 4 : i32
          %parallel_loop3A_319 = vector.broadcast %parallel_loop3A_318 : i32 to vector<16x1xi32>
          %parallel_loop3A_320 = vector.shape_cast %parallel_loop3A_319 : vector<16x1xi32> to vector<16xi32>
          %parallel_loop3A_321 = tpu.dynamic_gather %parallel_loop3A_89[%parallel_loop3A_320] in [0] : vector<16xf32>, vector<16xi32> -> vector<16xf32>
          %parallel_loop3A_322 = arith.constant 16 : i32
          %parallel_loop3A_323 = arith.muli %parallel_loop3A_84, %parallel_loop3A_322 : i32
          %parallel_loop3A_324 = arith.constant 4 : i32
          %parallel_loop3A_325 = arith.addi %parallel_loop3A_323, %parallel_loop3A_324 : i32
          %parallel_loop3A_326 = arith.index_cast %parallel_loop3A_325 : i32 to index
          %parallel_loop3A_327 = arith.constant 0 : index
          %parallel_loop3A_328 = tpu.vector_load %arg10[%parallel_loop3A_326, %parallel_loop3A_327] {strides = array<i32>} : memref<128x128xf32, #tpu.memory_space<vmem>>, vector<16xf32>,
          %parallel_loop3A_329 = arith.mulf %parallel_loop3A_328, %parallel_loop3A_321 : vector<16xf32>
          %parallel_loop3A_330 = arith.index_cast %parallel_loop3A_325 : i32 to index
          %parallel_loop3A_331 = arith.constant 0 : index
          %parallel_loop3A_332 = tpu.vector_load %arg10[%parallel_loop3A_330, %parallel_loop3A_331] {strides = array<i32>} : memref<128x128xf32, #tpu.memory_space<vmem>>, vector<16xf32>,
          tpu.vector_store %arg10[%parallel_loop3A_330, %parallel_loop3A_331], %parallel_loop3A_329 {strides = array<i32>} : memref<128x128xf32, #tpu.memory_space<vmem>>, vector<16xf32>,
          %parallel_loop3A_333 = arith.index_cast %parallel_loop3A_325 : i32 to index
          %parallel_loop3A_334 = arith.constant 16 : index
          %parallel_loop3A_335 = tpu.vector_load %arg10[%parallel_loop3A_333, %parallel_loop3A_334] {strides = array<i32>} : memref<128x128xf32, #tpu.memory_space<vmem>>, vector<16xf32>,
          %parallel_loop3A_336 = arith.mulf %parallel_loop3A_335, %parallel_loop3A_321 : vector<16xf32>
          %parallel_loop3A_337 = arith.index_cast %parallel_loop3A_325 : i32 to index
          %parallel_loop3A_338 = arith.constant 16 : index
          %parallel_loop3A_339 = tpu.vector_load %arg10[%parallel_loop3A_337, %parallel_loop3A_338] {strides = array<i32>} : memref<128x128xf32, #tpu.memory_space<vmem>>, vector<16xf32>,
          tpu.vector_store %arg10[%parallel_loop3A_337, %parallel_loop3A_338], %parallel_loop3A_336 {strides = array<i32>} : memref<128x128xf32, #tpu.memory_space<vmem>>, vector<16xf32>,
          %parallel_loop3A_340 = arith.index_cast %parallel_loop3A_325 : i32 to index
          %parallel_loop3A_341 = arith.constant 32 : index
          %parallel_loop3A_342 = tpu.vector_load %arg10[%parallel_loop3A_340, %parallel_loop3A_341] {strides = array<i32>} : memref<128x128xf32, #tpu.memory_space<vmem>>, vector<16xf32>,
          %parallel_loop3A_343 = arith.mulf %parallel_loop3A_342, %parallel_loop3A_321 : vector<16xf32>
          %parallel_loop3A_344 = arith.index_cast %parallel_loop3A_325 : i32 to index
          %parallel_loop3A_345 = arith.constant 32 : index
          %parallel_loop3A_346 = tpu.vector_load %arg10[%parallel_loop3A_344, %parallel_loop3A_345] {strides = array<i32>} : memref<128x128xf32, #tpu.memory_space<vmem>>, vector<16xf32>,
          tpu.vector_store %arg10[%parallel_loop3A_344, %parallel_loop3A_345], %parallel_loop3A_343 {strides = array<i32>} : memref<128x128xf32, #tpu.memory_space<vmem>>, vector<16xf32>,
          %parallel_loop3A_347 = arith.index_cast %parallel_loop3A_325 : i32 to index
          %parallel_loop3A_348 = arith.constant 48 : index
          %parallel_loop3A_349 = tpu.vector_load %arg10[%parallel_loop3A_347, %parallel_loop3A_348] {strides = array<i32>} : memref<128x128xf32, #tpu.memory_space<vmem>>, vector<16xf32>,
          %parallel_loop3A_350 = arith.mulf %parallel_loop3A_349, %parallel_loop3A_321 : vector<16xf32>
          %parallel_loop3A_351 = arith.index_cast %parallel_loop3A_325 : i32 to index
          %parallel_loop3A_352 = arith.constant 48 : index
          %parallel_loop3A_353 = tpu.vector_load %arg10[%parallel_loop3A_351, %parallel_loop3A_352] {strides = array<i32>} : memref<128x128xf32, #tpu.memory_space<vmem>>, vector<16xf32>,
          tpu.vector_store %arg10[%parallel_loop3A_351, %parallel_loop3A_352], %parallel_loop3A_350 {strides = array<i32>} : memref<128x128xf32, #tpu.memory_space<vmem>>, vector<16xf32>,
          %parallel_loop3A_354 = arith.index_cast %parallel_loop3A_325 : i32 to index
          %parallel_loop3A_355 = arith.constant 64 : index
          %parallel_loop3A_356 = tpu.vector_load %arg10[%parallel_loop3A_354, %parallel_loop3A_355] {strides = array<i32>} : memref<128x128xf32, #tpu.memory_space<vmem>>, vector<16xf32>,
          %parallel_loop3A_357 = arith.mulf %parallel_loop3A_356, %parallel_loop3A_321 : vector<16xf32>
          %parallel_loop3A_358 = arith.index_cast %parallel_loop3A_325 : i32 to index
          %parallel_loop3A_359 = arith.constant 64 : index
          %parallel_loop3A_360 = tpu.vector_load %arg10[%parallel_loop3A_358, %parallel_loop3A_359] {strides = array<i32>} : memref<128x128xf32, #tpu.memory_space<vmem>>, vector<16xf32>,
          tpu.vector_store %arg10[%parallel_loop3A_358, %parallel_loop3A_359], %parallel_loop3A_357 {strides = array<i32>} : memref<128x128xf32, #tpu.memory_space<vmem>>, vector<16xf32>,
          %parallel_loop3A_361 = arith.index_cast %parallel_loop3A_325 : i32 to index
          %parallel_loop3A_362 = arith.constant 80 : index
          %parallel_loop3A_363 = tpu.vector_load %arg10[%parallel_loop3A_361, %parallel_loop3A_362] {strides = array<i32>} : memref<128x128xf32, #tpu.memory_space<vmem>>, vector<16xf32>,
          %parallel_loop3A_364 = arith.mulf %parallel_loop3A_363, %parallel_loop3A_321 : vector<16xf32>
          %parallel_loop3A_365 = arith.index_cast %parallel_loop3A_325 : i32 to index
          %parallel_loop3A_366 = arith.constant 80 : index
          %parallel_loop3A_367 = tpu.vector_load %arg10[%parallel_loop3A_365, %parallel_loop3A_366] {strides = array<i32>} : memref<128x128xf32, #tpu.memory_space<vmem>>, vector<16xf32>,
          tpu.vector_store %arg10[%parallel_loop3A_365, %parallel_loop3A_366], %parallel_loop3A_364 {strides = array<i32>} : memref<128x128xf32, #tpu.memory_space<vmem>>, vector<16xf32>,
          %parallel_loop3A_368 = arith.index_cast %parallel_loop3A_325 : i32 to index
          %parallel_loop3A_369 = arith.constant 96 : index
          %parallel_loop3A_370 = tpu.vector_load %arg10[%parallel_loop3A_368, %parallel_loop3A_369] {strides = array<i32>} : memref<128x128xf32, #tpu.memory_space<vmem>>, vector<16xf32>,
          %parallel_loop3A_371 = arith.mulf %parallel_loop3A_370, %parallel_loop3A_321 : vector<16xf32>
          %parallel_loop3A_372 = arith.index_cast %parallel_loop3A_325 : i32 to index
          %parallel_loop3A_373 = arith.constant 96 : index
          %parallel_loop3A_374 = tpu.vector_load %arg10[%parallel_loop3A_372, %parallel_loop3A_373] {strides = array<i32>} : memref<128x128xf32, #tpu.memory_space<vmem>>, vector<16xf32>,
          tpu.vector_store %arg10[%parallel_loop3A_372, %parallel_loop3A_373], %parallel_loop3A_371 {strides = array<i32>} : memref<128x128xf32, #tpu.memory_space<vmem>>, vector<16xf32>,
          %parallel_loop3A_375 = arith.constant 5 : i32
          %parallel_loop3A_376 = vector.broadcast %parallel_loop3A_375 : i32 to vector<16x1xi32>
          %parallel_loop3A_377 = vector.shape_cast %parallel_loop3A_376 : vector<16x1xi32> to vector<16xi32>
          %parallel_loop3A_378 = tpu.dynamic_gather %parallel_loop3A_89[%parallel_loop3A_377] in [0] : vector<16xf32>, vector<16xi32> -> vector<16xf32>
          %parallel_loop3A_379 = arith.constant 16 : i32
          %parallel_loop3A_380 = arith.muli %parallel_loop3A_84, %parallel_loop3A_379 : i32
          %parallel_loop3A_381 = arith.constant 5 : i32
          %parallel_loop3A_382 = arith.addi %parallel_loop3A_380, %parallel_loop3A_381 : i32
          %parallel_loop3A_383 = arith.index_cast %parallel_loop3A_382 : i32 to index
          %parallel_loop3A_384 = arith.constant 0 : index
          %parallel_loop3A_385 = tpu.vector_load %arg10[%parallel_loop3A_383, %parallel_loop3A_384] {strides = array<i32>} : memref<128x128xf32, #tpu.memory_space<vmem>>, vector<16xf32>,
          %parallel_loop3A_386 = arith.mulf %parallel_loop3A_385, %parallel_loop3A_378 : vector<16xf32>
          %parallel_loop3A_387 = arith.index_cast %parallel_loop3A_382 : i32 to index
          %parallel_loop3A_388 = arith.constant 0 : index
          %parallel_loop3A_389 = tpu.vector_load %arg10[%parallel_loop3A_387, %parallel_loop3A_388] {strides = array<i32>} : memref<128x128xf32, #tpu.memory_space<vmem>>, vector<16xf32>,
          tpu.vector_store %arg10[%parallel_loop3A_387, %parallel_loop3A_388], %parallel_loop3A_386 {strides = array<i32>} : memref<128x128xf32, #tpu.memory_space<vmem>>, vector<16xf32>,
          %parallel_loop3A_390 = arith.index_cast %parallel_loop3A_382 : i32 to index
          %parallel_loop3A_391 = arith.constant 16 : index
          %parallel_loop3A_392 = tpu.vector_load %arg10[%parallel_loop3A_390, %parallel_loop3A_391] {strides = array<i32>} : memref<128x128xf32, #tpu.memory_space<vmem>>, vector<16xf32>,
          %parallel_loop3A_393 = arith.mulf %parallel_loop3A_392, %parallel_loop3A_378 : vector<16xf32>
          %parallel_loop3A_394 = arith.index_cast %parallel_loop3A_382 : i32 to index
          %parallel_loop3A_395 = arith.constant 16 : index
          %parallel_loop3A_396 = tpu.vector_load %arg10[%parallel_loop3A_394, %parallel_loop3A_395] {strides = array<i32>} : memref<128x128xf32, #tpu.memory_space<vmem>>, vector<16xf32>,
          tpu.vector_store %arg10[%parallel_loop3A_394, %parallel_loop3A_395], %parallel_loop3A_393 {strides = array<i32>} : memref<128x128xf32, #tpu.memory_space<vmem>>, vector<16xf32>,
          %parallel_loop3A_397 = arith.index_cast %parallel_loop3A_382 : i32 to index
          %parallel_loop3A_398 = arith.constant 32 : index
          %parallel_loop3A_399 = tpu.vector_load %arg10[%parallel_loop3A_397, %parallel_loop3A_398] {strides = array<i32>} : memref<128x128xf32, #tpu.memory_space<vmem>>, vector<16xf32>,
          %parallel_loop3A_400 = arith.mulf %parallel_loop3A_399, %parallel_loop3A_378 : vector<16xf32>
          %parallel_loop3A_401 = arith.index_cast %parallel_loop3A_382 : i32 to index
          %parallel_loop3A_402 = arith.constant 32 : index
          %parallel_loop3A_403 = tpu.vector_load %arg10[%parallel_loop3A_401, %parallel_loop3A_402] {strides = array<i32>} : memref<128x128xf32, #tpu.memory_space<vmem>>, vector<16xf32>,
          tpu.vector_store %arg10[%parallel_loop3A_401, %parallel_loop3A_402], %parallel_loop3A_400 {strides = array<i32>} : memref<128x128xf32, #tpu.memory_space<vmem>>, vector<16xf32>,
          %parallel_loop3A_404 = arith.index_cast %parallel_loop3A_382 : i32 to index
          %parallel_loop3A_405 = arith.constant 48 : index
          %parallel_loop3A_406 = tpu.vector_load %arg10[%parallel_loop3A_404, %parallel_loop3A_405] {strides = array<i32>} : memref<128x128xf32, #tpu.memory_space<vmem>>, vector<16xf32>,
          %parallel_loop3A_407 = arith.mulf %parallel_loop3A_406, %parallel_loop3A_378 : vector<16xf32>
          %parallel_loop3A_408 = arith.index_cast %parallel_loop3A_382 : i32 to index
          %parallel_loop3A_409 = arith.constant 48 : index
          %parallel_loop3A_410 = tpu.vector_load %arg10[%parallel_loop3A_408, %parallel_loop3A_409] {strides = array<i32>} : memref<128x128xf32, #tpu.memory_space<vmem>>, vector<16xf32>,
          tpu.vector_store %arg10[%parallel_loop3A_408, %parallel_loop3A_409], %parallel_loop3A_407 {strides = array<i32>} : memref<128x128xf32, #tpu.memory_space<vmem>>, vector<16xf32>,
          %parallel_loop3A_411 = arith.index_cast %parallel_loop3A_382 : i32 to index
          %parallel_loop3A_412 = arith.constant 64 : index
          %parallel_loop3A_413 = tpu.vector_load %arg10[%parallel_loop3A_411, %parallel_loop3A_412] {strides = array<i32>} : memref<128x128xf32, #tpu.memory_space<vmem>>, vector<16xf32>,
          %parallel_loop3A_414 = arith.mulf %parallel_loop3A_413, %parallel_loop3A_378 : vector<16xf32>
          %parallel_loop3A_415 = arith.index_cast %parallel_loop3A_382 : i32 to index
          %parallel_loop3A_416 = arith.constant 64 : index
          %parallel_loop3A_417 = tpu.vector_load %arg10[%parallel_loop3A_415, %parallel_loop3A_416] {strides = array<i32>} : memref<128x128xf32, #tpu.memory_space<vmem>>, vector<16xf32>,
          tpu.vector_store %arg10[%parallel_loop3A_415, %parallel_loop3A_416], %parallel_loop3A_414 {strides = array<i32>} : memref<128x128xf32, #tpu.memory_space<vmem>>, vector<16xf32>,
          %parallel_loop3A_418 = arith.index_cast %parallel_loop3A_382 : i32 to index
          %parallel_loop3A_419 = arith.constant 80 : index
          %parallel_loop3A_420 = tpu.vector_load %arg10[%parallel_loop3A_418, %parallel_loop3A_419] {strides = array<i32>} : memref<128x128xf32, #tpu.memory_space<vmem>>, vector<16xf32>,
          %parallel_loop3A_421 = arith.mulf %parallel_loop3A_420, %parallel_loop3A_378 : vector<16xf32>
          %parallel_loop3A_422 = arith.index_cast %parallel_loop3A_382 : i32 to index
          %parallel_loop3A_423 = arith.constant 80 : index
          %parallel_loop3A_424 = tpu.vector_load %arg10[%parallel_loop3A_422, %parallel_loop3A_423] {strides = array<i32>} : memref<128x128xf32, #tpu.memory_space<vmem>>, vector<16xf32>,
          tpu.vector_store %arg10[%parallel_loop3A_422, %parallel_loop3A_423], %parallel_loop3A_421 {strides = array<i32>} : memref<128x128xf32, #tpu.memory_space<vmem>>, vector<16xf32>,
          %parallel_loop3A_425 = arith.index_cast %parallel_loop3A_382 : i32 to index
          %parallel_loop3A_426 = arith.constant 96 : index
          %parallel_loop3A_427 = tpu.vector_load %arg10[%parallel_loop3A_425, %parallel_loop3A_426] {strides = array<i32>} : memref<128x128xf32, #tpu.memory_space<vmem>>, vector<16xf32>,
          %parallel_loop3A_428 = arith.mulf %parallel_loop3A_427, %parallel_loop3A_378 : vector<16xf32>
          %parallel_loop3A_429 = arith.index_cast %parallel_loop3A_382 : i32 to index
          %parallel_loop3A_430 = arith.constant 96 : index
          %parallel_loop3A_431 = tpu.vector_load %arg10[%parallel_loop3A_429, %parallel_loop3A_430] {strides = array<i32>} : memref<128x128xf32, #tpu.memory_space<vmem>>, vector<16xf32>,
          tpu.vector_store %arg10[%parallel_loop3A_429, %parallel_loop3A_430], %parallel_loop3A_428 {strides = array<i32>} : memref<128x128xf32, #tpu.memory_space<vmem>>, vector<16xf32>,
          %parallel_loop3A_432 = arith.constant 6 : i32
          %parallel_loop3A_433 = vector.broadcast %parallel_loop3A_432 : i32 to vector<16x1xi32>
          %parallel_loop3A_434 = vector.shape_cast %parallel_loop3A_433 : vector<16x1xi32> to vector<16xi32>
          %parallel_loop3A_435 = tpu.dynamic_gather %parallel_loop3A_89[%parallel_loop3A_434] in [0] : vector<16xf32>, vector<16xi32> -> vector<16xf32>
          %parallel_loop3A_436 = arith.constant 16 : i32
          %parallel_loop3A_437 = arith.muli %parallel_loop3A_84, %parallel_loop3A_436 : i32
          %parallel_loop3A_438 = arith.constant 6 : i32
          %parallel_loop3A_439 = arith.addi %parallel_loop3A_437, %parallel_loop3A_438 : i32
          %parallel_loop3A_440 = arith.index_cast %parallel_loop3A_439 : i32 to index
          %parallel_loop3A_441 = arith.constant 0 : index
          %parallel_loop3A_442 = tpu.vector_load %arg10[%parallel_loop3A_440, %parallel_loop3A_441] {strides = array<i32>} : memref<128x128xf32, #tpu.memory_space<vmem>>, vector<16xf32>,
          %parallel_loop3A_443 = arith.mulf %parallel_loop3A_442, %parallel_loop3A_435 : vector<16xf32>
          %parallel_loop3A_444 = arith.index_cast %parallel_loop3A_439 : i32 to index
          %parallel_loop3A_445 = arith.constant 0 : index
          %parallel_loop3A_446 = tpu.vector_load %arg10[%parallel_loop3A_444, %parallel_loop3A_445] {strides = array<i32>} : memref<128x128xf32, #tpu.memory_space<vmem>>, vector<16xf32>,
          tpu.vector_store %arg10[%parallel_loop3A_444, %parallel_loop3A_445], %parallel_loop3A_443 {strides = array<i32>} : memref<128x128xf32, #tpu.memory_space<vmem>>, vector<16xf32>,
          %parallel_loop3A_447 = arith.index_cast %parallel_loop3A_439 : i32 to index
          %parallel_loop3A_448 = arith.constant 16 : index
          %parallel_loop3A_449 = tpu.vector_load %arg10[%parallel_loop3A_447, %parallel_loop3A_448] {strides = array<i32>} : memref<128x128xf32, #tpu.memory_space<vmem>>, vector<16xf32>,
          %parallel_loop3A_450 = arith.mulf %parallel_loop3A_449, %parallel_loop3A_435 : vector<16xf32>
          %parallel_loop3A_451 = arith.index_cast %parallel_loop3A_439 : i32 to index
          %parallel_loop3A_452 = arith.constant 16 : index
          %parallel_loop3A_453 = tpu.vector_load %arg10[%parallel_loop3A_451, %parallel_loop3A_452] {strides = array<i32>} : memref<128x128xf32, #tpu.memory_space<vmem>>, vector<16xf32>,
          tpu.vector_store %arg10[%parallel_loop3A_451, %parallel_loop3A_452], %parallel_loop3A_450 {strides = array<i32>} : memref<128x128xf32, #tpu.memory_space<vmem>>, vector<16xf32>,
          %parallel_loop3A_454 = arith.index_cast %parallel_loop3A_439 : i32 to index
          %parallel_loop3A_455 = arith.constant 32 : index
          %parallel_loop3A_456 = tpu.vector_load %arg10[%parallel_loop3A_454, %parallel_loop3A_455] {strides = array<i32>} : memref<128x128xf32, #tpu.memory_space<vmem>>, vector<16xf32>,
          %parallel_loop3A_457 = arith.mulf %parallel_loop3A_456, %parallel_loop3A_435 : vector<16xf32>
          %parallel_loop3A_458 = arith.index_cast %parallel_loop3A_439 : i32 to index
          %parallel_loop3A_459 = arith.constant 32 : index
          %parallel_loop3A_460 = tpu.vector_load %arg10[%parallel_loop3A_458, %parallel_loop3A_459] {strides = array<i32>} : memref<128x128xf32, #tpu.memory_space<vmem>>, vector<16xf32>,
          tpu.vector_store %arg10[%parallel_loop3A_458, %parallel_loop3A_459], %parallel_loop3A_457 {strides = array<i32>} : memref<128x128xf32, #tpu.memory_space<vmem>>, vector<16xf32>,
          %parallel_loop3A_461 = arith.index_cast %parallel_loop3A_439 : i32 to index
          %parallel_loop3A_462 = arith.constant 48 : index
          %parallel_loop3A_463 = tpu.vector_load %arg10[%parallel_loop3A_461, %parallel_loop3A_462] {strides = array<i32>} : memref<128x128xf32, #tpu.memory_space<vmem>>, vector<16xf32>,
          %parallel_loop3A_464 = arith.mulf %parallel_loop3A_463, %parallel_loop3A_435 : vector<16xf32>
          %parallel_loop3A_465 = arith.index_cast %parallel_loop3A_439 : i32 to index
          %parallel_loop3A_466 = arith.constant 48 : index
          %parallel_loop3A_467 = tpu.vector_load %arg10[%parallel_loop3A_465, %parallel_loop3A_466] {strides = array<i32>} : memref<128x128xf32, #tpu.memory_space<vmem>>, vector<16xf32>,
          tpu.vector_store %arg10[%parallel_loop3A_465, %parallel_loop3A_466], %parallel_loop3A_464 {strides = array<i32>} : memref<128x128xf32, #tpu.memory_space<vmem>>, vector<16xf32>,
          %parallel_loop3A_468 = arith.index_cast %parallel_loop3A_439 : i32 to index
          %parallel_loop3A_469 = arith.constant 64 : index
          %parallel_loop3A_470 = tpu.vector_load %arg10[%parallel_loop3A_468, %parallel_loop3A_469] {strides = array<i32>} : memref<128x128xf32, #tpu.memory_space<vmem>>, vector<16xf32>,
          %parallel_loop3A_471 = arith.mulf %parallel_loop3A_470, %parallel_loop3A_435 : vector<16xf32>
          %parallel_loop3A_472 = arith.index_cast %parallel_loop3A_439 : i32 to index
          %parallel_loop3A_473 = arith.constant 64 : index
          %parallel_loop3A_474 = tpu.vector_load %arg10[%parallel_loop3A_472, %parallel_loop3A_473] {strides = array<i32>} : memref<128x128xf32, #tpu.memory_space<vmem>>, vector<16xf32>,
          tpu.vector_store %arg10[%parallel_loop3A_472, %parallel_loop3A_473], %parallel_loop3A_471 {strides = array<i32>} : memref<128x128xf32, #tpu.memory_space<vmem>>, vector<16xf32>,
          %parallel_loop3A_475 = arith.index_cast %parallel_loop3A_439 : i32 to index
          %parallel_loop3A_476 = arith.constant 80 : index
          %parallel_loop3A_477 = tpu.vector_load %arg10[%parallel_loop3A_475, %parallel_loop3A_476] {strides = array<i32>} : memref<128x128xf32, #tpu.memory_space<vmem>>, vector<16xf32>,
          %parallel_loop3A_478 = arith.mulf %parallel_loop3A_477, %parallel_loop3A_435 : vector<16xf32>
          %parallel_loop3A_479 = arith.index_cast %parallel_loop3A_439 : i32 to index
          %parallel_loop3A_480 = arith.constant 80 : index
          %parallel_loop3A_481 = tpu.vector_load %arg10[%parallel_loop3A_479, %parallel_loop3A_480] {strides = array<i32>} : memref<128x128xf32, #tpu.memory_space<vmem>>, vector<16xf32>,
          tpu.vector_store %arg10[%parallel_loop3A_479, %parallel_loop3A_480], %parallel_loop3A_478 {strides = array<i32>} : memref<128x128xf32, #tpu.memory_space<vmem>>, vector<16xf32>,
          %parallel_loop3A_482 = arith.index_cast %parallel_loop3A_439 : i32 to index
          %parallel_loop3A_483 = arith.constant 96 : index
          %parallel_loop3A_484 = tpu.vector_load %arg10[%parallel_loop3A_482, %parallel_loop3A_483] {strides = array<i32>} : memref<128x128xf32, #tpu.memory_space<vmem>>, vector<16xf32>,
          %parallel_loop3A_485 = arith.mulf %parallel_loop3A_484, %parallel_loop3A_435 : vector<16xf32>
          %parallel_loop3A_486 = arith.index_cast %parallel_loop3A_439 : i32 to index
          %parallel_loop3A_487 = arith.constant 96 : index
          %parallel_loop3A_488 = tpu.vector_load %arg10[%parallel_loop3A_486, %parallel_loop3A_487] {strides = array<i32>} : memref<128x128xf32, #tpu.memory_space<vmem>>, vector<16xf32>,
          tpu.vector_store %arg10[%parallel_loop3A_486, %parallel_loop3A_487], %parallel_loop3A_485 {strides = array<i32>} : memref<128x128xf32, #tpu.memory_space<vmem>>, vector<16xf32>,
          %parallel_loop3A_489 = arith.constant 7 : i32
          %parallel_loop3A_490 = vector.broadcast %parallel_loop3A_489 : i32 to vector<16x1xi32>
          %parallel_loop3A_491 = vector.shape_cast %parallel_loop3A_490 : vector<16x1xi32> to vector<16xi32>
          %parallel_loop3A_492 = tpu.dynamic_gather %parallel_loop3A_89[%parallel_loop3A_491] in [0] : vector<16xf32>, vector<16xi32> -> vector<16xf32>
          %parallel_loop3A_493 = arith.constant 16 : i32
          %parallel_loop3A_494 = arith.muli %parallel_loop3A_84, %parallel_loop3A_493 : i32
          %parallel_loop3A_495 = arith.constant 7 : i32
          %parallel_loop3A_496 = arith.addi %parallel_loop3A_494, %parallel_loop3A_495 : i32
          %parallel_loop3A_497 = arith.index_cast %parallel_loop3A_496 : i32 to index
          %parallel_loop3A_498 = arith.constant 0 : index
          %parallel_loop3A_499 = tpu.vector_load %arg10[%parallel_loop3A_497, %parallel_loop3A_498] {strides = array<i32>} : memref<128x128xf32, #tpu.memory_space<vmem>>, vector<16xf32>,
          %parallel_loop3A_500 = arith.mulf %parallel_loop3A_499, %parallel_loop3A_492 : vector<16xf32>
          %parallel_loop3A_501 = arith.index_cast %parallel_loop3A_496 : i32 to index
          %parallel_loop3A_502 = arith.constant 0 : index
          %parallel_loop3A_503 = tpu.vector_load %arg10[%parallel_loop3A_501, %parallel_loop3A_502] {strides = array<i32>} : memref<128x128xf32, #tpu.memory_space<vmem>>, vector<16xf32>,
          tpu.vector_store %arg10[%parallel_loop3A_501, %parallel_loop3A_502], %parallel_loop3A_500 {strides = array<i32>} : memref<128x128xf32, #tpu.memory_space<vmem>>, vector<16xf32>,
          %parallel_loop3A_504 = arith.index_cast %parallel_loop3A_496 : i32 to index
          %parallel_loop3A_505 = arith.constant 16 : index
          %parallel_loop3A_506 = tpu.vector_load %arg10[%parallel_loop3A_504, %parallel_loop3A_505] {strides = array<i32>} : memref<128x128xf32, #tpu.memory_space<vmem>>, vector<16xf32>,
          %parallel_loop3A_507 = arith.mulf %parallel_loop3A_506, %parallel_loop3A_492 : vector<16xf32>
          %parallel_loop3A_508 = arith.index_cast %parallel_loop3A_496 : i32 to index
          %parallel_loop3A_509 = arith.constant 16 : index
          %parallel_loop3A_510 = tpu.vector_load %arg10[%parallel_loop3A_508, %parallel_loop3A_509] {strides = array<i32>} : memref<128x128xf32, #tpu.memory_space<vmem>>, vector<16xf32>,
          tpu.vector_store %arg10[%parallel_loop3A_508, %parallel_loop3A_509], %parallel_loop3A_507 {strides = array<i32>} : memref<128x128xf32, #tpu.memory_space<vmem>>, vector<16xf32>,
          %parallel_loop3A_511 = arith.index_cast %parallel_loop3A_496 : i32 to index
          %parallel_loop3A_512 = arith.constant 32 : index
          %parallel_loop3A_513 = tpu.vector_load %arg10[%parallel_loop3A_511, %parallel_loop3A_512] {strides = array<i32>} : memref<128x128xf32, #tpu.memory_space<vmem>>, vector<16xf32>,
          %parallel_loop3A_514 = arith.mulf %parallel_loop3A_513, %parallel_loop3A_492 : vector<16xf32>
          %parallel_loop3A_515 = arith.index_cast %parallel_loop3A_496 : i32 to index
          %parallel_loop3A_516 = arith.constant 32 : index
          %parallel_loop3A_517 = tpu.vector_load %arg10[%parallel_loop3A_515, %parallel_loop3A_516] {strides = array<i32>} : memref<128x128xf32, #tpu.memory_space<vmem>>, vector<16xf32>,
          tpu.vector_store %arg10[%parallel_loop3A_515, %parallel_loop3A_516], %parallel_loop3A_514 {strides = array<i32>} : memref<128x128xf32, #tpu.memory_space<vmem>>, vector<16xf32>,
          %parallel_loop3A_518 = arith.index_cast %parallel_loop3A_496 : i32 to index
          %parallel_loop3A_519 = arith.constant 48 : index
          %parallel_loop3A_520 = tpu.vector_load %arg10[%parallel_loop3A_518, %parallel_loop3A_519] {strides = array<i32>} : memref<128x128xf32, #tpu.memory_space<vmem>>, vector<16xf32>,
          %parallel_loop3A_521 = arith.mulf %parallel_loop3A_520, %parallel_loop3A_492 : vector<16xf32>
          %parallel_loop3A_522 = arith.index_cast %parallel_loop3A_496 : i32 to index
          %parallel_loop3A_523 = arith.constant 48 : index
          %parallel_loop3A_524 = tpu.vector_load %arg10[%parallel_loop3A_522, %parallel_loop3A_523] {strides = array<i32>} : memref<128x128xf32, #tpu.memory_space<vmem>>, vector<16xf32>,
          tpu.vector_store %arg10[%parallel_loop3A_522, %parallel_loop3A_523], %parallel_loop3A_521 {strides = array<i32>} : memref<128x128xf32, #tpu.memory_space<vmem>>, vector<16xf32>,
          %parallel_loop3A_525 = arith.index_cast %parallel_loop3A_496 : i32 to index
          %parallel_loop3A_526 = arith.constant 64 : index
          %parallel_loop3A_527 = tpu.vector_load %arg10[%parallel_loop3A_525, %parallel_loop3A_526] {strides = array<i32>} : memref<128x128xf32, #tpu.memory_space<vmem>>, vector<16xf32>,
          %parallel_loop3A_528 = arith.mulf %parallel_loop3A_527, %parallel_loop3A_492 : vector<16xf32>
          %parallel_loop3A_529 = arith.index_cast %parallel_loop3A_496 : i32 to index
          %parallel_loop3A_530 = arith.constant 64 : index
          %parallel_loop3A_531 = tpu.vector_load %arg10[%parallel_loop3A_529, %parallel_loop3A_530] {strides = array<i32>} : memref<128x128xf32, #tpu.memory_space<vmem>>, vector<16xf32>,
          tpu.vector_store %arg10[%parallel_loop3A_529, %parallel_loop3A_530], %parallel_loop3A_528 {strides = array<i32>} : memref<128x128xf32, #tpu.memory_space<vmem>>, vector<16xf32>,
          %parallel_loop3A_532 = arith.index_cast %parallel_loop3A_496 : i32 to index
          %parallel_loop3A_533 = arith.constant 80 : index
          %parallel_loop3A_534 = tpu.vector_load %arg10[%parallel_loop3A_532, %parallel_loop3A_533] {strides = array<i32>} : memref<128x128xf32, #tpu.memory_space<vmem>>, vector<16xf32>,
          %parallel_loop3A_535 = arith.mulf %parallel_loop3A_534, %parallel_loop3A_492 : vector<16xf32>
          %parallel_loop3A_536 = arith.index_cast %parallel_loop3A_496 : i32 to index
          %parallel_loop3A_537 = arith.constant 80 : index
          %parallel_loop3A_538 = tpu.vector_load %arg10[%parallel_loop3A_536, %parallel_loop3A_537] {strides = array<i32>} : memref<128x128xf32, #tpu.memory_space<vmem>>, vector<16xf32>,
          tpu.vector_store %arg10[%parallel_loop3A_536, %parallel_loop3A_537], %parallel_loop3A_535 {strides = array<i32>} : memref<128x128xf32, #tpu.memory_space<vmem>>, vector<16xf32>,
          %parallel_loop3A_539 = arith.index_cast %parallel_loop3A_496 : i32 to index
          %parallel_loop3A_540 = arith.constant 96 : index
          %parallel_loop3A_541 = tpu.vector_load %arg10[%parallel_loop3A_539, %parallel_loop3A_540] {strides = array<i32>} : memref<128x128xf32, #tpu.memory_space<vmem>>, vector<16xf32>,
          %parallel_loop3A_542 = arith.mulf %parallel_loop3A_541, %parallel_loop3A_492 : vector<16xf32>
          %parallel_loop3A_543 = arith.index_cast %parallel_loop3A_496 : i32 to index
          %parallel_loop3A_544 = arith.constant 96 : index
          %parallel_loop3A_545 = tpu.vector_load %arg10[%parallel_loop3A_543, %parallel_loop3A_544] {strides = array<i32>} : memref<128x128xf32, #tpu.memory_space<vmem>>, vector<16xf32>,
          tpu.vector_store %arg10[%parallel_loop3A_543, %parallel_loop3A_544], %parallel_loop3A_542 {strides = array<i32>} : memref<128x128xf32, #tpu.memory_space<vmem>>, vector<16xf32>,
          %parallel_loop3A_546 = arith.constant 8 : i32
          %parallel_loop3A_547 = vector.broadcast %parallel_loop3A_546 : i32 to vector<16x1xi32>
          %parallel_loop3A_548 = vector.shape_cast %parallel_loop3A_547 : vector<16x1xi32> to vector<16xi32>
          %parallel_loop3A_549 = tpu.dynamic_gather %parallel_loop3A_89[%parallel_loop3A_548] in [0] : vector<16xf32>, vector<16xi32> -> vector<16xf32>
          %parallel_loop3A_550 = arith.constant 16 : i32
          %parallel_loop3A_551 = arith.muli %parallel_loop3A_84, %parallel_loop3A_550 : i32
          %parallel_loop3A_552 = arith.constant 8 : i32
          %parallel_loop3A_553 = arith.addi %parallel_loop3A_551, %parallel_loop3A_552 : i32
          %parallel_loop3A_554 = arith.index_cast %parallel_loop3A_553 : i32 to index
          %parallel_loop3A_555 = arith.constant 0 : index
          %parallel_loop3A_556 = tpu.vector_load %arg10[%parallel_loop3A_554, %parallel_loop3A_555] {strides = array<i32>} : memref<128x128xf32, #tpu.memory_space<vmem>>, vector<16xf32>,
          %parallel_loop3A_557 = arith.mulf %parallel_loop3A_556, %parallel_loop3A_549 : vector<16xf32>
          %parallel_loop3A_558 = arith.index_cast %parallel_loop3A_553 : i32 to index
          %parallel_loop3A_559 = arith.constant 0 : index
          %parallel_loop3A_560 = tpu.vector_load %arg10[%parallel_loop3A_558, %parallel_loop3A_559] {strides = array<i32>} : memref<128x128xf32, #tpu.memory_space<vmem>>, vector<16xf32>,
          tpu.vector_store %arg10[%parallel_loop3A_558, %parallel_loop3A_559], %parallel_loop3A_557 {strides = array<i32>} : memref<128x128xf32, #tpu.memory_space<vmem>>, vector<16xf32>,
          %parallel_loop3A_561 = arith.index_cast %parallel_loop3A_553 : i32 to index
          %parallel_loop3A_562 = arith.constant 16 : index
          %parallel_loop3A_563 = tpu.vector_load %arg10[%parallel_loop3A_561, %parallel_loop3A_562] {strides = array<i32>} : memref<128x128xf32, #tpu.memory_space<vmem>>, vector<16xf32>,
          %parallel_loop3A_564 = arith.mulf %parallel_loop3A_563, %parallel_loop3A_549 : vector<16xf32>
          %parallel_loop3A_565 = arith.index_cast %parallel_loop3A_553 : i32 to index
          %parallel_loop3A_566 = arith.constant 16 : index
          %parallel_loop3A_567 = tpu.vector_load %arg10[%parallel_loop3A_565, %parallel_loop3A_566] {strides = array<i32>} : memref<128x128xf32, #tpu.memory_space<vmem>>, vector<16xf32>,
          tpu.vector_store %arg10[%parallel_loop3A_565, %parallel_loop3A_566], %parallel_loop3A_564 {strides = array<i32>} : memref<128x128xf32, #tpu.memory_space<vmem>>, vector<16xf32>,
          %parallel_loop3A_568 = arith.index_cast %parallel_loop3A_553 : i32 to index
          %parallel_loop3A_569 = arith.constant 32 : index
          %parallel_loop3A_570 = tpu.vector_load %arg10[%parallel_loop3A_568, %parallel_loop3A_569] {strides = array<i32>} : memref<128x128xf32, #tpu.memory_space<vmem>>, vector<16xf32>,
          %parallel_loop3A_571 = arith.mulf %parallel_loop3A_570, %parallel_loop3A_549 : vector<16xf32>
          %parallel_loop3A_572 = arith.index_cast %parallel_loop3A_553 : i32 to index
          %parallel_loop3A_573 = arith.constant 32 : index
          %parallel_loop3A_574 = tpu.vector_load %arg10[%parallel_loop3A_572, %parallel_loop3A_573] {strides = array<i32>} : memref<128x128xf32, #tpu.memory_space<vmem>>, vector<16xf32>,
          tpu.vector_store %arg10[%parallel_loop3A_572, %parallel_loop3A_573], %parallel_loop3A_571 {strides = array<i32>} : memref<128x128xf32, #tpu.memory_space<vmem>>, vector<16xf32>,
          %parallel_loop3A_575 = arith.index_cast %parallel_loop3A_553 : i32 to index
          %parallel_loop3A_576 = arith.constant 48 : index
          %parallel_loop3A_577 = tpu.vector_load %arg10[%parallel_loop3A_575, %parallel_loop3A_576] {strides = array<i32>} : memref<128x128xf32, #tpu.memory_space<vmem>>, vector<16xf32>,
          %parallel_loop3A_578 = arith.mulf %parallel_loop3A_577, %parallel_loop3A_549 : vector<16xf32>
          %parallel_loop3A_579 = arith.index_cast %parallel_loop3A_553 : i32 to index
          %parallel_loop3A_580 = arith.constant 48 : index
          %parallel_loop3A_581 = tpu.vector_load %arg10[%parallel_loop3A_579, %parallel_loop3A_580] {strides = array<i32>} : memref<128x128xf32, #tpu.memory_space<vmem>>, vector<16xf32>,
          tpu.vector_store %arg10[%parallel_loop3A_579, %parallel_loop3A_580], %parallel_loop3A_578 {strides = array<i32>} : memref<128x128xf32, #tpu.memory_space<vmem>>, vector<16xf32>,
          %parallel_loop3A_582 = arith.index_cast %parallel_loop3A_553 : i32 to index
          %parallel_loop3A_583 = arith.constant 64 : index
          %parallel_loop3A_584 = tpu.vector_load %arg10[%parallel_loop3A_582, %parallel_loop3A_583] {strides = array<i32>} : memref<128x128xf32, #tpu.memory_space<vmem>>, vector<16xf32>,
          %parallel_loop3A_585 = arith.mulf %parallel_loop3A_584, %parallel_loop3A_549 : vector<16xf32>
          %parallel_loop3A_586 = arith.index_cast %parallel_loop3A_553 : i32 to index
          %parallel_loop3A_587 = arith.constant 64 : index
          %parallel_loop3A_588 = tpu.vector_load %arg10[%parallel_loop3A_586, %parallel_loop3A_587] {strides = array<i32>} : memref<128x128xf32, #tpu.memory_space<vmem>>, vector<16xf32>,
          tpu.vector_store %arg10[%parallel_loop3A_586, %parallel_loop3A_587], %parallel_loop3A_585 {strides = array<i32>} : memref<128x128xf32, #tpu.memory_space<vmem>>, vector<16xf32>,
          %parallel_loop3A_589 = arith.index_cast %parallel_loop3A_553 : i32 to index
          %parallel_loop3A_590 = arith.constant 80 : index
          %parallel_loop3A_591 = tpu.vector_load %arg10[%parallel_loop3A_589, %parallel_loop3A_590] {strides = array<i32>} : memref<128x128xf32, #tpu.memory_space<vmem>>, vector<16xf32>,
          %parallel_loop3A_592 = arith.mulf %parallel_loop3A_591, %parallel_loop3A_549 : vector<16xf32>
          %parallel_loop3A_593 = arith.index_cast %parallel_loop3A_553 : i32 to index
          %parallel_loop3A_594 = arith.constant 80 : index
          %parallel_loop3A_595 = tpu.vector_load %arg10[%parallel_loop3A_593, %parallel_loop3A_594] {strides = array<i32>} : memref<128x128xf32, #tpu.memory_space<vmem>>, vector<16xf32>,
          tpu.vector_store %arg10[%parallel_loop3A_593, %parallel_loop3A_594], %parallel_loop3A_592 {strides = array<i32>} : memref<128x128xf32, #tpu.memory_space<vmem>>, vector<16xf32>,
          %parallel_loop3A_596 = arith.index_cast %parallel_loop3A_553 : i32 to index
          %parallel_loop3A_597 = arith.constant 96 : index
          %parallel_loop3A_598 = tpu.vector_load %arg10[%parallel_loop3A_596, %parallel_loop3A_597] {strides = array<i32>} : memref<128x128xf32, #tpu.memory_space<vmem>>, vector<16xf32>,
          %parallel_loop3A_599 = arith.mulf %parallel_loop3A_598, %parallel_loop3A_549 : vector<16xf32>
          %parallel_loop3A_600 = arith.index_cast %parallel_loop3A_553 : i32 to index
          %parallel_loop3A_601 = arith.constant 96 : index
          %parallel_loop3A_602 = tpu.vector_load %arg10[%parallel_loop3A_600, %parallel_loop3A_601] {strides = array<i32>} : memref<128x128xf32, #tpu.memory_space<vmem>>, vector<16xf32>,
          tpu.vector_store %arg10[%parallel_loop3A_600, %parallel_loop3A_601], %parallel_loop3A_599 {strides = array<i32>} : memref<128x128xf32, #tpu.memory_space<vmem>>, vector<16xf32>,
          %parallel_loop3A_603 = arith.constant 9 : i32
          %parallel_loop3A_604 = vector.broadcast %parallel_loop3A_603 : i32 to vector<16x1xi32>
          %parallel_loop3A_605 = vector.shape_cast %parallel_loop3A_604 : vector<16x1xi32> to vector<16xi32>
          %parallel_loop3A_606 = tpu.dynamic_gather %parallel_loop3A_89[%parallel_loop3A_605] in [0] : vector<16xf32>, vector<16xi32> -> vector<16xf32>
          %parallel_loop3A_607 = arith.constant 16 : i32
          %parallel_loop3A_608 = arith.muli %parallel_loop3A_84, %parallel_loop3A_607 : i32
          %parallel_loop3A_609 = arith.constant 9 : i32
          %parallel_loop3A_610 = arith.addi %parallel_loop3A_608, %parallel_loop3A_609 : i32
          %parallel_loop3A_611 = arith.index_cast %parallel_loop3A_610 : i32 to index
          %parallel_loop3A_612 = arith.constant 0 : index
          %parallel_loop3A_613 = tpu.vector_load %arg10[%parallel_loop3A_611, %parallel_loop3A_612] {strides = array<i32>} : memref<128x128xf32, #tpu.memory_space<vmem>>, vector<16xf32>,
          %parallel_loop3A_614 = arith.mulf %parallel_loop3A_613, %parallel_loop3A_606 : vector<16xf32>
          %parallel_loop3A_615 = arith.index_cast %parallel_loop3A_610 : i32 to index
          %parallel_loop3A_616 = arith.constant 0 : index
          %parallel_loop3A_617 = tpu.vector_load %arg10[%parallel_loop3A_615, %parallel_loop3A_616] {strides = array<i32>} : memref<128x128xf32, #tpu.memory_space<vmem>>, vector<16xf32>,
          tpu.vector_store %arg10[%parallel_loop3A_615, %parallel_loop3A_616], %parallel_loop3A_614 {strides = array<i32>} : memref<128x128xf32, #tpu.memory_space<vmem>>, vector<16xf32>,
          %parallel_loop3A_618 = arith.index_cast %parallel_loop3A_610 : i32 to index
          %parallel_loop3A_619 = arith.constant 16 : index
          %parallel_loop3A_620 = tpu.vector_load %arg10[%parallel_loop3A_618, %parallel_loop3A_619] {strides = array<i32>} : memref<128x128xf32, #tpu.memory_space<vmem>>, vector<16xf32>,
          %parallel_loop3A_621 = arith.mulf %parallel_loop3A_620, %parallel_loop3A_606 : vector<16xf32>
          %parallel_loop3A_622 = arith.index_cast %parallel_loop3A_610 : i32 to index
          %parallel_loop3A_623 = arith.constant 16 : index
          %parallel_loop3A_624 = tpu.vector_load %arg10[%parallel_loop3A_622, %parallel_loop3A_623] {strides = array<i32>} : memref<128x128xf32, #tpu.memory_space<vmem>>, vector<16xf32>,
          tpu.vector_store %arg10[%parallel_loop3A_622, %parallel_loop3A_623], %parallel_loop3A_621 {strides = array<i32>} : memref<128x128xf32, #tpu.memory_space<vmem>>, vector<16xf32>,
          %parallel_loop3A_625 = arith.index_cast %parallel_loop3A_610 : i32 to index
          %parallel_loop3A_626 = arith.constant 32 : index
          %parallel_loop3A_627 = tpu.vector_load %arg10[%parallel_loop3A_625, %parallel_loop3A_626] {strides = array<i32>} : memref<128x128xf32, #tpu.memory_space<vmem>>, vector<16xf32>,
          %parallel_loop3A_628 = arith.mulf %parallel_loop3A_627, %parallel_loop3A_606 : vector<16xf32>
          %parallel_loop3A_629 = arith.index_cast %parallel_loop3A_610 : i32 to index
          %parallel_loop3A_630 = arith.constant 32 : index
          %parallel_loop3A_631 = tpu.vector_load %arg10[%parallel_loop3A_629, %parallel_loop3A_630] {strides = array<i32>} : memref<128x128xf32, #tpu.memory_space<vmem>>, vector<16xf32>,
          tpu.vector_store %arg10[%parallel_loop3A_629, %parallel_loop3A_630], %parallel_loop3A_628 {strides = array<i32>} : memref<128x128xf32, #tpu.memory_space<vmem>>, vector<16xf32>,
          %parallel_loop3A_632 = arith.index_cast %parallel_loop3A_610 : i32 to index
          %parallel_loop3A_633 = arith.constant 48 : index
          %parallel_loop3A_634 = tpu.vector_load %arg10[%parallel_loop3A_632, %parallel_loop3A_633] {strides = array<i32>} : memref<128x128xf32, #tpu.memory_space<vmem>>, vector<16xf32>,
          %parallel_loop3A_635 = arith.mulf %parallel_loop3A_634, %parallel_loop3A_606 : vector<16xf32>
          %parallel_loop3A_636 = arith.index_cast %parallel_loop3A_610 : i32 to index
          %parallel_loop3A_637 = arith.constant 48 : index
          %parallel_loop3A_638 = tpu.vector_load %arg10[%parallel_loop3A_636, %parallel_loop3A_637] {strides = array<i32>} : memref<128x128xf32, #tpu.memory_space<vmem>>, vector<16xf32>,
          tpu.vector_store %arg10[%parallel_loop3A_636, %parallel_loop3A_637], %parallel_loop3A_635 {strides = array<i32>} : memref<128x128xf32, #tpu.memory_space<vmem>>, vector<16xf32>,
          %parallel_loop3A_639 = arith.index_cast %parallel_loop3A_610 : i32 to index
          %parallel_loop3A_640 = arith.constant 64 : index
          %parallel_loop3A_641 = tpu.vector_load %arg10[%parallel_loop3A_639, %parallel_loop3A_640] {strides = array<i32>} : memref<128x128xf32, #tpu.memory_space<vmem>>, vector<16xf32>,
          %parallel_loop3A_642 = arith.mulf %parallel_loop3A_641, %parallel_loop3A_606 : vector<16xf32>
          %parallel_loop3A_643 = arith.index_cast %parallel_loop3A_610 : i32 to index
          %parallel_loop3A_644 = arith.constant 64 : index
          %parallel_loop3A_645 = tpu.vector_load %arg10[%parallel_loop3A_643, %parallel_loop3A_644] {strides = array<i32>} : memref<128x128xf32, #tpu.memory_space<vmem>>, vector<16xf32>,
          tpu.vector_store %arg10[%parallel_loop3A_643, %parallel_loop3A_644], %parallel_loop3A_642 {strides = array<i32>} : memref<128x128xf32, #tpu.memory_space<vmem>>, vector<16xf32>,
          %parallel_loop3A_646 = arith.index_cast %parallel_loop3A_610 : i32 to index
          %parallel_loop3A_647 = arith.constant 80 : index
          %parallel_loop3A_648 = tpu.vector_load %arg10[%parallel_loop3A_646, %parallel_loop3A_647] {strides = array<i32>} : memref<128x128xf32, #tpu.memory_space<vmem>>, vector<16xf32>,
          %parallel_loop3A_649 = arith.mulf %parallel_loop3A_648, %parallel_loop3A_606 : vector<16xf32>
          %parallel_loop3A_650 = arith.index_cast %parallel_loop3A_610 : i32 to index
          %parallel_loop3A_651 = arith.constant 80 : index
          %parallel_loop3A_652 = tpu.vector_load %arg10[%parallel_loop3A_650, %parallel_loop3A_651] {strides = array<i32>} : memref<128x128xf32, #tpu.memory_space<vmem>>, vector<16xf32>,
          tpu.vector_store %arg10[%parallel_loop3A_650, %parallel_loop3A_651], %parallel_loop3A_649 {strides = array<i32>} : memref<128x128xf32, #tpu.memory_space<vmem>>, vector<16xf32>,
          %parallel_loop3A_653 = arith.index_cast %parallel_loop3A_610 : i32 to index
          %parallel_loop3A_654 = arith.constant 96 : index
          %parallel_loop3A_655 = tpu.vector_load %arg10[%parallel_loop3A_653, %parallel_loop3A_654] {strides = array<i32>} : memref<128x128xf32, #tpu.memory_space<vmem>>, vector<16xf32>,
          %parallel_loop3A_656 = arith.mulf %parallel_loop3A_655, %parallel_loop3A_606 : vector<16xf32>
          %parallel_loop3A_657 = arith.index_cast %parallel_loop3A_610 : i32 to index
          %parallel_loop3A_658 = arith.constant 96 : index
          %parallel_loop3A_659 = tpu.vector_load %arg10[%parallel_loop3A_657, %parallel_loop3A_658] {strides = array<i32>} : memref<128x128xf32, #tpu.memory_space<vmem>>, vector<16xf32>,
          tpu.vector_store %arg10[%parallel_loop3A_657, %parallel_loop3A_658], %parallel_loop3A_656 {strides = array<i32>} : memref<128x128xf32, #tpu.memory_space<vmem>>, vector<16xf32>,
          %parallel_loop3A_660 = arith.constant 10 : i32
          %parallel_loop3A_661 = vector.broadcast %parallel_loop3A_660 : i32 to vector<16x1xi32>
          %parallel_loop3A_662 = vector.shape_cast %parallel_loop3A_661 : vector<16x1xi32> to vector<16xi32>
          %parallel_loop3A_663 = tpu.dynamic_gather %parallel_loop3A_89[%parallel_loop3A_662] in [0] : vector<16xf32>, vector<16xi32> -> vector<16xf32>
          %parallel_loop3A_664 = arith.constant 16 : i32
          %parallel_loop3A_665 = arith.muli %parallel_loop3A_84, %parallel_loop3A_664 : i32
          %parallel_loop3A_666 = arith.constant 10 : i32
          %parallel_loop3A_667 = arith.addi %parallel_loop3A_665, %parallel_loop3A_666 : i32
          %parallel_loop3A_668 = arith.index_cast %parallel_loop3A_667 : i32 to index
          %parallel_loop3A_669 = arith.constant 0 : index
          %parallel_loop3A_670 = tpu.vector_load %arg10[%parallel_loop3A_668, %parallel_loop3A_669] {strides = array<i32>} : memref<128x128xf32, #tpu.memory_space<vmem>>, vector<16xf32>,
          %parallel_loop3A_671 = arith.mulf %parallel_loop3A_670, %parallel_loop3A_663 : vector<16xf32>
          %parallel_loop3A_672 = arith.index_cast %parallel_loop3A_667 : i32 to index
          %parallel_loop3A_673 = arith.constant 0 : index
          %parallel_loop3A_674 = tpu.vector_load %arg10[%parallel_loop3A_672, %parallel_loop3A_673] {strides = array<i32>} : memref<128x128xf32, #tpu.memory_space<vmem>>, vector<16xf32>,
          tpu.vector_store %arg10[%parallel_loop3A_672, %parallel_loop3A_673], %parallel_loop3A_671 {strides = array<i32>} : memref<128x128xf32, #tpu.memory_space<vmem>>, vector<16xf32>,
          %parallel_loop3A_675 = arith.index_cast %parallel_loop3A_667 : i32 to index
          %parallel_loop3A_676 = arith.constant 16 : index
          %parallel_loop3A_677 = tpu.vector_load %arg10[%parallel_loop3A_675, %parallel_loop3A_676] {strides = array<i32>} : memref<128x128xf32, #tpu.memory_space<vmem>>, vector<16xf32>,
          %parallel_loop3A_678 = arith.mulf %parallel_loop3A_677, %parallel_loop3A_663 : vector<16xf32>
          %parallel_loop3A_679 = arith.index_cast %parallel_loop3A_667 : i32 to index
          %parallel_loop3A_680 = arith.constant 16 : index
          %parallel_loop3A_681 = tpu.vector_load %arg10[%parallel_loop3A_679, %parallel_loop3A_680] {strides = array<i32>} : memref<128x128xf32, #tpu.memory_space<vmem>>, vector<16xf32>,
          tpu.vector_store %arg10[%parallel_loop3A_679, %parallel_loop3A_680], %parallel_loop3A_678 {strides = array<i32>} : memref<128x128xf32, #tpu.memory_space<vmem>>, vector<16xf32>,
          %parallel_loop3A_682 = arith.index_cast %parallel_loop3A_667 : i32 to index
          %parallel_loop3A_683 = arith.constant 32 : index
          %parallel_loop3A_684 = tpu.vector_load %arg10[%parallel_loop3A_682, %parallel_loop3A_683] {strides = array<i32>} : memref<128x128xf32, #tpu.memory_space<vmem>>, vector<16xf32>,
          %parallel_loop3A_685 = arith.mulf %parallel_loop3A_684, %parallel_loop3A_663 : vector<16xf32>
          %parallel_loop3A_686 = arith.index_cast %parallel_loop3A_667 : i32 to index
          %parallel_loop3A_687 = arith.constant 32 : index
          %parallel_loop3A_688 = tpu.vector_load %arg10[%parallel_loop3A_686, %parallel_loop3A_687] {strides = array<i32>} : memref<128x128xf32, #tpu.memory_space<vmem>>, vector<16xf32>,
          tpu.vector_store %arg10[%parallel_loop3A_686, %parallel_loop3A_687], %parallel_loop3A_685 {strides = array<i32>} : memref<128x128xf32, #tpu.memory_space<vmem>>, vector<16xf32>,
          %parallel_loop3A_689 = arith.index_cast %parallel_loop3A_667 : i32 to index
          %parallel_loop3A_690 = arith.constant 48 : index
          %parallel_loop3A_691 = tpu.vector_load %arg10[%parallel_loop3A_689, %parallel_loop3A_690] {strides = array<i32>} : memref<128x128xf32, #tpu.memory_space<vmem>>, vector<16xf32>,
          %parallel_loop3A_692 = arith.mulf %parallel_loop3A_691, %parallel_loop3A_663 : vector<16xf32>
          %parallel_loop3A_693 = arith.index_cast %parallel_loop3A_667 : i32 to index
          %parallel_loop3A_694 = arith.constant 48 : index
          %parallel_loop3A_695 = tpu.vector_load %arg10[%parallel_loop3A_693, %parallel_loop3A_694] {strides = array<i32>} : memref<128x128xf32, #tpu.memory_space<vmem>>, vector<16xf32>,
          tpu.vector_store %arg10[%parallel_loop3A_693, %parallel_loop3A_694], %parallel_loop3A_692 {strides = array<i32>} : memref<128x128xf32, #tpu.memory_space<vmem>>, vector<16xf32>,
          %parallel_loop3A_696 = arith.index_cast %parallel_loop3A_667 : i32 to index
          %parallel_loop3A_697 = arith.constant 64 : index
          %parallel_loop3A_698 = tpu.vector_load %arg10[%parallel_loop3A_696, %parallel_loop3A_697] {strides = array<i32>} : memref<128x128xf32, #tpu.memory_space<vmem>>, vector<16xf32>,
          %parallel_loop3A_699 = arith.mulf %parallel_loop3A_698, %parallel_loop3A_663 : vector<16xf32>
          %parallel_loop3A_700 = arith.index_cast %parallel_loop3A_667 : i32 to index
          %parallel_loop3A_701 = arith.constant 64 : index
          %parallel_loop3A_702 = tpu.vector_load %arg10[%parallel_loop3A_700, %parallel_loop3A_701] {strides = array<i32>} : memref<128x128xf32, #tpu.memory_space<vmem>>, vector<16xf32>,
          tpu.vector_store %arg10[%parallel_loop3A_700, %parallel_loop3A_701], %parallel_loop3A_699 {strides = array<i32>} : memref<128x128xf32, #tpu.memory_space<vmem>>, vector<16xf32>,
          %parallel_loop3A_703 = arith.index_cast %parallel_loop3A_667 : i32 to index
          %parallel_loop3A_704 = arith.constant 80 : index
          %parallel_loop3A_705 = tpu.vector_load %arg10[%parallel_loop3A_703, %parallel_loop3A_704] {strides = array<i32>} : memref<128x128xf32, #tpu.memory_space<vmem>>, vector<16xf32>,
          %parallel_loop3A_706 = arith.mulf %parallel_loop3A_705, %parallel_loop3A_663 : vector<16xf32>
          %parallel_loop3A_707 = arith.index_cast %parallel_loop3A_667 : i32 to index
          %parallel_loop3A_708 = arith.constant 80 : index
          %parallel_loop3A_709 = tpu.vector_load %arg10[%parallel_loop3A_707, %parallel_loop3A_708] {strides = array<i32>} : memref<128x128xf32, #tpu.memory_space<vmem>>, vector<16xf32>,
          tpu.vector_store %arg10[%parallel_loop3A_707, %parallel_loop3A_708], %parallel_loop3A_706 {strides = array<i32>} : memref<128x128xf32, #tpu.memory_space<vmem>>, vector<16xf32>,
          %parallel_loop3A_710 = arith.index_cast %parallel_loop3A_667 : i32 to index
          %parallel_loop3A_711 = arith.constant 96 : index
          %parallel_loop3A_712 = tpu.vector_load %arg10[%parallel_loop3A_710, %parallel_loop3A_711] {strides = array<i32>} : memref<128x128xf32, #tpu.memory_space<vmem>>, vector<16xf32>,
          %parallel_loop3A_713 = arith.mulf %parallel_loop3A_712, %parallel_loop3A_663 : vector<16xf32>
          %parallel_loop3A_714 = arith.index_cast %parallel_loop3A_667 : i32 to index
          %parallel_loop3A_715 = arith.constant 96 : index
          %parallel_loop3A_716 = tpu.vector_load %arg10[%parallel_loop3A_714, %parallel_loop3A_715] {strides = array<i32>} : memref<128x128xf32, #tpu.memory_space<vmem>>, vector<16xf32>,
          tpu.vector_store %arg10[%parallel_loop3A_714, %parallel_loop3A_715], %parallel_loop3A_713 {strides = array<i32>} : memref<128x128xf32, #tpu.memory_space<vmem>>, vector<16xf32>,
          %parallel_loop3A_717 = arith.constant 11 : i32
          %parallel_loop3A_718 = vector.broadcast %parallel_loop3A_717 : i32 to vector<16x1xi32>
          %parallel_loop3A_719 = vector.shape_cast %parallel_loop3A_718 : vector<16x1xi32> to vector<16xi32>
          %parallel_loop3A_720 = tpu.dynamic_gather %parallel_loop3A_89[%parallel_loop3A_719] in [0] : vector<16xf32>, vector<16xi32> -> vector<16xf32>
          %parallel_loop3A_721 = arith.constant 16 : i32
          %parallel_loop3A_722 = arith.muli %parallel_loop3A_84, %parallel_loop3A_721 : i32
          %parallel_loop3A_723 = arith.constant 11 : i32
          %parallel_loop3A_724 = arith.addi %parallel_loop3A_722, %parallel_loop3A_723 : i32
          %parallel_loop3A_725 = arith.index_cast %parallel_loop3A_724 : i32 to index
          %parallel_loop3A_726 = arith.constant 0 : index
          %parallel_loop3A_727 = tpu.vector_load %arg10[%parallel_loop3A_725, %parallel_loop3A_726] {strides = array<i32>} : memref<128x128xf32, #tpu.memory_space<vmem>>, vector<16xf32>,
          %parallel_loop3A_728 = arith.mulf %parallel_loop3A_727, %parallel_loop3A_720 : vector<16xf32>
          %parallel_loop3A_729 = arith.index_cast %parallel_loop3A_724 : i32 to index
          %parallel_loop3A_730 = arith.constant 0 : index
          %parallel_loop3A_731 = tpu.vector_load %arg10[%parallel_loop3A_729, %parallel_loop3A_730] {strides = array<i32>} : memref<128x128xf32, #tpu.memory_space<vmem>>, vector<16xf32>,
          tpu.vector_store %arg10[%parallel_loop3A_729, %parallel_loop3A_730], %parallel_loop3A_728 {strides = array<i32>} : memref<128x128xf32, #tpu.memory_space<vmem>>, vector<16xf32>,
          %parallel_loop3A_732 = arith.index_cast %parallel_loop3A_724 : i32 to index
          %parallel_loop3A_733 = arith.constant 16 : index
          %parallel_loop3A_734 = tpu.vector_load %arg10[%parallel_loop3A_732, %parallel_loop3A_733] {strides = array<i32>} : memref<128x128xf32, #tpu.memory_space<vmem>>, vector<16xf32>,
          %parallel_loop3A_735 = arith.mulf %parallel_loop3A_734, %parallel_loop3A_720 : vector<16xf32>
          %parallel_loop3A_736 = arith.index_cast %parallel_loop3A_724 : i32 to index
          %parallel_loop3A_737 = arith.constant 16 : index
          %parallel_loop3A_738 = tpu.vector_load %arg10[%parallel_loop3A_736, %parallel_loop3A_737] {strides = array<i32>} : memref<128x128xf32, #tpu.memory_space<vmem>>, vector<16xf32>,
          tpu.vector_store %arg10[%parallel_loop3A_736, %parallel_loop3A_737], %parallel_loop3A_735 {strides = array<i32>} : memref<128x128xf32, #tpu.memory_space<vmem>>, vector<16xf32>,
          %parallel_loop3A_739 = arith.index_cast %parallel_loop3A_724 : i32 to index
          %parallel_loop3A_740 = arith.constant 32 : index
          %parallel_loop3A_741 = tpu.vector_load %arg10[%parallel_loop3A_739, %parallel_loop3A_740] {strides = array<i32>} : memref<128x128xf32, #tpu.memory_space<vmem>>, vector<16xf32>,
          %parallel_loop3A_742 = arith.mulf %parallel_loop3A_741, %parallel_loop3A_720 : vector<16xf32>
          %parallel_loop3A_743 = arith.index_cast %parallel_loop3A_724 : i32 to index
          %parallel_loop3A_744 = arith.constant 32 : index
          %parallel_loop3A_745 = tpu.vector_load %arg10[%parallel_loop3A_743, %parallel_loop3A_744] {strides = array<i32>} : memref<128x128xf32, #tpu.memory_space<vmem>>, vector<16xf32>,
          tpu.vector_store %arg10[%parallel_loop3A_743, %parallel_loop3A_744], %parallel_loop3A_742 {strides = array<i32>} : memref<128x128xf32, #tpu.memory_space<vmem>>, vector<16xf32>,
          %parallel_loop3A_746 = arith.index_cast %parallel_loop3A_724 : i32 to index
          %parallel_loop3A_747 = arith.constant 48 : index
          %parallel_loop3A_748 = tpu.vector_load %arg10[%parallel_loop3A_746, %parallel_loop3A_747] {strides = array<i32>} : memref<128x128xf32, #tpu.memory_space<vmem>>, vector<16xf32>,
          %parallel_loop3A_749 = arith.mulf %parallel_loop3A_748, %parallel_loop3A_720 : vector<16xf32>
          %parallel_loop3A_750 = arith.index_cast %parallel_loop3A_724 : i32 to index
          %parallel_loop3A_751 = arith.constant 48 : index
          %parallel_loop3A_752 = tpu.vector_load %arg10[%parallel_loop3A_750, %parallel_loop3A_751] {strides = array<i32>} : memref<128x128xf32, #tpu.memory_space<vmem>>, vector<16xf32>,
          tpu.vector_store %arg10[%parallel_loop3A_750, %parallel_loop3A_751], %parallel_loop3A_749 {strides = array<i32>} : memref<128x128xf32, #tpu.memory_space<vmem>>, vector<16xf32>,
          %parallel_loop3A_753 = arith.index_cast %parallel_loop3A_724 : i32 to index
          %parallel_loop3A_754 = arith.constant 64 : index
          %parallel_loop3A_755 = tpu.vector_load %arg10[%parallel_loop3A_753, %parallel_loop3A_754] {strides = array<i32>} : memref<128x128xf32, #tpu.memory_space<vmem>>, vector<16xf32>,
          %parallel_loop3A_756 = arith.mulf %parallel_loop3A_755, %parallel_loop3A_720 : vector<16xf32>
          %parallel_loop3A_757 = arith.index_cast %parallel_loop3A_724 : i32 to index
          %parallel_loop3A_758 = arith.constant 64 : index
          %parallel_loop3A_759 = tpu.vector_load %arg10[%parallel_loop3A_757, %parallel_loop3A_758] {strides = array<i32>} : memref<128x128xf32, #tpu.memory_space<vmem>>, vector<16xf32>,
          tpu.vector_store %arg10[%parallel_loop3A_757, %parallel_loop3A_758], %parallel_loop3A_756 {strides = array<i32>} : memref<128x128xf32, #tpu.memory_space<vmem>>, vector<16xf32>,
          %parallel_loop3A_760 = arith.index_cast %parallel_loop3A_724 : i32 to index
          %parallel_loop3A_761 = arith.constant 80 : index
          %parallel_loop3A_762 = tpu.vector_load %arg10[%parallel_loop3A_760, %parallel_loop3A_761] {strides = array<i32>} : memref<128x128xf32, #tpu.memory_space<vmem>>, vector<16xf32>,
          %parallel_loop3A_763 = arith.mulf %parallel_loop3A_762, %parallel_loop3A_720 : vector<16xf32>
          %parallel_loop3A_764 = arith.index_cast %parallel_loop3A_724 : i32 to index
          %parallel_loop3A_765 = arith.constant 80 : index
          %parallel_loop3A_766 = tpu.vector_load %arg10[%parallel_loop3A_764, %parallel_loop3A_765] {strides = array<i32>} : memref<128x128xf32, #tpu.memory_space<vmem>>, vector<16xf32>,
          tpu.vector_store %arg10[%parallel_loop3A_764, %parallel_loop3A_765], %parallel_loop3A_763 {strides = array<i32>} : memref<128x128xf32, #tpu.memory_space<vmem>>, vector<16xf32>,
          %parallel_loop3A_767 = arith.index_cast %parallel_loop3A_724 : i32 to index
          %parallel_loop3A_768 = arith.constant 96 : index
          %parallel_loop3A_769 = tpu.vector_load %arg10[%parallel_loop3A_767, %parallel_loop3A_768] {strides = array<i32>} : memref<128x128xf32, #tpu.memory_space<vmem>>, vector<16xf32>,
          %parallel_loop3A_770 = arith.mulf %parallel_loop3A_769, %parallel_loop3A_720 : vector<16xf32>
          %parallel_loop3A_771 = arith.index_cast %parallel_loop3A_724 : i32 to index
          %parallel_loop3A_772 = arith.constant 96 : index
          %parallel_loop3A_773 = tpu.vector_load %arg10[%parallel_loop3A_771, %parallel_loop3A_772] {strides = array<i32>} : memref<128x128xf32, #tpu.memory_space<vmem>>, vector<16xf32>,
          tpu.vector_store %arg10[%parallel_loop3A_771, %parallel_loop3A_772], %parallel_loop3A_770 {strides = array<i32>} : memref<128x128xf32, #tpu.memory_space<vmem>>, vector<16xf32>,
          %parallel_loop3A_774 = arith.constant 12 : i32
          %parallel_loop3A_775 = vector.broadcast %parallel_loop3A_774 : i32 to vector<16x1xi32>
          %parallel_loop3A_776 = vector.shape_cast %parallel_loop3A_775 : vector<16x1xi32> to vector<16xi32>
          %parallel_loop3A_777 = tpu.dynamic_gather %parallel_loop3A_89[%parallel_loop3A_776] in [0] : vector<16xf32>, vector<16xi32> -> vector<16xf32>
          %parallel_loop3A_778 = arith.constant 16 : i32
          %parallel_loop3A_779 = arith.muli %parallel_loop3A_84, %parallel_loop3A_778 : i32
          %parallel_loop3A_780 = arith.constant 12 : i32
          %parallel_loop3A_781 = arith.addi %parallel_loop3A_779, %parallel_loop3A_780 : i32
          %parallel_loop3A_782 = arith.index_cast %parallel_loop3A_781 : i32 to index
          %parallel_loop3A_783 = arith.constant 0 : index
          %parallel_loop3A_784 = tpu.vector_load %arg10[%parallel_loop3A_782, %parallel_loop3A_783] {strides = array<i32>} : memref<128x128xf32, #tpu.memory_space<vmem>>, vector<16xf32>,
          %parallel_loop3A_785 = arith.mulf %parallel_loop3A_784, %parallel_loop3A_777 : vector<16xf32>
          %parallel_loop3A_786 = arith.index_cast %parallel_loop3A_781 : i32 to index
          %parallel_loop3A_787 = arith.constant 0 : index
          %parallel_loop3A_788 = tpu.vector_load %arg10[%parallel_loop3A_786, %parallel_loop3A_787] {strides = array<i32>} : memref<128x128xf32, #tpu.memory_space<vmem>>, vector<16xf32>,
          tpu.vector_store %arg10[%parallel_loop3A_786, %parallel_loop3A_787], %parallel_loop3A_785 {strides = array<i32>} : memref<128x128xf32, #tpu.memory_space<vmem>>, vector<16xf32>,
          %parallel_loop3A_789 = arith.index_cast %parallel_loop3A_781 : i32 to index
          %parallel_loop3A_790 = arith.constant 16 : index
          %parallel_loop3A_791 = tpu.vector_load %arg10[%parallel_loop3A_789, %parallel_loop3A_790] {strides = array<i32>} : memref<128x128xf32, #tpu.memory_space<vmem>>, vector<16xf32>,
          %parallel_loop3A_792 = arith.mulf %parallel_loop3A_791, %parallel_loop3A_777 : vector<16xf32>
          %parallel_loop3A_793 = arith.index_cast %parallel_loop3A_781 : i32 to index
          %parallel_loop3A_794 = arith.constant 16 : index
          %parallel_loop3A_795 = tpu.vector_load %arg10[%parallel_loop3A_793, %parallel_loop3A_794] {strides = array<i32>} : memref<128x128xf32, #tpu.memory_space<vmem>>, vector<16xf32>,
          tpu.vector_store %arg10[%parallel_loop3A_793, %parallel_loop3A_794], %parallel_loop3A_792 {strides = array<i32>} : memref<128x128xf32, #tpu.memory_space<vmem>>, vector<16xf32>,
          %parallel_loop3A_796 = arith.index_cast %parallel_loop3A_781 : i32 to index
          %parallel_loop3A_797 = arith.constant 32 : index
          %parallel_loop3A_798 = tpu.vector_load %arg10[%parallel_loop3A_796, %parallel_loop3A_797] {strides = array<i32>} : memref<128x128xf32, #tpu.memory_space<vmem>>, vector<16xf32>,
          %parallel_loop3A_799 = arith.mulf %parallel_loop3A_798, %parallel_loop3A_777 : vector<16xf32>
          %parallel_loop3A_800 = arith.index_cast %parallel_loop3A_781 : i32 to index
          %parallel_loop3A_801 = arith.constant 32 : index
          %parallel_loop3A_802 = tpu.vector_load %arg10[%parallel_loop3A_800, %parallel_loop3A_801] {strides = array<i32>} : memref<128x128xf32, #tpu.memory_space<vmem>>, vector<16xf32>,
          tpu.vector_store %arg10[%parallel_loop3A_800, %parallel_loop3A_801], %parallel_loop3A_799 {strides = array<i32>} : memref<128x128xf32, #tpu.memory_space<vmem>>, vector<16xf32>,
          %parallel_loop3A_803 = arith.index_cast %parallel_loop3A_781 : i32 to index
          %parallel_loop3A_804 = arith.constant 48 : index
          %parallel_loop3A_805 = tpu.vector_load %arg10[%parallel_loop3A_803, %parallel_loop3A_804] {strides = array<i32>} : memref<128x128xf32, #tpu.memory_space<vmem>>, vector<16xf32>,
          %parallel_loop3A_806 = arith.mulf %parallel_loop3A_805, %parallel_loop3A_777 : vector<16xf32>
          %parallel_loop3A_807 = arith.index_cast %parallel_loop3A_781 : i32 to index
          %parallel_loop3A_808 = arith.constant 48 : index
          %parallel_loop3A_809 = tpu.vector_load %arg10[%parallel_loop3A_807, %parallel_loop3A_808] {strides = array<i32>} : memref<128x128xf32, #tpu.memory_space<vmem>>, vector<16xf32>,
          tpu.vector_store %arg10[%parallel_loop3A_807, %parallel_loop3A_808], %parallel_loop3A_806 {strides = array<i32>} : memref<128x128xf32, #tpu.memory_space<vmem>>, vector<16xf32>,
          %parallel_loop3A_810 = arith.index_cast %parallel_loop3A_781 : i32 to index
          %parallel_loop3A_811 = arith.constant 64 : index
          %parallel_loop3A_812 = tpu.vector_load %arg10[%parallel_loop3A_810, %parallel_loop3A_811] {strides = array<i32>} : memref<128x128xf32, #tpu.memory_space<vmem>>, vector<16xf32>,
          %parallel_loop3A_813 = arith.mulf %parallel_loop3A_812, %parallel_loop3A_777 : vector<16xf32>
          %parallel_loop3A_814 = arith.index_cast %parallel_loop3A_781 : i32 to index
          %parallel_loop3A_815 = arith.constant 64 : index
          %parallel_loop3A_816 = tpu.vector_load %arg10[%parallel_loop3A_814, %parallel_loop3A_815] {strides = array<i32>} : memref<128x128xf32, #tpu.memory_space<vmem>>, vector<16xf32>,
          tpu.vector_store %arg10[%parallel_loop3A_814, %parallel_loop3A_815], %parallel_loop3A_813 {strides = array<i32>} : memref<128x128xf32, #tpu.memory_space<vmem>>, vector<16xf32>,
          %parallel_loop3A_817 = arith.index_cast %parallel_loop3A_781 : i32 to index
          %parallel_loop3A_818 = arith.constant 80 : index
          %parallel_loop3A_819 = tpu.vector_load %arg10[%parallel_loop3A_817, %parallel_loop3A_818] {strides = array<i32>} : memref<128x128xf32, #tpu.memory_space<vmem>>, vector<16xf32>,
          %parallel_loop3A_820 = arith.mulf %parallel_loop3A_819, %parallel_loop3A_777 : vector<16xf32>
          %parallel_loop3A_821 = arith.index_cast %parallel_loop3A_781 : i32 to index
          %parallel_loop3A_822 = arith.constant 80 : index
          %parallel_loop3A_823 = tpu.vector_load %arg10[%parallel_loop3A_821, %parallel_loop3A_822] {strides = array<i32>} : memref<128x128xf32, #tpu.memory_space<vmem>>, vector<16xf32>,
          tpu.vector_store %arg10[%parallel_loop3A_821, %parallel_loop3A_822], %parallel_loop3A_820 {strides = array<i32>} : memref<128x128xf32, #tpu.memory_space<vmem>>, vector<16xf32>,
          %parallel_loop3A_824 = arith.index_cast %parallel_loop3A_781 : i32 to index
          %parallel_loop3A_825 = arith.constant 96 : index
          %parallel_loop3A_826 = tpu.vector_load %arg10[%parallel_loop3A_824, %parallel_loop3A_825] {strides = array<i32>} : memref<128x128xf32, #tpu.memory_space<vmem>>, vector<16xf32>,
          %parallel_loop3A_827 = arith.mulf %parallel_loop3A_826, %parallel_loop3A_777 : vector<16xf32>
          %parallel_loop3A_828 = arith.index_cast %parallel_loop3A_781 : i32 to index
          %parallel_loop3A_829 = arith.constant 96 : index
          %parallel_loop3A_830 = tpu.vector_load %arg10[%parallel_loop3A_828, %parallel_loop3A_829] {strides = array<i32>} : memref<128x128xf32, #tpu.memory_space<vmem>>, vector<16xf32>,
          tpu.vector_store %arg10[%parallel_loop3A_828, %parallel_loop3A_829], %parallel_loop3A_827 {strides = array<i32>} : memref<128x128xf32, #tpu.memory_space<vmem>>, vector<16xf32>,
          %parallel_loop3A_831 = arith.constant 13 : i32
          %parallel_loop3A_832 = vector.broadcast %parallel_loop3A_831 : i32 to vector<16x1xi32>
          %parallel_loop3A_833 = vector.shape_cast %parallel_loop3A_832 : vector<16x1xi32> to vector<16xi32>
          %parallel_loop3A_834 = tpu.dynamic_gather %parallel_loop3A_89[%parallel_loop3A_833] in [0] : vector<16xf32>, vector<16xi32> -> vector<16xf32>
          %parallel_loop3A_835 = arith.constant 16 : i32
          %parallel_loop3A_836 = arith.muli %parallel_loop3A_84, %parallel_loop3A_835 : i32
          %parallel_loop3A_837 = arith.constant 13 : i32
          %parallel_loop3A_838 = arith.addi %parallel_loop3A_836, %parallel_loop3A_837 : i32
          %parallel_loop3A_839 = arith.index_cast %parallel_loop3A_838 : i32 to index
          %parallel_loop3A_840 = arith.constant 0 : index
          %parallel_loop3A_841 = tpu.vector_load %arg10[%parallel_loop3A_839, %parallel_loop3A_840] {strides = array<i32>} : memref<128x128xf32, #tpu.memory_space<vmem>>, vector<16xf32>,
          %parallel_loop3A_842 = arith.mulf %parallel_loop3A_841, %parallel_loop3A_834 : vector<16xf32>
          %parallel_loop3A_843 = arith.index_cast %parallel_loop3A_838 : i32 to index
          %parallel_loop3A_844 = arith.constant 0 : index
          %parallel_loop3A_845 = tpu.vector_load %arg10[%parallel_loop3A_843, %parallel_loop3A_844] {strides = array<i32>} : memref<128x128xf32, #tpu.memory_space<vmem>>, vector<16xf32>,
          tpu.vector_store %arg10[%parallel_loop3A_843, %parallel_loop3A_844], %parallel_loop3A_842 {strides = array<i32>} : memref<128x128xf32, #tpu.memory_space<vmem>>, vector<16xf32>,
          %parallel_loop3A_846 = arith.index_cast %parallel_loop3A_838 : i32 to index
          %parallel_loop3A_847 = arith.constant 16 : index
          %parallel_loop3A_848 = tpu.vector_load %arg10[%parallel_loop3A_846, %parallel_loop3A_847] {strides = array<i32>} : memref<128x128xf32, #tpu.memory_space<vmem>>, vector<16xf32>,
          %parallel_loop3A_849 = arith.mulf %parallel_loop3A_848, %parallel_loop3A_834 : vector<16xf32>
          %parallel_loop3A_850 = arith.index_cast %parallel_loop3A_838 : i32 to index
          %parallel_loop3A_851 = arith.constant 16 : index
          %parallel_loop3A_852 = tpu.vector_load %arg10[%parallel_loop3A_850, %parallel_loop3A_851] {strides = array<i32>} : memref<128x128xf32, #tpu.memory_space<vmem>>, vector<16xf32>,
          tpu.vector_store %arg10[%parallel_loop3A_850, %parallel_loop3A_851], %parallel_loop3A_849 {strides = array<i32>} : memref<128x128xf32, #tpu.memory_space<vmem>>, vector<16xf32>,
          %parallel_loop3A_853 = arith.index_cast %parallel_loop3A_838 : i32 to index
          %parallel_loop3A_854 = arith.constant 32 : index
          %parallel_loop3A_855 = tpu.vector_load %arg10[%parallel_loop3A_853, %parallel_loop3A_854] {strides = array<i32>} : memref<128x128xf32, #tpu.memory_space<vmem>>, vector<16xf32>,
          %parallel_loop3A_856 = arith.mulf %parallel_loop3A_855, %parallel_loop3A_834 : vector<16xf32>
          %parallel_loop3A_857 = arith.index_cast %parallel_loop3A_838 : i32 to index
          %parallel_loop3A_858 = arith.constant 32 : index
          %parallel_loop3A_859 = tpu.vector_load %arg10[%parallel_loop3A_857, %parallel_loop3A_858] {strides = array<i32>} : memref<128x128xf32, #tpu.memory_space<vmem>>, vector<16xf32>,
          tpu.vector_store %arg10[%parallel_loop3A_857, %parallel_loop3A_858], %parallel_loop3A_856 {strides = array<i32>} : memref<128x128xf32, #tpu.memory_space<vmem>>, vector<16xf32>,
          %parallel_loop3A_860 = arith.index_cast %parallel_loop3A_838 : i32 to index
          %parallel_loop3A_861 = arith.constant 48 : index
          %parallel_loop3A_862 = tpu.vector_load %arg10[%parallel_loop3A_860, %parallel_loop3A_861] {strides = array<i32>} : memref<128x128xf32, #tpu.memory_space<vmem>>, vector<16xf32>,
          %parallel_loop3A_863 = arith.mulf %parallel_loop3A_862, %parallel_loop3A_834 : vector<16xf32>
          %parallel_loop3A_864 = arith.index_cast %parallel_loop3A_838 : i32 to index
          %parallel_loop3A_865 = arith.constant 48 : index
          %parallel_loop3A_866 = tpu.vector_load %arg10[%parallel_loop3A_864, %parallel_loop3A_865] {strides = array<i32>} : memref<128x128xf32, #tpu.memory_space<vmem>>, vector<16xf32>,
          tpu.vector_store %arg10[%parallel_loop3A_864, %parallel_loop3A_865], %parallel_loop3A_863 {strides = array<i32>} : memref<128x128xf32, #tpu.memory_space<vmem>>, vector<16xf32>,
          %parallel_loop3A_867 = arith.index_cast %parallel_loop3A_838 : i32 to index
          %parallel_loop3A_868 = arith.constant 64 : index
          %parallel_loop3A_869 = tpu.vector_load %arg10[%parallel_loop3A_867, %parallel_loop3A_868] {strides = array<i32>} : memref<128x128xf32, #tpu.memory_space<vmem>>, vector<16xf32>,
          %parallel_loop3A_870 = arith.mulf %parallel_loop3A_869, %parallel_loop3A_834 : vector<16xf32>
          %parallel_loop3A_871 = arith.index_cast %parallel_loop3A_838 : i32 to index
          %parallel_loop3A_872 = arith.constant 64 : index
          %parallel_loop3A_873 = tpu.vector_load %arg10[%parallel_loop3A_871, %parallel_loop3A_872] {strides = array<i32>} : memref<128x128xf32, #tpu.memory_space<vmem>>, vector<16xf32>,
          tpu.vector_store %arg10[%parallel_loop3A_871, %parallel_loop3A_872], %parallel_loop3A_870 {strides = array<i32>} : memref<128x128xf32, #tpu.memory_space<vmem>>, vector<16xf32>,
          %parallel_loop3A_874 = arith.index_cast %parallel_loop3A_838 : i32 to index
          %parallel_loop3A_875 = arith.constant 80 : index
          %parallel_loop3A_876 = tpu.vector_load %arg10[%parallel_loop3A_874, %parallel_loop3A_875] {strides = array<i32>} : memref<128x128xf32, #tpu.memory_space<vmem>>, vector<16xf32>,
          %parallel_loop3A_877 = arith.mulf %parallel_loop3A_876, %parallel_loop3A_834 : vector<16xf32>
          %parallel_loop3A_878 = arith.index_cast %parallel_loop3A_838 : i32 to index
          %parallel_loop3A_879 = arith.constant 80 : index
          %parallel_loop3A_880 = tpu.vector_load %arg10[%parallel_loop3A_878, %parallel_loop3A_879] {strides = array<i32>} : memref<128x128xf32, #tpu.memory_space<vmem>>, vector<16xf32>,
          tpu.vector_store %arg10[%parallel_loop3A_878, %parallel_loop3A_879], %parallel_loop3A_877 {strides = array<i32>} : memref<128x128xf32, #tpu.memory_space<vmem>>, vector<16xf32>,
          %parallel_loop3A_881 = arith.index_cast %parallel_loop3A_838 : i32 to index
          %parallel_loop3A_882 = arith.constant 96 : index
          %parallel_loop3A_883 = tpu.vector_load %arg10[%parallel_loop3A_881, %parallel_loop3A_882] {strides = array<i32>} : memref<128x128xf32, #tpu.memory_space<vmem>>, vector<16xf32>,
          %parallel_loop3A_884 = arith.mulf %parallel_loop3A_883, %parallel_loop3A_834 : vector<16xf32>
          %parallel_loop3A_885 = arith.index_cast %parallel_loop3A_838 : i32 to index
          %parallel_loop3A_886 = arith.constant 96 : index
          %parallel_loop3A_887 = tpu.vector_load %arg10[%parallel_loop3A_885, %parallel_loop3A_886] {strides = array<i32>} : memref<128x128xf32, #tpu.memory_space<vmem>>, vector<16xf32>,
          tpu.vector_store %arg10[%parallel_loop3A_885, %parallel_loop3A_886], %parallel_loop3A_884 {strides = array<i32>} : memref<128x128xf32, #tpu.memory_space<vmem>>, vector<16xf32>,
          %parallel_loop3A_888 = arith.constant 14 : i32
          %parallel_loop3A_889 = vector.broadcast %parallel_loop3A_888 : i32 to vector<16x1xi32>
          %parallel_loop3A_890 = vector.shape_cast %parallel_loop3A_889 : vector<16x1xi32> to vector<16xi32>
          %parallel_loop3A_891 = tpu.dynamic_gather %parallel_loop3A_89[%parallel_loop3A_890] in [0] : vector<16xf32>, vector<16xi32> -> vector<16xf32>
          %parallel_loop3A_892 = arith.constant 16 : i32
          %parallel_loop3A_893 = arith.muli %parallel_loop3A_84, %parallel_loop3A_892 : i32
          %parallel_loop3A_894 = arith.constant 14 : i32
          %parallel_loop3A_895 = arith.addi %parallel_loop3A_893, %parallel_loop3A_894 : i32
          %parallel_loop3A_896 = arith.index_cast %parallel_loop3A_895 : i32 to index
          %parallel_loop3A_897 = arith.constant 0 : index
          %parallel_loop3A_898 = tpu.vector_load %arg10[%parallel_loop3A_896, %parallel_loop3A_897] {strides = array<i32>} : memref<128x128xf32, #tpu.memory_space<vmem>>, vector<16xf32>,
          %parallel_loop3A_899 = arith.mulf %parallel_loop3A_898, %parallel_loop3A_891 : vector<16xf32>
          %parallel_loop3A_900 = arith.index_cast %parallel_loop3A_895 : i32 to index
          %parallel_loop3A_901 = arith.constant 0 : index
          %parallel_loop3A_902 = tpu.vector_load %arg10[%parallel_loop3A_900, %parallel_loop3A_901] {strides = array<i32>} : memref<128x128xf32, #tpu.memory_space<vmem>>, vector<16xf32>,
          tpu.vector_store %arg10[%parallel_loop3A_900, %parallel_loop3A_901], %parallel_loop3A_899 {strides = array<i32>} : memref<128x128xf32, #tpu.memory_space<vmem>>, vector<16xf32>,
          %parallel_loop3A_903 = arith.index_cast %parallel_loop3A_895 : i32 to index
          %parallel_loop3A_904 = arith.constant 16 : index
          %parallel_loop3A_905 = tpu.vector_load %arg10[%parallel_loop3A_903, %parallel_loop3A_904] {strides = array<i32>} : memref<128x128xf32, #tpu.memory_space<vmem>>, vector<16xf32>,
          %parallel_loop3A_906 = arith.mulf %parallel_loop3A_905, %parallel_loop3A_891 : vector<16xf32>
          %parallel_loop3A_907 = arith.index_cast %parallel_loop3A_895 : i32 to index
          %parallel_loop3A_908 = arith.constant 16 : index
          %parallel_loop3A_909 = tpu.vector_load %arg10[%parallel_loop3A_907, %parallel_loop3A_908] {strides = array<i32>} : memref<128x128xf32, #tpu.memory_space<vmem>>, vector<16xf32>,
          tpu.vector_store %arg10[%parallel_loop3A_907, %parallel_loop3A_908], %parallel_loop3A_906 {strides = array<i32>} : memref<128x128xf32, #tpu.memory_space<vmem>>, vector<16xf32>,
          %parallel_loop3A_910 = arith.index_cast %parallel_loop3A_895 : i32 to index
          %parallel_loop3A_911 = arith.constant 32 : index
          %parallel_loop3A_912 = tpu.vector_load %arg10[%parallel_loop3A_910, %parallel_loop3A_911] {strides = array<i32>} : memref<128x128xf32, #tpu.memory_space<vmem>>, vector<16xf32>,
          %parallel_loop3A_913 = arith.mulf %parallel_loop3A_912, %parallel_loop3A_891 : vector<16xf32>
          %parallel_loop3A_914 = arith.index_cast %parallel_loop3A_895 : i32 to index
          %parallel_loop3A_915 = arith.constant 32 : index
          %parallel_loop3A_916 = tpu.vector_load %arg10[%parallel_loop3A_914, %parallel_loop3A_915] {strides = array<i32>} : memref<128x128xf32, #tpu.memory_space<vmem>>, vector<16xf32>,
          tpu.vector_store %arg10[%parallel_loop3A_914, %parallel_loop3A_915], %parallel_loop3A_913 {strides = array<i32>} : memref<128x128xf32, #tpu.memory_space<vmem>>, vector<16xf32>,
          %parallel_loop3A_917 = arith.index_cast %parallel_loop3A_895 : i32 to index
          %parallel_loop3A_918 = arith.constant 48 : index
          %parallel_loop3A_919 = tpu.vector_load %arg10[%parallel_loop3A_917, %parallel_loop3A_918] {strides = array<i32>} : memref<128x128xf32, #tpu.memory_space<vmem>>, vector<16xf32>,
          %parallel_loop3A_920 = arith.mulf %parallel_loop3A_919, %parallel_loop3A_891 : vector<16xf32>
          %parallel_loop3A_921 = arith.index_cast %parallel_loop3A_895 : i32 to index
          %parallel_loop3A_922 = arith.constant 48 : index
          %parallel_loop3A_923 = tpu.vector_load %arg10[%parallel_loop3A_921, %parallel_loop3A_922] {strides = array<i32>} : memref<128x128xf32, #tpu.memory_space<vmem>>, vector<16xf32>,
          tpu.vector_store %arg10[%parallel_loop3A_921, %parallel_loop3A_922], %parallel_loop3A_920 {strides = array<i32>} : memref<128x128xf32, #tpu.memory_space<vmem>>, vector<16xf32>,
          %parallel_loop3A_924 = arith.index_cast %parallel_loop3A_895 : i32 to index
          %parallel_loop3A_925 = arith.constant 64 : index
          %parallel_loop3A_926 = tpu.vector_load %arg10[%parallel_loop3A_924, %parallel_loop3A_925] {strides = array<i32>} : memref<128x128xf32, #tpu.memory_space<vmem>>, vector<16xf32>,
          %parallel_loop3A_927 = arith.mulf %parallel_loop3A_926, %parallel_loop3A_891 : vector<16xf32>
          %parallel_loop3A_928 = arith.index_cast %parallel_loop3A_895 : i32 to index
          %parallel_loop3A_929 = arith.constant 64 : index
          %parallel_loop3A_930 = tpu.vector_load %arg10[%parallel_loop3A_928, %parallel_loop3A_929] {strides = array<i32>} : memref<128x128xf32, #tpu.memory_space<vmem>>, vector<16xf32>,
          tpu.vector_store %arg10[%parallel_loop3A_928, %parallel_loop3A_929], %parallel_loop3A_927 {strides = array<i32>} : memref<128x128xf32, #tpu.memory_space<vmem>>, vector<16xf32>,
          %parallel_loop3A_931 = arith.index_cast %parallel_loop3A_895 : i32 to index
          %parallel_loop3A_932 = arith.constant 80 : index
          %parallel_loop3A_933 = tpu.vector_load %arg10[%parallel_loop3A_931, %parallel_loop3A_932] {strides = array<i32>} : memref<128x128xf32, #tpu.memory_space<vmem>>, vector<16xf32>,
          %parallel_loop3A_934 = arith.mulf %parallel_loop3A_933, %parallel_loop3A_891 : vector<16xf32>
          %parallel_loop3A_935 = arith.index_cast %parallel_loop3A_895 : i32 to index
          %parallel_loop3A_936 = arith.constant 80 : index
          %parallel_loop3A_937 = tpu.vector_load %arg10[%parallel_loop3A_935, %parallel_loop3A_936] {strides = array<i32>} : memref<128x128xf32, #tpu.memory_space<vmem>>, vector<16xf32>,
          tpu.vector_store %arg10[%parallel_loop3A_935, %parallel_loop3A_936], %parallel_loop3A_934 {strides = array<i32>} : memref<128x128xf32, #tpu.memory_space<vmem>>, vector<16xf32>,
          %parallel_loop3A_938 = arith.index_cast %parallel_loop3A_895 : i32 to index
          %parallel_loop3A_939 = arith.constant 96 : index
          %parallel_loop3A_940 = tpu.vector_load %arg10[%parallel_loop3A_938, %parallel_loop3A_939] {strides = array<i32>} : memref<128x128xf32, #tpu.memory_space<vmem>>, vector<16xf32>,
          %parallel_loop3A_941 = arith.mulf %parallel_loop3A_940, %parallel_loop3A_891 : vector<16xf32>
          %parallel_loop3A_942 = arith.index_cast %parallel_loop3A_895 : i32 to index
          %parallel_loop3A_943 = arith.constant 96 : index
          %parallel_loop3A_944 = tpu.vector_load %arg10[%parallel_loop3A_942, %parallel_loop3A_943] {strides = array<i32>} : memref<128x128xf32, #tpu.memory_space<vmem>>, vector<16xf32>,
          tpu.vector_store %arg10[%parallel_loop3A_942, %parallel_loop3A_943], %parallel_loop3A_941 {strides = array<i32>} : memref<128x128xf32, #tpu.memory_space<vmem>>, vector<16xf32>,
          %parallel_loop3A_945 = arith.constant 15 : i32
          %parallel_loop3A_946 = vector.broadcast %parallel_loop3A_945 : i32 to vector<16x1xi32>
          %parallel_loop3A_947 = vector.shape_cast %parallel_loop3A_946 : vector<16x1xi32> to vector<16xi32>
          %parallel_loop3A_948 = tpu.dynamic_gather %parallel_loop3A_89[%parallel_loop3A_947] in [0] : vector<16xf32>, vector<16xi32> -> vector<16xf32>
          %parallel_loop3A_949 = arith.constant 16 : i32
          %parallel_loop3A_950 = arith.muli %parallel_loop3A_84, %parallel_loop3A_949 : i32
          %parallel_loop3A_951 = arith.constant 15 : i32
          %parallel_loop3A_952 = arith.addi %parallel_loop3A_950, %parallel_loop3A_951 : i32
          %parallel_loop3A_953 = arith.index_cast %parallel_loop3A_952 : i32 to index
          %parallel_loop3A_954 = arith.constant 0 : index
          %parallel_loop3A_955 = tpu.vector_load %arg10[%parallel_loop3A_953, %parallel_loop3A_954] {strides = array<i32>} : memref<128x128xf32, #tpu.memory_space<vmem>>, vector<16xf32>,
          %parallel_loop3A_956 = arith.mulf %parallel_loop3A_955, %parallel_loop3A_948 : vector<16xf32>
          %parallel_loop3A_957 = arith.index_cast %parallel_loop3A_952 : i32 to index
          %parallel_loop3A_958 = arith.constant 0 : index
          %parallel_loop3A_959 = tpu.vector_load %arg10[%parallel_loop3A_957, %parallel_loop3A_958] {strides = array<i32>} : memref<128x128xf32, #tpu.memory_space<vmem>>, vector<16xf32>,
          tpu.vector_store %arg10[%parallel_loop3A_957, %parallel_loop3A_958], %parallel_loop3A_956 {strides = array<i32>} : memref<128x128xf32, #tpu.memory_space<vmem>>, vector<16xf32>,
          %parallel_loop3A_960 = arith.index_cast %parallel_loop3A_952 : i32 to index
          %parallel_loop3A_961 = arith.constant 16 : index
          %parallel_loop3A_962 = tpu.vector_load %arg10[%parallel_loop3A_960, %parallel_loop3A_961] {strides = array<i32>} : memref<128x128xf32, #tpu.memory_space<vmem>>, vector<16xf32>,
          %parallel_loop3A_963 = arith.mulf %parallel_loop3A_962, %parallel_loop3A_948 : vector<16xf32>
          %parallel_loop3A_964 = arith.index_cast %parallel_loop3A_952 : i32 to index
          %parallel_loop3A_965 = arith.constant 16 : index
          %parallel_loop3A_966 = tpu.vector_load %arg10[%parallel_loop3A_964, %parallel_loop3A_965] {strides = array<i32>} : memref<128x128xf32, #tpu.memory_space<vmem>>, vector<16xf32>,
          tpu.vector_store %arg10[%parallel_loop3A_964, %parallel_loop3A_965], %parallel_loop3A_963 {strides = array<i32>} : memref<128x128xf32, #tpu.memory_space<vmem>>, vector<16xf32>,
          %parallel_loop3A_967 = arith.index_cast %parallel_loop3A_952 : i32 to index
          %parallel_loop3A_968 = arith.constant 32 : index
          %parallel_loop3A_969 = tpu.vector_load %arg10[%parallel_loop3A_967, %parallel_loop3A_968] {strides = array<i32>} : memref<128x128xf32, #tpu.memory_space<vmem>>, vector<16xf32>,
          %parallel_loop3A_970 = arith.mulf %parallel_loop3A_969, %parallel_loop3A_948 : vector<16xf32>
          %parallel_loop3A_971 = arith.index_cast %parallel_loop3A_952 : i32 to index
          %parallel_loop3A_972 = arith.constant 32 : index
          %parallel_loop3A_973 = tpu.vector_load %arg10[%parallel_loop3A_971, %parallel_loop3A_972] {strides = array<i32>} : memref<128x128xf32, #tpu.memory_space<vmem>>, vector<16xf32>,
          tpu.vector_store %arg10[%parallel_loop3A_971, %parallel_loop3A_972], %parallel_loop3A_970 {strides = array<i32>} : memref<128x128xf32, #tpu.memory_space<vmem>>, vector<16xf32>,
          %parallel_loop3A_974 = arith.index_cast %parallel_loop3A_952 : i32 to index
          %parallel_loop3A_975 = arith.constant 48 : index
          %parallel_loop3A_976 = tpu.vector_load %arg10[%parallel_loop3A_974, %parallel_loop3A_975] {strides = array<i32>} : memref<128x128xf32, #tpu.memory_space<vmem>>, vector<16xf32>,
          %parallel_loop3A_977 = arith.mulf %parallel_loop3A_976, %parallel_loop3A_948 : vector<16xf32>
          %parallel_loop3A_978 = arith.index_cast %parallel_loop3A_952 : i32 to index
          %parallel_loop3A_979 = arith.constant 48 : index
          %parallel_loop3A_980 = tpu.vector_load %arg10[%parallel_loop3A_978, %parallel_loop3A_979] {strides = array<i32>} : memref<128x128xf32, #tpu.memory_space<vmem>>, vector<16xf32>,
          tpu.vector_store %arg10[%parallel_loop3A_978, %parallel_loop3A_979], %parallel_loop3A_977 {strides = array<i32>} : memref<128x128xf32, #tpu.memory_space<vmem>>, vector<16xf32>,
          %parallel_loop3A_981 = arith.index_cast %parallel_loop3A_952 : i32 to index
          %parallel_loop3A_982 = arith.constant 64 : index
          %parallel_loop3A_983 = tpu.vector_load %arg10[%parallel_loop3A_981, %parallel_loop3A_982] {strides = array<i32>} : memref<128x128xf32, #tpu.memory_space<vmem>>, vector<16xf32>,
          %parallel_loop3A_984 = arith.mulf %parallel_loop3A_983, %parallel_loop3A_948 : vector<16xf32>
          %parallel_loop3A_985 = arith.index_cast %parallel_loop3A_952 : i32 to index
          %parallel_loop3A_986 = arith.constant 64 : index
          %parallel_loop3A_987 = tpu.vector_load %arg10[%parallel_loop3A_985, %parallel_loop3A_986] {strides = array<i32>} : memref<128x128xf32, #tpu.memory_space<vmem>>, vector<16xf32>,
          tpu.vector_store %arg10[%parallel_loop3A_985, %parallel_loop3A_986], %parallel_loop3A_984 {strides = array<i32>} : memref<128x128xf32, #tpu.memory_space<vmem>>, vector<16xf32>,
          %parallel_loop3A_988 = arith.index_cast %parallel_loop3A_952 : i32 to index
          %parallel_loop3A_989 = arith.constant 80 : index
          %parallel_loop3A_990 = tpu.vector_load %arg10[%parallel_loop3A_988, %parallel_loop3A_989] {strides = array<i32>} : memref<128x128xf32, #tpu.memory_space<vmem>>, vector<16xf32>,
          %parallel_loop3A_991 = arith.mulf %parallel_loop3A_990, %parallel_loop3A_948 : vector<16xf32>
          %parallel_loop3A_992 = arith.index_cast %parallel_loop3A_952 : i32 to index
          %parallel_loop3A_993 = arith.constant 80 : index
          %parallel_loop3A_994 = tpu.vector_load %arg10[%parallel_loop3A_992, %parallel_loop3A_993] {strides = array<i32>} : memref<128x128xf32, #tpu.memory_space<vmem>>, vector<16xf32>,
          tpu.vector_store %arg10[%parallel_loop3A_992, %parallel_loop3A_993], %parallel_loop3A_991 {strides = array<i32>} : memref<128x128xf32, #tpu.memory_space<vmem>>, vector<16xf32>,
          %parallel_loop3A_995 = arith.index_cast %parallel_loop3A_952 : i32 to index
          %parallel_loop3A_996 = arith.constant 96 : index
          %parallel_loop3A_997 = tpu.vector_load %arg10[%parallel_loop3A_995, %parallel_loop3A_996] {strides = array<i32>} : memref<128x128xf32, #tpu.memory_space<vmem>>, vector<16xf32>,
          %parallel_loop3A_998 = arith.mulf %parallel_loop3A_997, %parallel_loop3A_948 : vector<16xf32>
          %parallel_loop3A_999 = arith.index_cast %parallel_loop3A_952 : i32 to index
          %parallel_loop3A_1000 = arith.constant 96 : index
          %parallel_loop3A_1001 = tpu.vector_load %arg10[%parallel_loop3A_999, %parallel_loop3A_1000] {strides = array<i32>} : memref<128x128xf32, #tpu.memory_space<vmem>>, vector<16xf32>,
          tpu.vector_store %arg10[%parallel_loop3A_999, %parallel_loop3A_1000], %parallel_loop3A_998 {strides = array<i32>} : memref<128x128xf32, #tpu.memory_space<vmem>>, vector<16xf32>,
        } {sc.loop_unroll_factor = 2 : i64, sc.parallel_access}
        "tpu.region"() ({
          %run_scoped3A = tpu.sem_alloc : memref<!tpu.dma_semaphore, #tpu.memory_space<semaphore_mem>>
          %dma_start3A_84 = arith.constant 0 : i32
          %dma_start3A_85 = tpu.memref_slice %arg8[%mul3A_57, %dma_start3A_84] : memref<32x128xi32, #tpu.memory_space<vmem>> -> memref<1x128xi32, #tpu.memory_space<vmem>>
          %dma_start3A_86 = tpu.memref_squeeze %dma_start3A_85 : memref<1x128xi32, #tpu.memory_space<vmem>> -> memref<128xi32, #tpu.memory_space<vmem>>
          %dma_start3A_87 = arith.constant 0 : i32
          %dma_start3A_88 = arith.constant 0 : i32
          %dma_start3A_89 = tpu.memref_slice %arg13[%dma_start3A_87, %dma_start3A_88] : memref<10240x128xf32, #tpu.memory_space<vmem_shared>> -> memref<10240x128xf32, #tpu.memory_space<vmem_shared>>
          tpu.enqueue_indirect_dma source(%arg10 : memref<128x128xf32, #tpu.memory_space<vmem>>) target(%dma_start3A_89 : memref<10240x128xf32, #tpu.memory_space<vmem_shared>>) offsets(%dma_start3A_86 : memref<128xi32, #tpu.memory_space<vmem>>) semaphore(%run_scoped3A : memref<!tpu.dma_semaphore, #tpu.memory_space<semaphore_mem>>) {add = true}
          %dma_wait3A_90 = arith.constant 0 : i32
          %dma_wait3A_91 = tpu.memref_slice %arg8[%mul3A_57, %dma_wait3A_90] : memref<32x128xi32, #tpu.memory_space<vmem>> -> memref<1x128xi32, #tpu.memory_space<vmem>>
          %dma_wait3A_92 = tpu.memref_squeeze %dma_wait3A_91 : memref<1x128xi32, #tpu.memory_space<vmem>> -> memref<128xi32, #tpu.memory_space<vmem>>
          %dma_wait3A_93 = arith.constant 0 : i32
          %dma_wait3A_94 = arith.constant 0 : i32
          %dma_wait3A_95 = tpu.memref_slice %arg13[%dma_wait3A_93, %dma_wait3A_94] : memref<10240x128xf32, #tpu.memory_space<vmem_shared>> -> memref<10240x128xf32, #tpu.memory_space<vmem_shared>>
          tpu.wait_indirect_dma semaphore(%run_scoped3A : memref<!tpu.dma_semaphore, #tpu.memory_space<semaphore_mem>>) src(%arg10 : memref<128x128xf32, #tpu.memory_space<vmem>>) dst(%dma_wait3A_95 : memref<10240x128xf32, #tpu.memory_space<vmem_shared>>)
          tpu.yield
        }) : () -> ()
        %lt3A = arith.constant 15 : i32
        %lt3A_73 = arith.cmpi slt, %scan3A_55, %lt3A : i32
        %convert_element_type3A = arith.extui %lt3A_73 : i1 to i32
        %cond3A = arith.constant 0 : i32
        %cond3A_74 = arith.cmpi ne, %convert_element_type3A, %cond3A : i32
        scf.if %cond3A_74 {
          %add3A_84 = arith.constant 2 : i32
          %add3A_85 = arith.addi %mul3A_57, %add3A_84 : i32
          %dma_start3A_86 = arith.constant 0 : i32
          %dma_start3A_87 = tpu.memref_slice %arg7[%add3A_85, %dma_start3A_86] : memref<32x128xi32, #tpu.memory_space<vmem>> -> memref<1x128xi32, #tpu.memory_space<vmem>>
          %dma_start3A_88 = tpu.memref_squeeze %dma_start3A_87 : memref<1x128xi32, #tpu.memory_space<vmem>> -> memref<128xi32, #tpu.memory_space<vmem>>
          %dma_start3A_89 = arith.constant 0 : i32
          %dma_start3A_90 = arith.constant 0 : i32
          %dma_start3A_91 = tpu.memref_slice %arg2[%dma_start3A_89, %dma_start3A_90] : memref<100000x128xf32, #tpu.memory_space<hbm>> -> memref<100000x128xf32, #tpu.memory_space<hbm>>
          tpu.enqueue_indirect_dma source(%dma_start3A_91 : memref<100000x128xf32, #tpu.memory_space<hbm>>) target(%arg10 : memref<128x128xf32, #tpu.memory_space<vmem>>) offsets(%dma_start3A_88 : memref<128xi32, #tpu.memory_space<vmem>>) semaphore(%arg14 : memref<!tpu.dma_semaphore, #tpu.memory_space<semaphore_mem>>)
        } else {
        }
        %dma_wait3A_75 = arith.constant 0 : i32
        %dma_wait3A_76 = tpu.memref_slice %arg7[%add3A_59, %dma_wait3A_75] : memref<32x128xi32, #tpu.memory_space<vmem>> -> memref<1x128xi32, #tpu.memory_space<vmem>>
        %dma_wait3A_77 = tpu.memref_squeeze %dma_wait3A_76 : memref<1x128xi32, #tpu.memory_space<vmem>> -> memref<128xi32, #tpu.memory_space<vmem>>
        %dma_wait3A_78 = arith.constant 0 : i32
        %dma_wait3A_79 = arith.constant 0 : i32
        %dma_wait3A_80 = tpu.memref_slice %arg2[%dma_wait3A_78, %dma_wait3A_79] : memref<100000x128xf32, #tpu.memory_space<hbm>> -> memref<100000x128xf32, #tpu.memory_space<hbm>>
        tpu.wait_indirect_dma semaphore(%arg15 : memref<!tpu.dma_semaphore, #tpu.memory_space<semaphore_mem>>) src(%dma_wait3A_80 : memref<100000x128xf32, #tpu.memory_space<hbm>>) dst(%arg11 : memref<128x128xf32, #tpu.memory_space<vmem>>)
        %parallel_loop3A_81 = arith.constant 0 : i32
        %parallel_loop3A_82 = arith.constant 8 : i32
        %parallel_loop3A_83 = arith.constant 1 : i32
        scf.for %parallel_loop3A_84 = %parallel_loop3A_81 to %parallel_loop3A_82 step %parallel_loop3A_83  : i32 {
          %parallel_loop3A_85 = arith.constant 16 : i32
          %parallel_loop3A_86 = arith.muli %parallel_loop3A_84, %parallel_loop3A_85 : i32
          %parallel_loop3A_87 = arith.index_cast %add3A_59 : i32 to index
          %parallel_loop3A_88 = arith.index_cast %parallel_loop3A_86 : i32 to index
          %parallel_loop3A_89 = tpu.vector_load %arg9[%parallel_loop3A_87, %parallel_loop3A_88] {strides = array<i32>} : memref<32x128xf32, #tpu.memory_space<vmem>>, vector<16xf32>,
          %parallel_loop3A_90 = arith.constant 0 : i32
          %parallel_loop3A_91 = vector.broadcast %parallel_loop3A_90 : i32 to vector<16x1xi32>
          %parallel_loop3A_92 = vector.shape_cast %parallel_loop3A_91 : vector<16x1xi32> to vector<16xi32>
          %parallel_loop3A_93 = tpu.dynamic_gather %parallel_loop3A_89[%parallel_loop3A_92] in [0] : vector<16xf32>, vector<16xi32> -> vector<16xf32>
          %parallel_loop3A_94 = arith.constant 16 : i32
          %parallel_loop3A_95 = arith.muli %parallel_loop3A_84, %parallel_loop3A_94 : i32
          %parallel_loop3A_96 = arith.constant 0 : i32
          %parallel_loop3A_97 = arith.addi %parallel_loop3A_95, %parallel_loop3A_96 : i32
          %parallel_loop3A_98 = arith.index_cast %parallel_loop3A_97 : i32 to index
          %parallel_loop3A_99 = arith.constant 0 : index
          %parallel_loop3A_100 = tpu.vector_load %arg11[%parallel_loop3A_98, %parallel_loop3A_99] {strides = array<i32>} : memref<128x128xf32, #tpu.memory_space<vmem>>, vector<16xf32>,
          %parallel_loop3A_101 = arith.mulf %parallel_loop3A_100, %parallel_loop3A_93 : vector<16xf32>
          %parallel_loop3A_102 = arith.index_cast %parallel_loop3A_97 : i32 to index
          %parallel_loop3A_103 = arith.constant 0 : index
          %parallel_loop3A_104 = tpu.vector_load %arg11[%parallel_loop3A_102, %parallel_loop3A_103] {strides = array<i32>} : memref<128x128xf32, #tpu.memory_space<vmem>>, vector<16xf32>,
          tpu.vector_store %arg11[%parallel_loop3A_102, %parallel_loop3A_103], %parallel_loop3A_101 {strides = array<i32>} : memref<128x128xf32, #tpu.memory_space<vmem>>, vector<16xf32>,
          %parallel_loop3A_105 = arith.index_cast %parallel_loop3A_97 : i32 to index
          %parallel_loop3A_106 = arith.constant 16 : index
          %parallel_loop3A_107 = tpu.vector_load %arg11[%parallel_loop3A_105, %parallel_loop3A_106] {strides = array<i32>} : memref<128x128xf32, #tpu.memory_space<vmem>>, vector<16xf32>,
          %parallel_loop3A_108 = arith.mulf %parallel_loop3A_107, %parallel_loop3A_93 : vector<16xf32>
          %parallel_loop3A_109 = arith.index_cast %parallel_loop3A_97 : i32 to index
          %parallel_loop3A_110 = arith.constant 16 : index
          %parallel_loop3A_111 = tpu.vector_load %arg11[%parallel_loop3A_109, %parallel_loop3A_110] {strides = array<i32>} : memref<128x128xf32, #tpu.memory_space<vmem>>, vector<16xf32>,
          tpu.vector_store %arg11[%parallel_loop3A_109, %parallel_loop3A_110], %parallel_loop3A_108 {strides = array<i32>} : memref<128x128xf32, #tpu.memory_space<vmem>>, vector<16xf32>,
          %parallel_loop3A_112 = arith.index_cast %parallel_loop3A_97 : i32 to index
          %parallel_loop3A_113 = arith.constant 32 : index
          %parallel_loop3A_114 = tpu.vector_load %arg11[%parallel_loop3A_112, %parallel_loop3A_113] {strides = array<i32>} : memref<128x128xf32, #tpu.memory_space<vmem>>, vector<16xf32>,
          %parallel_loop3A_115 = arith.mulf %parallel_loop3A_114, %parallel_loop3A_93 : vector<16xf32>
          %parallel_loop3A_116 = arith.index_cast %parallel_loop3A_97 : i32 to index
          %parallel_loop3A_117 = arith.constant 32 : index
          %parallel_loop3A_118 = tpu.vector_load %arg11[%parallel_loop3A_116, %parallel_loop3A_117] {strides = array<i32>} : memref<128x128xf32, #tpu.memory_space<vmem>>, vector<16xf32>,
          tpu.vector_store %arg11[%parallel_loop3A_116, %parallel_loop3A_117], %parallel_loop3A_115 {strides = array<i32>} : memref<128x128xf32, #tpu.memory_space<vmem>>, vector<16xf32>,
          %parallel_loop3A_119 = arith.index_cast %parallel_loop3A_97 : i32 to index
          %parallel_loop3A_120 = arith.constant 48 : index
          %parallel_loop3A_121 = tpu.vector_load %arg11[%parallel_loop3A_119, %parallel_loop3A_120] {strides = array<i32>} : memref<128x128xf32, #tpu.memory_space<vmem>>, vector<16xf32>,
          %parallel_loop3A_122 = arith.mulf %parallel_loop3A_121, %parallel_loop3A_93 : vector<16xf32>
          %parallel_loop3A_123 = arith.index_cast %parallel_loop3A_97 : i32 to index
          %parallel_loop3A_124 = arith.constant 48 : index
          %parallel_loop3A_125 = tpu.vector_load %arg11[%parallel_loop3A_123, %parallel_loop3A_124] {strides = array<i32>} : memref<128x128xf32, #tpu.memory_space<vmem>>, vector<16xf32>,
          tpu.vector_store %arg11[%parallel_loop3A_123, %parallel_loop3A_124], %parallel_loop3A_122 {strides = array<i32>} : memref<128x128xf32, #tpu.memory_space<vmem>>, vector<16xf32>,
          %parallel_loop3A_126 = arith.index_cast %parallel_loop3A_97 : i32 to index
          %parallel_loop3A_127 = arith.constant 64 : index
          %parallel_loop3A_128 = tpu.vector_load %arg11[%parallel_loop3A_126, %parallel_loop3A_127] {strides = array<i32>} : memref<128x128xf32, #tpu.memory_space<vmem>>, vector<16xf32>,
          %parallel_loop3A_129 = arith.mulf %parallel_loop3A_128, %parallel_loop3A_93 : vector<16xf32>
          %parallel_loop3A_130 = arith.index_cast %parallel_loop3A_97 : i32 to index
          %parallel_loop3A_131 = arith.constant 64 : index
          %parallel_loop3A_132 = tpu.vector_load %arg11[%parallel_loop3A_130, %parallel_loop3A_131] {strides = array<i32>} : memref<128x128xf32, #tpu.memory_space<vmem>>, vector<16xf32>,
          tpu.vector_store %arg11[%parallel_loop3A_130, %parallel_loop3A_131], %parallel_loop3A_129 {strides = array<i32>} : memref<128x128xf32, #tpu.memory_space<vmem>>, vector<16xf32>,
          %parallel_loop3A_133 = arith.index_cast %parallel_loop3A_97 : i32 to index
          %parallel_loop3A_134 = arith.constant 80 : index
          %parallel_loop3A_135 = tpu.vector_load %arg11[%parallel_loop3A_133, %parallel_loop3A_134] {strides = array<i32>} : memref<128x128xf32, #tpu.memory_space<vmem>>, vector<16xf32>,
          %parallel_loop3A_136 = arith.mulf %parallel_loop3A_135, %parallel_loop3A_93 : vector<16xf32>
          %parallel_loop3A_137 = arith.index_cast %parallel_loop3A_97 : i32 to index
          %parallel_loop3A_138 = arith.constant 80 : index
          %parallel_loop3A_139 = tpu.vector_load %arg11[%parallel_loop3A_137, %parallel_loop3A_138] {strides = array<i32>} : memref<128x128xf32, #tpu.memory_space<vmem>>, vector<16xf32>,
          tpu.vector_store %arg11[%parallel_loop3A_137, %parallel_loop3A_138], %parallel_loop3A_136 {strides = array<i32>} : memref<128x128xf32, #tpu.memory_space<vmem>>, vector<16xf32>,
          %parallel_loop3A_140 = arith.index_cast %parallel_loop3A_97 : i32 to index
          %parallel_loop3A_141 = arith.constant 96 : index
          %parallel_loop3A_142 = tpu.vector_load %arg11[%parallel_loop3A_140, %parallel_loop3A_141] {strides = array<i32>} : memref<128x128xf32, #tpu.memory_space<vmem>>, vector<16xf32>,
          %parallel_loop3A_143 = arith.mulf %parallel_loop3A_142, %parallel_loop3A_93 : vector<16xf32>
          %parallel_loop3A_144 = arith.index_cast %parallel_loop3A_97 : i32 to index
          %parallel_loop3A_145 = arith.constant 96 : index
          %parallel_loop3A_146 = tpu.vector_load %arg11[%parallel_loop3A_144, %parallel_loop3A_145] {strides = array<i32>} : memref<128x128xf32, #tpu.memory_space<vmem>>, vector<16xf32>,
          tpu.vector_store %arg11[%parallel_loop3A_144, %parallel_loop3A_145], %parallel_loop3A_143 {strides = array<i32>} : memref<128x128xf32, #tpu.memory_space<vmem>>, vector<16xf32>,
          %parallel_loop3A_147 = arith.constant 1 : i32
          %parallel_loop3A_148 = vector.broadcast %parallel_loop3A_147 : i32 to vector<16x1xi32>
          %parallel_loop3A_149 = vector.shape_cast %parallel_loop3A_148 : vector<16x1xi32> to vector<16xi32>
          %parallel_loop3A_150 = tpu.dynamic_gather %parallel_loop3A_89[%parallel_loop3A_149] in [0] : vector<16xf32>, vector<16xi32> -> vector<16xf32>
          %parallel_loop3A_151 = arith.constant 16 : i32
          %parallel_loop3A_152 = arith.muli %parallel_loop3A_84, %parallel_loop3A_151 : i32
          %parallel_loop3A_153 = arith.constant 1 : i32
          %parallel_loop3A_154 = arith.addi %parallel_loop3A_152, %parallel_loop3A_153 : i32
          %parallel_loop3A_155 = arith.index_cast %parallel_loop3A_154 : i32 to index
          %parallel_loop3A_156 = arith.constant 0 : index
          %parallel_loop3A_157 = tpu.vector_load %arg11[%parallel_loop3A_155, %parallel_loop3A_156] {strides = array<i32>} : memref<128x128xf32, #tpu.memory_space<vmem>>, vector<16xf32>,
          %parallel_loop3A_158 = arith.mulf %parallel_loop3A_157, %parallel_loop3A_150 : vector<16xf32>
          %parallel_loop3A_159 = arith.index_cast %parallel_loop3A_154 : i32 to index
          %parallel_loop3A_160 = arith.constant 0 : index
          %parallel_loop3A_161 = tpu.vector_load %arg11[%parallel_loop3A_159, %parallel_loop3A_160] {strides = array<i32>} : memref<128x128xf32, #tpu.memory_space<vmem>>, vector<16xf32>,
          tpu.vector_store %arg11[%parallel_loop3A_159, %parallel_loop3A_160], %parallel_loop3A_158 {strides = array<i32>} : memref<128x128xf32, #tpu.memory_space<vmem>>, vector<16xf32>,
          %parallel_loop3A_162 = arith.index_cast %parallel_loop3A_154 : i32 to index
          %parallel_loop3A_163 = arith.constant 16 : index
          %parallel_loop3A_164 = tpu.vector_load %arg11[%parallel_loop3A_162, %parallel_loop3A_163] {strides = array<i32>} : memref<128x128xf32, #tpu.memory_space<vmem>>, vector<16xf32>,
          %parallel_loop3A_165 = arith.mulf %parallel_loop3A_164, %parallel_loop3A_150 : vector<16xf32>
          %parallel_loop3A_166 = arith.index_cast %parallel_loop3A_154 : i32 to index
          %parallel_loop3A_167 = arith.constant 16 : index
          %parallel_loop3A_168 = tpu.vector_load %arg11[%parallel_loop3A_166, %parallel_loop3A_167] {strides = array<i32>} : memref<128x128xf32, #tpu.memory_space<vmem>>, vector<16xf32>,
          tpu.vector_store %arg11[%parallel_loop3A_166, %parallel_loop3A_167], %parallel_loop3A_165 {strides = array<i32>} : memref<128x128xf32, #tpu.memory_space<vmem>>, vector<16xf32>,
          %parallel_loop3A_169 = arith.index_cast %parallel_loop3A_154 : i32 to index
          %parallel_loop3A_170 = arith.constant 32 : index
          %parallel_loop3A_171 = tpu.vector_load %arg11[%parallel_loop3A_169, %parallel_loop3A_170] {strides = array<i32>} : memref<128x128xf32, #tpu.memory_space<vmem>>, vector<16xf32>,
          %parallel_loop3A_172 = arith.mulf %parallel_loop3A_171, %parallel_loop3A_150 : vector<16xf32>
          %parallel_loop3A_173 = arith.index_cast %parallel_loop3A_154 : i32 to index
          %parallel_loop3A_174 = arith.constant 32 : index
          %parallel_loop3A_175 = tpu.vector_load %arg11[%parallel_loop3A_173, %parallel_loop3A_174] {strides = array<i32>} : memref<128x128xf32, #tpu.memory_space<vmem>>, vector<16xf32>,
          tpu.vector_store %arg11[%parallel_loop3A_173, %parallel_loop3A_174], %parallel_loop3A_172 {strides = array<i32>} : memref<128x128xf32, #tpu.memory_space<vmem>>, vector<16xf32>,
          %parallel_loop3A_176 = arith.index_cast %parallel_loop3A_154 : i32 to index
          %parallel_loop3A_177 = arith.constant 48 : index
          %parallel_loop3A_178 = tpu.vector_load %arg11[%parallel_loop3A_176, %parallel_loop3A_177] {strides = array<i32>} : memref<128x128xf32, #tpu.memory_space<vmem>>, vector<16xf32>,
          %parallel_loop3A_179 = arith.mulf %parallel_loop3A_178, %parallel_loop3A_150 : vector<16xf32>
          %parallel_loop3A_180 = arith.index_cast %parallel_loop3A_154 : i32 to index
          %parallel_loop3A_181 = arith.constant 48 : index
          %parallel_loop3A_182 = tpu.vector_load %arg11[%parallel_loop3A_180, %parallel_loop3A_181] {strides = array<i32>} : memref<128x128xf32, #tpu.memory_space<vmem>>, vector<16xf32>,
          tpu.vector_store %arg11[%parallel_loop3A_180, %parallel_loop3A_181], %parallel_loop3A_179 {strides = array<i32>} : memref<128x128xf32, #tpu.memory_space<vmem>>, vector<16xf32>,
          %parallel_loop3A_183 = arith.index_cast %parallel_loop3A_154 : i32 to index
          %parallel_loop3A_184 = arith.constant 64 : index
          %parallel_loop3A_185 = tpu.vector_load %arg11[%parallel_loop3A_183, %parallel_loop3A_184] {strides = array<i32>} : memref<128x128xf32, #tpu.memory_space<vmem>>, vector<16xf32>,
          %parallel_loop3A_186 = arith.mulf %parallel_loop3A_185, %parallel_loop3A_150 : vector<16xf32>
          %parallel_loop3A_187 = arith.index_cast %parallel_loop3A_154 : i32 to index
          %parallel_loop3A_188 = arith.constant 64 : index
          %parallel_loop3A_189 = tpu.vector_load %arg11[%parallel_loop3A_187, %parallel_loop3A_188] {strides = array<i32>} : memref<128x128xf32, #tpu.memory_space<vmem>>, vector<16xf32>,
          tpu.vector_store %arg11[%parallel_loop3A_187, %parallel_loop3A_188], %parallel_loop3A_186 {strides = array<i32>} : memref<128x128xf32, #tpu.memory_space<vmem>>, vector<16xf32>,
          %parallel_loop3A_190 = arith.index_cast %parallel_loop3A_154 : i32 to index
          %parallel_loop3A_191 = arith.constant 80 : index
          %parallel_loop3A_192 = tpu.vector_load %arg11[%parallel_loop3A_190, %parallel_loop3A_191] {strides = array<i32>} : memref<128x128xf32, #tpu.memory_space<vmem>>, vector<16xf32>,
          %parallel_loop3A_193 = arith.mulf %parallel_loop3A_192, %parallel_loop3A_150 : vector<16xf32>
          %parallel_loop3A_194 = arith.index_cast %parallel_loop3A_154 : i32 to index
          %parallel_loop3A_195 = arith.constant 80 : index
          %parallel_loop3A_196 = tpu.vector_load %arg11[%parallel_loop3A_194, %parallel_loop3A_195] {strides = array<i32>} : memref<128x128xf32, #tpu.memory_space<vmem>>, vector<16xf32>,
          tpu.vector_store %arg11[%parallel_loop3A_194, %parallel_loop3A_195], %parallel_loop3A_193 {strides = array<i32>} : memref<128x128xf32, #tpu.memory_space<vmem>>, vector<16xf32>,
          %parallel_loop3A_197 = arith.index_cast %parallel_loop3A_154 : i32 to index
          %parallel_loop3A_198 = arith.constant 96 : index
          %parallel_loop3A_199 = tpu.vector_load %arg11[%parallel_loop3A_197, %parallel_loop3A_198] {strides = array<i32>} : memref<128x128xf32, #tpu.memory_space<vmem>>, vector<16xf32>,
          %parallel_loop3A_200 = arith.mulf %parallel_loop3A_199, %parallel_loop3A_150 : vector<16xf32>
          %parallel_loop3A_201 = arith.index_cast %parallel_loop3A_154 : i32 to index
          %parallel_loop3A_202 = arith.constant 96 : index
          %parallel_loop3A_203 = tpu.vector_load %arg11[%parallel_loop3A_201, %parallel_loop3A_202] {strides = array<i32>} : memref<128x128xf32, #tpu.memory_space<vmem>>, vector<16xf32>,
          tpu.vector_store %arg11[%parallel_loop3A_201, %parallel_loop3A_202], %parallel_loop3A_200 {strides = array<i32>} : memref<128x128xf32, #tpu.memory_space<vmem>>, vector<16xf32>,
          %parallel_loop3A_204 = arith.constant 2 : i32
          %parallel_loop3A_205 = vector.broadcast %parallel_loop3A_204 : i32 to vector<16x1xi32>
          %parallel_loop3A_206 = vector.shape_cast %parallel_loop3A_205 : vector<16x1xi32> to vector<16xi32>
          %parallel_loop3A_207 = tpu.dynamic_gather %parallel_loop3A_89[%parallel_loop3A_206] in [0] : vector<16xf32>, vector<16xi32> -> vector<16xf32>
          %parallel_loop3A_208 = arith.constant 16 : i32
          %parallel_loop3A_209 = arith.muli %parallel_loop3A_84, %parallel_loop3A_208 : i32
          %parallel_loop3A_210 = arith.constant 2 : i32
          %parallel_loop3A_211 = arith.addi %parallel_loop3A_209, %parallel_loop3A_210 : i32
          %parallel_loop3A_212 = arith.index_cast %parallel_loop3A_211 : i32 to index
          %parallel_loop3A_213 = arith.constant 0 : index
          %parallel_loop3A_214 = tpu.vector_load %arg11[%parallel_loop3A_212, %parallel_loop3A_213] {strides = array<i32>} : memref<128x128xf32, #tpu.memory_space<vmem>>, vector<16xf32>,
          %parallel_loop3A_215 = arith.mulf %parallel_loop3A_214, %parallel_loop3A_207 : vector<16xf32>
          %parallel_loop3A_216 = arith.index_cast %parallel_loop3A_211 : i32 to index
          %parallel_loop3A_217 = arith.constant 0 : index
          %parallel_loop3A_218 = tpu.vector_load %arg11[%parallel_loop3A_216, %parallel_loop3A_217] {strides = array<i32>} : memref<128x128xf32, #tpu.memory_space<vmem>>, vector<16xf32>,
          tpu.vector_store %arg11[%parallel_loop3A_216, %parallel_loop3A_217], %parallel_loop3A_215 {strides = array<i32>} : memref<128x128xf32, #tpu.memory_space<vmem>>, vector<16xf32>,
          %parallel_loop3A_219 = arith.index_cast %parallel_loop3A_211 : i32 to index
          %parallel_loop3A_220 = arith.constant 16 : index
          %parallel_loop3A_221 = tpu.vector_load %arg11[%parallel_loop3A_219, %parallel_loop3A_220] {strides = array<i32>} : memref<128x128xf32, #tpu.memory_space<vmem>>, vector<16xf32>,
          %parallel_loop3A_222 = arith.mulf %parallel_loop3A_221, %parallel_loop3A_207 : vector<16xf32>
          %parallel_loop3A_223 = arith.index_cast %parallel_loop3A_211 : i32 to index
          %parallel_loop3A_224 = arith.constant 16 : index
          %parallel_loop3A_225 = tpu.vector_load %arg11[%parallel_loop3A_223, %parallel_loop3A_224] {strides = array<i32>} : memref<128x128xf32, #tpu.memory_space<vmem>>, vector<16xf32>,
          tpu.vector_store %arg11[%parallel_loop3A_223, %parallel_loop3A_224], %parallel_loop3A_222 {strides = array<i32>} : memref<128x128xf32, #tpu.memory_space<vmem>>, vector<16xf32>,
          %parallel_loop3A_226 = arith.index_cast %parallel_loop3A_211 : i32 to index
          %parallel_loop3A_227 = arith.constant 32 : index
          %parallel_loop3A_228 = tpu.vector_load %arg11[%parallel_loop3A_226, %parallel_loop3A_227] {strides = array<i32>} : memref<128x128xf32, #tpu.memory_space<vmem>>, vector<16xf32>,
          %parallel_loop3A_229 = arith.mulf %parallel_loop3A_228, %parallel_loop3A_207 : vector<16xf32>
          %parallel_loop3A_230 = arith.index_cast %parallel_loop3A_211 : i32 to index
          %parallel_loop3A_231 = arith.constant 32 : index
          %parallel_loop3A_232 = tpu.vector_load %arg11[%parallel_loop3A_230, %parallel_loop3A_231] {strides = array<i32>} : memref<128x128xf32, #tpu.memory_space<vmem>>, vector<16xf32>,
          tpu.vector_store %arg11[%parallel_loop3A_230, %parallel_loop3A_231], %parallel_loop3A_229 {strides = array<i32>} : memref<128x128xf32, #tpu.memory_space<vmem>>, vector<16xf32>,
          %parallel_loop3A_233 = arith.index_cast %parallel_loop3A_211 : i32 to index
          %parallel_loop3A_234 = arith.constant 48 : index
          %parallel_loop3A_235 = tpu.vector_load %arg11[%parallel_loop3A_233, %parallel_loop3A_234] {strides = array<i32>} : memref<128x128xf32, #tpu.memory_space<vmem>>, vector<16xf32>,
          %parallel_loop3A_236 = arith.mulf %parallel_loop3A_235, %parallel_loop3A_207 : vector<16xf32>
          %parallel_loop3A_237 = arith.index_cast %parallel_loop3A_211 : i32 to index
          %parallel_loop3A_238 = arith.constant 48 : index
          %parallel_loop3A_239 = tpu.vector_load %arg11[%parallel_loop3A_237, %parallel_loop3A_238] {strides = array<i32>} : memref<128x128xf32, #tpu.memory_space<vmem>>, vector<16xf32>,
          tpu.vector_store %arg11[%parallel_loop3A_237, %parallel_loop3A_238], %parallel_loop3A_236 {strides = array<i32>} : memref<128x128xf32, #tpu.memory_space<vmem>>, vector<16xf32>,
          %parallel_loop3A_240 = arith.index_cast %parallel_loop3A_211 : i32 to index
          %parallel_loop3A_241 = arith.constant 64 : index
          %parallel_loop3A_242 = tpu.vector_load %arg11[%parallel_loop3A_240, %parallel_loop3A_241] {strides = array<i32>} : memref<128x128xf32, #tpu.memory_space<vmem>>, vector<16xf32>,
          %parallel_loop3A_243 = arith.mulf %parallel_loop3A_242, %parallel_loop3A_207 : vector<16xf32>
          %parallel_loop3A_244 = arith.index_cast %parallel_loop3A_211 : i32 to index
          %parallel_loop3A_245 = arith.constant 64 : index
          %parallel_loop3A_246 = tpu.vector_load %arg11[%parallel_loop3A_244, %parallel_loop3A_245] {strides = array<i32>} : memref<128x128xf32, #tpu.memory_space<vmem>>, vector<16xf32>,
          tpu.vector_store %arg11[%parallel_loop3A_244, %parallel_loop3A_245], %parallel_loop3A_243 {strides = array<i32>} : memref<128x128xf32, #tpu.memory_space<vmem>>, vector<16xf32>,
          %parallel_loop3A_247 = arith.index_cast %parallel_loop3A_211 : i32 to index
          %parallel_loop3A_248 = arith.constant 80 : index
          %parallel_loop3A_249 = tpu.vector_load %arg11[%parallel_loop3A_247, %parallel_loop3A_248] {strides = array<i32>} : memref<128x128xf32, #tpu.memory_space<vmem>>, vector<16xf32>,
          %parallel_loop3A_250 = arith.mulf %parallel_loop3A_249, %parallel_loop3A_207 : vector<16xf32>
          %parallel_loop3A_251 = arith.index_cast %parallel_loop3A_211 : i32 to index
          %parallel_loop3A_252 = arith.constant 80 : index
          %parallel_loop3A_253 = tpu.vector_load %arg11[%parallel_loop3A_251, %parallel_loop3A_252] {strides = array<i32>} : memref<128x128xf32, #tpu.memory_space<vmem>>, vector<16xf32>,
          tpu.vector_store %arg11[%parallel_loop3A_251, %parallel_loop3A_252], %parallel_loop3A_250 {strides = array<i32>} : memref<128x128xf32, #tpu.memory_space<vmem>>, vector<16xf32>,
          %parallel_loop3A_254 = arith.index_cast %parallel_loop3A_211 : i32 to index
          %parallel_loop3A_255 = arith.constant 96 : index
          %parallel_loop3A_256 = tpu.vector_load %arg11[%parallel_loop3A_254, %parallel_loop3A_255] {strides = array<i32>} : memref<128x128xf32, #tpu.memory_space<vmem>>, vector<16xf32>,
          %parallel_loop3A_257 = arith.mulf %parallel_loop3A_256, %parallel_loop3A_207 : vector<16xf32>
          %parallel_loop3A_258 = arith.index_cast %parallel_loop3A_211 : i32 to index
          %parallel_loop3A_259 = arith.constant 96 : index
          %parallel_loop3A_260 = tpu.vector_load %arg11[%parallel_loop3A_258, %parallel_loop3A_259] {strides = array<i32>} : memref<128x128xf32, #tpu.memory_space<vmem>>, vector<16xf32>,
          tpu.vector_store %arg11[%parallel_loop3A_258, %parallel_loop3A_259], %parallel_loop3A_257 {strides = array<i32>} : memref<128x128xf32, #tpu.memory_space<vmem>>, vector<16xf32>,
          %parallel_loop3A_261 = arith.constant 3 : i32
          %parallel_loop3A_262 = vector.broadcast %parallel_loop3A_261 : i32 to vector<16x1xi32>
          %parallel_loop3A_263 = vector.shape_cast %parallel_loop3A_262 : vector<16x1xi32> to vector<16xi32>
          %parallel_loop3A_264 = tpu.dynamic_gather %parallel_loop3A_89[%parallel_loop3A_263] in [0] : vector<16xf32>, vector<16xi32> -> vector<16xf32>
          %parallel_loop3A_265 = arith.constant 16 : i32
          %parallel_loop3A_266 = arith.muli %parallel_loop3A_84, %parallel_loop3A_265 : i32
          %parallel_loop3A_267 = arith.constant 3 : i32
          %parallel_loop3A_268 = arith.addi %parallel_loop3A_266, %parallel_loop3A_267 : i32
          %parallel_loop3A_269 = arith.index_cast %parallel_loop3A_268 : i32 to index
          %parallel_loop3A_270 = arith.constant 0 : index
          %parallel_loop3A_271 = tpu.vector_load %arg11[%parallel_loop3A_269, %parallel_loop3A_270] {strides = array<i32>} : memref<128x128xf32, #tpu.memory_space<vmem>>, vector<16xf32>,
          %parallel_loop3A_272 = arith.mulf %parallel_loop3A_271, %parallel_loop3A_264 : vector<16xf32>
          %parallel_loop3A_273 = arith.index_cast %parallel_loop3A_268 : i32 to index
          %parallel_loop3A_274 = arith.constant 0 : index
          %parallel_loop3A_275 = tpu.vector_load %arg11[%parallel_loop3A_273, %parallel_loop3A_274] {strides = array<i32>} : memref<128x128xf32, #tpu.memory_space<vmem>>, vector<16xf32>,
          tpu.vector_store %arg11[%parallel_loop3A_273, %parallel_loop3A_274], %parallel_loop3A_272 {strides = array<i32>} : memref<128x128xf32, #tpu.memory_space<vmem>>, vector<16xf32>,
          %parallel_loop3A_276 = arith.index_cast %parallel_loop3A_268 : i32 to index
          %parallel_loop3A_277 = arith.constant 16 : index
          %parallel_loop3A_278 = tpu.vector_load %arg11[%parallel_loop3A_276, %parallel_loop3A_277] {strides = array<i32>} : memref<128x128xf32, #tpu.memory_space<vmem>>, vector<16xf32>,
          %parallel_loop3A_279 = arith.mulf %parallel_loop3A_278, %parallel_loop3A_264 : vector<16xf32>
          %parallel_loop3A_280 = arith.index_cast %parallel_loop3A_268 : i32 to index
          %parallel_loop3A_281 = arith.constant 16 : index
          %parallel_loop3A_282 = tpu.vector_load %arg11[%parallel_loop3A_280, %parallel_loop3A_281] {strides = array<i32>} : memref<128x128xf32, #tpu.memory_space<vmem>>, vector<16xf32>,
          tpu.vector_store %arg11[%parallel_loop3A_280, %parallel_loop3A_281], %parallel_loop3A_279 {strides = array<i32>} : memref<128x128xf32, #tpu.memory_space<vmem>>, vector<16xf32>,
          %parallel_loop3A_283 = arith.index_cast %parallel_loop3A_268 : i32 to index
          %parallel_loop3A_284 = arith.constant 32 : index
          %parallel_loop3A_285 = tpu.vector_load %arg11[%parallel_loop3A_283, %parallel_loop3A_284] {strides = array<i32>} : memref<128x128xf32, #tpu.memory_space<vmem>>, vector<16xf32>,
          %parallel_loop3A_286 = arith.mulf %parallel_loop3A_285, %parallel_loop3A_264 : vector<16xf32>
          %parallel_loop3A_287 = arith.index_cast %parallel_loop3A_268 : i32 to index
          %parallel_loop3A_288 = arith.constant 32 : index
          %parallel_loop3A_289 = tpu.vector_load %arg11[%parallel_loop3A_287, %parallel_loop3A_288] {strides = array<i32>} : memref<128x128xf32, #tpu.memory_space<vmem>>, vector<16xf32>,
          tpu.vector_store %arg11[%parallel_loop3A_287, %parallel_loop3A_288], %parallel_loop3A_286 {strides = array<i32>} : memref<128x128xf32, #tpu.memory_space<vmem>>, vector<16xf32>,
          %parallel_loop3A_290 = arith.index_cast %parallel_loop3A_268 : i32 to index
          %parallel_loop3A_291 = arith.constant 48 : index
          %parallel_loop3A_292 = tpu.vector_load %arg11[%parallel_loop3A_290, %parallel_loop3A_291] {strides = array<i32>} : memref<128x128xf32, #tpu.memory_space<vmem>>, vector<16xf32>,
          %parallel_loop3A_293 = arith.mulf %parallel_loop3A_292, %parallel_loop3A_264 : vector<16xf32>
          %parallel_loop3A_294 = arith.index_cast %parallel_loop3A_268 : i32 to index
          %parallel_loop3A_295 = arith.constant 48 : index
          %parallel_loop3A_296 = tpu.vector_load %arg11[%parallel_loop3A_294, %parallel_loop3A_295] {strides = array<i32>} : memref<128x128xf32, #tpu.memory_space<vmem>>, vector<16xf32>,
          tpu.vector_store %arg11[%parallel_loop3A_294, %parallel_loop3A_295], %parallel_loop3A_293 {strides = array<i32>} : memref<128x128xf32, #tpu.memory_space<vmem>>, vector<16xf32>,
          %parallel_loop3A_297 = arith.index_cast %parallel_loop3A_268 : i32 to index
          %parallel_loop3A_298 = arith.constant 64 : index
          %parallel_loop3A_299 = tpu.vector_load %arg11[%parallel_loop3A_297, %parallel_loop3A_298] {strides = array<i32>} : memref<128x128xf32, #tpu.memory_space<vmem>>, vector<16xf32>,
          %parallel_loop3A_300 = arith.mulf %parallel_loop3A_299, %parallel_loop3A_264 : vector<16xf32>
          %parallel_loop3A_301 = arith.index_cast %parallel_loop3A_268 : i32 to index
          %parallel_loop3A_302 = arith.constant 64 : index
          %parallel_loop3A_303 = tpu.vector_load %arg11[%parallel_loop3A_301, %parallel_loop3A_302] {strides = array<i32>} : memref<128x128xf32, #tpu.memory_space<vmem>>, vector<16xf32>,
          tpu.vector_store %arg11[%parallel_loop3A_301, %parallel_loop3A_302], %parallel_loop3A_300 {strides = array<i32>} : memref<128x128xf32, #tpu.memory_space<vmem>>, vector<16xf32>,
          %parallel_loop3A_304 = arith.index_cast %parallel_loop3A_268 : i32 to index
          %parallel_loop3A_305 = arith.constant 80 : index
          %parallel_loop3A_306 = tpu.vector_load %arg11[%parallel_loop3A_304, %parallel_loop3A_305] {strides = array<i32>} : memref<128x128xf32, #tpu.memory_space<vmem>>, vector<16xf32>,
          %parallel_loop3A_307 = arith.mulf %parallel_loop3A_306, %parallel_loop3A_264 : vector<16xf32>
          %parallel_loop3A_308 = arith.index_cast %parallel_loop3A_268 : i32 to index
          %parallel_loop3A_309 = arith.constant 80 : index
          %parallel_loop3A_310 = tpu.vector_load %arg11[%parallel_loop3A_308, %parallel_loop3A_309] {strides = array<i32>} : memref<128x128xf32, #tpu.memory_space<vmem>>, vector<16xf32>,
          tpu.vector_store %arg11[%parallel_loop3A_308, %parallel_loop3A_309], %parallel_loop3A_307 {strides = array<i32>} : memref<128x128xf32, #tpu.memory_space<vmem>>, vector<16xf32>,
          %parallel_loop3A_311 = arith.index_cast %parallel_loop3A_268 : i32 to index
          %parallel_loop3A_312 = arith.constant 96 : index
          %parallel_loop3A_313 = tpu.vector_load %arg11[%parallel_loop3A_311, %parallel_loop3A_312] {strides = array<i32>} : memref<128x128xf32, #tpu.memory_space<vmem>>, vector<16xf32>,
          %parallel_loop3A_314 = arith.mulf %parallel_loop3A_313, %parallel_loop3A_264 : vector<16xf32>
          %parallel_loop3A_315 = arith.index_cast %parallel_loop3A_268 : i32 to index
          %parallel_loop3A_316 = arith.constant 96 : index
          %parallel_loop3A_317 = tpu.vector_load %arg11[%parallel_loop3A_315, %parallel_loop3A_316] {strides = array<i32>} : memref<128x128xf32, #tpu.memory_space<vmem>>, vector<16xf32>,
          tpu.vector_store %arg11[%parallel_loop3A_315, %parallel_loop3A_316], %parallel_loop3A_314 {strides = array<i32>} : memref<128x128xf32, #tpu.memory_space<vmem>>, vector<16xf32>,
          %parallel_loop3A_318 = arith.constant 4 : i32
          %parallel_loop3A_319 = vector.broadcast %parallel_loop3A_318 : i32 to vector<16x1xi32>
          %parallel_loop3A_320 = vector.shape_cast %parallel_loop3A_319 : vector<16x1xi32> to vector<16xi32>
          %parallel_loop3A_321 = tpu.dynamic_gather %parallel_loop3A_89[%parallel_loop3A_320] in [0] : vector<16xf32>, vector<16xi32> -> vector<16xf32>
          %parallel_loop3A_322 = arith.constant 16 : i32
          %parallel_loop3A_323 = arith.muli %parallel_loop3A_84, %parallel_loop3A_322 : i32
          %parallel_loop3A_324 = arith.constant 4 : i32
          %parallel_loop3A_325 = arith.addi %parallel_loop3A_323, %parallel_loop3A_324 : i32
          %parallel_loop3A_326 = arith.index_cast %parallel_loop3A_325 : i32 to index
          %parallel_loop3A_327 = arith.constant 0 : index
          %parallel_loop3A_328 = tpu.vector_load %arg11[%parallel_loop3A_326, %parallel_loop3A_327] {strides = array<i32>} : memref<128x128xf32, #tpu.memory_space<vmem>>, vector<16xf32>,
          %parallel_loop3A_329 = arith.mulf %parallel_loop3A_328, %parallel_loop3A_321 : vector<16xf32>
          %parallel_loop3A_330 = arith.index_cast %parallel_loop3A_325 : i32 to index
          %parallel_loop3A_331 = arith.constant 0 : index
          %parallel_loop3A_332 = tpu.vector_load %arg11[%parallel_loop3A_330, %parallel_loop3A_331] {strides = array<i32>} : memref<128x128xf32, #tpu.memory_space<vmem>>, vector<16xf32>,
          tpu.vector_store %arg11[%parallel_loop3A_330, %parallel_loop3A_331], %parallel_loop3A_329 {strides = array<i32>} : memref<128x128xf32, #tpu.memory_space<vmem>>, vector<16xf32>,
          %parallel_loop3A_333 = arith.index_cast %parallel_loop3A_325 : i32 to index
          %parallel_loop3A_334 = arith.constant 16 : index
          %parallel_loop3A_335 = tpu.vector_load %arg11[%parallel_loop3A_333, %parallel_loop3A_334] {strides = array<i32>} : memref<128x128xf32, #tpu.memory_space<vmem>>, vector<16xf32>,
          %parallel_loop3A_336 = arith.mulf %parallel_loop3A_335, %parallel_loop3A_321 : vector<16xf32>
          %parallel_loop3A_337 = arith.index_cast %parallel_loop3A_325 : i32 to index
          %parallel_loop3A_338 = arith.constant 16 : index
          %parallel_loop3A_339 = tpu.vector_load %arg11[%parallel_loop3A_337, %parallel_loop3A_338] {strides = array<i32>} : memref<128x128xf32, #tpu.memory_space<vmem>>, vector<16xf32>,
          tpu.vector_store %arg11[%parallel_loop3A_337, %parallel_loop3A_338], %parallel_loop3A_336 {strides = array<i32>} : memref<128x128xf32, #tpu.memory_space<vmem>>, vector<16xf32>,
          %parallel_loop3A_340 = arith.index_cast %parallel_loop3A_325 : i32 to index
          %parallel_loop3A_341 = arith.constant 32 : index
          %parallel_loop3A_342 = tpu.vector_load %arg11[%parallel_loop3A_340, %parallel_loop3A_341] {strides = array<i32>} : memref<128x128xf32, #tpu.memory_space<vmem>>, vector<16xf32>,
          %parallel_loop3A_343 = arith.mulf %parallel_loop3A_342, %parallel_loop3A_321 : vector<16xf32>
          %parallel_loop3A_344 = arith.index_cast %parallel_loop3A_325 : i32 to index
          %parallel_loop3A_345 = arith.constant 32 : index
          %parallel_loop3A_346 = tpu.vector_load %arg11[%parallel_loop3A_344, %parallel_loop3A_345] {strides = array<i32>} : memref<128x128xf32, #tpu.memory_space<vmem>>, vector<16xf32>,
          tpu.vector_store %arg11[%parallel_loop3A_344, %parallel_loop3A_345], %parallel_loop3A_343 {strides = array<i32>} : memref<128x128xf32, #tpu.memory_space<vmem>>, vector<16xf32>,
          %parallel_loop3A_347 = arith.index_cast %parallel_loop3A_325 : i32 to index
          %parallel_loop3A_348 = arith.constant 48 : index
          %parallel_loop3A_349 = tpu.vector_load %arg11[%parallel_loop3A_347, %parallel_loop3A_348] {strides = array<i32>} : memref<128x128xf32, #tpu.memory_space<vmem>>, vector<16xf32>,
          %parallel_loop3A_350 = arith.mulf %parallel_loop3A_349, %parallel_loop3A_321 : vector<16xf32>
          %parallel_loop3A_351 = arith.index_cast %parallel_loop3A_325 : i32 to index
          %parallel_loop3A_352 = arith.constant 48 : index
          %parallel_loop3A_353 = tpu.vector_load %arg11[%parallel_loop3A_351, %parallel_loop3A_352] {strides = array<i32>} : memref<128x128xf32, #tpu.memory_space<vmem>>, vector<16xf32>,
          tpu.vector_store %arg11[%parallel_loop3A_351, %parallel_loop3A_352], %parallel_loop3A_350 {strides = array<i32>} : memref<128x128xf32, #tpu.memory_space<vmem>>, vector<16xf32>,
          %parallel_loop3A_354 = arith.index_cast %parallel_loop3A_325 : i32 to index
          %parallel_loop3A_355 = arith.constant 64 : index
          %parallel_loop3A_356 = tpu.vector_load %arg11[%parallel_loop3A_354, %parallel_loop3A_355] {strides = array<i32>} : memref<128x128xf32, #tpu.memory_space<vmem>>, vector<16xf32>,
          %parallel_loop3A_357 = arith.mulf %parallel_loop3A_356, %parallel_loop3A_321 : vector<16xf32>
          %parallel_loop3A_358 = arith.index_cast %parallel_loop3A_325 : i32 to index
          %parallel_loop3A_359 = arith.constant 64 : index
          %parallel_loop3A_360 = tpu.vector_load %arg11[%parallel_loop3A_358, %parallel_loop3A_359] {strides = array<i32>} : memref<128x128xf32, #tpu.memory_space<vmem>>, vector<16xf32>,
          tpu.vector_store %arg11[%parallel_loop3A_358, %parallel_loop3A_359], %parallel_loop3A_357 {strides = array<i32>} : memref<128x128xf32, #tpu.memory_space<vmem>>, vector<16xf32>,
          %parallel_loop3A_361 = arith.index_cast %parallel_loop3A_325 : i32 to index
          %parallel_loop3A_362 = arith.constant 80 : index
          %parallel_loop3A_363 = tpu.vector_load %arg11[%parallel_loop3A_361, %parallel_loop3A_362] {strides = array<i32>} : memref<128x128xf32, #tpu.memory_space<vmem>>, vector<16xf32>,
          %parallel_loop3A_364 = arith.mulf %parallel_loop3A_363, %parallel_loop3A_321 : vector<16xf32>
          %parallel_loop3A_365 = arith.index_cast %parallel_loop3A_325 : i32 to index
          %parallel_loop3A_366 = arith.constant 80 : index
          %parallel_loop3A_367 = tpu.vector_load %arg11[%parallel_loop3A_365, %parallel_loop3A_366] {strides = array<i32>} : memref<128x128xf32, #tpu.memory_space<vmem>>, vector<16xf32>,
          tpu.vector_store %arg11[%parallel_loop3A_365, %parallel_loop3A_366], %parallel_loop3A_364 {strides = array<i32>} : memref<128x128xf32, #tpu.memory_space<vmem>>, vector<16xf32>,
          %parallel_loop3A_368 = arith.index_cast %parallel_loop3A_325 : i32 to index
          %parallel_loop3A_369 = arith.constant 96 : index
          %parallel_loop3A_370 = tpu.vector_load %arg11[%parallel_loop3A_368, %parallel_loop3A_369] {strides = array<i32>} : memref<128x128xf32, #tpu.memory_space<vmem>>, vector<16xf32>,
          %parallel_loop3A_371 = arith.mulf %parallel_loop3A_370, %parallel_loop3A_321 : vector<16xf32>
          %parallel_loop3A_372 = arith.index_cast %parallel_loop3A_325 : i32 to index
          %parallel_loop3A_373 = arith.constant 96 : index
          %parallel_loop3A_374 = tpu.vector_load %arg11[%parallel_loop3A_372, %parallel_loop3A_373] {strides = array<i32>} : memref<128x128xf32, #tpu.memory_space<vmem>>, vector<16xf32>,
          tpu.vector_store %arg11[%parallel_loop3A_372, %parallel_loop3A_373], %parallel_loop3A_371 {strides = array<i32>} : memref<128x128xf32, #tpu.memory_space<vmem>>, vector<16xf32>,
          %parallel_loop3A_375 = arith.constant 5 : i32
          %parallel_loop3A_376 = vector.broadcast %parallel_loop3A_375 : i32 to vector<16x1xi32>
          %parallel_loop3A_377 = vector.shape_cast %parallel_loop3A_376 : vector<16x1xi32> to vector<16xi32>
          %parallel_loop3A_378 = tpu.dynamic_gather %parallel_loop3A_89[%parallel_loop3A_377] in [0] : vector<16xf32>, vector<16xi32> -> vector<16xf32>
          %parallel_loop3A_379 = arith.constant 16 : i32
          %parallel_loop3A_380 = arith.muli %parallel_loop3A_84, %parallel_loop3A_379 : i32
          %parallel_loop3A_381 = arith.constant 5 : i32
          %parallel_loop3A_382 = arith.addi %parallel_loop3A_380, %parallel_loop3A_381 : i32
          %parallel_loop3A_383 = arith.index_cast %parallel_loop3A_382 : i32 to index
          %parallel_loop3A_384 = arith.constant 0 : index
          %parallel_loop3A_385 = tpu.vector_load %arg11[%parallel_loop3A_383, %parallel_loop3A_384] {strides = array<i32>} : memref<128x128xf32, #tpu.memory_space<vmem>>, vector<16xf32>,
          %parallel_loop3A_386 = arith.mulf %parallel_loop3A_385, %parallel_loop3A_378 : vector<16xf32>
          %parallel_loop3A_387 = arith.index_cast %parallel_loop3A_382 : i32 to index
          %parallel_loop3A_388 = arith.constant 0 : index
          %parallel_loop3A_389 = tpu.vector_load %arg11[%parallel_loop3A_387, %parallel_loop3A_388] {strides = array<i32>} : memref<128x128xf32, #tpu.memory_space<vmem>>, vector<16xf32>,
          tpu.vector_store %arg11[%parallel_loop3A_387, %parallel_loop3A_388], %parallel_loop3A_386 {strides = array<i32>} : memref<128x128xf32, #tpu.memory_space<vmem>>, vector<16xf32>,
          %parallel_loop3A_390 = arith.index_cast %parallel_loop3A_382 : i32 to index
          %parallel_loop3A_391 = arith.constant 16 : index
          %parallel_loop3A_392 = tpu.vector_load %arg11[%parallel_loop3A_390, %parallel_loop3A_391] {strides = array<i32>} : memref<128x128xf32, #tpu.memory_space<vmem>>, vector<16xf32>,
          %parallel_loop3A_393 = arith.mulf %parallel_loop3A_392, %parallel_loop3A_378 : vector<16xf32>
          %parallel_loop3A_394 = arith.index_cast %parallel_loop3A_382 : i32 to index
          %parallel_loop3A_395 = arith.constant 16 : index
          %parallel_loop3A_396 = tpu.vector_load %arg11[%parallel_loop3A_394, %parallel_loop3A_395] {strides = array<i32>} : memref<128x128xf32, #tpu.memory_space<vmem>>, vector<16xf32>,
          tpu.vector_store %arg11[%parallel_loop3A_394, %parallel_loop3A_395], %parallel_loop3A_393 {strides = array<i32>} : memref<128x128xf32, #tpu.memory_space<vmem>>, vector<16xf32>,
          %parallel_loop3A_397 = arith.index_cast %parallel_loop3A_382 : i32 to index
          %parallel_loop3A_398 = arith.constant 32 : index
          %parallel_loop3A_399 = tpu.vector_load %arg11[%parallel_loop3A_397, %parallel_loop3A_398] {strides = array<i32>} : memref<128x128xf32, #tpu.memory_space<vmem>>, vector<16xf32>,
          %parallel_loop3A_400 = arith.mulf %parallel_loop3A_399, %parallel_loop3A_378 : vector<16xf32>
          %parallel_loop3A_401 = arith.index_cast %parallel_loop3A_382 : i32 to index
          %parallel_loop3A_402 = arith.constant 32 : index
          %parallel_loop3A_403 = tpu.vector_load %arg11[%parallel_loop3A_401, %parallel_loop3A_402] {strides = array<i32>} : memref<128x128xf32, #tpu.memory_space<vmem>>, vector<16xf32>,
          tpu.vector_store %arg11[%parallel_loop3A_401, %parallel_loop3A_402], %parallel_loop3A_400 {strides = array<i32>} : memref<128x128xf32, #tpu.memory_space<vmem>>, vector<16xf32>,
          %parallel_loop3A_404 = arith.index_cast %parallel_loop3A_382 : i32 to index
          %parallel_loop3A_405 = arith.constant 48 : index
          %parallel_loop3A_406 = tpu.vector_load %arg11[%parallel_loop3A_404, %parallel_loop3A_405] {strides = array<i32>} : memref<128x128xf32, #tpu.memory_space<vmem>>, vector<16xf32>,
          %parallel_loop3A_407 = arith.mulf %parallel_loop3A_406, %parallel_loop3A_378 : vector<16xf32>
          %parallel_loop3A_408 = arith.index_cast %parallel_loop3A_382 : i32 to index
          %parallel_loop3A_409 = arith.constant 48 : index
          %parallel_loop3A_410 = tpu.vector_load %arg11[%parallel_loop3A_408, %parallel_loop3A_409] {strides = array<i32>} : memref<128x128xf32, #tpu.memory_space<vmem>>, vector<16xf32>,
          tpu.vector_store %arg11[%parallel_loop3A_408, %parallel_loop3A_409], %parallel_loop3A_407 {strides = array<i32>} : memref<128x128xf32, #tpu.memory_space<vmem>>, vector<16xf32>,
          %parallel_loop3A_411 = arith.index_cast %parallel_loop3A_382 : i32 to index
          %parallel_loop3A_412 = arith.constant 64 : index
          %parallel_loop3A_413 = tpu.vector_load %arg11[%parallel_loop3A_411, %parallel_loop3A_412] {strides = array<i32>} : memref<128x128xf32, #tpu.memory_space<vmem>>, vector<16xf32>,
          %parallel_loop3A_414 = arith.mulf %parallel_loop3A_413, %parallel_loop3A_378 : vector<16xf32>
          %parallel_loop3A_415 = arith.index_cast %parallel_loop3A_382 : i32 to index
          %parallel_loop3A_416 = arith.constant 64 : index
          %parallel_loop3A_417 = tpu.vector_load %arg11[%parallel_loop3A_415, %parallel_loop3A_416] {strides = array<i32>} : memref<128x128xf32, #tpu.memory_space<vmem>>, vector<16xf32>,
          tpu.vector_store %arg11[%parallel_loop3A_415, %parallel_loop3A_416], %parallel_loop3A_414 {strides = array<i32>} : memref<128x128xf32, #tpu.memory_space<vmem>>, vector<16xf32>,
          %parallel_loop3A_418 = arith.index_cast %parallel_loop3A_382 : i32 to index
          %parallel_loop3A_419 = arith.constant 80 : index
          %parallel_loop3A_420 = tpu.vector_load %arg11[%parallel_loop3A_418, %parallel_loop3A_419] {strides = array<i32>} : memref<128x128xf32, #tpu.memory_space<vmem>>, vector<16xf32>,
          %parallel_loop3A_421 = arith.mulf %parallel_loop3A_420, %parallel_loop3A_378 : vector<16xf32>
          %parallel_loop3A_422 = arith.index_cast %parallel_loop3A_382 : i32 to index
          %parallel_loop3A_423 = arith.constant 80 : index
          %parallel_loop3A_424 = tpu.vector_load %arg11[%parallel_loop3A_422, %parallel_loop3A_423] {strides = array<i32>} : memref<128x128xf32, #tpu.memory_space<vmem>>, vector<16xf32>,
          tpu.vector_store %arg11[%parallel_loop3A_422, %parallel_loop3A_423], %parallel_loop3A_421 {strides = array<i32>} : memref<128x128xf32, #tpu.memory_space<vmem>>, vector<16xf32>,
          %parallel_loop3A_425 = arith.index_cast %parallel_loop3A_382 : i32 to index
          %parallel_loop3A_426 = arith.constant 96 : index
          %parallel_loop3A_427 = tpu.vector_load %arg11[%parallel_loop3A_425, %parallel_loop3A_426] {strides = array<i32>} : memref<128x128xf32, #tpu.memory_space<vmem>>, vector<16xf32>,
          %parallel_loop3A_428 = arith.mulf %parallel_loop3A_427, %parallel_loop3A_378 : vector<16xf32>
          %parallel_loop3A_429 = arith.index_cast %parallel_loop3A_382 : i32 to index
          %parallel_loop3A_430 = arith.constant 96 : index
          %parallel_loop3A_431 = tpu.vector_load %arg11[%parallel_loop3A_429, %parallel_loop3A_430] {strides = array<i32>} : memref<128x128xf32, #tpu.memory_space<vmem>>, vector<16xf32>,
          tpu.vector_store %arg11[%parallel_loop3A_429, %parallel_loop3A_430], %parallel_loop3A_428 {strides = array<i32>} : memref<128x128xf32, #tpu.memory_space<vmem>>, vector<16xf32>,
          %parallel_loop3A_432 = arith.constant 6 : i32
          %parallel_loop3A_433 = vector.broadcast %parallel_loop3A_432 : i32 to vector<16x1xi32>
          %parallel_loop3A_434 = vector.shape_cast %parallel_loop3A_433 : vector<16x1xi32> to vector<16xi32>
          %parallel_loop3A_435 = tpu.dynamic_gather %parallel_loop3A_89[%parallel_loop3A_434] in [0] : vector<16xf32>, vector<16xi32> -> vector<16xf32>
          %parallel_loop3A_436 = arith.constant 16 : i32
          %parallel_loop3A_437 = arith.muli %parallel_loop3A_84, %parallel_loop3A_436 : i32
          %parallel_loop3A_438 = arith.constant 6 : i32
          %parallel_loop3A_439 = arith.addi %parallel_loop3A_437, %parallel_loop3A_438 : i32
          %parallel_loop3A_440 = arith.index_cast %parallel_loop3A_439 : i32 to index
          %parallel_loop3A_441 = arith.constant 0 : index
          %parallel_loop3A_442 = tpu.vector_load %arg11[%parallel_loop3A_440, %parallel_loop3A_441] {strides = array<i32>} : memref<128x128xf32, #tpu.memory_space<vmem>>, vector<16xf32>,
          %parallel_loop3A_443 = arith.mulf %parallel_loop3A_442, %parallel_loop3A_435 : vector<16xf32>
          %parallel_loop3A_444 = arith.index_cast %parallel_loop3A_439 : i32 to index
          %parallel_loop3A_445 = arith.constant 0 : index
          %parallel_loop3A_446 = tpu.vector_load %arg11[%parallel_loop3A_444, %parallel_loop3A_445] {strides = array<i32>} : memref<128x128xf32, #tpu.memory_space<vmem>>, vector<16xf32>,
          tpu.vector_store %arg11[%parallel_loop3A_444, %parallel_loop3A_445], %parallel_loop3A_443 {strides = array<i32>} : memref<128x128xf32, #tpu.memory_space<vmem>>, vector<16xf32>,
          %parallel_loop3A_447 = arith.index_cast %parallel_loop3A_439 : i32 to index
          %parallel_loop3A_448 = arith.constant 16 : index
          %parallel_loop3A_449 = tpu.vector_load %arg11[%parallel_loop3A_447, %parallel_loop3A_448] {strides = array<i32>} : memref<128x128xf32, #tpu.memory_space<vmem>>, vector<16xf32>,
          %parallel_loop3A_450 = arith.mulf %parallel_loop3A_449, %parallel_loop3A_435 : vector<16xf32>
          %parallel_loop3A_451 = arith.index_cast %parallel_loop3A_439 : i32 to index
          %parallel_loop3A_452 = arith.constant 16 : index
          %parallel_loop3A_453 = tpu.vector_load %arg11[%parallel_loop3A_451, %parallel_loop3A_452] {strides = array<i32>} : memref<128x128xf32, #tpu.memory_space<vmem>>, vector<16xf32>,
          tpu.vector_store %arg11[%parallel_loop3A_451, %parallel_loop3A_452], %parallel_loop3A_450 {strides = array<i32>} : memref<128x128xf32, #tpu.memory_space<vmem>>, vector<16xf32>,
          %parallel_loop3A_454 = arith.index_cast %parallel_loop3A_439 : i32 to index
          %parallel_loop3A_455 = arith.constant 32 : index
          %parallel_loop3A_456 = tpu.vector_load %arg11[%parallel_loop3A_454, %parallel_loop3A_455] {strides = array<i32>} : memref<128x128xf32, #tpu.memory_space<vmem>>, vector<16xf32>,
          %parallel_loop3A_457 = arith.mulf %parallel_loop3A_456, %parallel_loop3A_435 : vector<16xf32>
          %parallel_loop3A_458 = arith.index_cast %parallel_loop3A_439 : i32 to index
          %parallel_loop3A_459 = arith.constant 32 : index
          %parallel_loop3A_460 = tpu.vector_load %arg11[%parallel_loop3A_458, %parallel_loop3A_459] {strides = array<i32>} : memref<128x128xf32, #tpu.memory_space<vmem>>, vector<16xf32>,
          tpu.vector_store %arg11[%parallel_loop3A_458, %parallel_loop3A_459], %parallel_loop3A_457 {strides = array<i32>} : memref<128x128xf32, #tpu.memory_space<vmem>>, vector<16xf32>,
          %parallel_loop3A_461 = arith.index_cast %parallel_loop3A_439 : i32 to index
          %parallel_loop3A_462 = arith.constant 48 : index
          %parallel_loop3A_463 = tpu.vector_load %arg11[%parallel_loop3A_461, %parallel_loop3A_462] {strides = array<i32>} : memref<128x128xf32, #tpu.memory_space<vmem>>, vector<16xf32>,
          %parallel_loop3A_464 = arith.mulf %parallel_loop3A_463, %parallel_loop3A_435 : vector<16xf32>
          %parallel_loop3A_465 = arith.index_cast %parallel_loop3A_439 : i32 to index
          %parallel_loop3A_466 = arith.constant 48 : index
          %parallel_loop3A_467 = tpu.vector_load %arg11[%parallel_loop3A_465, %parallel_loop3A_466] {strides = array<i32>} : memref<128x128xf32, #tpu.memory_space<vmem>>, vector<16xf32>,
          tpu.vector_store %arg11[%parallel_loop3A_465, %parallel_loop3A_466], %parallel_loop3A_464 {strides = array<i32>} : memref<128x128xf32, #tpu.memory_space<vmem>>, vector<16xf32>,
          %parallel_loop3A_468 = arith.index_cast %parallel_loop3A_439 : i32 to index
          %parallel_loop3A_469 = arith.constant 64 : index
          %parallel_loop3A_470 = tpu.vector_load %arg11[%parallel_loop3A_468, %parallel_loop3A_469] {strides = array<i32>} : memref<128x128xf32, #tpu.memory_space<vmem>>, vector<16xf32>,
          %parallel_loop3A_471 = arith.mulf %parallel_loop3A_470, %parallel_loop3A_435 : vector<16xf32>
          %parallel_loop3A_472 = arith.index_cast %parallel_loop3A_439 : i32 to index
          %parallel_loop3A_473 = arith.constant 64 : index
          %parallel_loop3A_474 = tpu.vector_load %arg11[%parallel_loop3A_472, %parallel_loop3A_473] {strides = array<i32>} : memref<128x128xf32, #tpu.memory_space<vmem>>, vector<16xf32>,
          tpu.vector_store %arg11[%parallel_loop3A_472, %parallel_loop3A_473], %parallel_loop3A_471 {strides = array<i32>} : memref<128x128xf32, #tpu.memory_space<vmem>>, vector<16xf32>,
          %parallel_loop3A_475 = arith.index_cast %parallel_loop3A_439 : i32 to index
          %parallel_loop3A_476 = arith.constant 80 : index
          %parallel_loop3A_477 = tpu.vector_load %arg11[%parallel_loop3A_475, %parallel_loop3A_476] {strides = array<i32>} : memref<128x128xf32, #tpu.memory_space<vmem>>, vector<16xf32>,
          %parallel_loop3A_478 = arith.mulf %parallel_loop3A_477, %parallel_loop3A_435 : vector<16xf32>
          %parallel_loop3A_479 = arith.index_cast %parallel_loop3A_439 : i32 to index
          %parallel_loop3A_480 = arith.constant 80 : index
          %parallel_loop3A_481 = tpu.vector_load %arg11[%parallel_loop3A_479, %parallel_loop3A_480] {strides = array<i32>} : memref<128x128xf32, #tpu.memory_space<vmem>>, vector<16xf32>,
          tpu.vector_store %arg11[%parallel_loop3A_479, %parallel_loop3A_480], %parallel_loop3A_478 {strides = array<i32>} : memref<128x128xf32, #tpu.memory_space<vmem>>, vector<16xf32>,
          %parallel_loop3A_482 = arith.index_cast %parallel_loop3A_439 : i32 to index
          %parallel_loop3A_483 = arith.constant 96 : index
          %parallel_loop3A_484 = tpu.vector_load %arg11[%parallel_loop3A_482, %parallel_loop3A_483] {strides = array<i32>} : memref<128x128xf32, #tpu.memory_space<vmem>>, vector<16xf32>,
          %parallel_loop3A_485 = arith.mulf %parallel_loop3A_484, %parallel_loop3A_435 : vector<16xf32>
          %parallel_loop3A_486 = arith.index_cast %parallel_loop3A_439 : i32 to index
          %parallel_loop3A_487 = arith.constant 96 : index
          %parallel_loop3A_488 = tpu.vector_load %arg11[%parallel_loop3A_486, %parallel_loop3A_487] {strides = array<i32>} : memref<128x128xf32, #tpu.memory_space<vmem>>, vector<16xf32>,
          tpu.vector_store %arg11[%parallel_loop3A_486, %parallel_loop3A_487], %parallel_loop3A_485 {strides = array<i32>} : memref<128x128xf32, #tpu.memory_space<vmem>>, vector<16xf32>,
          %parallel_loop3A_489 = arith.constant 7 : i32
          %parallel_loop3A_490 = vector.broadcast %parallel_loop3A_489 : i32 to vector<16x1xi32>
          %parallel_loop3A_491 = vector.shape_cast %parallel_loop3A_490 : vector<16x1xi32> to vector<16xi32>
          %parallel_loop3A_492 = tpu.dynamic_gather %parallel_loop3A_89[%parallel_loop3A_491] in [0] : vector<16xf32>, vector<16xi32> -> vector<16xf32>
          %parallel_loop3A_493 = arith.constant 16 : i32
          %parallel_loop3A_494 = arith.muli %parallel_loop3A_84, %parallel_loop3A_493 : i32
          %parallel_loop3A_495 = arith.constant 7 : i32
          %parallel_loop3A_496 = arith.addi %parallel_loop3A_494, %parallel_loop3A_495 : i32
          %parallel_loop3A_497 = arith.index_cast %parallel_loop3A_496 : i32 to index
          %parallel_loop3A_498 = arith.constant 0 : index
          %parallel_loop3A_499 = tpu.vector_load %arg11[%parallel_loop3A_497, %parallel_loop3A_498] {strides = array<i32>} : memref<128x128xf32, #tpu.memory_space<vmem>>, vector<16xf32>,
          %parallel_loop3A_500 = arith.mulf %parallel_loop3A_499, %parallel_loop3A_492 : vector<16xf32>
          %parallel_loop3A_501 = arith.index_cast %parallel_loop3A_496 : i32 to index
          %parallel_loop3A_502 = arith.constant 0 : index
          %parallel_loop3A_503 = tpu.vector_load %arg11[%parallel_loop3A_501, %parallel_loop3A_502] {strides = array<i32>} : memref<128x128xf32, #tpu.memory_space<vmem>>, vector<16xf32>,
          tpu.vector_store %arg11[%parallel_loop3A_501, %parallel_loop3A_502], %parallel_loop3A_500 {strides = array<i32>} : memref<128x128xf32, #tpu.memory_space<vmem>>, vector<16xf32>,
          %parallel_loop3A_504 = arith.index_cast %parallel_loop3A_496 : i32 to index
          %parallel_loop3A_505 = arith.constant 16 : index
          %parallel_loop3A_506 = tpu.vector_load %arg11[%parallel_loop3A_504, %parallel_loop3A_505] {strides = array<i32>} : memref<128x128xf32, #tpu.memory_space<vmem>>, vector<16xf32>,
          %parallel_loop3A_507 = arith.mulf %parallel_loop3A_506, %parallel_loop3A_492 : vector<16xf32>
          %parallel_loop3A_508 = arith.index_cast %parallel_loop3A_496 : i32 to index
          %parallel_loop3A_509 = arith.constant 16 : index
          %parallel_loop3A_510 = tpu.vector_load %arg11[%parallel_loop3A_508, %parallel_loop3A_509] {strides = array<i32>} : memref<128x128xf32, #tpu.memory_space<vmem>>, vector<16xf32>,
          tpu.vector_store %arg11[%parallel_loop3A_508, %parallel_loop3A_509], %parallel_loop3A_507 {strides = array<i32>} : memref<128x128xf32, #tpu.memory_space<vmem>>, vector<16xf32>,
          %parallel_loop3A_511 = arith.index_cast %parallel_loop3A_496 : i32 to index
          %parallel_loop3A_512 = arith.constant 32 : index
          %parallel_loop3A_513 = tpu.vector_load %arg11[%parallel_loop3A_511, %parallel_loop3A_512] {strides = array<i32>} : memref<128x128xf32, #tpu.memory_space<vmem>>, vector<16xf32>,
          %parallel_loop3A_514 = arith.mulf %parallel_loop3A_513, %parallel_loop3A_492 : vector<16xf32>
          %parallel_loop3A_515 = arith.index_cast %parallel_loop3A_496 : i32 to index
          %parallel_loop3A_516 = arith.constant 32 : index
          %parallel_loop3A_517 = tpu.vector_load %arg11[%parallel_loop3A_515, %parallel_loop3A_516] {strides = array<i32>} : memref<128x128xf32, #tpu.memory_space<vmem>>, vector<16xf32>,
          tpu.vector_store %arg11[%parallel_loop3A_515, %parallel_loop3A_516], %parallel_loop3A_514 {strides = array<i32>} : memref<128x128xf32, #tpu.memory_space<vmem>>, vector<16xf32>,
          %parallel_loop3A_518 = arith.index_cast %parallel_loop3A_496 : i32 to index
          %parallel_loop3A_519 = arith.constant 48 : index
          %parallel_loop3A_520 = tpu.vector_load %arg11[%parallel_loop3A_518, %parallel_loop3A_519] {strides = array<i32>} : memref<128x128xf32, #tpu.memory_space<vmem>>, vector<16xf32>,
          %parallel_loop3A_521 = arith.mulf %parallel_loop3A_520, %parallel_loop3A_492 : vector<16xf32>
          %parallel_loop3A_522 = arith.index_cast %parallel_loop3A_496 : i32 to index
          %parallel_loop3A_523 = arith.constant 48 : index
          %parallel_loop3A_524 = tpu.vector_load %arg11[%parallel_loop3A_522, %parallel_loop3A_523] {strides = array<i32>} : memref<128x128xf32, #tpu.memory_space<vmem>>, vector<16xf32>,
          tpu.vector_store %arg11[%parallel_loop3A_522, %parallel_loop3A_523], %parallel_loop3A_521 {strides = array<i32>} : memref<128x128xf32, #tpu.memory_space<vmem>>, vector<16xf32>,
          %parallel_loop3A_525 = arith.index_cast %parallel_loop3A_496 : i32 to index
          %parallel_loop3A_526 = arith.constant 64 : index
          %parallel_loop3A_527 = tpu.vector_load %arg11[%parallel_loop3A_525, %parallel_loop3A_526] {strides = array<i32>} : memref<128x128xf32, #tpu.memory_space<vmem>>, vector<16xf32>,
          %parallel_loop3A_528 = arith.mulf %parallel_loop3A_527, %parallel_loop3A_492 : vector<16xf32>
          %parallel_loop3A_529 = arith.index_cast %parallel_loop3A_496 : i32 to index
          %parallel_loop3A_530 = arith.constant 64 : index
          %parallel_loop3A_531 = tpu.vector_load %arg11[%parallel_loop3A_529, %parallel_loop3A_530] {strides = array<i32>} : memref<128x128xf32, #tpu.memory_space<vmem>>, vector<16xf32>,
          tpu.vector_store %arg11[%parallel_loop3A_529, %parallel_loop3A_530], %parallel_loop3A_528 {strides = array<i32>} : memref<128x128xf32, #tpu.memory_space<vmem>>, vector<16xf32>,
          %parallel_loop3A_532 = arith.index_cast %parallel_loop3A_496 : i32 to index
          %parallel_loop3A_533 = arith.constant 80 : index
          %parallel_loop3A_534 = tpu.vector_load %arg11[%parallel_loop3A_532, %parallel_loop3A_533] {strides = array<i32>} : memref<128x128xf32, #tpu.memory_space<vmem>>, vector<16xf32>,
          %parallel_loop3A_535 = arith.mulf %parallel_loop3A_534, %parallel_loop3A_492 : vector<16xf32>
          %parallel_loop3A_536 = arith.index_cast %parallel_loop3A_496 : i32 to index
          %parallel_loop3A_537 = arith.constant 80 : index
          %parallel_loop3A_538 = tpu.vector_load %arg11[%parallel_loop3A_536, %parallel_loop3A_537] {strides = array<i32>} : memref<128x128xf32, #tpu.memory_space<vmem>>, vector<16xf32>,
          tpu.vector_store %arg11[%parallel_loop3A_536, %parallel_loop3A_537], %parallel_loop3A_535 {strides = array<i32>} : memref<128x128xf32, #tpu.memory_space<vmem>>, vector<16xf32>,
          %parallel_loop3A_539 = arith.index_cast %parallel_loop3A_496 : i32 to index
          %parallel_loop3A_540 = arith.constant 96 : index
          %parallel_loop3A_541 = tpu.vector_load %arg11[%parallel_loop3A_539, %parallel_loop3A_540] {strides = array<i32>} : memref<128x128xf32, #tpu.memory_space<vmem>>, vector<16xf32>,
          %parallel_loop3A_542 = arith.mulf %parallel_loop3A_541, %parallel_loop3A_492 : vector<16xf32>
          %parallel_loop3A_543 = arith.index_cast %parallel_loop3A_496 : i32 to index
          %parallel_loop3A_544 = arith.constant 96 : index
          %parallel_loop3A_545 = tpu.vector_load %arg11[%parallel_loop3A_543, %parallel_loop3A_544] {strides = array<i32>} : memref<128x128xf32, #tpu.memory_space<vmem>>, vector<16xf32>,
          tpu.vector_store %arg11[%parallel_loop3A_543, %parallel_loop3A_544], %parallel_loop3A_542 {strides = array<i32>} : memref<128x128xf32, #tpu.memory_space<vmem>>, vector<16xf32>,
          %parallel_loop3A_546 = arith.constant 8 : i32
          %parallel_loop3A_547 = vector.broadcast %parallel_loop3A_546 : i32 to vector<16x1xi32>
          %parallel_loop3A_548 = vector.shape_cast %parallel_loop3A_547 : vector<16x1xi32> to vector<16xi32>
          %parallel_loop3A_549 = tpu.dynamic_gather %parallel_loop3A_89[%parallel_loop3A_548] in [0] : vector<16xf32>, vector<16xi32> -> vector<16xf32>
          %parallel_loop3A_550 = arith.constant 16 : i32
          %parallel_loop3A_551 = arith.muli %parallel_loop3A_84, %parallel_loop3A_550 : i32
          %parallel_loop3A_552 = arith.constant 8 : i32
          %parallel_loop3A_553 = arith.addi %parallel_loop3A_551, %parallel_loop3A_552 : i32
          %parallel_loop3A_554 = arith.index_cast %parallel_loop3A_553 : i32 to index
          %parallel_loop3A_555 = arith.constant 0 : index
          %parallel_loop3A_556 = tpu.vector_load %arg11[%parallel_loop3A_554, %parallel_loop3A_555] {strides = array<i32>} : memref<128x128xf32, #tpu.memory_space<vmem>>, vector<16xf32>,
          %parallel_loop3A_557 = arith.mulf %parallel_loop3A_556, %parallel_loop3A_549 : vector<16xf32>
          %parallel_loop3A_558 = arith.index_cast %parallel_loop3A_553 : i32 to index
          %parallel_loop3A_559 = arith.constant 0 : index
          %parallel_loop3A_560 = tpu.vector_load %arg11[%parallel_loop3A_558, %parallel_loop3A_559] {strides = array<i32>} : memref<128x128xf32, #tpu.memory_space<vmem>>, vector<16xf32>,
          tpu.vector_store %arg11[%parallel_loop3A_558, %parallel_loop3A_559], %parallel_loop3A_557 {strides = array<i32>} : memref<128x128xf32, #tpu.memory_space<vmem>>, vector<16xf32>,
          %parallel_loop3A_561 = arith.index_cast %parallel_loop3A_553 : i32 to index
          %parallel_loop3A_562 = arith.constant 16 : index
          %parallel_loop3A_563 = tpu.vector_load %arg11[%parallel_loop3A_561, %parallel_loop3A_562] {strides = array<i32>} : memref<128x128xf32, #tpu.memory_space<vmem>>, vector<16xf32>,
          %parallel_loop3A_564 = arith.mulf %parallel_loop3A_563, %parallel_loop3A_549 : vector<16xf32>
          %parallel_loop3A_565 = arith.index_cast %parallel_loop3A_553 : i32 to index
          %parallel_loop3A_566 = arith.constant 16 : index
          %parallel_loop3A_567 = tpu.vector_load %arg11[%parallel_loop3A_565, %parallel_loop3A_566] {strides = array<i32>} : memref<128x128xf32, #tpu.memory_space<vmem>>, vector<16xf32>,
          tpu.vector_store %arg11[%parallel_loop3A_565, %parallel_loop3A_566], %parallel_loop3A_564 {strides = array<i32>} : memref<128x128xf32, #tpu.memory_space<vmem>>, vector<16xf32>,
          %parallel_loop3A_568 = arith.index_cast %parallel_loop3A_553 : i32 to index
          %parallel_loop3A_569 = arith.constant 32 : index
          %parallel_loop3A_570 = tpu.vector_load %arg11[%parallel_loop3A_568, %parallel_loop3A_569] {strides = array<i32>} : memref<128x128xf32, #tpu.memory_space<vmem>>, vector<16xf32>,
          %parallel_loop3A_571 = arith.mulf %parallel_loop3A_570, %parallel_loop3A_549 : vector<16xf32>
          %parallel_loop3A_572 = arith.index_cast %parallel_loop3A_553 : i32 to index
          %parallel_loop3A_573 = arith.constant 32 : index
          %parallel_loop3A_574 = tpu.vector_load %arg11[%parallel_loop3A_572, %parallel_loop3A_573] {strides = array<i32>} : memref<128x128xf32, #tpu.memory_space<vmem>>, vector<16xf32>,
          tpu.vector_store %arg11[%parallel_loop3A_572, %parallel_loop3A_573], %parallel_loop3A_571 {strides = array<i32>} : memref<128x128xf32, #tpu.memory_space<vmem>>, vector<16xf32>,
          %parallel_loop3A_575 = arith.index_cast %parallel_loop3A_553 : i32 to index
          %parallel_loop3A_576 = arith.constant 48 : index
          %parallel_loop3A_577 = tpu.vector_load %arg11[%parallel_loop3A_575, %parallel_loop3A_576] {strides = array<i32>} : memref<128x128xf32, #tpu.memory_space<vmem>>, vector<16xf32>,
          %parallel_loop3A_578 = arith.mulf %parallel_loop3A_577, %parallel_loop3A_549 : vector<16xf32>
          %parallel_loop3A_579 = arith.index_cast %parallel_loop3A_553 : i32 to index
          %parallel_loop3A_580 = arith.constant 48 : index
          %parallel_loop3A_581 = tpu.vector_load %arg11[%parallel_loop3A_579, %parallel_loop3A_580] {strides = array<i32>} : memref<128x128xf32, #tpu.memory_space<vmem>>, vector<16xf32>,
          tpu.vector_store %arg11[%parallel_loop3A_579, %parallel_loop3A_580], %parallel_loop3A_578 {strides = array<i32>} : memref<128x128xf32, #tpu.memory_space<vmem>>, vector<16xf32>,
          %parallel_loop3A_582 = arith.index_cast %parallel_loop3A_553 : i32 to index
          %parallel_loop3A_583 = arith.constant 64 : index
          %parallel_loop3A_584 = tpu.vector_load %arg11[%parallel_loop3A_582, %parallel_loop3A_583] {strides = array<i32>} : memref<128x128xf32, #tpu.memory_space<vmem>>, vector<16xf32>,
          %parallel_loop3A_585 = arith.mulf %parallel_loop3A_584, %parallel_loop3A_549 : vector<16xf32>
          %parallel_loop3A_586 = arith.index_cast %parallel_loop3A_553 : i32 to index
          %parallel_loop3A_587 = arith.constant 64 : index
          %parallel_loop3A_588 = tpu.vector_load %arg11[%parallel_loop3A_586, %parallel_loop3A_587] {strides = array<i32>} : memref<128x128xf32, #tpu.memory_space<vmem>>, vector<16xf32>,
          tpu.vector_store %arg11[%parallel_loop3A_586, %parallel_loop3A_587], %parallel_loop3A_585 {strides = array<i32>} : memref<128x128xf32, #tpu.memory_space<vmem>>, vector<16xf32>,
          %parallel_loop3A_589 = arith.index_cast %parallel_loop3A_553 : i32 to index
          %parallel_loop3A_590 = arith.constant 80 : index
          %parallel_loop3A_591 = tpu.vector_load %arg11[%parallel_loop3A_589, %parallel_loop3A_590] {strides = array<i32>} : memref<128x128xf32, #tpu.memory_space<vmem>>, vector<16xf32>,
          %parallel_loop3A_592 = arith.mulf %parallel_loop3A_591, %parallel_loop3A_549 : vector<16xf32>
          %parallel_loop3A_593 = arith.index_cast %parallel_loop3A_553 : i32 to index
          %parallel_loop3A_594 = arith.constant 80 : index
          %parallel_loop3A_595 = tpu.vector_load %arg11[%parallel_loop3A_593, %parallel_loop3A_594] {strides = array<i32>} : memref<128x128xf32, #tpu.memory_space<vmem>>, vector<16xf32>,
          tpu.vector_store %arg11[%parallel_loop3A_593, %parallel_loop3A_594], %parallel_loop3A_592 {strides = array<i32>} : memref<128x128xf32, #tpu.memory_space<vmem>>, vector<16xf32>,
          %parallel_loop3A_596 = arith.index_cast %parallel_loop3A_553 : i32 to index
          %parallel_loop3A_597 = arith.constant 96 : index
          %parallel_loop3A_598 = tpu.vector_load %arg11[%parallel_loop3A_596, %parallel_loop3A_597] {strides = array<i32>} : memref<128x128xf32, #tpu.memory_space<vmem>>, vector<16xf32>,
          %parallel_loop3A_599 = arith.mulf %parallel_loop3A_598, %parallel_loop3A_549 : vector<16xf32>
          %parallel_loop3A_600 = arith.index_cast %parallel_loop3A_553 : i32 to index
          %parallel_loop3A_601 = arith.constant 96 : index
          %parallel_loop3A_602 = tpu.vector_load %arg11[%parallel_loop3A_600, %parallel_loop3A_601] {strides = array<i32>} : memref<128x128xf32, #tpu.memory_space<vmem>>, vector<16xf32>,
          tpu.vector_store %arg11[%parallel_loop3A_600, %parallel_loop3A_601], %parallel_loop3A_599 {strides = array<i32>} : memref<128x128xf32, #tpu.memory_space<vmem>>, vector<16xf32>,
          %parallel_loop3A_603 = arith.constant 9 : i32
          %parallel_loop3A_604 = vector.broadcast %parallel_loop3A_603 : i32 to vector<16x1xi32>
          %parallel_loop3A_605 = vector.shape_cast %parallel_loop3A_604 : vector<16x1xi32> to vector<16xi32>
          %parallel_loop3A_606 = tpu.dynamic_gather %parallel_loop3A_89[%parallel_loop3A_605] in [0] : vector<16xf32>, vector<16xi32> -> vector<16xf32>
          %parallel_loop3A_607 = arith.constant 16 : i32
          %parallel_loop3A_608 = arith.muli %parallel_loop3A_84, %parallel_loop3A_607 : i32
          %parallel_loop3A_609 = arith.constant 9 : i32
          %parallel_loop3A_610 = arith.addi %parallel_loop3A_608, %parallel_loop3A_609 : i32
          %parallel_loop3A_611 = arith.index_cast %parallel_loop3A_610 : i32 to index
          %parallel_loop3A_612 = arith.constant 0 : index
          %parallel_loop3A_613 = tpu.vector_load %arg11[%parallel_loop3A_611, %parallel_loop3A_612] {strides = array<i32>} : memref<128x128xf32, #tpu.memory_space<vmem>>, vector<16xf32>,
          %parallel_loop3A_614 = arith.mulf %parallel_loop3A_613, %parallel_loop3A_606 : vector<16xf32>
          %parallel_loop3A_615 = arith.index_cast %parallel_loop3A_610 : i32 to index
          %parallel_loop3A_616 = arith.constant 0 : index
          %parallel_loop3A_617 = tpu.vector_load %arg11[%parallel_loop3A_615, %parallel_loop3A_616] {strides = array<i32>} : memref<128x128xf32, #tpu.memory_space<vmem>>, vector<16xf32>,
          tpu.vector_store %arg11[%parallel_loop3A_615, %parallel_loop3A_616], %parallel_loop3A_614 {strides = array<i32>} : memref<128x128xf32, #tpu.memory_space<vmem>>, vector<16xf32>,
          %parallel_loop3A_618 = arith.index_cast %parallel_loop3A_610 : i32 to index
          %parallel_loop3A_619 = arith.constant 16 : index
          %parallel_loop3A_620 = tpu.vector_load %arg11[%parallel_loop3A_618, %parallel_loop3A_619] {strides = array<i32>} : memref<128x128xf32, #tpu.memory_space<vmem>>, vector<16xf32>,
          %parallel_loop3A_621 = arith.mulf %parallel_loop3A_620, %parallel_loop3A_606 : vector<16xf32>
          %parallel_loop3A_622 = arith.index_cast %parallel_loop3A_610 : i32 to index
          %parallel_loop3A_623 = arith.constant 16 : index
          %parallel_loop3A_624 = tpu.vector_load %arg11[%parallel_loop3A_622, %parallel_loop3A_623] {strides = array<i32>} : memref<128x128xf32, #tpu.memory_space<vmem>>, vector<16xf32>,
          tpu.vector_store %arg11[%parallel_loop3A_622, %parallel_loop3A_623], %parallel_loop3A_621 {strides = array<i32>} : memref<128x128xf32, #tpu.memory_space<vmem>>, vector<16xf32>,
          %parallel_loop3A_625 = arith.index_cast %parallel_loop3A_610 : i32 to index
          %parallel_loop3A_626 = arith.constant 32 : index
          %parallel_loop3A_627 = tpu.vector_load %arg11[%parallel_loop3A_625, %parallel_loop3A_626] {strides = array<i32>} : memref<128x128xf32, #tpu.memory_space<vmem>>, vector<16xf32>,
          %parallel_loop3A_628 = arith.mulf %parallel_loop3A_627, %parallel_loop3A_606 : vector<16xf32>
          %parallel_loop3A_629 = arith.index_cast %parallel_loop3A_610 : i32 to index
          %parallel_loop3A_630 = arith.constant 32 : index
          %parallel_loop3A_631 = tpu.vector_load %arg11[%parallel_loop3A_629, %parallel_loop3A_630] {strides = array<i32>} : memref<128x128xf32, #tpu.memory_space<vmem>>, vector<16xf32>,
          tpu.vector_store %arg11[%parallel_loop3A_629, %parallel_loop3A_630], %parallel_loop3A_628 {strides = array<i32>} : memref<128x128xf32, #tpu.memory_space<vmem>>, vector<16xf32>,
          %parallel_loop3A_632 = arith.index_cast %parallel_loop3A_610 : i32 to index
          %parallel_loop3A_633 = arith.constant 48 : index
          %parallel_loop3A_634 = tpu.vector_load %arg11[%parallel_loop3A_632, %parallel_loop3A_633] {strides = array<i32>} : memref<128x128xf32, #tpu.memory_space<vmem>>, vector<16xf32>,
          %parallel_loop3A_635 = arith.mulf %parallel_loop3A_634, %parallel_loop3A_606 : vector<16xf32>
          %parallel_loop3A_636 = arith.index_cast %parallel_loop3A_610 : i32 to index
          %parallel_loop3A_637 = arith.constant 48 : index
          %parallel_loop3A_638 = tpu.vector_load %arg11[%parallel_loop3A_636, %parallel_loop3A_637] {strides = array<i32>} : memref<128x128xf32, #tpu.memory_space<vmem>>, vector<16xf32>,
          tpu.vector_store %arg11[%parallel_loop3A_636, %parallel_loop3A_637], %parallel_loop3A_635 {strides = array<i32>} : memref<128x128xf32, #tpu.memory_space<vmem>>, vector<16xf32>,
          %parallel_loop3A_639 = arith.index_cast %parallel_loop3A_610 : i32 to index
          %parallel_loop3A_640 = arith.constant 64 : index
          %parallel_loop3A_641 = tpu.vector_load %arg11[%parallel_loop3A_639, %parallel_loop3A_640] {strides = array<i32>} : memref<128x128xf32, #tpu.memory_space<vmem>>, vector<16xf32>,
          %parallel_loop3A_642 = arith.mulf %parallel_loop3A_641, %parallel_loop3A_606 : vector<16xf32>
          %parallel_loop3A_643 = arith.index_cast %parallel_loop3A_610 : i32 to index
          %parallel_loop3A_644 = arith.constant 64 : index
          %parallel_loop3A_645 = tpu.vector_load %arg11[%parallel_loop3A_643, %parallel_loop3A_644] {strides = array<i32>} : memref<128x128xf32, #tpu.memory_space<vmem>>, vector<16xf32>,
          tpu.vector_store %arg11[%parallel_loop3A_643, %parallel_loop3A_644], %parallel_loop3A_642 {strides = array<i32>} : memref<128x128xf32, #tpu.memory_space<vmem>>, vector<16xf32>,
          %parallel_loop3A_646 = arith.index_cast %parallel_loop3A_610 : i32 to index
          %parallel_loop3A_647 = arith.constant 80 : index
          %parallel_loop3A_648 = tpu.vector_load %arg11[%parallel_loop3A_646, %parallel_loop3A_647] {strides = array<i32>} : memref<128x128xf32, #tpu.memory_space<vmem>>, vector<16xf32>,
          %parallel_loop3A_649 = arith.mulf %parallel_loop3A_648, %parallel_loop3A_606 : vector<16xf32>
          %parallel_loop3A_650 = arith.index_cast %parallel_loop3A_610 : i32 to index
          %parallel_loop3A_651 = arith.constant 80 : index
          %parallel_loop3A_652 = tpu.vector_load %arg11[%parallel_loop3A_650, %parallel_loop3A_651] {strides = array<i32>} : memref<128x128xf32, #tpu.memory_space<vmem>>, vector<16xf32>,
          tpu.vector_store %arg11[%parallel_loop3A_650, %parallel_loop3A_651], %parallel_loop3A_649 {strides = array<i32>} : memref<128x128xf32, #tpu.memory_space<vmem>>, vector<16xf32>,
          %parallel_loop3A_653 = arith.index_cast %parallel_loop3A_610 : i32 to index
          %parallel_loop3A_654 = arith.constant 96 : index
          %parallel_loop3A_655 = tpu.vector_load %arg11[%parallel_loop3A_653, %parallel_loop3A_654] {strides = array<i32>} : memref<128x128xf32, #tpu.memory_space<vmem>>, vector<16xf32>,
          %parallel_loop3A_656 = arith.mulf %parallel_loop3A_655, %parallel_loop3A_606 : vector<16xf32>
          %parallel_loop3A_657 = arith.index_cast %parallel_loop3A_610 : i32 to index
          %parallel_loop3A_658 = arith.constant 96 : index
          %parallel_loop3A_659 = tpu.vector_load %arg11[%parallel_loop3A_657, %parallel_loop3A_658] {strides = array<i32>} : memref<128x128xf32, #tpu.memory_space<vmem>>, vector<16xf32>,
          tpu.vector_store %arg11[%parallel_loop3A_657, %parallel_loop3A_658], %parallel_loop3A_656 {strides = array<i32>} : memref<128x128xf32, #tpu.memory_space<vmem>>, vector<16xf32>,
          %parallel_loop3A_660 = arith.constant 10 : i32
          %parallel_loop3A_661 = vector.broadcast %parallel_loop3A_660 : i32 to vector<16x1xi32>
          %parallel_loop3A_662 = vector.shape_cast %parallel_loop3A_661 : vector<16x1xi32> to vector<16xi32>
          %parallel_loop3A_663 = tpu.dynamic_gather %parallel_loop3A_89[%parallel_loop3A_662] in [0] : vector<16xf32>, vector<16xi32> -> vector<16xf32>
          %parallel_loop3A_664 = arith.constant 16 : i32
          %parallel_loop3A_665 = arith.muli %parallel_loop3A_84, %parallel_loop3A_664 : i32
          %parallel_loop3A_666 = arith.constant 10 : i32
          %parallel_loop3A_667 = arith.addi %parallel_loop3A_665, %parallel_loop3A_666 : i32
          %parallel_loop3A_668 = arith.index_cast %parallel_loop3A_667 : i32 to index
          %parallel_loop3A_669 = arith.constant 0 : index
          %parallel_loop3A_670 = tpu.vector_load %arg11[%parallel_loop3A_668, %parallel_loop3A_669] {strides = array<i32>} : memref<128x128xf32, #tpu.memory_space<vmem>>, vector<16xf32>,
          %parallel_loop3A_671 = arith.mulf %parallel_loop3A_670, %parallel_loop3A_663 : vector<16xf32>
          %parallel_loop3A_672 = arith.index_cast %parallel_loop3A_667 : i32 to index
          %parallel_loop3A_673 = arith.constant 0 : index
          %parallel_loop3A_674 = tpu.vector_load %arg11[%parallel_loop3A_672, %parallel_loop3A_673] {strides = array<i32>} : memref<128x128xf32, #tpu.memory_space<vmem>>, vector<16xf32>,
          tpu.vector_store %arg11[%parallel_loop3A_672, %parallel_loop3A_673], %parallel_loop3A_671 {strides = array<i32>} : memref<128x128xf32, #tpu.memory_space<vmem>>, vector<16xf32>,
          %parallel_loop3A_675 = arith.index_cast %parallel_loop3A_667 : i32 to index
          %parallel_loop3A_676 = arith.constant 16 : index
          %parallel_loop3A_677 = tpu.vector_load %arg11[%parallel_loop3A_675, %parallel_loop3A_676] {strides = array<i32>} : memref<128x128xf32, #tpu.memory_space<vmem>>, vector<16xf32>,
          %parallel_loop3A_678 = arith.mulf %parallel_loop3A_677, %parallel_loop3A_663 : vector<16xf32>
          %parallel_loop3A_679 = arith.index_cast %parallel_loop3A_667 : i32 to index
          %parallel_loop3A_680 = arith.constant 16 : index
          %parallel_loop3A_681 = tpu.vector_load %arg11[%parallel_loop3A_679, %parallel_loop3A_680] {strides = array<i32>} : memref<128x128xf32, #tpu.memory_space<vmem>>, vector<16xf32>,
          tpu.vector_store %arg11[%parallel_loop3A_679, %parallel_loop3A_680], %parallel_loop3A_678 {strides = array<i32>} : memref<128x128xf32, #tpu.memory_space<vmem>>, vector<16xf32>,
          %parallel_loop3A_682 = arith.index_cast %parallel_loop3A_667 : i32 to index
          %parallel_loop3A_683 = arith.constant 32 : index
          %parallel_loop3A_684 = tpu.vector_load %arg11[%parallel_loop3A_682, %parallel_loop3A_683] {strides = array<i32>} : memref<128x128xf32, #tpu.memory_space<vmem>>, vector<16xf32>,
          %parallel_loop3A_685 = arith.mulf %parallel_loop3A_684, %parallel_loop3A_663 : vector<16xf32>
          %parallel_loop3A_686 = arith.index_cast %parallel_loop3A_667 : i32 to index
          %parallel_loop3A_687 = arith.constant 32 : index
          %parallel_loop3A_688 = tpu.vector_load %arg11[%parallel_loop3A_686, %parallel_loop3A_687] {strides = array<i32>} : memref<128x128xf32, #tpu.memory_space<vmem>>, vector<16xf32>,
          tpu.vector_store %arg11[%parallel_loop3A_686, %parallel_loop3A_687], %parallel_loop3A_685 {strides = array<i32>} : memref<128x128xf32, #tpu.memory_space<vmem>>, vector<16xf32>,
          %parallel_loop3A_689 = arith.index_cast %parallel_loop3A_667 : i32 to index
          %parallel_loop3A_690 = arith.constant 48 : index
          %parallel_loop3A_691 = tpu.vector_load %arg11[%parallel_loop3A_689, %parallel_loop3A_690] {strides = array<i32>} : memref<128x128xf32, #tpu.memory_space<vmem>>, vector<16xf32>,
          %parallel_loop3A_692 = arith.mulf %parallel_loop3A_691, %parallel_loop3A_663 : vector<16xf32>
          %parallel_loop3A_693 = arith.index_cast %parallel_loop3A_667 : i32 to index
          %parallel_loop3A_694 = arith.constant 48 : index
          %parallel_loop3A_695 = tpu.vector_load %arg11[%parallel_loop3A_693, %parallel_loop3A_694] {strides = array<i32>} : memref<128x128xf32, #tpu.memory_space<vmem>>, vector<16xf32>,
          tpu.vector_store %arg11[%parallel_loop3A_693, %parallel_loop3A_694], %parallel_loop3A_692 {strides = array<i32>} : memref<128x128xf32, #tpu.memory_space<vmem>>, vector<16xf32>,
          %parallel_loop3A_696 = arith.index_cast %parallel_loop3A_667 : i32 to index
          %parallel_loop3A_697 = arith.constant 64 : index
          %parallel_loop3A_698 = tpu.vector_load %arg11[%parallel_loop3A_696, %parallel_loop3A_697] {strides = array<i32>} : memref<128x128xf32, #tpu.memory_space<vmem>>, vector<16xf32>,
          %parallel_loop3A_699 = arith.mulf %parallel_loop3A_698, %parallel_loop3A_663 : vector<16xf32>
          %parallel_loop3A_700 = arith.index_cast %parallel_loop3A_667 : i32 to index
          %parallel_loop3A_701 = arith.constant 64 : index
          %parallel_loop3A_702 = tpu.vector_load %arg11[%parallel_loop3A_700, %parallel_loop3A_701] {strides = array<i32>} : memref<128x128xf32, #tpu.memory_space<vmem>>, vector<16xf32>,
          tpu.vector_store %arg11[%parallel_loop3A_700, %parallel_loop3A_701], %parallel_loop3A_699 {strides = array<i32>} : memref<128x128xf32, #tpu.memory_space<vmem>>, vector<16xf32>,
          %parallel_loop3A_703 = arith.index_cast %parallel_loop3A_667 : i32 to index
          %parallel_loop3A_704 = arith.constant 80 : index
          %parallel_loop3A_705 = tpu.vector_load %arg11[%parallel_loop3A_703, %parallel_loop3A_704] {strides = array<i32>} : memref<128x128xf32, #tpu.memory_space<vmem>>, vector<16xf32>,
          %parallel_loop3A_706 = arith.mulf %parallel_loop3A_705, %parallel_loop3A_663 : vector<16xf32>
          %parallel_loop3A_707 = arith.index_cast %parallel_loop3A_667 : i32 to index
          %parallel_loop3A_708 = arith.constant 80 : index
          %parallel_loop3A_709 = tpu.vector_load %arg11[%parallel_loop3A_707, %parallel_loop3A_708] {strides = array<i32>} : memref<128x128xf32, #tpu.memory_space<vmem>>, vector<16xf32>,
          tpu.vector_store %arg11[%parallel_loop3A_707, %parallel_loop3A_708], %parallel_loop3A_706 {strides = array<i32>} : memref<128x128xf32, #tpu.memory_space<vmem>>, vector<16xf32>,
          %parallel_loop3A_710 = arith.index_cast %parallel_loop3A_667 : i32 to index
          %parallel_loop3A_711 = arith.constant 96 : index
          %parallel_loop3A_712 = tpu.vector_load %arg11[%parallel_loop3A_710, %parallel_loop3A_711] {strides = array<i32>} : memref<128x128xf32, #tpu.memory_space<vmem>>, vector<16xf32>,
          %parallel_loop3A_713 = arith.mulf %parallel_loop3A_712, %parallel_loop3A_663 : vector<16xf32>
          %parallel_loop3A_714 = arith.index_cast %parallel_loop3A_667 : i32 to index
          %parallel_loop3A_715 = arith.constant 96 : index
          %parallel_loop3A_716 = tpu.vector_load %arg11[%parallel_loop3A_714, %parallel_loop3A_715] {strides = array<i32>} : memref<128x128xf32, #tpu.memory_space<vmem>>, vector<16xf32>,
          tpu.vector_store %arg11[%parallel_loop3A_714, %parallel_loop3A_715], %parallel_loop3A_713 {strides = array<i32>} : memref<128x128xf32, #tpu.memory_space<vmem>>, vector<16xf32>,
          %parallel_loop3A_717 = arith.constant 11 : i32
          %parallel_loop3A_718 = vector.broadcast %parallel_loop3A_717 : i32 to vector<16x1xi32>
          %parallel_loop3A_719 = vector.shape_cast %parallel_loop3A_718 : vector<16x1xi32> to vector<16xi32>
          %parallel_loop3A_720 = tpu.dynamic_gather %parallel_loop3A_89[%parallel_loop3A_719] in [0] : vector<16xf32>, vector<16xi32> -> vector<16xf32>
          %parallel_loop3A_721 = arith.constant 16 : i32
          %parallel_loop3A_722 = arith.muli %parallel_loop3A_84, %parallel_loop3A_721 : i32
          %parallel_loop3A_723 = arith.constant 11 : i32
          %parallel_loop3A_724 = arith.addi %parallel_loop3A_722, %parallel_loop3A_723 : i32
          %parallel_loop3A_725 = arith.index_cast %parallel_loop3A_724 : i32 to index
          %parallel_loop3A_726 = arith.constant 0 : index
          %parallel_loop3A_727 = tpu.vector_load %arg11[%parallel_loop3A_725, %parallel_loop3A_726] {strides = array<i32>} : memref<128x128xf32, #tpu.memory_space<vmem>>, vector<16xf32>,
          %parallel_loop3A_728 = arith.mulf %parallel_loop3A_727, %parallel_loop3A_720 : vector<16xf32>
          %parallel_loop3A_729 = arith.index_cast %parallel_loop3A_724 : i32 to index
          %parallel_loop3A_730 = arith.constant 0 : index
          %parallel_loop3A_731 = tpu.vector_load %arg11[%parallel_loop3A_729, %parallel_loop3A_730] {strides = array<i32>} : memref<128x128xf32, #tpu.memory_space<vmem>>, vector<16xf32>,
          tpu.vector_store %arg11[%parallel_loop3A_729, %parallel_loop3A_730], %parallel_loop3A_728 {strides = array<i32>} : memref<128x128xf32, #tpu.memory_space<vmem>>, vector<16xf32>,
          %parallel_loop3A_732 = arith.index_cast %parallel_loop3A_724 : i32 to index
          %parallel_loop3A_733 = arith.constant 16 : index
          %parallel_loop3A_734 = tpu.vector_load %arg11[%parallel_loop3A_732, %parallel_loop3A_733] {strides = array<i32>} : memref<128x128xf32, #tpu.memory_space<vmem>>, vector<16xf32>,
          %parallel_loop3A_735 = arith.mulf %parallel_loop3A_734, %parallel_loop3A_720 : vector<16xf32>
          %parallel_loop3A_736 = arith.index_cast %parallel_loop3A_724 : i32 to index
          %parallel_loop3A_737 = arith.constant 16 : index
          %parallel_loop3A_738 = tpu.vector_load %arg11[%parallel_loop3A_736, %parallel_loop3A_737] {strides = array<i32>} : memref<128x128xf32, #tpu.memory_space<vmem>>, vector<16xf32>,
          tpu.vector_store %arg11[%parallel_loop3A_736, %parallel_loop3A_737], %parallel_loop3A_735 {strides = array<i32>} : memref<128x128xf32, #tpu.memory_space<vmem>>, vector<16xf32>,
          %parallel_loop3A_739 = arith.index_cast %parallel_loop3A_724 : i32 to index
          %parallel_loop3A_740 = arith.constant 32 : index
          %parallel_loop3A_741 = tpu.vector_load %arg11[%parallel_loop3A_739, %parallel_loop3A_740] {strides = array<i32>} : memref<128x128xf32, #tpu.memory_space<vmem>>, vector<16xf32>,
          %parallel_loop3A_742 = arith.mulf %parallel_loop3A_741, %parallel_loop3A_720 : vector<16xf32>
          %parallel_loop3A_743 = arith.index_cast %parallel_loop3A_724 : i32 to index
          %parallel_loop3A_744 = arith.constant 32 : index
          %parallel_loop3A_745 = tpu.vector_load %arg11[%parallel_loop3A_743, %parallel_loop3A_744] {strides = array<i32>} : memref<128x128xf32, #tpu.memory_space<vmem>>, vector<16xf32>,
          tpu.vector_store %arg11[%parallel_loop3A_743, %parallel_loop3A_744], %parallel_loop3A_742 {strides = array<i32>} : memref<128x128xf32, #tpu.memory_space<vmem>>, vector<16xf32>,
          %parallel_loop3A_746 = arith.index_cast %parallel_loop3A_724 : i32 to index
          %parallel_loop3A_747 = arith.constant 48 : index
          %parallel_loop3A_748 = tpu.vector_load %arg11[%parallel_loop3A_746, %parallel_loop3A_747] {strides = array<i32>} : memref<128x128xf32, #tpu.memory_space<vmem>>, vector<16xf32>,
          %parallel_loop3A_749 = arith.mulf %parallel_loop3A_748, %parallel_loop3A_720 : vector<16xf32>
          %parallel_loop3A_750 = arith.index_cast %parallel_loop3A_724 : i32 to index
          %parallel_loop3A_751 = arith.constant 48 : index
          %parallel_loop3A_752 = tpu.vector_load %arg11[%parallel_loop3A_750, %parallel_loop3A_751] {strides = array<i32>} : memref<128x128xf32, #tpu.memory_space<vmem>>, vector<16xf32>,
          tpu.vector_store %arg11[%parallel_loop3A_750, %parallel_loop3A_751], %parallel_loop3A_749 {strides = array<i32>} : memref<128x128xf32, #tpu.memory_space<vmem>>, vector<16xf32>,
          %parallel_loop3A_753 = arith.index_cast %parallel_loop3A_724 : i32 to index
          %parallel_loop3A_754 = arith.constant 64 : index
          %parallel_loop3A_755 = tpu.vector_load %arg11[%parallel_loop3A_753, %parallel_loop3A_754] {strides = array<i32>} : memref<128x128xf32, #tpu.memory_space<vmem>>, vector<16xf32>,
          %parallel_loop3A_756 = arith.mulf %parallel_loop3A_755, %parallel_loop3A_720 : vector<16xf32>
          %parallel_loop3A_757 = arith.index_cast %parallel_loop3A_724 : i32 to index
          %parallel_loop3A_758 = arith.constant 64 : index
          %parallel_loop3A_759 = tpu.vector_load %arg11[%parallel_loop3A_757, %parallel_loop3A_758] {strides = array<i32>} : memref<128x128xf32, #tpu.memory_space<vmem>>, vector<16xf32>,
          tpu.vector_store %arg11[%parallel_loop3A_757, %parallel_loop3A_758], %parallel_loop3A_756 {strides = array<i32>} : memref<128x128xf32, #tpu.memory_space<vmem>>, vector<16xf32>,
          %parallel_loop3A_760 = arith.index_cast %parallel_loop3A_724 : i32 to index
          %parallel_loop3A_761 = arith.constant 80 : index
          %parallel_loop3A_762 = tpu.vector_load %arg11[%parallel_loop3A_760, %parallel_loop3A_761] {strides = array<i32>} : memref<128x128xf32, #tpu.memory_space<vmem>>, vector<16xf32>,
          %parallel_loop3A_763 = arith.mulf %parallel_loop3A_762, %parallel_loop3A_720 : vector<16xf32>
          %parallel_loop3A_764 = arith.index_cast %parallel_loop3A_724 : i32 to index
          %parallel_loop3A_765 = arith.constant 80 : index
          %parallel_loop3A_766 = tpu.vector_load %arg11[%parallel_loop3A_764, %parallel_loop3A_765] {strides = array<i32>} : memref<128x128xf32, #tpu.memory_space<vmem>>, vector<16xf32>,
          tpu.vector_store %arg11[%parallel_loop3A_764, %parallel_loop3A_765], %parallel_loop3A_763 {strides = array<i32>} : memref<128x128xf32, #tpu.memory_space<vmem>>, vector<16xf32>,
          %parallel_loop3A_767 = arith.index_cast %parallel_loop3A_724 : i32 to index
          %parallel_loop3A_768 = arith.constant 96 : index
          %parallel_loop3A_769 = tpu.vector_load %arg11[%parallel_loop3A_767, %parallel_loop3A_768] {strides = array<i32>} : memref<128x128xf32, #tpu.memory_space<vmem>>, vector<16xf32>,
          %parallel_loop3A_770 = arith.mulf %parallel_loop3A_769, %parallel_loop3A_720 : vector<16xf32>
          %parallel_loop3A_771 = arith.index_cast %parallel_loop3A_724 : i32 to index
          %parallel_loop3A_772 = arith.constant 96 : index
          %parallel_loop3A_773 = tpu.vector_load %arg11[%parallel_loop3A_771, %parallel_loop3A_772] {strides = array<i32>} : memref<128x128xf32, #tpu.memory_space<vmem>>, vector<16xf32>,
          tpu.vector_store %arg11[%parallel_loop3A_771, %parallel_loop3A_772], %parallel_loop3A_770 {strides = array<i32>} : memref<128x128xf32, #tpu.memory_space<vmem>>, vector<16xf32>,
          %parallel_loop3A_774 = arith.constant 12 : i32
          %parallel_loop3A_775 = vector.broadcast %parallel_loop3A_774 : i32 to vector<16x1xi32>
          %parallel_loop3A_776 = vector.shape_cast %parallel_loop3A_775 : vector<16x1xi32> to vector<16xi32>
          %parallel_loop3A_777 = tpu.dynamic_gather %parallel_loop3A_89[%parallel_loop3A_776] in [0] : vector<16xf32>, vector<16xi32> -> vector<16xf32>
          %parallel_loop3A_778 = arith.constant 16 : i32
          %parallel_loop3A_779 = arith.muli %parallel_loop3A_84, %parallel_loop3A_778 : i32
          %parallel_loop3A_780 = arith.constant 12 : i32
          %parallel_loop3A_781 = arith.addi %parallel_loop3A_779, %parallel_loop3A_780 : i32
          %parallel_loop3A_782 = arith.index_cast %parallel_loop3A_781 : i32 to index
          %parallel_loop3A_783 = arith.constant 0 : index
          %parallel_loop3A_784 = tpu.vector_load %arg11[%parallel_loop3A_782, %parallel_loop3A_783] {strides = array<i32>} : memref<128x128xf32, #tpu.memory_space<vmem>>, vector<16xf32>,
          %parallel_loop3A_785 = arith.mulf %parallel_loop3A_784, %parallel_loop3A_777 : vector<16xf32>
          %parallel_loop3A_786 = arith.index_cast %parallel_loop3A_781 : i32 to index
          %parallel_loop3A_787 = arith.constant 0 : index
          %parallel_loop3A_788 = tpu.vector_load %arg11[%parallel_loop3A_786, %parallel_loop3A_787] {strides = array<i32>} : memref<128x128xf32, #tpu.memory_space<vmem>>, vector<16xf32>,
          tpu.vector_store %arg11[%parallel_loop3A_786, %parallel_loop3A_787], %parallel_loop3A_785 {strides = array<i32>} : memref<128x128xf32, #tpu.memory_space<vmem>>, vector<16xf32>,
          %parallel_loop3A_789 = arith.index_cast %parallel_loop3A_781 : i32 to index
          %parallel_loop3A_790 = arith.constant 16 : index
          %parallel_loop3A_791 = tpu.vector_load %arg11[%parallel_loop3A_789, %parallel_loop3A_790] {strides = array<i32>} : memref<128x128xf32, #tpu.memory_space<vmem>>, vector<16xf32>,
          %parallel_loop3A_792 = arith.mulf %parallel_loop3A_791, %parallel_loop3A_777 : vector<16xf32>
          %parallel_loop3A_793 = arith.index_cast %parallel_loop3A_781 : i32 to index
          %parallel_loop3A_794 = arith.constant 16 : index
          %parallel_loop3A_795 = tpu.vector_load %arg11[%parallel_loop3A_793, %parallel_loop3A_794] {strides = array<i32>} : memref<128x128xf32, #tpu.memory_space<vmem>>, vector<16xf32>,
          tpu.vector_store %arg11[%parallel_loop3A_793, %parallel_loop3A_794], %parallel_loop3A_792 {strides = array<i32>} : memref<128x128xf32, #tpu.memory_space<vmem>>, vector<16xf32>,
          %parallel_loop3A_796 = arith.index_cast %parallel_loop3A_781 : i32 to index
          %parallel_loop3A_797 = arith.constant 32 : index
          %parallel_loop3A_798 = tpu.vector_load %arg11[%parallel_loop3A_796, %parallel_loop3A_797] {strides = array<i32>} : memref<128x128xf32, #tpu.memory_space<vmem>>, vector<16xf32>,
          %parallel_loop3A_799 = arith.mulf %parallel_loop3A_798, %parallel_loop3A_777 : vector<16xf32>
          %parallel_loop3A_800 = arith.index_cast %parallel_loop3A_781 : i32 to index
          %parallel_loop3A_801 = arith.constant 32 : index
          %parallel_loop3A_802 = tpu.vector_load %arg11[%parallel_loop3A_800, %parallel_loop3A_801] {strides = array<i32>} : memref<128x128xf32, #tpu.memory_space<vmem>>, vector<16xf32>,
          tpu.vector_store %arg11[%parallel_loop3A_800, %parallel_loop3A_801], %parallel_loop3A_799 {strides = array<i32>} : memref<128x128xf32, #tpu.memory_space<vmem>>, vector<16xf32>,
          %parallel_loop3A_803 = arith.index_cast %parallel_loop3A_781 : i32 to index
          %parallel_loop3A_804 = arith.constant 48 : index
          %parallel_loop3A_805 = tpu.vector_load %arg11[%parallel_loop3A_803, %parallel_loop3A_804] {strides = array<i32>} : memref<128x128xf32, #tpu.memory_space<vmem>>, vector<16xf32>,
          %parallel_loop3A_806 = arith.mulf %parallel_loop3A_805, %parallel_loop3A_777 : vector<16xf32>
          %parallel_loop3A_807 = arith.index_cast %parallel_loop3A_781 : i32 to index
          %parallel_loop3A_808 = arith.constant 48 : index
          %parallel_loop3A_809 = tpu.vector_load %arg11[%parallel_loop3A_807, %parallel_loop3A_808] {strides = array<i32>} : memref<128x128xf32, #tpu.memory_space<vmem>>, vector<16xf32>,
          tpu.vector_store %arg11[%parallel_loop3A_807, %parallel_loop3A_808], %parallel_loop3A_806 {strides = array<i32>} : memref<128x128xf32, #tpu.memory_space<vmem>>, vector<16xf32>,
          %parallel_loop3A_810 = arith.index_cast %parallel_loop3A_781 : i32 to index
          %parallel_loop3A_811 = arith.constant 64 : index
          %parallel_loop3A_812 = tpu.vector_load %arg11[%parallel_loop3A_810, %parallel_loop3A_811] {strides = array<i32>} : memref<128x128xf32, #tpu.memory_space<vmem>>, vector<16xf32>,
          %parallel_loop3A_813 = arith.mulf %parallel_loop3A_812, %parallel_loop3A_777 : vector<16xf32>
          %parallel_loop3A_814 = arith.index_cast %parallel_loop3A_781 : i32 to index
          %parallel_loop3A_815 = arith.constant 64 : index
          %parallel_loop3A_816 = tpu.vector_load %arg11[%parallel_loop3A_814, %parallel_loop3A_815] {strides = array<i32>} : memref<128x128xf32, #tpu.memory_space<vmem>>, vector<16xf32>,
          tpu.vector_store %arg11[%parallel_loop3A_814, %parallel_loop3A_815], %parallel_loop3A_813 {strides = array<i32>} : memref<128x128xf32, #tpu.memory_space<vmem>>, vector<16xf32>,
          %parallel_loop3A_817 = arith.index_cast %parallel_loop3A_781 : i32 to index
          %parallel_loop3A_818 = arith.constant 80 : index
          %parallel_loop3A_819 = tpu.vector_load %arg11[%parallel_loop3A_817, %parallel_loop3A_818] {strides = array<i32>} : memref<128x128xf32, #tpu.memory_space<vmem>>, vector<16xf32>,
          %parallel_loop3A_820 = arith.mulf %parallel_loop3A_819, %parallel_loop3A_777 : vector<16xf32>
          %parallel_loop3A_821 = arith.index_cast %parallel_loop3A_781 : i32 to index
          %parallel_loop3A_822 = arith.constant 80 : index
          %parallel_loop3A_823 = tpu.vector_load %arg11[%parallel_loop3A_821, %parallel_loop3A_822] {strides = array<i32>} : memref<128x128xf32, #tpu.memory_space<vmem>>, vector<16xf32>,
          tpu.vector_store %arg11[%parallel_loop3A_821, %parallel_loop3A_822], %parallel_loop3A_820 {strides = array<i32>} : memref<128x128xf32, #tpu.memory_space<vmem>>, vector<16xf32>,
          %parallel_loop3A_824 = arith.index_cast %parallel_loop3A_781 : i32 to index
          %parallel_loop3A_825 = arith.constant 96 : index
          %parallel_loop3A_826 = tpu.vector_load %arg11[%parallel_loop3A_824, %parallel_loop3A_825] {strides = array<i32>} : memref<128x128xf32, #tpu.memory_space<vmem>>, vector<16xf32>,
          %parallel_loop3A_827 = arith.mulf %parallel_loop3A_826, %parallel_loop3A_777 : vector<16xf32>
          %parallel_loop3A_828 = arith.index_cast %parallel_loop3A_781 : i32 to index
          %parallel_loop3A_829 = arith.constant 96 : index
          %parallel_loop3A_830 = tpu.vector_load %arg11[%parallel_loop3A_828, %parallel_loop3A_829] {strides = array<i32>} : memref<128x128xf32, #tpu.memory_space<vmem>>, vector<16xf32>,
          tpu.vector_store %arg11[%parallel_loop3A_828, %parallel_loop3A_829], %parallel_loop3A_827 {strides = array<i32>} : memref<128x128xf32, #tpu.memory_space<vmem>>, vector<16xf32>,
          %parallel_loop3A_831 = arith.constant 13 : i32
          %parallel_loop3A_832 = vector.broadcast %parallel_loop3A_831 : i32 to vector<16x1xi32>
          %parallel_loop3A_833 = vector.shape_cast %parallel_loop3A_832 : vector<16x1xi32> to vector<16xi32>
          %parallel_loop3A_834 = tpu.dynamic_gather %parallel_loop3A_89[%parallel_loop3A_833] in [0] : vector<16xf32>, vector<16xi32> -> vector<16xf32>
          %parallel_loop3A_835 = arith.constant 16 : i32
          %parallel_loop3A_836 = arith.muli %parallel_loop3A_84, %parallel_loop3A_835 : i32
          %parallel_loop3A_837 = arith.constant 13 : i32
          %parallel_loop3A_838 = arith.addi %parallel_loop3A_836, %parallel_loop3A_837 : i32
          %parallel_loop3A_839 = arith.index_cast %parallel_loop3A_838 : i32 to index
          %parallel_loop3A_840 = arith.constant 0 : index
          %parallel_loop3A_841 = tpu.vector_load %arg11[%parallel_loop3A_839, %parallel_loop3A_840] {strides = array<i32>} : memref<128x128xf32, #tpu.memory_space<vmem>>, vector<16xf32>,
          %parallel_loop3A_842 = arith.mulf %parallel_loop3A_841, %parallel_loop3A_834 : vector<16xf32>
          %parallel_loop3A_843 = arith.index_cast %parallel_loop3A_838 : i32 to index
          %parallel_loop3A_844 = arith.constant 0 : index
          %parallel_loop3A_845 = tpu.vector_load %arg11[%parallel_loop3A_843, %parallel_loop3A_844] {strides = array<i32>} : memref<128x128xf32, #tpu.memory_space<vmem>>, vector<16xf32>,
          tpu.vector_store %arg11[%parallel_loop3A_843, %parallel_loop3A_844], %parallel_loop3A_842 {strides = array<i32>} : memref<128x128xf32, #tpu.memory_space<vmem>>, vector<16xf32>,
          %parallel_loop3A_846 = arith.index_cast %parallel_loop3A_838 : i32 to index
          %parallel_loop3A_847 = arith.constant 16 : index
          %parallel_loop3A_848 = tpu.vector_load %arg11[%parallel_loop3A_846, %parallel_loop3A_847] {strides = array<i32>} : memref<128x128xf32, #tpu.memory_space<vmem>>, vector<16xf32>,
          %parallel_loop3A_849 = arith.mulf %parallel_loop3A_848, %parallel_loop3A_834 : vector<16xf32>
          %parallel_loop3A_850 = arith.index_cast %parallel_loop3A_838 : i32 to index
          %parallel_loop3A_851 = arith.constant 16 : index
          %parallel_loop3A_852 = tpu.vector_load %arg11[%parallel_loop3A_850, %parallel_loop3A_851] {strides = array<i32>} : memref<128x128xf32, #tpu.memory_space<vmem>>, vector<16xf32>,
          tpu.vector_store %arg11[%parallel_loop3A_850, %parallel_loop3A_851], %parallel_loop3A_849 {strides = array<i32>} : memref<128x128xf32, #tpu.memory_space<vmem>>, vector<16xf32>,
          %parallel_loop3A_853 = arith.index_cast %parallel_loop3A_838 : i32 to index
          %parallel_loop3A_854 = arith.constant 32 : index
          %parallel_loop3A_855 = tpu.vector_load %arg11[%parallel_loop3A_853, %parallel_loop3A_854] {strides = array<i32>} : memref<128x128xf32, #tpu.memory_space<vmem>>, vector<16xf32>,
          %parallel_loop3A_856 = arith.mulf %parallel_loop3A_855, %parallel_loop3A_834 : vector<16xf32>
          %parallel_loop3A_857 = arith.index_cast %parallel_loop3A_838 : i32 to index
          %parallel_loop3A_858 = arith.constant 32 : index
          %parallel_loop3A_859 = tpu.vector_load %arg11[%parallel_loop3A_857, %parallel_loop3A_858] {strides = array<i32>} : memref<128x128xf32, #tpu.memory_space<vmem>>, vector<16xf32>,
          tpu.vector_store %arg11[%parallel_loop3A_857, %parallel_loop3A_858], %parallel_loop3A_856 {strides = array<i32>} : memref<128x128xf32, #tpu.memory_space<vmem>>, vector<16xf32>,
          %parallel_loop3A_860 = arith.index_cast %parallel_loop3A_838 : i32 to index
          %parallel_loop3A_861 = arith.constant 48 : index
          %parallel_loop3A_862 = tpu.vector_load %arg11[%parallel_loop3A_860, %parallel_loop3A_861] {strides = array<i32>} : memref<128x128xf32, #tpu.memory_space<vmem>>, vector<16xf32>,
          %parallel_loop3A_863 = arith.mulf %parallel_loop3A_862, %parallel_loop3A_834 : vector<16xf32>
          %parallel_loop3A_864 = arith.index_cast %parallel_loop3A_838 : i32 to index
          %parallel_loop3A_865 = arith.constant 48 : index
          %parallel_loop3A_866 = tpu.vector_load %arg11[%parallel_loop3A_864, %parallel_loop3A_865] {strides = array<i32>} : memref<128x128xf32, #tpu.memory_space<vmem>>, vector<16xf32>,
          tpu.vector_store %arg11[%parallel_loop3A_864, %parallel_loop3A_865], %parallel_loop3A_863 {strides = array<i32>} : memref<128x128xf32, #tpu.memory_space<vmem>>, vector<16xf32>,
          %parallel_loop3A_867 = arith.index_cast %parallel_loop3A_838 : i32 to index
          %parallel_loop3A_868 = arith.constant 64 : index
          %parallel_loop3A_869 = tpu.vector_load %arg11[%parallel_loop3A_867, %parallel_loop3A_868] {strides = array<i32>} : memref<128x128xf32, #tpu.memory_space<vmem>>, vector<16xf32>,
          %parallel_loop3A_870 = arith.mulf %parallel_loop3A_869, %parallel_loop3A_834 : vector<16xf32>
          %parallel_loop3A_871 = arith.index_cast %parallel_loop3A_838 : i32 to index
          %parallel_loop3A_872 = arith.constant 64 : index
          %parallel_loop3A_873 = tpu.vector_load %arg11[%parallel_loop3A_871, %parallel_loop3A_872] {strides = array<i32>} : memref<128x128xf32, #tpu.memory_space<vmem>>, vector<16xf32>,
          tpu.vector_store %arg11[%parallel_loop3A_871, %parallel_loop3A_872], %parallel_loop3A_870 {strides = array<i32>} : memref<128x128xf32, #tpu.memory_space<vmem>>, vector<16xf32>,
          %parallel_loop3A_874 = arith.index_cast %parallel_loop3A_838 : i32 to index
          %parallel_loop3A_875 = arith.constant 80 : index
          %parallel_loop3A_876 = tpu.vector_load %arg11[%parallel_loop3A_874, %parallel_loop3A_875] {strides = array<i32>} : memref<128x128xf32, #tpu.memory_space<vmem>>, vector<16xf32>,
          %parallel_loop3A_877 = arith.mulf %parallel_loop3A_876, %parallel_loop3A_834 : vector<16xf32>
          %parallel_loop3A_878 = arith.index_cast %parallel_loop3A_838 : i32 to index
          %parallel_loop3A_879 = arith.constant 80 : index
          %parallel_loop3A_880 = tpu.vector_load %arg11[%parallel_loop3A_878, %parallel_loop3A_879] {strides = array<i32>} : memref<128x128xf32, #tpu.memory_space<vmem>>, vector<16xf32>,
          tpu.vector_store %arg11[%parallel_loop3A_878, %parallel_loop3A_879], %parallel_loop3A_877 {strides = array<i32>} : memref<128x128xf32, #tpu.memory_space<vmem>>, vector<16xf32>,
          %parallel_loop3A_881 = arith.index_cast %parallel_loop3A_838 : i32 to index
          %parallel_loop3A_882 = arith.constant 96 : index
          %parallel_loop3A_883 = tpu.vector_load %arg11[%parallel_loop3A_881, %parallel_loop3A_882] {strides = array<i32>} : memref<128x128xf32, #tpu.memory_space<vmem>>, vector<16xf32>,
          %parallel_loop3A_884 = arith.mulf %parallel_loop3A_883, %parallel_loop3A_834 : vector<16xf32>
          %parallel_loop3A_885 = arith.index_cast %parallel_loop3A_838 : i32 to index
          %parallel_loop3A_886 = arith.constant 96 : index
          %parallel_loop3A_887 = tpu.vector_load %arg11[%parallel_loop3A_885, %parallel_loop3A_886] {strides = array<i32>} : memref<128x128xf32, #tpu.memory_space<vmem>>, vector<16xf32>,
          tpu.vector_store %arg11[%parallel_loop3A_885, %parallel_loop3A_886], %parallel_loop3A_884 {strides = array<i32>} : memref<128x128xf32, #tpu.memory_space<vmem>>, vector<16xf32>,
          %parallel_loop3A_888 = arith.constant 14 : i32
          %parallel_loop3A_889 = vector.broadcast %parallel_loop3A_888 : i32 to vector<16x1xi32>
          %parallel_loop3A_890 = vector.shape_cast %parallel_loop3A_889 : vector<16x1xi32> to vector<16xi32>
          %parallel_loop3A_891 = tpu.dynamic_gather %parallel_loop3A_89[%parallel_loop3A_890] in [0] : vector<16xf32>, vector<16xi32> -> vector<16xf32>
          %parallel_loop3A_892 = arith.constant 16 : i32
          %parallel_loop3A_893 = arith.muli %parallel_loop3A_84, %parallel_loop3A_892 : i32
          %parallel_loop3A_894 = arith.constant 14 : i32
          %parallel_loop3A_895 = arith.addi %parallel_loop3A_893, %parallel_loop3A_894 : i32
          %parallel_loop3A_896 = arith.index_cast %parallel_loop3A_895 : i32 to index
          %parallel_loop3A_897 = arith.constant 0 : index
          %parallel_loop3A_898 = tpu.vector_load %arg11[%parallel_loop3A_896, %parallel_loop3A_897] {strides = array<i32>} : memref<128x128xf32, #tpu.memory_space<vmem>>, vector<16xf32>,
          %parallel_loop3A_899 = arith.mulf %parallel_loop3A_898, %parallel_loop3A_891 : vector<16xf32>
          %parallel_loop3A_900 = arith.index_cast %parallel_loop3A_895 : i32 to index
          %parallel_loop3A_901 = arith.constant 0 : index
          %parallel_loop3A_902 = tpu.vector_load %arg11[%parallel_loop3A_900, %parallel_loop3A_901] {strides = array<i32>} : memref<128x128xf32, #tpu.memory_space<vmem>>, vector<16xf32>,
          tpu.vector_store %arg11[%parallel_loop3A_900, %parallel_loop3A_901], %parallel_loop3A_899 {strides = array<i32>} : memref<128x128xf32, #tpu.memory_space<vmem>>, vector<16xf32>,
          %parallel_loop3A_903 = arith.index_cast %parallel_loop3A_895 : i32 to index
          %parallel_loop3A_904 = arith.constant 16 : index
          %parallel_loop3A_905 = tpu.vector_load %arg11[%parallel_loop3A_903, %parallel_loop3A_904] {strides = array<i32>} : memref<128x128xf32, #tpu.memory_space<vmem>>, vector<16xf32>,
          %parallel_loop3A_906 = arith.mulf %parallel_loop3A_905, %parallel_loop3A_891 : vector<16xf32>
          %parallel_loop3A_907 = arith.index_cast %parallel_loop3A_895 : i32 to index
          %parallel_loop3A_908 = arith.constant 16 : index
          %parallel_loop3A_909 = tpu.vector_load %arg11[%parallel_loop3A_907, %parallel_loop3A_908] {strides = array<i32>} : memref<128x128xf32, #tpu.memory_space<vmem>>, vector<16xf32>,
          tpu.vector_store %arg11[%parallel_loop3A_907, %parallel_loop3A_908], %parallel_loop3A_906 {strides = array<i32>} : memref<128x128xf32, #tpu.memory_space<vmem>>, vector<16xf32>,
          %parallel_loop3A_910 = arith.index_cast %parallel_loop3A_895 : i32 to index
          %parallel_loop3A_911 = arith.constant 32 : index
          %parallel_loop3A_912 = tpu.vector_load %arg11[%parallel_loop3A_910, %parallel_loop3A_911] {strides = array<i32>} : memref<128x128xf32, #tpu.memory_space<vmem>>, vector<16xf32>,
          %parallel_loop3A_913 = arith.mulf %parallel_loop3A_912, %parallel_loop3A_891 : vector<16xf32>
          %parallel_loop3A_914 = arith.index_cast %parallel_loop3A_895 : i32 to index
          %parallel_loop3A_915 = arith.constant 32 : index
          %parallel_loop3A_916 = tpu.vector_load %arg11[%parallel_loop3A_914, %parallel_loop3A_915] {strides = array<i32>} : memref<128x128xf32, #tpu.memory_space<vmem>>, vector<16xf32>,
          tpu.vector_store %arg11[%parallel_loop3A_914, %parallel_loop3A_915], %parallel_loop3A_913 {strides = array<i32>} : memref<128x128xf32, #tpu.memory_space<vmem>>, vector<16xf32>,
          %parallel_loop3A_917 = arith.index_cast %parallel_loop3A_895 : i32 to index
          %parallel_loop3A_918 = arith.constant 48 : index
          %parallel_loop3A_919 = tpu.vector_load %arg11[%parallel_loop3A_917, %parallel_loop3A_918] {strides = array<i32>} : memref<128x128xf32, #tpu.memory_space<vmem>>, vector<16xf32>,
          %parallel_loop3A_920 = arith.mulf %parallel_loop3A_919, %parallel_loop3A_891 : vector<16xf32>
          %parallel_loop3A_921 = arith.index_cast %parallel_loop3A_895 : i32 to index
          %parallel_loop3A_922 = arith.constant 48 : index
          %parallel_loop3A_923 = tpu.vector_load %arg11[%parallel_loop3A_921, %parallel_loop3A_922] {strides = array<i32>} : memref<128x128xf32, #tpu.memory_space<vmem>>, vector<16xf32>,
          tpu.vector_store %arg11[%parallel_loop3A_921, %parallel_loop3A_922], %parallel_loop3A_920 {strides = array<i32>} : memref<128x128xf32, #tpu.memory_space<vmem>>, vector<16xf32>,
          %parallel_loop3A_924 = arith.index_cast %parallel_loop3A_895 : i32 to index
          %parallel_loop3A_925 = arith.constant 64 : index
          %parallel_loop3A_926 = tpu.vector_load %arg11[%parallel_loop3A_924, %parallel_loop3A_925] {strides = array<i32>} : memref<128x128xf32, #tpu.memory_space<vmem>>, vector<16xf32>,
          %parallel_loop3A_927 = arith.mulf %parallel_loop3A_926, %parallel_loop3A_891 : vector<16xf32>
          %parallel_loop3A_928 = arith.index_cast %parallel_loop3A_895 : i32 to index
          %parallel_loop3A_929 = arith.constant 64 : index
          %parallel_loop3A_930 = tpu.vector_load %arg11[%parallel_loop3A_928, %parallel_loop3A_929] {strides = array<i32>} : memref<128x128xf32, #tpu.memory_space<vmem>>, vector<16xf32>,
          tpu.vector_store %arg11[%parallel_loop3A_928, %parallel_loop3A_929], %parallel_loop3A_927 {strides = array<i32>} : memref<128x128xf32, #tpu.memory_space<vmem>>, vector<16xf32>,
          %parallel_loop3A_931 = arith.index_cast %parallel_loop3A_895 : i32 to index
          %parallel_loop3A_932 = arith.constant 80 : index
          %parallel_loop3A_933 = tpu.vector_load %arg11[%parallel_loop3A_931, %parallel_loop3A_932] {strides = array<i32>} : memref<128x128xf32, #tpu.memory_space<vmem>>, vector<16xf32>,
          %parallel_loop3A_934 = arith.mulf %parallel_loop3A_933, %parallel_loop3A_891 : vector<16xf32>
          %parallel_loop3A_935 = arith.index_cast %parallel_loop3A_895 : i32 to index
          %parallel_loop3A_936 = arith.constant 80 : index
          %parallel_loop3A_937 = tpu.vector_load %arg11[%parallel_loop3A_935, %parallel_loop3A_936] {strides = array<i32>} : memref<128x128xf32, #tpu.memory_space<vmem>>, vector<16xf32>,
          tpu.vector_store %arg11[%parallel_loop3A_935, %parallel_loop3A_936], %parallel_loop3A_934 {strides = array<i32>} : memref<128x128xf32, #tpu.memory_space<vmem>>, vector<16xf32>,
          %parallel_loop3A_938 = arith.index_cast %parallel_loop3A_895 : i32 to index
          %parallel_loop3A_939 = arith.constant 96 : index
          %parallel_loop3A_940 = tpu.vector_load %arg11[%parallel_loop3A_938, %parallel_loop3A_939] {strides = array<i32>} : memref<128x128xf32, #tpu.memory_space<vmem>>, vector<16xf32>,
          %parallel_loop3A_941 = arith.mulf %parallel_loop3A_940, %parallel_loop3A_891 : vector<16xf32>
          %parallel_loop3A_942 = arith.index_cast %parallel_loop3A_895 : i32 to index
          %parallel_loop3A_943 = arith.constant 96 : index
          %parallel_loop3A_944 = tpu.vector_load %arg11[%parallel_loop3A_942, %parallel_loop3A_943] {strides = array<i32>} : memref<128x128xf32, #tpu.memory_space<vmem>>, vector<16xf32>,
          tpu.vector_store %arg11[%parallel_loop3A_942, %parallel_loop3A_943], %parallel_loop3A_941 {strides = array<i32>} : memref<128x128xf32, #tpu.memory_space<vmem>>, vector<16xf32>,
          %parallel_loop3A_945 = arith.constant 15 : i32
          %parallel_loop3A_946 = vector.broadcast %parallel_loop3A_945 : i32 to vector<16x1xi32>
          %parallel_loop3A_947 = vector.shape_cast %parallel_loop3A_946 : vector<16x1xi32> to vector<16xi32>
          %parallel_loop3A_948 = tpu.dynamic_gather %parallel_loop3A_89[%parallel_loop3A_947] in [0] : vector<16xf32>, vector<16xi32> -> vector<16xf32>
          %parallel_loop3A_949 = arith.constant 16 : i32
          %parallel_loop3A_950 = arith.muli %parallel_loop3A_84, %parallel_loop3A_949 : i32
          %parallel_loop3A_951 = arith.constant 15 : i32
          %parallel_loop3A_952 = arith.addi %parallel_loop3A_950, %parallel_loop3A_951 : i32
          %parallel_loop3A_953 = arith.index_cast %parallel_loop3A_952 : i32 to index
          %parallel_loop3A_954 = arith.constant 0 : index
          %parallel_loop3A_955 = tpu.vector_load %arg11[%parallel_loop3A_953, %parallel_loop3A_954] {strides = array<i32>} : memref<128x128xf32, #tpu.memory_space<vmem>>, vector<16xf32>,
          %parallel_loop3A_956 = arith.mulf %parallel_loop3A_955, %parallel_loop3A_948 : vector<16xf32>
          %parallel_loop3A_957 = arith.index_cast %parallel_loop3A_952 : i32 to index
          %parallel_loop3A_958 = arith.constant 0 : index
          %parallel_loop3A_959 = tpu.vector_load %arg11[%parallel_loop3A_957, %parallel_loop3A_958] {strides = array<i32>} : memref<128x128xf32, #tpu.memory_space<vmem>>, vector<16xf32>,
          tpu.vector_store %arg11[%parallel_loop3A_957, %parallel_loop3A_958], %parallel_loop3A_956 {strides = array<i32>} : memref<128x128xf32, #tpu.memory_space<vmem>>, vector<16xf32>,
          %parallel_loop3A_960 = arith.index_cast %parallel_loop3A_952 : i32 to index
          %parallel_loop3A_961 = arith.constant 16 : index
          %parallel_loop3A_962 = tpu.vector_load %arg11[%parallel_loop3A_960, %parallel_loop3A_961] {strides = array<i32>} : memref<128x128xf32, #tpu.memory_space<vmem>>, vector<16xf32>,
          %parallel_loop3A_963 = arith.mulf %parallel_loop3A_962, %parallel_loop3A_948 : vector<16xf32>
          %parallel_loop3A_964 = arith.index_cast %parallel_loop3A_952 : i32 to index
          %parallel_loop3A_965 = arith.constant 16 : index
          %parallel_loop3A_966 = tpu.vector_load %arg11[%parallel_loop3A_964, %parallel_loop3A_965] {strides = array<i32>} : memref<128x128xf32, #tpu.memory_space<vmem>>, vector<16xf32>,
          tpu.vector_store %arg11[%parallel_loop3A_964, %parallel_loop3A_965], %parallel_loop3A_963 {strides = array<i32>} : memref<128x128xf32, #tpu.memory_space<vmem>>, vector<16xf32>,
          %parallel_loop3A_967 = arith.index_cast %parallel_loop3A_952 : i32 to index
          %parallel_loop3A_968 = arith.constant 32 : index
          %parallel_loop3A_969 = tpu.vector_load %arg11[%parallel_loop3A_967, %parallel_loop3A_968] {strides = array<i32>} : memref<128x128xf32, #tpu.memory_space<vmem>>, vector<16xf32>,
          %parallel_loop3A_970 = arith.mulf %parallel_loop3A_969, %parallel_loop3A_948 : vector<16xf32>
          %parallel_loop3A_971 = arith.index_cast %parallel_loop3A_952 : i32 to index
          %parallel_loop3A_972 = arith.constant 32 : index
          %parallel_loop3A_973 = tpu.vector_load %arg11[%parallel_loop3A_971, %parallel_loop3A_972] {strides = array<i32>} : memref<128x128xf32, #tpu.memory_space<vmem>>, vector<16xf32>,
          tpu.vector_store %arg11[%parallel_loop3A_971, %parallel_loop3A_972], %parallel_loop3A_970 {strides = array<i32>} : memref<128x128xf32, #tpu.memory_space<vmem>>, vector<16xf32>,
          %parallel_loop3A_974 = arith.index_cast %parallel_loop3A_952 : i32 to index
          %parallel_loop3A_975 = arith.constant 48 : index
          %parallel_loop3A_976 = tpu.vector_load %arg11[%parallel_loop3A_974, %parallel_loop3A_975] {strides = array<i32>} : memref<128x128xf32, #tpu.memory_space<vmem>>, vector<16xf32>,
          %parallel_loop3A_977 = arith.mulf %parallel_loop3A_976, %parallel_loop3A_948 : vector<16xf32>
          %parallel_loop3A_978 = arith.index_cast %parallel_loop3A_952 : i32 to index
          %parallel_loop3A_979 = arith.constant 48 : index
          %parallel_loop3A_980 = tpu.vector_load %arg11[%parallel_loop3A_978, %parallel_loop3A_979] {strides = array<i32>} : memref<128x128xf32, #tpu.memory_space<vmem>>, vector<16xf32>,
          tpu.vector_store %arg11[%parallel_loop3A_978, %parallel_loop3A_979], %parallel_loop3A_977 {strides = array<i32>} : memref<128x128xf32, #tpu.memory_space<vmem>>, vector<16xf32>,
          %parallel_loop3A_981 = arith.index_cast %parallel_loop3A_952 : i32 to index
          %parallel_loop3A_982 = arith.constant 64 : index
          %parallel_loop3A_983 = tpu.vector_load %arg11[%parallel_loop3A_981, %parallel_loop3A_982] {strides = array<i32>} : memref<128x128xf32, #tpu.memory_space<vmem>>, vector<16xf32>,
          %parallel_loop3A_984 = arith.mulf %parallel_loop3A_983, %parallel_loop3A_948 : vector<16xf32>
          %parallel_loop3A_985 = arith.index_cast %parallel_loop3A_952 : i32 to index
          %parallel_loop3A_986 = arith.constant 64 : index
          %parallel_loop3A_987 = tpu.vector_load %arg11[%parallel_loop3A_985, %parallel_loop3A_986] {strides = array<i32>} : memref<128x128xf32, #tpu.memory_space<vmem>>, vector<16xf32>,
          tpu.vector_store %arg11[%parallel_loop3A_985, %parallel_loop3A_986], %parallel_loop3A_984 {strides = array<i32>} : memref<128x128xf32, #tpu.memory_space<vmem>>, vector<16xf32>,
          %parallel_loop3A_988 = arith.index_cast %parallel_loop3A_952 : i32 to index
          %parallel_loop3A_989 = arith.constant 80 : index
          %parallel_loop3A_990 = tpu.vector_load %arg11[%parallel_loop3A_988, %parallel_loop3A_989] {strides = array<i32>} : memref<128x128xf32, #tpu.memory_space<vmem>>, vector<16xf32>,
          %parallel_loop3A_991 = arith.mulf %parallel_loop3A_990, %parallel_loop3A_948 : vector<16xf32>
          %parallel_loop3A_992 = arith.index_cast %parallel_loop3A_952 : i32 to index
          %parallel_loop3A_993 = arith.constant 80 : index
          %parallel_loop3A_994 = tpu.vector_load %arg11[%parallel_loop3A_992, %parallel_loop3A_993] {strides = array<i32>} : memref<128x128xf32, #tpu.memory_space<vmem>>, vector<16xf32>,
          tpu.vector_store %arg11[%parallel_loop3A_992, %parallel_loop3A_993], %parallel_loop3A_991 {strides = array<i32>} : memref<128x128xf32, #tpu.memory_space<vmem>>, vector<16xf32>,
          %parallel_loop3A_995 = arith.index_cast %parallel_loop3A_952 : i32 to index
          %parallel_loop3A_996 = arith.constant 96 : index
          %parallel_loop3A_997 = tpu.vector_load %arg11[%parallel_loop3A_995, %parallel_loop3A_996] {strides = array<i32>} : memref<128x128xf32, #tpu.memory_space<vmem>>, vector<16xf32>,
          %parallel_loop3A_998 = arith.mulf %parallel_loop3A_997, %parallel_loop3A_948 : vector<16xf32>
          %parallel_loop3A_999 = arith.index_cast %parallel_loop3A_952 : i32 to index
          %parallel_loop3A_1000 = arith.constant 96 : index
          %parallel_loop3A_1001 = tpu.vector_load %arg11[%parallel_loop3A_999, %parallel_loop3A_1000] {strides = array<i32>} : memref<128x128xf32, #tpu.memory_space<vmem>>, vector<16xf32>,
          tpu.vector_store %arg11[%parallel_loop3A_999, %parallel_loop3A_1000], %parallel_loop3A_998 {strides = array<i32>} : memref<128x128xf32, #tpu.memory_space<vmem>>, vector<16xf32>,
        } {sc.loop_unroll_factor = 2 : i64, sc.parallel_access}
        "tpu.region"() ({
          %run_scoped3A = tpu.sem_alloc : memref<!tpu.dma_semaphore, #tpu.memory_space<semaphore_mem>>
          %dma_start3A_84 = arith.constant 0 : i32
          %dma_start3A_85 = tpu.memref_slice %arg8[%add3A_59, %dma_start3A_84] : memref<32x128xi32, #tpu.memory_space<vmem>> -> memref<1x128xi32, #tpu.memory_space<vmem>>
          %dma_start3A_86 = tpu.memref_squeeze %dma_start3A_85 : memref<1x128xi32, #tpu.memory_space<vmem>> -> memref<128xi32, #tpu.memory_space<vmem>>
          %dma_start3A_87 = arith.constant 0 : i32
          %dma_start3A_88 = arith.constant 0 : i32
          %dma_start3A_89 = tpu.memref_slice %arg13[%dma_start3A_87, %dma_start3A_88] : memref<10240x128xf32, #tpu.memory_space<vmem_shared>> -> memref<10240x128xf32, #tpu.memory_space<vmem_shared>>
          tpu.enqueue_indirect_dma source(%arg11 : memref<128x128xf32, #tpu.memory_space<vmem>>) target(%dma_start3A_89 : memref<10240x128xf32, #tpu.memory_space<vmem_shared>>) offsets(%dma_start3A_86 : memref<128xi32, #tpu.memory_space<vmem>>) semaphore(%run_scoped3A : memref<!tpu.dma_semaphore, #tpu.memory_space<semaphore_mem>>) {add = true}
          %dma_wait3A_90 = arith.constant 0 : i32
          %dma_wait3A_91 = tpu.memref_slice %arg8[%add3A_59, %dma_wait3A_90] : memref<32x128xi32, #tpu.memory_space<vmem>> -> memref<1x128xi32, #tpu.memory_space<vmem>>
          %dma_wait3A_92 = tpu.memref_squeeze %dma_wait3A_91 : memref<1x128xi32, #tpu.memory_space<vmem>> -> memref<128xi32, #tpu.memory_space<vmem>>
          %dma_wait3A_93 = arith.constant 0 : i32
          %dma_wait3A_94 = arith.constant 0 : i32
          %dma_wait3A_95 = tpu.memref_slice %arg13[%dma_wait3A_93, %dma_wait3A_94] : memref<10240x128xf32, #tpu.memory_space<vmem_shared>> -> memref<10240x128xf32, #tpu.memory_space<vmem_shared>>
          tpu.wait_indirect_dma semaphore(%run_scoped3A : memref<!tpu.dma_semaphore, #tpu.memory_space<semaphore_mem>>) src(%arg11 : memref<128x128xf32, #tpu.memory_space<vmem>>) dst(%dma_wait3A_95 : memref<10240x128xf32, #tpu.memory_space<vmem_shared>>)
          tpu.yield
        }) : () -> ()
      }
      %scan3A_33 = arith.constant 16 : i32
      %barrier3A_34 = arith.constant 0 : index
      tpu.barrier barrier_id(%barrier3A_34)
      %add3A_35 = arith.constant 0 : i32
      %add3A_36 = arith.addi %mul3A_2, %add3A_35 : i32
      %add3A_37 = arith.constant 0 : i32
      %add3A_38 = arith.addi %mul3A_2, %add3A_37 : i32
      "tpu.region"() ({
        %run_scoped3A = tpu.sem_alloc : memref<!tpu.dma_semaphore, #tpu.memory_space<semaphore_mem>>
        %dma_start3A_55 = arith.constant 0 : i32
        %dma_start3A_56 = tpu.memref_slice %arg6[%arg0, %scan3A_15, %add3A_38, %dma_start3A_55] : memref<2x10x10240x128xf32, #tpu.memory_space<hbm>> -> memref<1x1x128x128xf32, #tpu.memory_space<hbm>>
        %dma_start3A_57 = tpu.memref_squeeze %dma_start3A_56 : memref<1x1x128x128xf32, #tpu.memory_space<hbm>> -> memref<128x128xf32, #tpu.memory_space<hbm>>
        %dma_start3A_58 = arith.constant 0 : i32
        %dma_start3A_59 = tpu.memref_slice %arg13[%add3A_36, %dma_start3A_58] : memref<10240x128xf32, #tpu.memory_space<vmem_shared>> -> memref<128x128xf32, #tpu.memory_space<vmem_shared>>
        tpu.enqueue_dma source(%dma_start3A_59 : memref<128x128xf32, #tpu.memory_space<vmem_shared>>) target(%dma_start3A_57 : memref<128x128xf32, #tpu.memory_space<hbm>>) target_semaphore(%run_scoped3A : memref<!tpu.dma_semaphore, #tpu.memory_space<semaphore_mem>>)
        %dma_wait3A = arith.constant 0 : i32
        %dma_wait3A_60 = tpu.memref_slice %arg6[%arg0, %scan3A_15, %add3A_38, %dma_wait3A] : memref<2x10x10240x128xf32, #tpu.memory_space<hbm>> -> memref<1x1x128x128xf32, #tpu.memory_space<hbm>>
        %dma_wait3A_61 = tpu.memref_squeeze %dma_wait3A_60 : memref<1x1x128x128xf32, #tpu.memory_space<hbm>> -> memref<128x128xf32, #tpu.memory_space<hbm>>
        %dma_wait3A_62 = arith.constant 0 : i32
        %dma_wait3A_63 = tpu.memref_slice %arg13[%add3A_36, %dma_wait3A_62] : memref<10240x128xf32, #tpu.memory_space<vmem_shared>> -> memref<128x128xf32, #tpu.memory_space<vmem_shared>>
        tpu.wait_dma2 semaphore(%run_scoped3A : memref<!tpu.dma_semaphore, #tpu.memory_space<semaphore_mem>>) src(%dma_wait3A_63 : memref<128x128xf32, #tpu.memory_space<vmem_shared>>) dst(%dma_wait3A_61 : memref<128x128xf32, #tpu.memory_space<hbm>>)
        tpu.yield
      }) : () -> ()
      %add3A_39 = arith.constant 128 : i32
      %add3A_40 = arith.addi %mul3A_2, %add3A_39 : i32
      %add3A_41 = arith.constant 128 : i32
      %add3A_42 = arith.addi %mul3A_2, %add3A_41 : i32
      "tpu.region"() ({
        %run_scoped3A = tpu.sem_alloc : memref<!tpu.dma_semaphore, #tpu.memory_space<semaphore_mem>>
        %dma_start3A_55 = arith.constant 0 : i32
        %dma_start3A_56 = tpu.memref_slice %arg6[%arg0, %scan3A_15, %add3A_42, %dma_start3A_55] : memref<2x10x10240x128xf32, #tpu.memory_space<hbm>> -> memref<1x1x128x128xf32, #tpu.memory_space<hbm>>
        %dma_start3A_57 = tpu.memref_squeeze %dma_start3A_56 : memref<1x1x128x128xf32, #tpu.memory_space<hbm>> -> memref<128x128xf32, #tpu.memory_space<hbm>>
        %dma_start3A_58 = arith.constant 0 : i32
        %dma_start3A_59 = tpu.memref_slice %arg13[%add3A_40, %dma_start3A_58] : memref<10240x128xf32, #tpu.memory_space<vmem_shared>> -> memref<128x128xf32, #tpu.memory_space<vmem_shared>>
        tpu.enqueue_dma source(%dma_start3A_59 : memref<128x128xf32, #tpu.memory_space<vmem_shared>>) target(%dma_start3A_57 : memref<128x128xf32, #tpu.memory_space<hbm>>) target_semaphore(%run_scoped3A : memref<!tpu.dma_semaphore, #tpu.memory_space<semaphore_mem>>)
        %dma_wait3A = arith.constant 0 : i32
        %dma_wait3A_60 = tpu.memref_slice %arg6[%arg0, %scan3A_15, %add3A_42, %dma_wait3A] : memref<2x10x10240x128xf32, #tpu.memory_space<hbm>> -> memref<1x1x128x128xf32, #tpu.memory_space<hbm>>
        %dma_wait3A_61 = tpu.memref_squeeze %dma_wait3A_60 : memref<1x1x128x128xf32, #tpu.memory_space<hbm>> -> memref<128x128xf32, #tpu.memory_space<hbm>>
        %dma_wait3A_62 = arith.constant 0 : i32
        %dma_wait3A_63 = tpu.memref_slice %arg13[%add3A_40, %dma_wait3A_62] : memref<10240x128xf32, #tpu.memory_space<vmem_shared>> -> memref<128x128xf32, #tpu.memory_space<vmem_shared>>
        tpu.wait_dma2 semaphore(%run_scoped3A : memref<!tpu.dma_semaphore, #tpu.memory_space<semaphore_mem>>) src(%dma_wait3A_63 : memref<128x128xf32, #tpu.memory_space<vmem_shared>>) dst(%dma_wait3A_61 : memref<128x128xf32, #tpu.memory_space<hbm>>)
        tpu.yield
      }) : () -> ()
      %add3A_43 = arith.constant 256 : i32
      %add3A_44 = arith.addi %mul3A_2, %add3A_43 : i32
      %add3A_45 = arith.constant 256 : i32
      %add3A_46 = arith.addi %mul3A_2, %add3A_45 : i32
      "tpu.region"() ({
        %run_scoped3A = tpu.sem_alloc : memref<!tpu.dma_semaphore, #tpu.memory_space<semaphore_mem>>
        %dma_start3A_55 = arith.constant 0 : i32
        %dma_start3A_56 = tpu.memref_slice %arg6[%arg0, %scan3A_15, %add3A_46, %dma_start3A_55] : memref<2x10x10240x128xf32, #tpu.memory_space<hbm>> -> memref<1x1x128x128xf32, #tpu.memory_space<hbm>>
        %dma_start3A_57 = tpu.memref_squeeze %dma_start3A_56 : memref<1x1x128x128xf32, #tpu.memory_space<hbm>> -> memref<128x128xf32, #tpu.memory_space<hbm>>
        %dma_start3A_58 = arith.constant 0 : i32
        %dma_start3A_59 = tpu.memref_slice %arg13[%add3A_44, %dma_start3A_58] : memref<10240x128xf32, #tpu.memory_space<vmem_shared>> -> memref<128x128xf32, #tpu.memory_space<vmem_shared>>
        tpu.enqueue_dma source(%dma_start3A_59 : memref<128x128xf32, #tpu.memory_space<vmem_shared>>) target(%dma_start3A_57 : memref<128x128xf32, #tpu.memory_space<hbm>>) target_semaphore(%run_scoped3A : memref<!tpu.dma_semaphore, #tpu.memory_space<semaphore_mem>>)
        %dma_wait3A = arith.constant 0 : i32
        %dma_wait3A_60 = tpu.memref_slice %arg6[%arg0, %scan3A_15, %add3A_46, %dma_wait3A] : memref<2x10x10240x128xf32, #tpu.memory_space<hbm>> -> memref<1x1x128x128xf32, #tpu.memory_space<hbm>>
        %dma_wait3A_61 = tpu.memref_squeeze %dma_wait3A_60 : memref<1x1x128x128xf32, #tpu.memory_space<hbm>> -> memref<128x128xf32, #tpu.memory_space<hbm>>
        %dma_wait3A_62 = arith.constant 0 : i32
        %dma_wait3A_63 = tpu.memref_slice %arg13[%add3A_44, %dma_wait3A_62] : memref<10240x128xf32, #tpu.memory_space<vmem_shared>> -> memref<128x128xf32, #tpu.memory_space<vmem_shared>>
        tpu.wait_dma2 semaphore(%run_scoped3A : memref<!tpu.dma_semaphore, #tpu.memory_space<semaphore_mem>>) src(%dma_wait3A_63 : memref<128x128xf32, #tpu.memory_space<vmem_shared>>) dst(%dma_wait3A_61 : memref<128x128xf32, #tpu.memory_space<hbm>>)
        tpu.yield
      }) : () -> ()
      %add3A_47 = arith.constant 384 : i32
      %add3A_48 = arith.addi %mul3A_2, %add3A_47 : i32
      %add3A_49 = arith.constant 384 : i32
      %add3A_50 = arith.addi %mul3A_2, %add3A_49 : i32
      "tpu.region"() ({
        %run_scoped3A = tpu.sem_alloc : memref<!tpu.dma_semaphore, #tpu.memory_space<semaphore_mem>>
        %dma_start3A_55 = arith.constant 0 : i32
        %dma_start3A_56 = tpu.memref_slice %arg6[%arg0, %scan3A_15, %add3A_50, %dma_start3A_55] : memref<2x10x10240x128xf32, #tpu.memory_space<hbm>> -> memref<1x1x128x128xf32, #tpu.memory_space<hbm>>
        %dma_start3A_57 = tpu.memref_squeeze %dma_start3A_56 : memref<1x1x128x128xf32, #tpu.memory_space<hbm>> -> memref<128x128xf32, #tpu.memory_space<hbm>>
        %dma_start3A_58 = arith.constant 0 : i32
        %dma_start3A_59 = tpu.memref_slice %arg13[%add3A_48, %dma_start3A_58] : memref<10240x128xf32, #tpu.memory_space<vmem_shared>> -> memref<128x128xf32, #tpu.memory_space<vmem_shared>>
        tpu.enqueue_dma source(%dma_start3A_59 : memref<128x128xf32, #tpu.memory_space<vmem_shared>>) target(%dma_start3A_57 : memref<128x128xf32, #tpu.memory_space<hbm>>) target_semaphore(%run_scoped3A : memref<!tpu.dma_semaphore, #tpu.memory_space<semaphore_mem>>)
        %dma_wait3A = arith.constant 0 : i32
        %dma_wait3A_60 = tpu.memref_slice %arg6[%arg0, %scan3A_15, %add3A_50, %dma_wait3A] : memref<2x10x10240x128xf32, #tpu.memory_space<hbm>> -> memref<1x1x128x128xf32, #tpu.memory_space<hbm>>
        %dma_wait3A_61 = tpu.memref_squeeze %dma_wait3A_60 : memref<1x1x128x128xf32, #tpu.memory_space<hbm>> -> memref<128x128xf32, #tpu.memory_space<hbm>>
        %dma_wait3A_62 = arith.constant 0 : i32
        %dma_wait3A_63 = tpu.memref_slice %arg13[%add3A_48, %dma_wait3A_62] : memref<10240x128xf32, #tpu.memory_space<vmem_shared>> -> memref<128x128xf32, #tpu.memory_space<vmem_shared>>
        tpu.wait_dma2 semaphore(%run_scoped3A : memref<!tpu.dma_semaphore, #tpu.memory_space<semaphore_mem>>) src(%dma_wait3A_63 : memref<128x128xf32, #tpu.memory_space<vmem_shared>>) dst(%dma_wait3A_61 : memref<128x128xf32, #tpu.memory_space<hbm>>)
        tpu.yield
      }) : () -> ()
      %add3A_51 = arith.constant 512 : i32
      %add3A_52 = arith.addi %mul3A_2, %add3A_51 : i32
      %add3A_53 = arith.constant 512 : i32
      %add3A_54 = arith.addi %mul3A_2, %add3A_53 : i32
      "tpu.region"() ({
        %run_scoped3A = tpu.sem_alloc : memref<!tpu.dma_semaphore, #tpu.memory_space<semaphore_mem>>
        %dma_start3A_55 = arith.constant 0 : i32
        %dma_start3A_56 = tpu.memref_slice %arg6[%arg0, %scan3A_15, %add3A_54, %dma_start3A_55] : memref<2x10x10240x128xf32, #tpu.memory_space<hbm>> -> memref<1x1x128x128xf32, #tpu.memory_space<hbm>>
        %dma_start3A_57 = tpu.memref_squeeze %dma_start3A_56 : memref<1x1x128x128xf32, #tpu.memory_space<hbm>> -> memref<128x128xf32, #tpu.memory_space<hbm>>
        %dma_start3A_58 = arith.constant 0 : i32
        %dma_start3A_59 = tpu.memref_slice %arg13[%add3A_52, %dma_start3A_58] : memref<10240x128xf32, #tpu.memory_space<vmem_shared>> -> memref<128x128xf32, #tpu.memory_space<vmem_shared>>
        tpu.enqueue_dma source(%dma_start3A_59 : memref<128x128xf32, #tpu.memory_space<vmem_shared>>) target(%dma_start3A_57 : memref<128x128xf32, #tpu.memory_space<hbm>>) target_semaphore(%run_scoped3A : memref<!tpu.dma_semaphore, #tpu.memory_space<semaphore_mem>>)
        %dma_wait3A = arith.constant 0 : i32
        %dma_wait3A_60 = tpu.memref_slice %arg6[%arg0, %scan3A_15, %add3A_54, %dma_wait3A] : memref<2x10x10240x128xf32, #tpu.memory_space<hbm>> -> memref<1x1x128x128xf32, #tpu.memory_space<hbm>>
        %dma_wait3A_61 = tpu.memref_squeeze %dma_wait3A_60 : memref<1x1x128x128xf32, #tpu.memory_space<hbm>> -> memref<128x128xf32, #tpu.memory_space<hbm>>
        %dma_wait3A_62 = arith.constant 0 : i32
        %dma_wait3A_63 = tpu.memref_slice %arg13[%add3A_52, %dma_wait3A_62] : memref<10240x128xf32, #tpu.memory_space<vmem_shared>> -> memref<128x128xf32, #tpu.memory_space<vmem_shared>>
        tpu.wait_dma2 semaphore(%run_scoped3A : memref<!tpu.dma_semaphore, #tpu.memory_space<semaphore_mem>>) src(%dma_wait3A_63 : memref<128x128xf32, #tpu.memory_space<vmem_shared>>) dst(%dma_wait3A_61 : memref<128x128xf32, #tpu.memory_space<hbm>>)
        tpu.yield
      }) : () -> ()
    }
    %scan3A_14 = arith.constant 10 : i32
    return
  }
}

#map = affine_map<(d0, d1) -> (0, 0)>
#map1 = affine_map<(d0, d1) -> (0, 0, 0)>
#map2 = affine_map<(d0, d1) -> (0)>
module attributes {stable_mosaic.version = 14 : i64} {
  func.func @_dec_body(%arg0: i32, %arg1: i32, %arg2: memref<10240x256xf32, #tpu.memory_space<hbm>>, %arg3: memref<10240x128xf32, #tpu.memory_space<hbm>>, %arg4: memref<32x40x128xi32, #tpu.memory_space<hbm>>, %arg5: memref<32x40x128xi32, #tpu.memory_space<hbm>>, %arg6: memref<32xf32, #tpu.memory_space<hbm>>, %arg7: memref<20480x128xf32, #tpu.memory_space<hbm>>, %arg8: memref<40x128xi32, #tpu.memory_space<vmem>>, %arg9: memref<40x128xi32, #tpu.memory_space<vmem>>, %arg10: memref<128x256xf32, #tpu.memory_space<vmem>>, %arg11: memref<128x256xf32, #tpu.memory_space<vmem>>, %arg12: memref<128x128xf32, #tpu.memory_space<vmem>>, %arg13: memref<128x128xf32, #tpu.memory_space<vmem>>, %arg14: memref<16x128xf32, #tpu.memory_space<vmem>>, %arg15: memref<32xf32, #tpu.memory_space<vmem>>, %arg16: memref<!tpu.dma_semaphore, #tpu.memory_space<semaphore_mem>>, %arg17: memref<!tpu.dma_semaphore, #tpu.memory_space<semaphore_mem>>, %arg18: memref<!tpu.dma_semaphore, #tpu.memory_space<semaphore_mem>>, %arg19: memref<!tpu.dma_semaphore, #tpu.memory_space<semaphore_mem>>) attributes {dimension_semantics = [#tpu.dimension_semantics<core_parallel>, #tpu.dimension_semantics<subcore_parallel>], iteration_bounds = array<i64: 2, 16>, scalar_prefetch = 0 : i64, scratch_operands = 12 : i64, tpu.core_type = #tpu.core_type<sc_vector_subcore>, window_params = [{transform_indices = #map}, {transform_indices = #map}, {transform_indices = #map1}, {transform_indices = #map1}, {transform_indices = #map2}, {transform_indices = #map}]} {
    %mul3A = arith.constant 16 : i32
    %mul3A_0 = arith.muli %arg0, %mul3A : i32
    %add3A = arith.addi %mul3A_0, %arg1 : i32
    "tpu.region"() ({
      %run_scoped3A = tpu.sem_alloc : memref<!tpu.dma_semaphore, #tpu.memory_space<semaphore_mem>>
      %dma_start3A_22 = arith.constant 0 : i32
      %dma_start3A_23 = arith.constant 0 : i32
      %dma_start3A_24 = tpu.memref_slice %arg4[%add3A, %dma_start3A_22, %dma_start3A_23] : memref<32x40x128xi32, #tpu.memory_space<hbm>> -> memref<1x40x128xi32, #tpu.memory_space<hbm>>
      %dma_start3A_25 = tpu.memref_squeeze %dma_start3A_24 : memref<1x40x128xi32, #tpu.memory_space<hbm>> -> memref<40x128xi32, #tpu.memory_space<hbm>>
      %dma_start3A_26 = arith.constant 0 : i32
      %dma_start3A_27 = arith.constant 0 : i32
      %dma_start3A_28 = tpu.memref_slice %arg4[%add3A, %dma_start3A_26, %dma_start3A_27] : memref<32x40x128xi32, #tpu.memory_space<hbm>> -> memref<1x40x128xi32, #tpu.memory_space<hbm>>
      %dma_start3A_29 = tpu.memref_squeeze %dma_start3A_28 : memref<1x40x128xi32, #tpu.memory_space<hbm>> -> memref<40x128xi32, #tpu.memory_space<hbm>>
      tpu.enqueue_dma source(%dma_start3A_29 : memref<40x128xi32, #tpu.memory_space<hbm>>) target(%arg8 : memref<40x128xi32, #tpu.memory_space<vmem>>) target_semaphore(%run_scoped3A : memref<!tpu.dma_semaphore, #tpu.memory_space<semaphore_mem>>)
      %dma_wait3A = arith.constant 0 : i32
      %dma_wait3A_30 = arith.constant 0 : i32
      %dma_wait3A_31 = tpu.memref_slice %arg4[%add3A, %dma_wait3A, %dma_wait3A_30] : memref<32x40x128xi32, #tpu.memory_space<hbm>> -> memref<1x40x128xi32, #tpu.memory_space<hbm>>
      %dma_wait3A_32 = tpu.memref_squeeze %dma_wait3A_31 : memref<1x40x128xi32, #tpu.memory_space<hbm>> -> memref<40x128xi32, #tpu.memory_space<hbm>>
      %dma_wait3A_33 = arith.constant 0 : i32
      %dma_wait3A_34 = arith.constant 0 : i32
      %dma_wait3A_35 = tpu.memref_slice %arg4[%add3A, %dma_wait3A_33, %dma_wait3A_34] : memref<32x40x128xi32, #tpu.memory_space<hbm>> -> memref<1x40x128xi32, #tpu.memory_space<hbm>>
      %dma_wait3A_36 = tpu.memref_squeeze %dma_wait3A_35 : memref<1x40x128xi32, #tpu.memory_space<hbm>> -> memref<40x128xi32, #tpu.memory_space<hbm>>
      tpu.wait_dma2 semaphore(%run_scoped3A : memref<!tpu.dma_semaphore, #tpu.memory_space<semaphore_mem>>) src(%dma_wait3A_36 : memref<40x128xi32, #tpu.memory_space<hbm>>) dst(%arg8 : memref<40x128xi32, #tpu.memory_space<vmem>>)
      tpu.yield
    }) : () -> ()
    "tpu.region"() ({
      %run_scoped3A = tpu.sem_alloc : memref<!tpu.dma_semaphore, #tpu.memory_space<semaphore_mem>>
      %dma_start3A_22 = arith.constant 0 : i32
      %dma_start3A_23 = arith.constant 0 : i32
      %dma_start3A_24 = tpu.memref_slice %arg5[%add3A, %dma_start3A_22, %dma_start3A_23] : memref<32x40x128xi32, #tpu.memory_space<hbm>> -> memref<1x40x128xi32, #tpu.memory_space<hbm>>
      %dma_start3A_25 = tpu.memref_squeeze %dma_start3A_24 : memref<1x40x128xi32, #tpu.memory_space<hbm>> -> memref<40x128xi32, #tpu.memory_space<hbm>>
      %dma_start3A_26 = arith.constant 0 : i32
      %dma_start3A_27 = arith.constant 0 : i32
      %dma_start3A_28 = tpu.memref_slice %arg5[%add3A, %dma_start3A_26, %dma_start3A_27] : memref<32x40x128xi32, #tpu.memory_space<hbm>> -> memref<1x40x128xi32, #tpu.memory_space<hbm>>
      %dma_start3A_29 = tpu.memref_squeeze %dma_start3A_28 : memref<1x40x128xi32, #tpu.memory_space<hbm>> -> memref<40x128xi32, #tpu.memory_space<hbm>>
      tpu.enqueue_dma source(%dma_start3A_29 : memref<40x128xi32, #tpu.memory_space<hbm>>) target(%arg9 : memref<40x128xi32, #tpu.memory_space<vmem>>) target_semaphore(%run_scoped3A : memref<!tpu.dma_semaphore, #tpu.memory_space<semaphore_mem>>)
      %dma_wait3A = arith.constant 0 : i32
      %dma_wait3A_30 = arith.constant 0 : i32
      %dma_wait3A_31 = tpu.memref_slice %arg5[%add3A, %dma_wait3A, %dma_wait3A_30] : memref<32x40x128xi32, #tpu.memory_space<hbm>> -> memref<1x40x128xi32, #tpu.memory_space<hbm>>
      %dma_wait3A_32 = tpu.memref_squeeze %dma_wait3A_31 : memref<1x40x128xi32, #tpu.memory_space<hbm>> -> memref<40x128xi32, #tpu.memory_space<hbm>>
      %dma_wait3A_33 = arith.constant 0 : i32
      %dma_wait3A_34 = arith.constant 0 : i32
      %dma_wait3A_35 = tpu.memref_slice %arg5[%add3A, %dma_wait3A_33, %dma_wait3A_34] : memref<32x40x128xi32, #tpu.memory_space<hbm>> -> memref<1x40x128xi32, #tpu.memory_space<hbm>>
      %dma_wait3A_36 = tpu.memref_squeeze %dma_wait3A_35 : memref<1x40x128xi32, #tpu.memory_space<hbm>> -> memref<40x128xi32, #tpu.memory_space<hbm>>
      tpu.wait_dma2 semaphore(%run_scoped3A : memref<!tpu.dma_semaphore, #tpu.memory_space<semaphore_mem>>) src(%dma_wait3A_36 : memref<40x128xi32, #tpu.memory_space<hbm>>) dst(%arg9 : memref<40x128xi32, #tpu.memory_space<vmem>>)
      tpu.yield
    }) : () -> ()
    "tpu.region"() ({
      %run_scoped3A = tpu.sem_alloc : memref<!tpu.dma_semaphore, #tpu.memory_space<semaphore_mem>>
      tpu.enqueue_dma source(%arg6 : memref<32xf32, #tpu.memory_space<hbm>>) target(%arg15 : memref<32xf32, #tpu.memory_space<vmem>>) target_semaphore(%run_scoped3A : memref<!tpu.dma_semaphore, #tpu.memory_space<semaphore_mem>>)
      tpu.wait_dma2 semaphore(%run_scoped3A : memref<!tpu.dma_semaphore, #tpu.memory_space<semaphore_mem>>) src(%arg6 : memref<32xf32, #tpu.memory_space<hbm>>) dst(%arg15 : memref<32xf32, #tpu.memory_space<vmem>>)
      tpu.yield
    }) : () -> ()
    %get3A = arith.constant 0 : index
    %get3A_1 = tpu.vector_load %arg15[%get3A] {strides = array<i32>} : memref<32xf32, #tpu.memory_space<vmem>>, vector<16xf32>,
    %get3A_2 = arith.constant 16 : index
    %get3A_3 = tpu.vector_load %arg15[%get3A_2] {strides = array<i32>} : memref<32xf32, #tpu.memory_space<vmem>>, vector<16xf32>,
    %dma_start3A = arith.constant 0 : i32
    %dma_start3A_4 = arith.constant 0 : i32
    %dma_start3A_5 = tpu.memref_slice %arg8[%dma_start3A, %dma_start3A_4] : memref<40x128xi32, #tpu.memory_space<vmem>> -> memref<1x128xi32, #tpu.memory_space<vmem>>
    %dma_start3A_6 = tpu.memref_squeeze %dma_start3A_5 : memref<1x128xi32, #tpu.memory_space<vmem>> -> memref<128xi32, #tpu.memory_space<vmem>>
    %dma_start3A_7 = arith.constant 0 : i32
    %dma_start3A_8 = arith.constant 0 : i32
    %dma_start3A_9 = tpu.memref_slice %arg2[%dma_start3A_7, %dma_start3A_8] : memref<10240x256xf32, #tpu.memory_space<hbm>> -> memref<10240x256xf32, #tpu.memory_space<hbm>>
    tpu.enqueue_indirect_dma source(%dma_start3A_9 : memref<10240x256xf32, #tpu.memory_space<hbm>>) target(%arg10 : memref<128x256xf32, #tpu.memory_space<vmem>>) offsets(%dma_start3A_6 : memref<128xi32, #tpu.memory_space<vmem>>) semaphore(%arg16 : memref<!tpu.dma_semaphore, #tpu.memory_space<semaphore_mem>>)
    %dma_start3A_10 = arith.constant 0 : i32
    %dma_start3A_11 = arith.constant 0 : i32
    %dma_start3A_12 = tpu.memref_slice %arg9[%dma_start3A_10, %dma_start3A_11] : memref<40x128xi32, #tpu.memory_space<vmem>> -> memref<1x128xi32, #tpu.memory_space<vmem>>
    %dma_start3A_13 = tpu.memref_squeeze %dma_start3A_12 : memref<1x128xi32, #tpu.memory_space<vmem>> -> memref<128xi32, #tpu.memory_space<vmem>>
    %dma_start3A_14 = arith.constant 0 : i32
    %dma_start3A_15 = arith.constant 0 : i32
    %dma_start3A_16 = tpu.memref_slice %arg3[%dma_start3A_14, %dma_start3A_15] : memref<10240x128xf32, #tpu.memory_space<hbm>> -> memref<10240x128xf32, #tpu.memory_space<hbm>>
    tpu.enqueue_indirect_dma source(%dma_start3A_16 : memref<10240x128xf32, #tpu.memory_space<hbm>>) target(%arg12 : memref<128x128xf32, #tpu.memory_space<vmem>>) offsets(%dma_start3A_13 : memref<128xi32, #tpu.memory_space<vmem>>) semaphore(%arg18 : memref<!tpu.dma_semaphore, #tpu.memory_space<semaphore_mem>>)
    %scan3A = arith.constant 0 : i32
    %scan3A_17 = arith.constant 0 : i32
    %scan3A_18 = arith.constant 20 : i32
    %scan3A_19 = arith.addi %scan3A_17, %scan3A_18 : i32
    %scan3A_20 = arith.constant 1 : i32
    scf.for %scan3A_22 = %scan3A_17 to %scan3A_19 step %scan3A_20  : i32 {
      %mul3A_23 = arith.constant 2 : i32
      %mul3A_24 = arith.muli %mul3A_23, %scan3A_22 : i32
      %add3A_25 = arith.constant 1 : i32
      %add3A_26 = arith.addi %mul3A_24, %add3A_25 : i32
      %dma_start3A_27 = arith.constant 0 : i32
      %dma_start3A_28 = tpu.memref_slice %arg8[%add3A_26, %dma_start3A_27] : memref<40x128xi32, #tpu.memory_space<vmem>> -> memref<1x128xi32, #tpu.memory_space<vmem>>
      %dma_start3A_29 = tpu.memref_squeeze %dma_start3A_28 : memref<1x128xi32, #tpu.memory_space<vmem>> -> memref<128xi32, #tpu.memory_space<vmem>>
      %dma_start3A_30 = arith.constant 0 : i32
      %dma_start3A_31 = arith.constant 0 : i32
      %dma_start3A_32 = tpu.memref_slice %arg2[%dma_start3A_30, %dma_start3A_31] : memref<10240x256xf32, #tpu.memory_space<hbm>> -> memref<10240x256xf32, #tpu.memory_space<hbm>>
      tpu.enqueue_indirect_dma source(%dma_start3A_32 : memref<10240x256xf32, #tpu.memory_space<hbm>>) target(%arg11 : memref<128x256xf32, #tpu.memory_space<vmem>>) offsets(%dma_start3A_29 : memref<128xi32, #tpu.memory_space<vmem>>) semaphore(%arg17 : memref<!tpu.dma_semaphore, #tpu.memory_space<semaphore_mem>>)
      %dma_start3A_33 = arith.constant 0 : i32
      %dma_start3A_34 = tpu.memref_slice %arg9[%add3A_26, %dma_start3A_33] : memref<40x128xi32, #tpu.memory_space<vmem>> -> memref<1x128xi32, #tpu.memory_space<vmem>>
      %dma_start3A_35 = tpu.memref_squeeze %dma_start3A_34 : memref<1x128xi32, #tpu.memory_space<vmem>> -> memref<128xi32, #tpu.memory_space<vmem>>
      %dma_start3A_36 = arith.constant 0 : i32
      %dma_start3A_37 = arith.constant 0 : i32
      %dma_start3A_38 = tpu.memref_slice %arg3[%dma_start3A_36, %dma_start3A_37] : memref<10240x128xf32, #tpu.memory_space<hbm>> -> memref<10240x128xf32, #tpu.memory_space<hbm>>
      tpu.enqueue_indirect_dma source(%dma_start3A_38 : memref<10240x128xf32, #tpu.memory_space<hbm>>) target(%arg13 : memref<128x128xf32, #tpu.memory_space<vmem>>) offsets(%dma_start3A_35 : memref<128xi32, #tpu.memory_space<vmem>>) semaphore(%arg19 : memref<!tpu.dma_semaphore, #tpu.memory_space<semaphore_mem>>)
      %dma_wait3A = arith.constant 0 : i32
      %dma_wait3A_39 = tpu.memref_slice %arg8[%mul3A_24, %dma_wait3A] : memref<40x128xi32, #tpu.memory_space<vmem>> -> memref<1x128xi32, #tpu.memory_space<vmem>>
      %dma_wait3A_40 = tpu.memref_squeeze %dma_wait3A_39 : memref<1x128xi32, #tpu.memory_space<vmem>> -> memref<128xi32, #tpu.memory_space<vmem>>
      %dma_wait3A_41 = arith.constant 0 : i32
      %dma_wait3A_42 = arith.constant 0 : i32
      %dma_wait3A_43 = tpu.memref_slice %arg2[%dma_wait3A_41, %dma_wait3A_42] : memref<10240x256xf32, #tpu.memory_space<hbm>> -> memref<10240x256xf32, #tpu.memory_space<hbm>>
      tpu.wait_indirect_dma semaphore(%arg16 : memref<!tpu.dma_semaphore, #tpu.memory_space<semaphore_mem>>) src(%dma_wait3A_43 : memref<10240x256xf32, #tpu.memory_space<hbm>>) dst(%arg10 : memref<128x256xf32, #tpu.memory_space<vmem>>)
      %dma_wait3A_44 = arith.constant 0 : i32
      %dma_wait3A_45 = tpu.memref_slice %arg9[%mul3A_24, %dma_wait3A_44] : memref<40x128xi32, #tpu.memory_space<vmem>> -> memref<1x128xi32, #tpu.memory_space<vmem>>
      %dma_wait3A_46 = tpu.memref_squeeze %dma_wait3A_45 : memref<1x128xi32, #tpu.memory_space<vmem>> -> memref<128xi32, #tpu.memory_space<vmem>>
      %dma_wait3A_47 = arith.constant 0 : i32
      %dma_wait3A_48 = arith.constant 0 : i32
      %dma_wait3A_49 = tpu.memref_slice %arg3[%dma_wait3A_47, %dma_wait3A_48] : memref<10240x128xf32, #tpu.memory_space<hbm>> -> memref<10240x128xf32, #tpu.memory_space<hbm>>
      tpu.wait_indirect_dma semaphore(%arg18 : memref<!tpu.dma_semaphore, #tpu.memory_space<semaphore_mem>>) src(%dma_wait3A_49 : memref<10240x128xf32, #tpu.memory_space<hbm>>) dst(%arg12 : memref<128x128xf32, #tpu.memory_space<vmem>>)
      %parallel_loop3A = arith.constant 0 : i32
      %parallel_loop3A_50 = arith.constant 128 : i32
      %parallel_loop3A_51 = arith.constant 1 : i32
      scf.for %parallel_loop3A_79 = %parallel_loop3A to %parallel_loop3A_50 step %parallel_loop3A_51  : i32 {
        %parallel_loop3A_80 = arith.index_cast %parallel_loop3A_79 : i32 to index
        %parallel_loop3A_81 = arith.constant 0 : index
        %parallel_loop3A_82 = tpu.vector_load %arg12[%parallel_loop3A_80, %parallel_loop3A_81] {strides = array<i32>} : memref<128x128xf32, #tpu.memory_space<vmem>>, vector<16xf32>,
        %parallel_loop3A_83 = arith.index_cast %parallel_loop3A_79 : i32 to index
        %parallel_loop3A_84 = arith.constant 0 : index
        %parallel_loop3A_85 = tpu.vector_load %arg10[%parallel_loop3A_83, %parallel_loop3A_84] {strides = array<i32>} : memref<128x256xf32, #tpu.memory_space<vmem>>, vector<16xf32>,
        %parallel_loop3A_86 = arith.mulf %parallel_loop3A_85, %parallel_loop3A_82 : vector<16xf32>
        %parallel_loop3A_87 = arith.index_cast %parallel_loop3A_79 : i32 to index
        %parallel_loop3A_88 = arith.constant 128 : index
        %parallel_loop3A_89 = tpu.vector_load %arg10[%parallel_loop3A_87, %parallel_loop3A_88] {strides = array<i32>} : memref<128x256xf32, #tpu.memory_space<vmem>>, vector<16xf32>,
        %parallel_loop3A_90 = arith.mulf %parallel_loop3A_89, %parallel_loop3A_82 : vector<16xf32>
        %parallel_loop3A_91 = arith.index_cast %parallel_loop3A_79 : i32 to index
        %parallel_loop3A_92 = arith.constant 16 : index
        %parallel_loop3A_93 = tpu.vector_load %arg12[%parallel_loop3A_91, %parallel_loop3A_92] {strides = array<i32>} : memref<128x128xf32, #tpu.memory_space<vmem>>, vector<16xf32>,
        %parallel_loop3A_94 = arith.index_cast %parallel_loop3A_79 : i32 to index
        %parallel_loop3A_95 = arith.constant 16 : index
        %parallel_loop3A_96 = tpu.vector_load %arg10[%parallel_loop3A_94, %parallel_loop3A_95] {strides = array<i32>} : memref<128x256xf32, #tpu.memory_space<vmem>>, vector<16xf32>,
        %parallel_loop3A_97 = arith.mulf %parallel_loop3A_96, %parallel_loop3A_93 : vector<16xf32>
        %parallel_loop3A_98 = arith.addf %parallel_loop3A_86, %parallel_loop3A_97 : vector<16xf32>
        %parallel_loop3A_99 = arith.index_cast %parallel_loop3A_79 : i32 to index
        %parallel_loop3A_100 = arith.constant 144 : index
        %parallel_loop3A_101 = tpu.vector_load %arg10[%parallel_loop3A_99, %parallel_loop3A_100] {strides = array<i32>} : memref<128x256xf32, #tpu.memory_space<vmem>>, vector<16xf32>,
        %parallel_loop3A_102 = arith.mulf %parallel_loop3A_101, %parallel_loop3A_93 : vector<16xf32>
        %parallel_loop3A_103 = arith.addf %parallel_loop3A_90, %parallel_loop3A_102 : vector<16xf32>
        %parallel_loop3A_104 = arith.index_cast %parallel_loop3A_79 : i32 to index
        %parallel_loop3A_105 = arith.constant 32 : index
        %parallel_loop3A_106 = tpu.vector_load %arg12[%parallel_loop3A_104, %parallel_loop3A_105] {strides = array<i32>} : memref<128x128xf32, #tpu.memory_space<vmem>>, vector<16xf32>,
        %parallel_loop3A_107 = arith.index_cast %parallel_loop3A_79 : i32 to index
        %parallel_loop3A_108 = arith.constant 32 : index
        %parallel_loop3A_109 = tpu.vector_load %arg10[%parallel_loop3A_107, %parallel_loop3A_108] {strides = array<i32>} : memref<128x256xf32, #tpu.memory_space<vmem>>, vector<16xf32>,
        %parallel_loop3A_110 = arith.mulf %parallel_loop3A_109, %parallel_loop3A_106 : vector<16xf32>
        %parallel_loop3A_111 = arith.addf %parallel_loop3A_98, %parallel_loop3A_110 : vector<16xf32>
        %parallel_loop3A_112 = arith.index_cast %parallel_loop3A_79 : i32 to index
        %parallel_loop3A_113 = arith.constant 160 : index
        %parallel_loop3A_114 = tpu.vector_load %arg10[%parallel_loop3A_112, %parallel_loop3A_113] {strides = array<i32>} : memref<128x256xf32, #tpu.memory_space<vmem>>, vector<16xf32>,
        %parallel_loop3A_115 = arith.mulf %parallel_loop3A_114, %parallel_loop3A_106 : vector<16xf32>
        %parallel_loop3A_116 = arith.addf %parallel_loop3A_103, %parallel_loop3A_115 : vector<16xf32>
        %parallel_loop3A_117 = arith.index_cast %parallel_loop3A_79 : i32 to index
        %parallel_loop3A_118 = arith.constant 48 : index
        %parallel_loop3A_119 = tpu.vector_load %arg12[%parallel_loop3A_117, %parallel_loop3A_118] {strides = array<i32>} : memref<128x128xf32, #tpu.memory_space<vmem>>, vector<16xf32>,
        %parallel_loop3A_120 = arith.index_cast %parallel_loop3A_79 : i32 to index
        %parallel_loop3A_121 = arith.constant 48 : index
        %parallel_loop3A_122 = tpu.vector_load %arg10[%parallel_loop3A_120, %parallel_loop3A_121] {strides = array<i32>} : memref<128x256xf32, #tpu.memory_space<vmem>>, vector<16xf32>,
        %parallel_loop3A_123 = arith.mulf %parallel_loop3A_122, %parallel_loop3A_119 : vector<16xf32>
        %parallel_loop3A_124 = arith.addf %parallel_loop3A_111, %parallel_loop3A_123 : vector<16xf32>
        %parallel_loop3A_125 = arith.index_cast %parallel_loop3A_79 : i32 to index
        %parallel_loop3A_126 = arith.constant 176 : index
        %parallel_loop3A_127 = tpu.vector_load %arg10[%parallel_loop3A_125, %parallel_loop3A_126] {strides = array<i32>} : memref<128x256xf32, #tpu.memory_space<vmem>>, vector<16xf32>,
        %parallel_loop3A_128 = arith.mulf %parallel_loop3A_127, %parallel_loop3A_119 : vector<16xf32>
        %parallel_loop3A_129 = arith.addf %parallel_loop3A_116, %parallel_loop3A_128 : vector<16xf32>
        %parallel_loop3A_130 = arith.index_cast %parallel_loop3A_79 : i32 to index
        %parallel_loop3A_131 = arith.constant 64 : index
        %parallel_loop3A_132 = tpu.vector_load %arg12[%parallel_loop3A_130, %parallel_loop3A_131] {strides = array<i32>} : memref<128x128xf32, #tpu.memory_space<vmem>>, vector<16xf32>,
        %parallel_loop3A_133 = arith.index_cast %parallel_loop3A_79 : i32 to index
        %parallel_loop3A_134 = arith.constant 64 : index
        %parallel_loop3A_135 = tpu.vector_load %arg10[%parallel_loop3A_133, %parallel_loop3A_134] {strides = array<i32>} : memref<128x256xf32, #tpu.memory_space<vmem>>, vector<16xf32>,
        %parallel_loop3A_136 = arith.mulf %parallel_loop3A_135, %parallel_loop3A_132 : vector<16xf32>
        %parallel_loop3A_137 = arith.addf %parallel_loop3A_124, %parallel_loop3A_136 : vector<16xf32>
        %parallel_loop3A_138 = arith.index_cast %parallel_loop3A_79 : i32 to index
        %parallel_loop3A_139 = arith.constant 192 : index
        %parallel_loop3A_140 = tpu.vector_load %arg10[%parallel_loop3A_138, %parallel_loop3A_139] {strides = array<i32>} : memref<128x256xf32, #tpu.memory_space<vmem>>, vector<16xf32>,
        %parallel_loop3A_141 = arith.mulf %parallel_loop3A_140, %parallel_loop3A_132 : vector<16xf32>
        %parallel_loop3A_142 = arith.addf %parallel_loop3A_129, %parallel_loop3A_141 : vector<16xf32>
        %parallel_loop3A_143 = arith.constant true
        %parallel_loop3A_144 = vector.broadcast %parallel_loop3A_143 : i1 to vector<16xi1>
        %parallel_loop3A_145 = tpu.scan <sum>, %parallel_loop3A_137 masked %parallel_loop3A_144 : vector<16xf32>, vector<16xi1> -> vector<16xf32>
        %parallel_loop3A_146 = vector.extract %parallel_loop3A_145[15] : f32 from vector<16xf32>
        %parallel_loop3A_147 = arith.constant true
        %parallel_loop3A_148 = vector.broadcast %parallel_loop3A_147 : i1 to vector<16xi1>
        %parallel_loop3A_149 = tpu.scan <sum>, %parallel_loop3A_142 masked %parallel_loop3A_148 : vector<16xf32>, vector<16xi1> -> vector<16xf32>
        %parallel_loop3A_150 = vector.extract %parallel_loop3A_149[15] : f32 from vector<16xf32>
        %parallel_loop3A_151 = vector.broadcast %parallel_loop3A_146 : f32 to vector<16xf32>
        %parallel_loop3A_152 = arith.mulf %parallel_loop3A_151, %get3A_1 : vector<16xf32>
        %parallel_loop3A_153 = vector.broadcast %parallel_loop3A_150 : f32 to vector<16xf32>
        %parallel_loop3A_154 = arith.mulf %parallel_loop3A_153, %get3A_3 : vector<16xf32>
        %parallel_loop3A_155 = arith.addf %parallel_loop3A_152, %parallel_loop3A_154 : vector<16xf32>
        %parallel_loop3A_156 = arith.constant 8 : i32
        %parallel_loop3A_157 = arith.divsi %parallel_loop3A_79, %parallel_loop3A_156 : i32
        %parallel_loop3A_158 = arith.constant 0 : i32
        %parallel_loop3A_159 = arith.cmpi sgt, %parallel_loop3A_79, %parallel_loop3A_158 : i32
        %parallel_loop3A_160 = arith.extui %parallel_loop3A_159 : i1 to i32
        %parallel_loop3A_161 = arith.constant 0 : i32
        %parallel_loop3A_162 = arith.cmpi slt, %parallel_loop3A_79, %parallel_loop3A_161 : i32
        %parallel_loop3A_163 = arith.extui %parallel_loop3A_162 : i1 to i32
        %parallel_loop3A_164 = arith.subi %parallel_loop3A_160, %parallel_loop3A_163 : i32
        %parallel_loop3A_165 = arith.constant 0 : i32
        %parallel_loop3A_166 = arith.cmpi sgt, %parallel_loop3A_156, %parallel_loop3A_165 : i32
        %parallel_loop3A_167 = arith.extui %parallel_loop3A_166 : i1 to i32
        %parallel_loop3A_168 = arith.constant 0 : i32
        %parallel_loop3A_169 = arith.cmpi slt, %parallel_loop3A_156, %parallel_loop3A_168 : i32
        %parallel_loop3A_170 = arith.extui %parallel_loop3A_169 : i1 to i32
        %parallel_loop3A_171 = arith.subi %parallel_loop3A_167, %parallel_loop3A_170 : i32
        %parallel_loop3A_172 = arith.cmpi ne, %parallel_loop3A_164, %parallel_loop3A_171 : i32
        %parallel_loop3A_173 = arith.remsi %parallel_loop3A_79, %parallel_loop3A_156 : i32
        %parallel_loop3A_174 = arith.constant 0 : i32
        %parallel_loop3A_175 = arith.cmpi ne, %parallel_loop3A_173, %parallel_loop3A_174 : i32
        %parallel_loop3A_176 = arith.andi %parallel_loop3A_172, %parallel_loop3A_175 : i1
        %parallel_loop3A_177 = arith.constant 1 : i32
        %parallel_loop3A_178 = arith.subi %parallel_loop3A_157, %parallel_loop3A_177 : i32
        %parallel_loop3A_179 = arith.select %parallel_loop3A_176, %parallel_loop3A_178, %parallel_loop3A_157 : i32
        %parallel_loop3A_180 = arith.constant 8 : i32
        %parallel_loop3A_181 = arith.constant 0 : i32
        %parallel_loop3A_182 = arith.cmpi eq, %parallel_loop3A_180, %parallel_loop3A_181 : i32
        %parallel_loop3A_183 = arith.constant 1 : i32
        %parallel_loop3A_184 = arith.select %parallel_loop3A_182, %parallel_loop3A_183, %parallel_loop3A_180 : i32
        %parallel_loop3A_185 = arith.remsi %parallel_loop3A_79, %parallel_loop3A_184 : i32
        %parallel_loop3A_186 = arith.constant 0 : i32
        %parallel_loop3A_187 = arith.cmpi ne, %parallel_loop3A_185, %parallel_loop3A_186 : i32
        %parallel_loop3A_188 = arith.constant 0 : i32
        %parallel_loop3A_189 = arith.cmpi slt, %parallel_loop3A_185, %parallel_loop3A_188 : i32
        %parallel_loop3A_190 = arith.constant 0 : i32
        %parallel_loop3A_191 = arith.cmpi slt, %parallel_loop3A_184, %parallel_loop3A_190 : i32
        %parallel_loop3A_192 = arith.xori %parallel_loop3A_189, %parallel_loop3A_191 : i1
        %parallel_loop3A_193 = arith.andi %parallel_loop3A_192, %parallel_loop3A_187 : i1
        %parallel_loop3A_194 = arith.addi %parallel_loop3A_185, %parallel_loop3A_184 : i32
        %parallel_loop3A_195 = arith.select %parallel_loop3A_193, %parallel_loop3A_194, %parallel_loop3A_185 : i32
        %parallel_loop3A_196 = arith.constant 16 : i32
        %parallel_loop3A_197 = arith.muli %parallel_loop3A_195, %parallel_loop3A_196 : i32
        %parallel_loop3A_198 = arith.index_cast %parallel_loop3A_179 : i32 to index
        %parallel_loop3A_199 = arith.index_cast %parallel_loop3A_197 : i32 to index
        %parallel_loop3A_200 = tpu.vector_load %arg14[%parallel_loop3A_198, %parallel_loop3A_199] {strides = array<i32>} : memref<16x128xf32, #tpu.memory_space<vmem>>, vector<16xf32>,
        tpu.vector_store %arg14[%parallel_loop3A_198, %parallel_loop3A_199], %parallel_loop3A_155 {strides = array<i32>} : memref<16x128xf32, #tpu.memory_space<vmem>>, vector<16xf32>,
      } {sc.loop_unroll_factor = 4 : i64, sc.parallel_access}
      %mul3A_52 = arith.constant 640 : i32
      %mul3A_53 = arith.muli %add3A, %mul3A_52 : i32
      %mul3A_54 = arith.constant 16 : i32
      %mul3A_55 = arith.muli %mul3A_24, %mul3A_54 : i32
      %add3A_56 = arith.addi %mul3A_53, %mul3A_55 : i32
      "tpu.region"() ({
        %run_scoped3A = tpu.sem_alloc : memref<!tpu.dma_semaphore, #tpu.memory_space<semaphore_mem>>
        %dma_start3A_79 = arith.constant 0 : i32
        %dma_start3A_80 = tpu.memref_slice %arg7[%add3A_56, %dma_start3A_79] : memref<20480x128xf32, #tpu.memory_space<hbm>> -> memref<16x128xf32, #tpu.memory_space<hbm>>
        %dma_start3A_81 = arith.constant 0 : i32
        %dma_start3A_82 = tpu.memref_slice %arg7[%add3A_56, %dma_start3A_81] : memref<20480x128xf32, #tpu.memory_space<hbm>> -> memref<16x128xf32, #tpu.memory_space<hbm>>
        tpu.enqueue_dma source(%arg14 : memref<16x128xf32, #tpu.memory_space<vmem>>) target(%dma_start3A_82 : memref<16x128xf32, #tpu.memory_space<hbm>>) target_semaphore(%run_scoped3A : memref<!tpu.dma_semaphore, #tpu.memory_space<semaphore_mem>>)
        %dma_wait3A_83 = arith.constant 0 : i32
        %dma_wait3A_84 = tpu.memref_slice %arg7[%add3A_56, %dma_wait3A_83] : memref<20480x128xf32, #tpu.memory_space<hbm>> -> memref<16x128xf32, #tpu.memory_space<hbm>>
        %dma_wait3A_85 = arith.constant 0 : i32
        %dma_wait3A_86 = tpu.memref_slice %arg7[%add3A_56, %dma_wait3A_85] : memref<20480x128xf32, #tpu.memory_space<hbm>> -> memref<16x128xf32, #tpu.memory_space<hbm>>
        tpu.wait_dma2 semaphore(%run_scoped3A : memref<!tpu.dma_semaphore, #tpu.memory_space<semaphore_mem>>) src(%arg14 : memref<16x128xf32, #tpu.memory_space<vmem>>) dst(%dma_wait3A_86 : memref<16x128xf32, #tpu.memory_space<hbm>>)
        tpu.yield
      }) : () -> ()
      %lt3A = arith.constant 19 : i32
      %lt3A_57 = arith.cmpi slt, %scan3A_22, %lt3A : i32
      %convert_element_type3A = arith.extui %lt3A_57 : i1 to i32
      %cond3A = arith.constant 0 : i32
      %cond3A_58 = arith.cmpi ne, %convert_element_type3A, %cond3A : i32
      scf.if %cond3A_58 {
        %add3A_79 = arith.constant 2 : i32
        %add3A_80 = arith.addi %mul3A_24, %add3A_79 : i32
        %dma_start3A_81 = arith.constant 0 : i32
        %dma_start3A_82 = tpu.memref_slice %arg8[%add3A_80, %dma_start3A_81] : memref<40x128xi32, #tpu.memory_space<vmem>> -> memref<1x128xi32, #tpu.memory_space<vmem>>
        %dma_start3A_83 = tpu.memref_squeeze %dma_start3A_82 : memref<1x128xi32, #tpu.memory_space<vmem>> -> memref<128xi32, #tpu.memory_space<vmem>>
        %dma_start3A_84 = arith.constant 0 : i32
        %dma_start3A_85 = arith.constant 0 : i32
        %dma_start3A_86 = tpu.memref_slice %arg2[%dma_start3A_84, %dma_start3A_85] : memref<10240x256xf32, #tpu.memory_space<hbm>> -> memref<10240x256xf32, #tpu.memory_space<hbm>>
        tpu.enqueue_indirect_dma source(%dma_start3A_86 : memref<10240x256xf32, #tpu.memory_space<hbm>>) target(%arg10 : memref<128x256xf32, #tpu.memory_space<vmem>>) offsets(%dma_start3A_83 : memref<128xi32, #tpu.memory_space<vmem>>) semaphore(%arg16 : memref<!tpu.dma_semaphore, #tpu.memory_space<semaphore_mem>>)
        %add3A_87 = arith.constant 2 : i32
        %add3A_88 = arith.addi %mul3A_24, %add3A_87 : i32
        %dma_start3A_89 = arith.constant 0 : i32
        %dma_start3A_90 = tpu.memref_slice %arg9[%add3A_88, %dma_start3A_89] : memref<40x128xi32, #tpu.memory_space<vmem>> -> memref<1x128xi32, #tpu.memory_space<vmem>>
        %dma_start3A_91 = tpu.memref_squeeze %dma_start3A_90 : memref<1x128xi32, #tpu.memory_space<vmem>> -> memref<128xi32, #tpu.memory_space<vmem>>
        %dma_start3A_92 = arith.constant 0 : i32
        %dma_start3A_93 = arith.constant 0 : i32
        %dma_start3A_94 = tpu.memref_slice %arg3[%dma_start3A_92, %dma_start3A_93] : memref<10240x128xf32, #tpu.memory_space<hbm>> -> memref<10240x128xf32, #tpu.memory_space<hbm>>
        tpu.enqueue_indirect_dma source(%dma_start3A_94 : memref<10240x128xf32, #tpu.memory_space<hbm>>) target(%arg12 : memref<128x128xf32, #tpu.memory_space<vmem>>) offsets(%dma_start3A_91 : memref<128xi32, #tpu.memory_space<vmem>>) semaphore(%arg18 : memref<!tpu.dma_semaphore, #tpu.memory_space<semaphore_mem>>)
      } else {
      }
      %dma_wait3A_59 = arith.constant 0 : i32
      %dma_wait3A_60 = tpu.memref_slice %arg8[%add3A_26, %dma_wait3A_59] : memref<40x128xi32, #tpu.memory_space<vmem>> -> memref<1x128xi32, #tpu.memory_space<vmem>>
      %dma_wait3A_61 = tpu.memref_squeeze %dma_wait3A_60 : memref<1x128xi32, #tpu.memory_space<vmem>> -> memref<128xi32, #tpu.memory_space<vmem>>
      %dma_wait3A_62 = arith.constant 0 : i32
      %dma_wait3A_63 = arith.constant 0 : i32
      %dma_wait3A_64 = tpu.memref_slice %arg2[%dma_wait3A_62, %dma_wait3A_63] : memref<10240x256xf32, #tpu.memory_space<hbm>> -> memref<10240x256xf32, #tpu.memory_space<hbm>>
      tpu.wait_indirect_dma semaphore(%arg17 : memref<!tpu.dma_semaphore, #tpu.memory_space<semaphore_mem>>) src(%dma_wait3A_64 : memref<10240x256xf32, #tpu.memory_space<hbm>>) dst(%arg11 : memref<128x256xf32, #tpu.memory_space<vmem>>)
      %dma_wait3A_65 = arith.constant 0 : i32
      %dma_wait3A_66 = tpu.memref_slice %arg9[%add3A_26, %dma_wait3A_65] : memref<40x128xi32, #tpu.memory_space<vmem>> -> memref<1x128xi32, #tpu.memory_space<vmem>>
      %dma_wait3A_67 = tpu.memref_squeeze %dma_wait3A_66 : memref<1x128xi32, #tpu.memory_space<vmem>> -> memref<128xi32, #tpu.memory_space<vmem>>
      %dma_wait3A_68 = arith.constant 0 : i32
      %dma_wait3A_69 = arith.constant 0 : i32
      %dma_wait3A_70 = tpu.memref_slice %arg3[%dma_wait3A_68, %dma_wait3A_69] : memref<10240x128xf32, #tpu.memory_space<hbm>> -> memref<10240x128xf32, #tpu.memory_space<hbm>>
      tpu.wait_indirect_dma semaphore(%arg19 : memref<!tpu.dma_semaphore, #tpu.memory_space<semaphore_mem>>) src(%dma_wait3A_70 : memref<10240x128xf32, #tpu.memory_space<hbm>>) dst(%arg13 : memref<128x128xf32, #tpu.memory_space<vmem>>)
      %parallel_loop3A_71 = arith.constant 0 : i32
      %parallel_loop3A_72 = arith.constant 128 : i32
      %parallel_loop3A_73 = arith.constant 1 : i32
      scf.for %parallel_loop3A_79 = %parallel_loop3A_71 to %parallel_loop3A_72 step %parallel_loop3A_73  : i32 {
        %parallel_loop3A_80 = arith.index_cast %parallel_loop3A_79 : i32 to index
        %parallel_loop3A_81 = arith.constant 0 : index
        %parallel_loop3A_82 = tpu.vector_load %arg13[%parallel_loop3A_80, %parallel_loop3A_81] {strides = array<i32>} : memref<128x128xf32, #tpu.memory_space<vmem>>, vector<16xf32>,
        %parallel_loop3A_83 = arith.index_cast %parallel_loop3A_79 : i32 to index
        %parallel_loop3A_84 = arith.constant 0 : index
        %parallel_loop3A_85 = tpu.vector_load %arg11[%parallel_loop3A_83, %parallel_loop3A_84] {strides = array<i32>} : memref<128x256xf32, #tpu.memory_space<vmem>>, vector<16xf32>,
        %parallel_loop3A_86 = arith.mulf %parallel_loop3A_85, %parallel_loop3A_82 : vector<16xf32>
        %parallel_loop3A_87 = arith.index_cast %parallel_loop3A_79 : i32 to index
        %parallel_loop3A_88 = arith.constant 128 : index
        %parallel_loop3A_89 = tpu.vector_load %arg11[%parallel_loop3A_87, %parallel_loop3A_88] {strides = array<i32>} : memref<128x256xf32, #tpu.memory_space<vmem>>, vector<16xf32>,
        %parallel_loop3A_90 = arith.mulf %parallel_loop3A_89, %parallel_loop3A_82 : vector<16xf32>
        %parallel_loop3A_91 = arith.index_cast %parallel_loop3A_79 : i32 to index
        %parallel_loop3A_92 = arith.constant 16 : index
        %parallel_loop3A_93 = tpu.vector_load %arg13[%parallel_loop3A_91, %parallel_loop3A_92] {strides = array<i32>} : memref<128x128xf32, #tpu.memory_space<vmem>>, vector<16xf32>,
        %parallel_loop3A_94 = arith.index_cast %parallel_loop3A_79 : i32 to index
        %parallel_loop3A_95 = arith.constant 16 : index
        %parallel_loop3A_96 = tpu.vector_load %arg11[%parallel_loop3A_94, %parallel_loop3A_95] {strides = array<i32>} : memref<128x256xf32, #tpu.memory_space<vmem>>, vector<16xf32>,
        %parallel_loop3A_97 = arith.mulf %parallel_loop3A_96, %parallel_loop3A_93 : vector<16xf32>
        %parallel_loop3A_98 = arith.addf %parallel_loop3A_86, %parallel_loop3A_97 : vector<16xf32>
        %parallel_loop3A_99 = arith.index_cast %parallel_loop3A_79 : i32 to index
        %parallel_loop3A_100 = arith.constant 144 : index
        %parallel_loop3A_101 = tpu.vector_load %arg11[%parallel_loop3A_99, %parallel_loop3A_100] {strides = array<i32>} : memref<128x256xf32, #tpu.memory_space<vmem>>, vector<16xf32>,
        %parallel_loop3A_102 = arith.mulf %parallel_loop3A_101, %parallel_loop3A_93 : vector<16xf32>
        %parallel_loop3A_103 = arith.addf %parallel_loop3A_90, %parallel_loop3A_102 : vector<16xf32>
        %parallel_loop3A_104 = arith.index_cast %parallel_loop3A_79 : i32 to index
        %parallel_loop3A_105 = arith.constant 32 : index
        %parallel_loop3A_106 = tpu.vector_load %arg13[%parallel_loop3A_104, %parallel_loop3A_105] {strides = array<i32>} : memref<128x128xf32, #tpu.memory_space<vmem>>, vector<16xf32>,
        %parallel_loop3A_107 = arith.index_cast %parallel_loop3A_79 : i32 to index
        %parallel_loop3A_108 = arith.constant 32 : index
        %parallel_loop3A_109 = tpu.vector_load %arg11[%parallel_loop3A_107, %parallel_loop3A_108] {strides = array<i32>} : memref<128x256xf32, #tpu.memory_space<vmem>>, vector<16xf32>,
        %parallel_loop3A_110 = arith.mulf %parallel_loop3A_109, %parallel_loop3A_106 : vector<16xf32>
        %parallel_loop3A_111 = arith.addf %parallel_loop3A_98, %parallel_loop3A_110 : vector<16xf32>
        %parallel_loop3A_112 = arith.index_cast %parallel_loop3A_79 : i32 to index
        %parallel_loop3A_113 = arith.constant 160 : index
        %parallel_loop3A_114 = tpu.vector_load %arg11[%parallel_loop3A_112, %parallel_loop3A_113] {strides = array<i32>} : memref<128x256xf32, #tpu.memory_space<vmem>>, vector<16xf32>,
        %parallel_loop3A_115 = arith.mulf %parallel_loop3A_114, %parallel_loop3A_106 : vector<16xf32>
        %parallel_loop3A_116 = arith.addf %parallel_loop3A_103, %parallel_loop3A_115 : vector<16xf32>
        %parallel_loop3A_117 = arith.index_cast %parallel_loop3A_79 : i32 to index
        %parallel_loop3A_118 = arith.constant 48 : index
        %parallel_loop3A_119 = tpu.vector_load %arg13[%parallel_loop3A_117, %parallel_loop3A_118] {strides = array<i32>} : memref<128x128xf32, #tpu.memory_space<vmem>>, vector<16xf32>,
        %parallel_loop3A_120 = arith.index_cast %parallel_loop3A_79 : i32 to index
        %parallel_loop3A_121 = arith.constant 48 : index
        %parallel_loop3A_122 = tpu.vector_load %arg11[%parallel_loop3A_120, %parallel_loop3A_121] {strides = array<i32>} : memref<128x256xf32, #tpu.memory_space<vmem>>, vector<16xf32>,
        %parallel_loop3A_123 = arith.mulf %parallel_loop3A_122, %parallel_loop3A_119 : vector<16xf32>
        %parallel_loop3A_124 = arith.addf %parallel_loop3A_111, %parallel_loop3A_123 : vector<16xf32>
        %parallel_loop3A_125 = arith.index_cast %parallel_loop3A_79 : i32 to index
        %parallel_loop3A_126 = arith.constant 176 : index
        %parallel_loop3A_127 = tpu.vector_load %arg11[%parallel_loop3A_125, %parallel_loop3A_126] {strides = array<i32>} : memref<128x256xf32, #tpu.memory_space<vmem>>, vector<16xf32>,
        %parallel_loop3A_128 = arith.mulf %parallel_loop3A_127, %parallel_loop3A_119 : vector<16xf32>
        %parallel_loop3A_129 = arith.addf %parallel_loop3A_116, %parallel_loop3A_128 : vector<16xf32>
        %parallel_loop3A_130 = arith.index_cast %parallel_loop3A_79 : i32 to index
        %parallel_loop3A_131 = arith.constant 64 : index
        %parallel_loop3A_132 = tpu.vector_load %arg13[%parallel_loop3A_130, %parallel_loop3A_131] {strides = array<i32>} : memref<128x128xf32, #tpu.memory_space<vmem>>, vector<16xf32>,
        %parallel_loop3A_133 = arith.index_cast %parallel_loop3A_79 : i32 to index
        %parallel_loop3A_134 = arith.constant 64 : index
        %parallel_loop3A_135 = tpu.vector_load %arg11[%parallel_loop3A_133, %parallel_loop3A_134] {strides = array<i32>} : memref<128x256xf32, #tpu.memory_space<vmem>>, vector<16xf32>,
        %parallel_loop3A_136 = arith.mulf %parallel_loop3A_135, %parallel_loop3A_132 : vector<16xf32>
        %parallel_loop3A_137 = arith.addf %parallel_loop3A_124, %parallel_loop3A_136 : vector<16xf32>
        %parallel_loop3A_138 = arith.index_cast %parallel_loop3A_79 : i32 to index
        %parallel_loop3A_139 = arith.constant 192 : index
        %parallel_loop3A_140 = tpu.vector_load %arg11[%parallel_loop3A_138, %parallel_loop3A_139] {strides = array<i32>} : memref<128x256xf32, #tpu.memory_space<vmem>>, vector<16xf32>,
        %parallel_loop3A_141 = arith.mulf %parallel_loop3A_140, %parallel_loop3A_132 : vector<16xf32>
        %parallel_loop3A_142 = arith.addf %parallel_loop3A_129, %parallel_loop3A_141 : vector<16xf32>
        %parallel_loop3A_143 = arith.constant true
        %parallel_loop3A_144 = vector.broadcast %parallel_loop3A_143 : i1 to vector<16xi1>
        %parallel_loop3A_145 = tpu.scan <sum>, %parallel_loop3A_137 masked %parallel_loop3A_144 : vector<16xf32>, vector<16xi1> -> vector<16xf32>
        %parallel_loop3A_146 = vector.extract %parallel_loop3A_145[15] : f32 from vector<16xf32>
        %parallel_loop3A_147 = arith.constant true
        %parallel_loop3A_148 = vector.broadcast %parallel_loop3A_147 : i1 to vector<16xi1>
        %parallel_loop3A_149 = tpu.scan <sum>, %parallel_loop3A_142 masked %parallel_loop3A_148 : vector<16xf32>, vector<16xi1> -> vector<16xf32>
        %parallel_loop3A_150 = vector.extract %parallel_loop3A_149[15] : f32 from vector<16xf32>
        %parallel_loop3A_151 = vector.broadcast %parallel_loop3A_146 : f32 to vector<16xf32>
        %parallel_loop3A_152 = arith.mulf %parallel_loop3A_151, %get3A_1 : vector<16xf32>
        %parallel_loop3A_153 = vector.broadcast %parallel_loop3A_150 : f32 to vector<16xf32>
        %parallel_loop3A_154 = arith.mulf %parallel_loop3A_153, %get3A_3 : vector<16xf32>
        %parallel_loop3A_155 = arith.addf %parallel_loop3A_152, %parallel_loop3A_154 : vector<16xf32>
        %parallel_loop3A_156 = arith.constant 8 : i32
        %parallel_loop3A_157 = arith.divsi %parallel_loop3A_79, %parallel_loop3A_156 : i32
        %parallel_loop3A_158 = arith.constant 0 : i32
        %parallel_loop3A_159 = arith.cmpi sgt, %parallel_loop3A_79, %parallel_loop3A_158 : i32
        %parallel_loop3A_160 = arith.extui %parallel_loop3A_159 : i1 to i32
        %parallel_loop3A_161 = arith.constant 0 : i32
        %parallel_loop3A_162 = arith.cmpi slt, %parallel_loop3A_79, %parallel_loop3A_161 : i32
        %parallel_loop3A_163 = arith.extui %parallel_loop3A_162 : i1 to i32
        %parallel_loop3A_164 = arith.subi %parallel_loop3A_160, %parallel_loop3A_163 : i32
        %parallel_loop3A_165 = arith.constant 0 : i32
        %parallel_loop3A_166 = arith.cmpi sgt, %parallel_loop3A_156, %parallel_loop3A_165 : i32
        %parallel_loop3A_167 = arith.extui %parallel_loop3A_166 : i1 to i32
        %parallel_loop3A_168 = arith.constant 0 : i32
        %parallel_loop3A_169 = arith.cmpi slt, %parallel_loop3A_156, %parallel_loop3A_168 : i32
        %parallel_loop3A_170 = arith.extui %parallel_loop3A_169 : i1 to i32
        %parallel_loop3A_171 = arith.subi %parallel_loop3A_167, %parallel_loop3A_170 : i32
        %parallel_loop3A_172 = arith.cmpi ne, %parallel_loop3A_164, %parallel_loop3A_171 : i32
        %parallel_loop3A_173 = arith.remsi %parallel_loop3A_79, %parallel_loop3A_156 : i32
        %parallel_loop3A_174 = arith.constant 0 : i32
        %parallel_loop3A_175 = arith.cmpi ne, %parallel_loop3A_173, %parallel_loop3A_174 : i32
        %parallel_loop3A_176 = arith.andi %parallel_loop3A_172, %parallel_loop3A_175 : i1
        %parallel_loop3A_177 = arith.constant 1 : i32
        %parallel_loop3A_178 = arith.subi %parallel_loop3A_157, %parallel_loop3A_177 : i32
        %parallel_loop3A_179 = arith.select %parallel_loop3A_176, %parallel_loop3A_178, %parallel_loop3A_157 : i32
        %parallel_loop3A_180 = arith.constant 8 : i32
        %parallel_loop3A_181 = arith.constant 0 : i32
        %parallel_loop3A_182 = arith.cmpi eq, %parallel_loop3A_180, %parallel_loop3A_181 : i32
        %parallel_loop3A_183 = arith.constant 1 : i32
        %parallel_loop3A_184 = arith.select %parallel_loop3A_182, %parallel_loop3A_183, %parallel_loop3A_180 : i32
        %parallel_loop3A_185 = arith.remsi %parallel_loop3A_79, %parallel_loop3A_184 : i32
        %parallel_loop3A_186 = arith.constant 0 : i32
        %parallel_loop3A_187 = arith.cmpi ne, %parallel_loop3A_185, %parallel_loop3A_186 : i32
        %parallel_loop3A_188 = arith.constant 0 : i32
        %parallel_loop3A_189 = arith.cmpi slt, %parallel_loop3A_185, %parallel_loop3A_188 : i32
        %parallel_loop3A_190 = arith.constant 0 : i32
        %parallel_loop3A_191 = arith.cmpi slt, %parallel_loop3A_184, %parallel_loop3A_190 : i32
        %parallel_loop3A_192 = arith.xori %parallel_loop3A_189, %parallel_loop3A_191 : i1
        %parallel_loop3A_193 = arith.andi %parallel_loop3A_192, %parallel_loop3A_187 : i1
        %parallel_loop3A_194 = arith.addi %parallel_loop3A_185, %parallel_loop3A_184 : i32
        %parallel_loop3A_195 = arith.select %parallel_loop3A_193, %parallel_loop3A_194, %parallel_loop3A_185 : i32
        %parallel_loop3A_196 = arith.constant 16 : i32
        %parallel_loop3A_197 = arith.muli %parallel_loop3A_195, %parallel_loop3A_196 : i32
        %parallel_loop3A_198 = arith.index_cast %parallel_loop3A_179 : i32 to index
        %parallel_loop3A_199 = arith.index_cast %parallel_loop3A_197 : i32 to index
        %parallel_loop3A_200 = tpu.vector_load %arg14[%parallel_loop3A_198, %parallel_loop3A_199] {strides = array<i32>} : memref<16x128xf32, #tpu.memory_space<vmem>>, vector<16xf32>,
        tpu.vector_store %arg14[%parallel_loop3A_198, %parallel_loop3A_199], %parallel_loop3A_155 {strides = array<i32>} : memref<16x128xf32, #tpu.memory_space<vmem>>, vector<16xf32>,
      } {sc.loop_unroll_factor = 4 : i64, sc.parallel_access}
      %mul3A_74 = arith.constant 640 : i32
      %mul3A_75 = arith.muli %add3A, %mul3A_74 : i32
      %mul3A_76 = arith.constant 16 : i32
      %mul3A_77 = arith.muli %add3A_26, %mul3A_76 : i32
      %add3A_78 = arith.addi %mul3A_75, %mul3A_77 : i32
      "tpu.region"() ({
        %run_scoped3A = tpu.sem_alloc : memref<!tpu.dma_semaphore, #tpu.memory_space<semaphore_mem>>
        %dma_start3A_79 = arith.constant 0 : i32
        %dma_start3A_80 = tpu.memref_slice %arg7[%add3A_78, %dma_start3A_79] : memref<20480x128xf32, #tpu.memory_space<hbm>> -> memref<16x128xf32, #tpu.memory_space<hbm>>
        %dma_start3A_81 = arith.constant 0 : i32
        %dma_start3A_82 = tpu.memref_slice %arg7[%add3A_78, %dma_start3A_81] : memref<20480x128xf32, #tpu.memory_space<hbm>> -> memref<16x128xf32, #tpu.memory_space<hbm>>
        tpu.enqueue_dma source(%arg14 : memref<16x128xf32, #tpu.memory_space<vmem>>) target(%dma_start3A_82 : memref<16x128xf32, #tpu.memory_space<hbm>>) target_semaphore(%run_scoped3A : memref<!tpu.dma_semaphore, #tpu.memory_space<semaphore_mem>>)
        %dma_wait3A_83 = arith.constant 0 : i32
        %dma_wait3A_84 = tpu.memref_slice %arg7[%add3A_78, %dma_wait3A_83] : memref<20480x128xf32, #tpu.memory_space<hbm>> -> memref<16x128xf32, #tpu.memory_space<hbm>>
        %dma_wait3A_85 = arith.constant 0 : i32
        %dma_wait3A_86 = tpu.memref_slice %arg7[%add3A_78, %dma_wait3A_85] : memref<20480x128xf32, #tpu.memory_space<hbm>> -> memref<16x128xf32, #tpu.memory_space<hbm>>
        tpu.wait_dma2 semaphore(%run_scoped3A : memref<!tpu.dma_semaphore, #tpu.memory_space<semaphore_mem>>) src(%arg14 : memref<16x128xf32, #tpu.memory_space<vmem>>) dst(%dma_wait3A_86 : memref<16x128xf32, #tpu.memory_space<hbm>>)
        tpu.yield
      }) : () -> ()
    }
    %scan3A_21 = arith.constant 20 : i32
    return
  }
}

module attributes {stable_mosaic.version = 14 : i64} {
  func.func @_mm1_body(%arg0: i32, %arg1: i32, %arg2: memref<1x1000x128xf32, #tpu.memory_space<vmem>>, %arg3: memref<1x128x128xf32, #tpu.memory_space<vmem>>, %arg4: memref<1x1000x128xf32, #tpu.memory_space<vmem>>) attributes {dimension_semantics = [#tpu.dimension_semantics<arbitrary>, #tpu.dimension_semantics<arbitrary>], iteration_bounds = array<i64: 10, 10>, scalar_prefetch = 0 : i64, scratch_operands = 0 : i64, tpu.core_type = #tpu.core_type<tc>, window_params = [{transform_indices = @transform_0, window_bounds = array<i64: 1, 1000, 128>}, {transform_indices = @transform_1, window_bounds = array<i64: 1, 128, 128>}, {transform_indices = @transform_2, window_bounds = array<i64: 1, 1000, 128>}]} {
    %get3A = arith.constant 0 : index
    %get3A_0 = arith.constant 0 : index
    %get3A_1 = arith.constant 0 : index
    %get3A_2 = vector.load %arg2[%get3A, %get3A_0, %get3A_1] : memref<1x1000x128xf32, #tpu.memory_space<vmem>>, vector<1x1000x128xf32>
    %get3A_3 = vector.shape_cast %get3A_2 : vector<1x1000x128xf32> to vector<1000x128xf32>
    %get3A_4 = arith.constant 0 : index
    %get3A_5 = arith.constant 0 : index
    %get3A_6 = arith.constant 0 : index
    %get3A_7 = vector.load %arg3[%get3A_4, %get3A_5, %get3A_6] : memref<1x128x128xf32, #tpu.memory_space<vmem>>, vector<1x128x128xf32>
    %get3A_8 = vector.shape_cast %get3A_7 : vector<1x128x128xf32> to vector<128x128xf32>
    %dot_general3A = arith.constant dense<0.000000e+00> : vector<1000x128xf32>
    %dot_general3A_9 = tpu.matmul %get3A_3, %get3A_8, %dot_general3A {dimension_numbers = #tpu.dot_dimension_numbers<[1], [0], [0], [1], [0, 0, 1, 1], [], []>, transpose_lhs_hint = false} : vector<1000x128xf32>, vector<128x128xf32>, vector<1000x128xf32> -> vector<1000x128xf32>
    %swap3A = arith.constant 0 : index
    %swap3A_10 = arith.constant 0 : index
    %swap3A_11 = arith.constant 0 : index
    %swap3A_12 = vector.load %arg4[%swap3A, %swap3A_10, %swap3A_11] : memref<1x1000x128xf32, #tpu.memory_space<vmem>>, vector<1x1000x128xf32>
    %swap3A_13 = vector.shape_cast %swap3A_12 : vector<1x1000x128xf32> to vector<1000x128xf32>
    %swap3A_14 = vector.shape_cast %dot_general3A_9 : vector<1000x128xf32> to vector<1x1000x128xf32>
    tpu.vector_store %arg4[%swap3A, %swap3A_10, %swap3A_11], %swap3A_14 {strides = array<i32>} : memref<1x1000x128xf32, #tpu.memory_space<vmem>>, vector<1x1000x128xf32>,
    return
  }
  func.func @transform_0(%arg0: i32, %arg1: i32) -> (i32, i32, i32) {
    %jit3A = arith.constant 2 : i32
    %eq3A = arith.constant 0 : i32
    %eq3A_0 = arith.cmpi eq, %jit3A, %eq3A : i32
    %jit3A_1 = arith.constant 1 : i32
    %select_n3A = arith.select %eq3A_0, %jit3A_1, %jit3A : i32
    %rem3A = arith.remsi %arg0, %select_n3A : i32
    %ne3A = arith.constant 0 : i32
    %ne3A_2 = arith.cmpi ne, %rem3A, %ne3A : i32
    %lt3A = arith.constant 0 : i32
    %lt3A_3 = arith.cmpi slt, %rem3A, %lt3A : i32
    %lt3A_4 = arith.constant 0 : i32
    %lt3A_5 = arith.cmpi slt, %select_n3A, %lt3A_4 : i32
    %ne3A_6 = arith.xori %lt3A_3, %lt3A_5 : i1
    %and3A = arith.andi %ne3A_6, %ne3A_2 : i1
    %add3A = arith.addi %rem3A, %select_n3A : i32
    %select_n3A_7 = arith.select %and3A, %add3A, %rem3A : i32
    %c0_i32 = arith.constant 0 : i32
    %c0_i32_8 = arith.constant 0 : i32
    return %select_n3A_7, %arg1, %c0_i32 : i32, i32, i32
  }
  func.func @transform_1(%arg0: i32, %arg1: i32) -> (i32, i32, i32) {
    %c0_i32 = arith.constant 0 : i32
    %c0_i32_0 = arith.constant 0 : i32
    %c0_i32_1 = arith.constant 0 : i32
    return %arg0, %c0_i32, %c0_i32_0 : i32, i32, i32
  }
  func.func @transform_2(%arg0: i32, %arg1: i32) -> (i32, i32, i32) {
    %c0_i32 = arith.constant 0 : i32
    %c0_i32_0 = arith.constant 0 : i32
    return %arg0, %arg1, %c0_i32 : i32, i32, i32
  }
}

module attributes {stable_mosaic.version = 14 : i64} {
  func.func @_dense_body(%arg0: i32, %arg1: i32, %arg2: i32, %arg3: memref<1x1024x128xf32, #tpu.memory_space<vmem>>, %arg4: memref<1x1024x128xf32, #tpu.memory_space<vmem>>, %arg5: memref<1x128x128xf32, #tpu.memory_space<vmem>>, %arg6: memref<1x128x256xf32, #tpu.memory_space<vmem>>, %arg7: memref<1x1024x128xf32, #tpu.memory_space<vmem>>, %arg8: memref<1x1024x256xf32, #tpu.memory_space<vmem>>) attributes {dimension_semantics = [#tpu.dimension_semantics<arbitrary>, #tpu.dimension_semantics<arbitrary>, #tpu.dimension_semantics<arbitrary>], iteration_bounds = array<i64: 2, 10, 5>, scalar_prefetch = 0 : i64, scratch_operands = 0 : i64, tpu.core_type = #tpu.core_type<tc>, window_params = [{transform_indices = @transform_0, window_bounds = array<i64: 1, 1024, 128>}, {transform_indices = @transform_1, window_bounds = array<i64: 1, 1024, 128>}, {transform_indices = @transform_2, window_bounds = array<i64: 1, 128, 128>}, {pipeline_mode = #tpu.pipeline_mode<synchronous>, transform_indices = @transform_3, window_bounds = array<i64: 1, 128, 256>}, {transform_indices = @transform_4, window_bounds = array<i64: 1, 1024, 128>}, {transform_indices = @transform_5, window_bounds = array<i64: 1, 1024, 256>}]} {
    %get3A = arith.constant 0 : index
    %get3A_0 = arith.constant 0 : index
    %get3A_1 = arith.constant 0 : index
    %get3A_2 = vector.load %arg3[%get3A, %get3A_0, %get3A_1] : memref<1x1024x128xf32, #tpu.memory_space<vmem>>, vector<1x1024x128xf32>
    %get3A_3 = vector.shape_cast %get3A_2 : vector<1x1024x128xf32> to vector<1024x128xf32>
    %get3A_4 = arith.constant 0 : index
    %get3A_5 = arith.constant 0 : index
    %get3A_6 = arith.constant 0 : index
    %get3A_7 = vector.load %arg4[%get3A_4, %get3A_5, %get3A_6] : memref<1x1024x128xf32, #tpu.memory_space<vmem>>, vector<1x1024x128xf32>
    %get3A_8 = vector.shape_cast %get3A_7 : vector<1x1024x128xf32> to vector<1024x128xf32>
    %add3A = arith.addf %get3A_3, %get3A_8 : vector<1024x128xf32>
    %max3A = arith.constant 0.000000e+00 : f32
    %max3A_9 = vector.broadcast %max3A : f32 to vector<1024x128xf32>
    %max3A_10 = arith.maximumf %add3A, %max3A_9 : vector<1024x128xf32>
    %get3A_11 = arith.constant 0 : index
    %get3A_12 = arith.constant 0 : index
    %get3A_13 = arith.constant 0 : index
    %get3A_14 = vector.load %arg5[%get3A_11, %get3A_12, %get3A_13] : memref<1x128x128xf32, #tpu.memory_space<vmem>>, vector<1x128x128xf32>
    %get3A_15 = vector.shape_cast %get3A_14 : vector<1x128x128xf32> to vector<128x128xf32>
    %dot_general3A = arith.constant dense<0.000000e+00> : vector<1024x128xf32>
    %dot_general3A_16 = tpu.matmul %max3A_10, %get3A_15, %dot_general3A {dimension_numbers = #tpu.dot_dimension_numbers<[1], [0], [0], [1], [0, 0, 1, 1], [], []>, transpose_lhs_hint = false} : vector<1024x128xf32>, vector<128x128xf32>, vector<1024x128xf32> -> vector<1024x128xf32>
    %eq3A = arith.constant 0 : i32
    %eq3A_17 = arith.cmpi eq, %arg2, %eq3A : i32
    %convert_element_type3A = arith.extui %eq3A_17 : i1 to i32
    %cond3A = arith.constant 0 : i32
    %cond3A_18 = arith.cmpi ne, %convert_element_type3A, %cond3A : i32
    scf.if %cond3A_18 {
      %swap3A = arith.constant 0 : index
      %swap3A_28 = arith.constant 0 : index
      %swap3A_29 = arith.constant 0 : index
      %swap3A_30 = vector.load %arg7[%swap3A, %swap3A_28, %swap3A_29] : memref<1x1024x128xf32, #tpu.memory_space<vmem>>, vector<1x1024x128xf32>
      %swap3A_31 = vector.shape_cast %swap3A_30 : vector<1x1024x128xf32> to vector<1024x128xf32>
      %swap3A_32 = vector.shape_cast %dot_general3A_16 : vector<1024x128xf32> to vector<1x1024x128xf32>
      tpu.vector_store %arg7[%swap3A, %swap3A_28, %swap3A_29], %swap3A_32 {strides = array<i32>} : memref<1x1024x128xf32, #tpu.memory_space<vmem>>, vector<1x1024x128xf32>,
    } else {
    }
    %ne3A = arith.constant 0 : i32
    %ne3A_19 = arith.cmpi ne, %arg2, %ne3A : i32
    %convert_element_type3A_20 = arith.extui %ne3A_19 : i1 to i32
    %cond3A_21 = arith.constant 0 : i32
    %cond3A_22 = arith.cmpi ne, %convert_element_type3A_20, %cond3A_21 : i32
    scf.if %cond3A_22 {
      %get3A_28 = arith.constant 0 : index
      %get3A_29 = arith.constant 0 : index
      %get3A_30 = arith.constant 0 : index
      %get3A_31 = vector.load %arg7[%get3A_28, %get3A_29, %get3A_30] : memref<1x1024x128xf32, #tpu.memory_space<vmem>>, vector<1x1024x128xf32>
      %get3A_32 = vector.shape_cast %get3A_31 : vector<1x1024x128xf32> to vector<1024x128xf32>
      %add3A_33 = arith.addf %get3A_32, %dot_general3A_16 : vector<1024x128xf32>
      %swap3A = arith.constant 0 : index
      %swap3A_34 = arith.constant 0 : index
      %swap3A_35 = arith.constant 0 : index
      %swap3A_36 = vector.load %arg7[%swap3A, %swap3A_34, %swap3A_35] : memref<1x1024x128xf32, #tpu.memory_space<vmem>>, vector<1x1024x128xf32>
      %swap3A_37 = vector.shape_cast %swap3A_36 : vector<1x1024x128xf32> to vector<1024x128xf32>
      %swap3A_38 = vector.shape_cast %add3A_33 : vector<1024x128xf32> to vector<1x1024x128xf32>
      tpu.vector_store %arg7[%swap3A, %swap3A_34, %swap3A_35], %swap3A_38 {strides = array<i32>} : memref<1x1024x128xf32, #tpu.memory_space<vmem>>, vector<1x1024x128xf32>,
    } else {
    }
    %eq3A_23 = arith.constant 4 : i32
    %eq3A_24 = arith.cmpi eq, %arg2, %eq3A_23 : i32
    %convert_element_type3A_25 = arith.extui %eq3A_24 : i1 to i32
    %cond3A_26 = arith.constant 0 : i32
    %cond3A_27 = arith.cmpi ne, %convert_element_type3A_25, %cond3A_26 : i32
    scf.if %cond3A_27 {
      %get3A_28 = arith.constant 0 : index
      %get3A_29 = arith.constant 0 : index
      %get3A_30 = arith.constant 0 : index
      %get3A_31 = vector.load %arg7[%get3A_28, %get3A_29, %get3A_30] : memref<1x1024x128xf32, #tpu.memory_space<vmem>>, vector<1x1024x128xf32>
      %get3A_32 = vector.shape_cast %get3A_31 : vector<1x1024x128xf32> to vector<1024x128xf32>
      %get3A_33 = arith.constant 0 : index
      %get3A_34 = arith.constant 0 : index
      %get3A_35 = arith.constant 0 : index
      %get3A_36 = vector.load %arg6[%get3A_33, %get3A_34, %get3A_35] : memref<1x128x256xf32, #tpu.memory_space<vmem>>, vector<1x128x256xf32>
      %get3A_37 = vector.shape_cast %get3A_36 : vector<1x128x256xf32> to vector<128x256xf32>
      %dot_general3A_38 = arith.constant dense<0.000000e+00> : vector<1024x256xf32>
      %dot_general3A_39 = tpu.matmul %get3A_32, %get3A_37, %dot_general3A_38 {dimension_numbers = #tpu.dot_dimension_numbers<[1], [0], [0], [1], [0, 0, 1, 1], [], []>, transpose_lhs_hint = false} : vector<1024x128xf32>, vector<128x256xf32>, vector<1024x256xf32> -> vector<1024x256xf32>
      %swap3A = arith.constant 0 : index
      %swap3A_40 = arith.constant 0 : index
      %swap3A_41 = arith.constant 0 : index
      %swap3A_42 = vector.load %arg8[%swap3A, %swap3A_40, %swap3A_41] : memref<1x1024x256xf32, #tpu.memory_space<vmem>>, vector<1x1024x256xf32>
      %swap3A_43 = vector.shape_cast %swap3A_42 : vector<1x1024x256xf32> to vector<1024x256xf32>
      %swap3A_44 = vector.shape_cast %dot_general3A_39 : vector<1024x256xf32> to vector<1x1024x256xf32>
      tpu.vector_store %arg8[%swap3A, %swap3A_40, %swap3A_41], %swap3A_44 {strides = array<i32>} : memref<1x1024x256xf32, #tpu.memory_space<vmem>>, vector<1x1024x256xf32>,
    } else {
    }
    return
  }
  func.func @transform_0(%arg0: i32, %arg1: i32, %arg2: i32) -> (i32, i32, i32) {
    %mul3A = arith.constant 2 : i32
    %mul3A_0 = arith.muli %mul3A, %arg2 : i32
    %add3A = arith.addi %mul3A_0, %arg0 : i32
    %c0_i32 = arith.constant 0 : i32
    %c0_i32_1 = arith.constant 0 : i32
    return %add3A, %arg1, %c0_i32 : i32, i32, i32
  }
  func.func @transform_1(%arg0: i32, %arg1: i32, %arg2: i32) -> (i32, i32, i32) {
    %mul3A = arith.constant 2 : i32
    %mul3A_0 = arith.muli %mul3A, %arg2 : i32
    %add3A = arith.addi %mul3A_0, %arg0 : i32
    %c0_i32 = arith.constant 0 : i32
    %c0_i32_1 = arith.constant 0 : i32
    return %add3A, %arg1, %c0_i32 : i32, i32, i32
  }
  func.func @transform_2(%arg0: i32, %arg1: i32, %arg2: i32) -> (i32, i32, i32) {
    %c0_i32 = arith.constant 0 : i32
    %c0_i32_0 = arith.constant 0 : i32
    %c0_i32_1 = arith.constant 0 : i32
    return %arg2, %c0_i32, %c0_i32_0 : i32, i32, i32
  }
  func.func @transform_3(%arg0: i32, %arg1: i32, %arg2: i32) -> (i32, i32, i32) {
    %c0_i32 = arith.constant 0 : i32
    %c0_i32_0 = arith.constant 0 : i32
    %c0_i32_1 = arith.constant 0 : i32
    %c0_i32_2 = arith.constant 0 : i32
    return %c0_i32, %c0_i32_0, %c0_i32_1 : i32, i32, i32
  }
  func.func @transform_4(%arg0: i32, %arg1: i32, %arg2: i32) -> (i32, i32, i32) {
    %c0_i32 = arith.constant 0 : i32
    %c0_i32_0 = arith.constant 0 : i32
    return %arg0, %arg1, %c0_i32 : i32, i32, i32
  }
  func.func @transform_5(%arg0: i32, %arg1: i32, %arg2: i32) -> (i32, i32, i32) {
    %c0_i32 = arith.constant 0 : i32
    %c0_i32_0 = arith.constant 0 : i32
    return %arg0, %arg1, %c0_i32 : i32, i32, i32
  }
}

</mosaic_0001>

<sc_bundles>
// kernel: kernel.6.cloned.1.call-start
scs
__scs_entry_jumppad:
0x0: {  	(pc) =	sbr.rel $0x88, $3  }
0x1: {  	(tag) =	ssettag $0x0;
	lr =	simm.s32 $0x1  }
0x2: {  	[smem:$0x3F96] =	sst lr;
	_ =	strace $0xD0000000  }
0x3: {  	_ = 	snop  }
0x4: {  	_ = 	snop  }
0x5: {  	_ = 	snop  }
0x6: {  	_ = 	snop  }
0x7: {  	_ = 	snop  }
__scs_overlays_trampoline_lowered:
0x8: {  	[smem:$0x3FA5] =	sst s0  }
0x9: {  	[smem:$0x3FA6] =	sst s1  }
0xa: {  	[smem:$0x3FA7] =	sst s2  }
0xb: {  	[smem:$0x3FA8] =	sst s3  }
0xc: {  	[smem:$0x3FA9] =	sst s4  }
0xd: {  	[smem:$0x3FAA] =	sst s5  }
0xe: {  	[smem:$0x3FAB] =	sst s6  }
0xf: {  	[smem:$0x3FAC] =	sst s7  }
0x10: {  	[smem:$0x3FAD] =	sst s8  }
0x11: {  	[smem:$0x3FAE] =	sst s9;
	s0 =	simm.s32 @!p0 $0x0  }
0x12: {  	s1 =	sld [smem:$0x3F94];
	s0 =	simm.s32 @p0 $0x1  }
0x13: {  	[smem:$0x3FAF] =	sst s0;
	s0 =	simm.s32 @!p1 $0x0  }
0x14: {  	s2 =	sld [smem:$0x3F93];
	s0 =	simm.s32 @p1 $0x1  }
0x15: {  	[smem:$0x3FB0] =	sst s0;
	s0 =	simm.s32 @!p2 $0x0  }
0x16: {  	s3 =	sld [smem:$0x3FDB];
	s0 =	simm.s32 @p2 $0x1  }
0x17: {  	s4 =	simm.s32 $0x1BF5;
	[smem:$0x3FB2] =	sst s0  }
0x18: {  	s0 =	sld [smem:$0x3F95];
	_ =	swait.ge [sflag:s4], $0x0  }
0x19: {  	s7 =	sld [smem:$0x3F96]  }
0x1a: {  	s8 =	sadd.s32 $0xFFFFE003, lr  }
0x1b: {  	s9 =	sadd.s32 $0xFFFFFEF7, lr;
	s5 =	simm.s32 $0xFFFFFFFF;
	p2 =	slt.u32 s8, $0xFFFFF086  }
0x1c: {  	p1 =	slt.u32 s9, $0xF7A;
	s5 =	simm.s32 @!p2 $0x0  }
0x1d: {  	s5 =	simm.s32 @p1 $0x1;
	p0 =	seq.s32 s7, s2  }
0x1e: {  	s7 =	smul.u32 @!p0 $0xF7A, s2;
	p2 =	seq.s32 @!p0 s5, $0x0  }
0x1f: {  	s9 =	smul.u32 $0xF7A, s1;
	s8 =	simm.s32 @!p0 $0x1BF5;
	p2 =	por !p2, p0  }
0x20: {  	[sflag:s8] =	ssyncset.s32 @!p0 $0xFFFFF086;
	s6 =	sadd.s32 @!p0 s3, s7;
	s7 =	simm.s32 @!p0 $0x108  }
0x21: {  	s3 =	sadd.s32 s3, s9;
	s6 =	sadd.s32 @!p0 $0x88, s6;
	s7 =	simm.s32 @p2 $0x1082  }
0x22: {  	[simem:s7], [sflag:s8] =	dma.local @!p0 [hbm:s6], $0xF7A  }
0x23: {  	s9 =	sor.u32 $0xD0000000, s2;
	s6 =	simm.s32 $0x108;
	_ =	swait.ge @!p0 [sflag:s8], $0x0  }
0x24: {  	s3 =	sadd.s32 $0x88, s3;
	s6 =	simm.s32 @!p1 $0x1082;
	[sflag:s4] =	ssyncset.s32 $0xFFFFF086  }
0x25: {  	[simem:s6], [sflag:s4] =	dma.local [hbm:s3], $0xF7A  }
0x26: {  	[smem:$0x3F96] =	sst s1;
	(tag) =	ssettag s2;
	_ =	strace s9  }
0x27: {  	s1 =	sld [smem:$0x3FA6]  }
0x28: {  	s2 =	sld [smem:$0x3FA7]  }
0x29: {  	s4 =	sld [smem:$0x3FA9]  }
0x2a: {  	p0 =	seq.s32 s5, $0x0;
	s5 =	sld [smem:$0x3FAA]  }
0x2b: {  	s6 =	sld [smem:$0x3FAB]  }
0x2c: {  	s7 =	sld [smem:$0x3FAC]  }
0x2d: {  	s3 =	simm.s32 $0x108;
	s8 =	sld [smem:$0x3FAD]  }
0x2e: {  	s3 =	simm.s32 @!p0 $0x1082;
	s9 =	sld [smem:$0x3FAE]  }
0x2f: {  	lr =	sadd.s32 s0, s3;
	s0 =	sld [smem:$0x3FA5]  }
0x30: {  	s3 =	sld [smem:$0x3FA8]  }
0x31: {  	[smem:$0x3FB1] =	sst s10  }
0x32: {  	s10 =	sld [smem:$0x3FAF];
	_ =	sdelay $0x3  }
0x33: {  	p0 =	seq.s32 s10, $0x1;
	s10 =	sld [smem:$0x3FB1];
	_ =	sdelay $0x3  }
0x34: {  	[smem:$0x3FB1] =	sst s10  }
0x35: {  	s10 =	sld [smem:$0x3FB0];
	_ =	sdelay $0x3  }
0x36: {  	p1 =	seq.s32 s10, $0x1;
	s10 =	sld [smem:$0x3FB1];
	_ =	sdelay $0x3  }
0x37: {  	[smem:$0x3FB1] =	sst s10  }
0x38: {  	s10 =	sld [smem:$0x3FB2]  }
0x39: {  	_ = 	snop;
	(pc) =	sbr.ind lr, $3  }
0x3a: {  	_ = 	snop  }
0x3b: {  	_ = 	snop  }
0x3c: {  	p2 =	seq.s32 s10, $0x1;
	s10 =	sld [smem:$0x3FB1]  }
0x3d: {  	_ =	shalt  }
0x3e: {  	_ =	shalt  }
0x3f: {  	_ =	shalt  }
0x40: {  	_ =	shalt  }
0x41: {  	_ =	shalt  }
0x42: {  	_ =	shalt  }
0x43: {  	_ =	shalt  }
0x44: {  	_ =	shalt  }
0x45: {  	_ =	shalt  }
0x46: {  	_ =	shalt  }
0x47: {  	_ =	shalt  }
0x48: {  	_ =	shalt  }
0x49: {  	_ =	shalt  }
0x4a: {  	_ =	shalt  }
0x4b: {  	_ =	shalt  }
0x4c: {  	_ =	shalt  }
0x4d: {  	_ =	shalt  }
0x4e: {  	_ =	shalt  }
0x4f: {  	_ =	shalt  }
0x50: {  	_ =	shalt  }
0x51: {  	_ =	shalt  }
0x52: {  	_ =	shalt  }
0x53: {  	_ =	shalt  }
0x54: {  	_ =	shalt  }
0x55: {  	_ =	shalt  }
0x56: {  	_ =	shalt  }
0x57: {  	_ =	shalt  }
0x58: {  	_ =	shalt  }
0x59: {  	_ =	shalt  }
0x5a: {  	_ =	shalt  }
0x5b: {  	_ =	shalt  }
0x5c: {  	_ =	shalt  }
0x5d: {  	_ =	shalt  }
0x5e: {  	_ =	shalt  }
0x5f: {  	_ =	shalt  }
0x60: {  	_ =	shalt  }
0x61: {  	_ =	shalt  }
0x62: {  	_ =	shalt  }
0x63: {  	_ =	shalt  }
0x64: {  	_ =	shalt  }
0x65: {  	_ =	shalt  }
0x66: {  	_ =	shalt  }
0x67: {  	_ =	shalt  }
0x68: {  	_ =	shalt  }
0x69: {  	_ =	shalt  }
0x6a: {  	_ =	shalt  }
0x6b: {  	_ =	shalt  }
0x6c: {  	_ =	shalt  }
0x6d: {  	_ =	shalt  }
0x6e: {  	_ =	shalt  }
0x6f: {  	_ =	shalt  }
0x70: {  	_ =	shalt  }
0x71: {  	_ =	shalt  }
0x72: {  	_ =	shalt  }
0x73: {  	_ =	shalt  }
0x74: {  	_ =	shalt  }
0x75: {  	_ =	shalt  }
0x76: {  	_ =	shalt  }
0x77: {  	_ =	shalt  }
0x78: {  	_ =	shalt  }
0x79: {  	_ =	shalt  }
0x7a: {  	_ =	shalt  }
0x7b: {  	_ =	shalt  }
0x7c: {  	_ =	shalt  }
0x7d: {  	_ =	shalt  }
0x7e: {  	_ =	shalt  }
0x7f: {  	_ =	shalt  }
0x80: {  	_ =	shalt  }
0x81: {  	_ =	shalt  }
0x82: {  	_ =	shalt  }
0x83: {  	_ =	shalt  }
0x84: {  	_ =	shalt  }
0x85: {  	_ =	shalt  }
0x86: {  	_ =	shalt  }
0x87: {  	_ =	shalt  }
.Lfunc_end0:
.L_simem_size_0:
called_computation_lowered:
.L_overlay_start_0:
0x88: {  	s2 =	sld [smem:$0x3FD9]  }
0x89: {  	s3 =	sld [smem:$0x3FFE];
	_ =	sdelay $0x1  }
0x8a: {  	s1 =	srdreg.scid  }
0x8b: {  	s0 =	sand.u32 $0x1, s1  }
0x8c: {  	s16 =	sshll.u32 s0, $0xA;
	s2 =	sadd.s32 s3, s2  }
0x8d: {  	s2 =	sadd.s32 s2, s16  }
0x8e: {  	[smem:$0x3FBD] =	sst s2  }
0x8f: {  	_ = 	snop  }
0x90: {  	(tm) =	ssettm $0x1  }
0x91: {  	s17 =	sld [smem:$0x3FFB];
	_ =	sdelay $0x3  }
0x92: {  	_ =	strace s17  }
0x93: {  	s2 =	sld [smem:$0x3FFC];
	_ =	sdelay $0x3  }
0x94: {  	_ =	strace s2  }
0x95: {  	s2 =	sld [smem:$0x3FFD];
	_ =	sdelay $0x3  }
0x96: {  	_ =	strace s2  }
0x97: {  	_ =	strace $0x8FFFFFFF  }
0x98: {  	s18 =	sld [smem:$0x3FDB];
	_ =	sdelay $0x1  }
0x99: {  	s19 =	simm.s32 $_scs_section_size  }
0x9a: {  	s4 =	simm.s32 $_size__tile_overlayer_lowered;
	s5 =	simm.s32 $_tile_overlayer_lowered  }
0x9b: {  	s22 =	simm.s32 $0x1BFF;
	s21 =	sshll.u32 s5, $0x1;
	s2 =	sadd.s32 s19, s18  }
0x9c: {  	s6 =	simm.s32 $0x0;
	s20 =	sshll.u32 s4, $0x1;
	s4 =	sadd.s32 s21, s2  }
0x9d: {  	[timem:s6], [sflag:s22] =	dma.local [hbm:s4], s20  }
0x9e: {  	_ =	swait.ge [sflag:s22], s20  }
0x9f: {  	s3 =	ssub.s32 $0x0, s20;
	[sflag:s22] =	ssyncset.done $0x0  }
0xa0: {  	[sflag:s22] =	ssyncadd.s32 s3;
	_ =	sdelay $0x1  }
0xa1: {  	s23 =	simm.s32 $0x1B8B  }
0xa2: {  	_ =	swait.ge [sflag:s23], $0x1  }
0xa3: {  	[sflag:s23] =	ssyncset.done $0x0  }
0xa4: {  	s25 =	simm.s32 $0x1B8E;
	s24 =	sld [smem:$0x3FFE];
	[sflag:s23] =	ssyncadd.s32 $0xFFFFFFFF  }
0xa5: {  	s26 =	simm.s32 $execute0_lowered;
	[smem:$0x3FD2] =	sst s25  }
0xa6: {  	s4 =	sshll.u32 s26, $0x1;
	_ =	strace $0x80000046;
	[dreg:$0x1] =	wrdreg $0xFFFFFFFF  }
0xa7: {  	s28 =	simm.s32 $_size_execute0_lowered;
	s2 =	sadd.s32 s2, s4;
	[dreg:$0x0] =	wrdreg $0x0  }
0xa8: {  	s4 =	sshll.u32 s28, $0x1;
	[dreg:$0x2] =	wrdreg s2  }
0xa9: {  	[dreg:$0x3] =	wrdreg s4  }
0xaa: {  	[dreg:$0x4] =	wrdreg $0xC0  }
0xab: {  	_ =	task [dreg:s6], $0x5FFFF  }
0xac: {  	[dreg:$0x1] =	wrdreg $0xFFFFFFFF  }
0xad: {  	[dreg:$0x0] =	wrdreg $0x60  }
0xae: {  	[dreg:$0x2] =	wrdreg s24  }
0xaf: {  	[dreg:$0x3] =	wrdreg $0xB8000  }
0xb0: {  	[dreg:$0x4] =	wrdreg $0x9  }
0xb1: {  	_ =	task.clear_ibuf [dreg:s6], $0x5FFFF;
	_ =	strace $0x90000046  }
0xb2: {  	s29 =	simm.s32 $0x9;
	_ =	strace $0x80000048  }
0xb3: {  	_ =	swait.ge [sflag:s29], $0x1  }
0xb4: {  	[sflag:s29] =	ssyncadd.s32 $0xFFFFFFFF  }
0xb5: {  	_ =	strace $0x90000048  }
0xb6: {  	_ =	sfence  }
0xb7: {  	s30 =	sld [smem:$0x0];
	_ =	sdelay $0x2  }
0xb8: {  	s31 =	sshll.u32 s1, $0xD;
	s1 =	sshrl.u32 s1, $0x2  }
0xb9: {  	s3 =	sand.u32 $0x4000, s31;
	s1 =	sadd.s32 s1, s30  }
0xba: {  	s0 =	sor.u32 s3, s0;
	s1 =	sshll.u32 s1, $0x11  }
0xbb: {  	s0 =	sor.u32 s1, s0  }
0xbc: {  	s0 =	sadd.s32 $0x8F2B, s0  }
0xbd: {  	[sflag:s0] =	ssyncadd.remote.s32 $0x1  }
0xbe: {  	_ =	sfence.sel $0xFFFF  }
0xbf: {  	[dreg:$0x0] =	wrdreg $0xFFFFFFFF;
	(pc) =	sbr.abs _section_cstart, $3  }
0xc0: {  	[dreg:$0x1] =	wrdreg $0xFFFFFFFF  }
0xc1: {  	_ =	task.clear_ibuf [dreg:s6], $0x2FFFF;
	_ =	strace $0x9FFFFFFF  }
0xc2: {  	(tm) =	ssettm $0x7FFFFFFF  }
0xc3: {  	_ =	shalt  }
tec
execute0_lowered:
.L_overlay_start_1:
0x0: {  	(tag) =	ssettag $0x1  }
0x1: {  	s0 =	rddreg [dreg:$0x0]  }
0x2: {  	s1 =	rddreg [dreg:$0x1]  }
0x3: {  	s2 =	simm.s32 $0x0;
	s21 =	srdreg.scid;
	s5 =	stileid.u32  }
0x4: {  	s18 =	simm.s32 $0xB000;
	s19 =	simm.s32 $0x3;
	s28 =	simm.s32 $0x3000  }
0x5: {  	s29 =	simm.s32 $0x7000;
	s30 =	simm.s32 $0x1;
	s31 =	simm.s32 $0x2  }
0x6: {  	[smem:$0x7FF] =	sst s2;
	s4 =	sadd.s32 $0x7C800, s0;
	s3 =	sadd.s32 $0x54800, s0  }
0x7: {  	s2 =	sand.u32 $0x1, s21;
	s22 =	smul.u32 $0x50000, s5;
	s6 =	sadd.s32 $0x2C800, s0  }
0x8: {  	s7 =	sadd.s32 $0x4800, s0;
	s8 =	smul.u32 $0x14000, s5;
	s9 =	sadd.s32 $0x203200, s0  }
0x9: {  	s12 =	sshll.u32 s5, $0x9;
	_ =	strace $0x80000047;
	[dreg:$0x3] =	wrdreg s3  }
0xa: {  	s10 =	ssub.s32 $0x2, s2;
	s24 =	sshll.u32 s2, $0xD;
	s13 =	smul.u32 $0xC80000, s2  }
0xb: {  	s2 =	simm.s32 $0x0;
	s11 =	sshrl.u32 s10, $0x1;
	s3 =	sshrl.u32 s22, $0x2  }
0xc: {  	v0 =	vimm.f32 $0.0e+00;
	v1 =	vimm.s32 $0x0;
	s12 =	sor.u32 s12, s24;
	s14 =	sadd.s32 $0x8000, s8;
	s15 =	sadd.s32 $0xC000, s8  }
0xd: {  	v2 =	vimm.s32 $0x1;
	v3 =	vimm.s32 $0x2;
	v4 =	vimm.s32 $0x3;
	s16 =	sadd.s32 $0x10000, s8;
	s23 =	ssub.s32 s10, s11;
	s10 =	sadd.s32 s3, s1  }
0xe: {  	v5 =	vimm.s32 $0x4;
	v6 =	vimm.s32 $0x5;
	v7 =	vimm.s32 $0x6;
	s11 =	sadd.s32 $0x4000, s8;
	s26 =	sadd.s32 s14, s1;
	s17 =	sadd.s32 s15, s1  }
0xf: {  	v8 =	vimm.s32 $0x7;
	v9 =	vimm.s32 $0x8;
	v10 =	vimm.s32 $0x9;
	s20 =	sadd.s32 s16, s1;
	s25 =	sadd.s32 s11, s1;
	s0 =	smax.u32 s23, $0x1  }
0x10: {  	v11 =	vimm.s32 $0xA;
	v12 =	vimm.s32 $0xB;
	v13 =	vimm.s32 $0xC;
	s23 =	sshrl.u32 s26, $0x3;
	s24 =	sshrl.u32 s17, $0x3;
	s26 =	simm.s32 $0x80  }
0x11: {  	v14 =	vimm.s32 $0xD;
	v15 =	vimm.s32 $0xE;
	v16 =	vimm.s32 $0xF;
	[dreg:$0x4] =	wrdreg s0;
	s22 =	sshrl.u32 s25, $0x3;
	s25 =	sshrl.u32 s20, $0x3  }
.LBB2_1:
0x12: {  	s21 =	simm.s32 $0x0  }
0x13: {  	s0 =	sand.u32 $0x1E00, s21  }
0x14: {  	[dreg:$0x5] =	wrdreg s2;
	s2 =	sand.u32 $0x70, s21;
	s3 =	sshrl.u32 s0, $0x2  }
0x15: {  	s0 =	simm.s32 $0x40;
	s17 =	sor.u32 s2, s3;
	s3 =	simm.s32 $0x0  }
.LBB2_2:
0x16: {  	p0 =	sne.s32 s0, $0x1FC0  }
0x17: {  	[tilespmem:s17+$0xB000] =	vst v0;
	s3 =	sadd.s32 $0x10, s3;
	s2 =	smov.u32 s0;
	s0 =	sadd.s32 $0x40, s0  }
.Ltmp0:
0x18: {  	(pc) =	sbr.rel @p0 .LBB2_2-.Ltmp0, $4  }
0x19: {  	_ = 	snop  }
0x1a: {  	s2 =	sand.u32 $0x1E00, s2  }
0x1b: {  	s17 =	sand.u32 $0x70, s3;
	s2 =	sshrl.u32 s2, $0x2  }
0x1c: {  	s17 =	sor.u32 s17, s2;
	s2 =	simm.s32 $0x0  }
0x1d: {  	[tilespmem:s17+$0xB000] =	vst v0  }
.LBB2_4:
0x1e: {  	s0 =	sadd.s32 $0x0, s10  }
0x1f: {  	[spmem:s0] =	stream.linear.scatter [tilespmem:s18], [sflag:$0x3], $0x800, $0x38;
	[tilespmem:$0x1F800] =	vst v63  }
0x20: {  	s0 =	simm.s32 $0x2000;
	_ =	swait.ge [sflag:s19], $0x800  }
.LBB2_5:
0x21: {  	s3 =	sshra.s32 s0, $0x2;
	[sflag:s19] =	ssyncset.done $0x0;
	p0 =	sne.s32 s0, $0x4E000  }
.Ltmp1:
0x22: {  	s3 =	sadd.s32 s3, s10;
	[sflag:s19] =	ssyncadd.s32 $0xFFFFF800;
	(pc) =	sbr.rel @p0 .LBB2_5-.Ltmp1, $3  }
0x23: {  	[spmem:s3] =	stream.linear.scatter [tilespmem:s18], [sflag:$0x3], $0x800, $0x38;
	[tilespmem:$0x1F800] =	vst v63  }
0x24: {  	s0 =	sadd.s32 $0x2000, s0;
	_ =	sdelay $0x1  }
0x25: {  	_ =	swait.ge [sflag:s19], $0x800  }
0x26: {  	[sflag:s19] =	ssyncset.done $0x0  }
0x27: {  	[sflag:s19] =	ssyncadd.s32 $0xFFFFF800  }
0x28: {  	s0 =	sshll.u32 s2, $0xE;
	[bflag:$0x0] =	sbarrier.arrive $0xFFFF  }
0x29: {  	s0 =	sor.u32 s12, s0;
	s3 =	rddreg [dreg:$0x3]  }
0x2a: {  	s17 =	simm.s32 $0x0;
	s3 =	sadd.s32 s3, s0  }
0x2b: {  	[tilespmem:s17], [sflag:$0x3] =	stream.linear.gather [hbm4b:s3+s17], $0x1000, $0x38;
	[tilespmem:$0x1F800] =	vst v63  }
0x2c: {  	_ =	swait.ge [sflag:s19], $0x1000  }
0x2d: {  	[sflag:s19] =	ssyncset.done $0x0  }
0x2e: {  	s5 =	simm.s32 $0x1000;
	s20 =	sadd.s32 s6, s0;
	[sflag:s19] =	ssyncadd.s32 $0xFFFFF000  }
0x2f: {  	[tilespmem:s5], [sflag:$0x3] =	stream.linear.gather [hbm4b:s20+s17], $0x1000, $0x38;
	[tilespmem:$0x1F800] =	vst v63  }
0x30: {  	_ =	swait.ge [sflag:s19], $0x1000  }
0x31: {  	[sflag:s19] =	ssyncset.done $0x0  }
0x32: {  	s21 =	simm.s32 $0x2000;
	s0 =	sadd.s32 s7, s0;
	[sflag:s19] =	ssyncadd.s32 $0xFFFFF000  }
0x33: {  	[tilespmem:s21], [sflag:$0x3] =	stream.linear.gather [hbm4b:s0+s17], $0x1000, $0x38;
	[tilespmem:$0x1F800] =	vst v63  }
0x34: {  	_ =	swait.ge [sflag:s19], $0x1000  }
0x35: {  	[sflag:s19] =	ssyncset.done $0x0  }
0x36: {  	[sflag:s19] =	ssyncadd.s32 $0xFFFFF000  }
0x37: {  	[tilespmem:s28], [sflag:$0x1] =	stream.indirect.gather [hbm4b:s4+s26], $0x80, s17, s26, $0xb8;
	[tilespmem:$0x1F800] =	vst v63  }
.LBB2_7:
0x38: {  	s3 =	sshll.u32 s17, $0x8  }
0x39: {  	s0 =	sor.u32 $0x80, s3;
	s3 =	sadd.s32 $0x2000, s3  }
0x3a: {  	[tilespmem:s29], [sflag:$0x2] =	stream.indirect.gather [hbm4b:s4+s26], $0x80, s0, s26, $0xb8;
	[tilespmem:$0x1F800] =	vst v63  }
0x3b: {  	v17 =	vmov s3;
	_ =	swait.ge [sflag:s30], $0x4000  }
0x3c: {  	[sflag:s30] =	ssyncset.done $0x0  }
0x3d: {  	s3 =	simm.s32 $0x0;
	[sflag:s30] =	ssyncadd.s32 $0xFFFFC000  }
.LBB2_8:
0x3e: {  	s21 =	sshll.u32 s3, $0x4  }
0x3f: {  	s5 =	sshll.u32 s3, $0xB;
	s20 =	sand.u32 $0x3FFFFFF0, s21  }
0x40: {  	v19 =	vld.idx.msk [tilespmem:v17+s20+$0x0 ss:$0x1], $0xffff;
	s20 =	sand.u32 $0x3FFFF800, s5  }
0x41: {  	v18 =	vld [tilespmem:s20+$0x3000]  }
0x42: {  	v20 =	vld [tilespmem:s20+$0x3010]  }
0x43: {  	v21 =	vld [tilespmem:s20+$0x3020]  }
0x44: {  	v22 =	vld [tilespmem:s20+$0x3030]  }
0x45: {  	v24 =	vld [tilespmem:s20+$0x3040];
	v23 =	vperm.xlane v19, v1  }
0x46: {  	v25 =	vld [tilespmem:s20+$0x3050]  }
0x47: {  	v26 =	vld [tilespmem:s20+$0x3060];
	v18 =	vmul.f32 v18, v23  }
0x48: {  	v27 =	vld [tilespmem:s20+$0x3080];
	v20 =	vmul.f32 v20, v23  }
0x49: {  	v44 =	vld [tilespmem:s20+$0x3090];
	[tilespmem:s20+$0x3000] =	vst v18;
	v18 =	vmul.f32 v21, v23  }
0x4a: {  	v46 =	vld [tilespmem:s20+$0x30A0];
	v45 =	vmul.f32 v22, v23;
	[tilespmem:s20+$0x3010] =	vst v20  }
0x4b: {  	v47 =	vld [tilespmem:s20+$0x30B0];
	[tilespmem:s20+$0x3020] =	vst v18;
	v18 =	vmul.f32 v24, v23  }
0x4c: {  	v28 =	vld [tilespmem:s20+$0x30C0];
	v49 =	vperm.xlane v19, v2;
	v48 =	vmul.f32 v25, v23;
	[tilespmem:s20+$0x3030] =	vst v45  }
0x4d: {  	v50 =	vld [tilespmem:s20+$0x30D0];
	[tilespmem:s20+$0x3040] =	vst v18;
	v18 =	vmul.f32 v26, v23  }
0x4e: {  	v52 =	vld [tilespmem:s20+$0x30E0];
	v51 =	vmul.f32 v27, v49;
	[tilespmem:s20+$0x3050] =	vst v48  }
0x4f: {  	v53 =	vld [tilespmem:s20+$0x3100];
	[tilespmem:s20+$0x3060] =	vst v18;
	v18 =	vmul.f32 v44, v49  }
0x50: {  	v55 =	vld [tilespmem:s20+$0x3110];
	v54 =	vmul.f32 v46, v49;
	[tilespmem:s20+$0x3080] =	vst v51  }
0x51: {  	v56 =	vld [tilespmem:s20+$0x3120];
	[tilespmem:s20+$0x3090] =	vst v18;
	v18 =	vmul.f32 v47, v49  }
0x52: {  	v58 =	vld [tilespmem:s20+$0x3130];
	v57 =	vmul.f32 v28, v49;
	[tilespmem:s20+$0x30A0] =	vst v54  }
0x53: {  	v60 =	vld [tilespmem:s20+$0x3140];
	v59 =	vperm.xlane v19, v3;
	[tilespmem:s20+$0x30B0] =	vst v18;
	v18 =	vmul.f32 v50, v49  }
0x54: {  	v62 =	vld [tilespmem:s20+$0x3150];
	v61 =	vmul.f32 v52, v49;
	[tilespmem:s20+$0x30C0] =	vst v57  }
0x55: {  	v63 =	vld [tilespmem:s20+$0x3160];
	[tilespmem:s20+$0x30D0] =	vst v18;
	v18 =	vmul.f32 v53, v59  }
0x56: {  	v33 =	vld [tilespmem:s20+$0x3180];
	v32 =	vmul.f32 v55, v59;
	[tilespmem:s20+$0x30E0] =	vst v61  }
0x57: {  	v34 =	vld [tilespmem:s20+$0x3190];
	[tilespmem:s20+$0x3100] =	vst v18;
	v18 =	vmul.f32 v56, v59  }
0x58: {  	v36 =	vld [tilespmem:s20+$0x31A0];
	v35 =	vmul.f32 v58, v59;
	[tilespmem:s20+$0x3110] =	vst v32  }
0x59: {  	v43 =	vld [tilespmem:s20+$0x31E0];
	[tilespmem:s20+$0x3120] =	vst v18;
	v18 =	vmul.f32 v60, v59  }
0x5a: {  	v37 =	vld [tilespmem:s20+$0x31B0];
	v39 =	vperm.xlane v19, v4;
	v38 =	vmul.f32 v62, v59;
	[tilespmem:s20+$0x3130] =	vst v35  }
0x5b: {  	v40 =	vld [tilespmem:s20+$0x31C0];
	[tilespmem:s20+$0x3140] =	vst v18;
	v18 =	vmul.f32 v63, v59  }
0x5c: {  	v41 =	vld [tilespmem:s20+$0x31D0];
	v42 =	vmul.f32 v33, v39;
	[tilespmem:s20+$0x3150] =	vst v38  }
0x5d: {  	v30 =	vld [tilespmem:s20+$0x32D0];
	[tilespmem:s20+$0x3160] =	vst v18;
	v18 =	vmul.f32 v34, v39  }
0x5e: {  	v52 =	vmul.f32 v43, v39;
	[tilespmem:s20+$0x3180] =	vst v42;
	v44 =	vld [tilespmem:s20+$0x3200]  }
0x5f: {  	v46 =	vld [tilespmem:s20+$0x3210];
	[tilespmem:s20+$0x3190] =	vst v18;
	v18 =	vmul.f32 v37, v39  }
0x60: {  	v45 =	vmul.f32 v36, v39;
	[tilespmem:s20+$0x31E0] =	vst v52;
	v47 =	vld [tilespmem:s20+$0x3220]  }
0x61: {  	v49 =	vld [tilespmem:s20+$0x3230];
	v50 =	vperm.xlane v19, v5;
	[tilespmem:s20+$0x31B0] =	vst v18;
	v18 =	vmul.f32 v41, v39  }
0x62: {  	v48 =	vmul.f32 v40, v39;
	v51 =	vld [tilespmem:s20+$0x3240];
	[tilespmem:s20+$0x31A0] =	vst v45  }
0x63: {  	v53 =	vld [tilespmem:s20+$0x3250];
	[tilespmem:s20+$0x31D0] =	vst v18;
	v18 =	vmul.f32 v44, v50  }
0x64: {  	v54 =	vld [tilespmem:s20+$0x3260];
	[tilespmem:s20+$0x31C0] =	vst v48;
	v55 =	vmul.f32 v46, v50  }
0x65: {  	v56 =	vld [tilespmem:s20+$0x3280];
	[tilespmem:s20+$0x3200] =	vst v18;
	v18 =	vmul.f32 v47, v50  }
0x66: {  	v57 =	vld [tilespmem:s20+$0x3290];
	[tilespmem:s20+$0x3210] =	vst v55;
	v58 =	vmul.f32 v49, v50  }
0x67: {  	v59 =	vld [tilespmem:s20+$0x32A0];
	[tilespmem:s20+$0x3220] =	vst v18;
	v18 =	vmul.f32 v51, v50  }
0x68: {  	v62 =	vperm.xlane v19, v6;
	v60 =	vld [tilespmem:s20+$0x32B0];
	[tilespmem:s20+$0x3230] =	vst v58;
	v61 =	vmul.f32 v53, v50  }
0x69: {  	v63 =	vld [tilespmem:s20+$0x32C0];
	[tilespmem:s20+$0x3240] =	vst v18;
	v18 =	vmul.f32 v54, v50  }
0x6a: {  	v33 =	vld [tilespmem:s20+$0x3300];
	[tilespmem:s20+$0x3250] =	vst v61;
	v31 =	vmul.f32 v56, v62  }
0x6b: {  	v32 =	vld [tilespmem:s20+$0x32E0];
	[tilespmem:s20+$0x3260] =	vst v18;
	v18 =	vmul.f32 v57, v62  }
0x6c: {  	v35 =	vld [tilespmem:s20+$0x3310];
	[tilespmem:s20+$0x3280] =	vst v31;
	v34 =	vmul.f32 v59, v62  }
0x6d: {  	v43 =	vld [tilespmem:s20+$0x3360];
	[tilespmem:s20+$0x3290] =	vst v18;
	v18 =	vmul.f32 v60, v62  }
0x6e: {  	v36 =	vld [tilespmem:s20+$0x3320];
	v37 =	vmul.f32 v63, v62;
	[tilespmem:s20+$0x32A0] =	vst v34  }
0x6f: {  	v38 =	vld [tilespmem:s20+$0x3330];
	v39 =	vperm.xlane v19, v7;
	[tilespmem:s20+$0x32B0] =	vst v18;
	v18 =	vmul.f32 v30, v62  }
0x70: {  	v40 =	vld [tilespmem:s20+$0x3340];
	v41 =	vmul.f32 v32, v62;
	[tilespmem:s20+$0x32C0] =	vst v37  }
0x71: {  	v44 =	vmul.f32 v35, v39;
	v35 =	vld [tilespmem:s20+$0x3480];
	[tilespmem:s20+$0x32D0] =	vst v18;
	v18 =	vmul.f32 v33, v39  }
0x72: {  	v42 =	vld [tilespmem:s20+$0x3350];
	[tilespmem:s20+$0x32E0] =	vst v41  }
0x73: {  	v52 =	vld [tilespmem:s20+$0x33C0];
	[tilespmem:s20+$0x3300] =	vst v18;
	v18 =	vmul.f32 v36, v39  }
0x74: {  	v46 =	vld [tilespmem:s20+$0x3390];
	v41 =	vperm.xlane v19, v10;
	[tilespmem:s20+$0x3310] =	vst v44;
	v47 =	vmul.f32 v38, v39  }
0x75: {  	v45 =	vld [tilespmem:s20+$0x3380];
	[tilespmem:s20+$0x3320] =	vst v18;
	v18 =	vmul.f32 v40, v39  }
0x76: {  	v49 =	vld [tilespmem:s20+$0x33B0];
	[tilespmem:s20+$0x3330] =	vst v47;
	v44 =	vmul.f32 v35, v41  }
0x77: {  	v55 =	vld [tilespmem:s20+$0x33E0];
	v51 =	vperm.xlane v19, v8;
	[tilespmem:s20+$0x3340] =	vst v18;
	v18 =	vmul.f32 v43, v39  }
0x78: {  	v53 =	vld [tilespmem:s20+$0x33D0];
	v50 =	vmul.f32 v42, v39;
	[tilespmem:s20+$0x3480] =	vst v44  }
0x79: {  	v38 =	vld [tilespmem:s20+$0x34A0];
	[tilespmem:s20+$0x3360] =	vst v18;
	v18 =	vmul.f32 v46, v51  }
0x7a: {  	v56 =	vld [tilespmem:s20+$0x3400];
	v54 =	vmul.f32 v45, v51;
	[tilespmem:s20+$0x3350] =	vst v50  }
0x7b: {  	v48 =	vld [tilespmem:s20+$0x33A0];
	[tilespmem:s20+$0x3390] =	vst v18;
	v18 =	vmul.f32 v49, v51  }
0x7c: {  	v59 =	vld [tilespmem:s20+$0x3420];
	v31 =	vmul.f32 v55, v51;
	[tilespmem:s20+$0x3380] =	vst v54  }
0x7d: {  	v58 =	vld [tilespmem:s20+$0x3410];
	v62 =	vperm.xlane v19, v9;
	[tilespmem:s20+$0x33B0] =	vst v18;
	v18 =	vmul.f32 v53, v51  }
0x7e: {  	v63 =	vld [tilespmem:s20+$0x3440];
	v47 =	vmul.f32 v38, v41;
	[tilespmem:s20+$0x33E0] =	vst v31  }
0x7f: {  	v42 =	vld [tilespmem:s20+$0x34C0];
	[tilespmem:s20+$0x33D0] =	vst v18;
	v18 =	vmul.f32 v56, v62  }
0x80: {  	v57 =	vmul.f32 v48, v51;
	[tilespmem:s20+$0x34A0] =	vst v47;
	v33 =	vld [tilespmem:s20+$0x3460]  }
0x81: {  	v45 =	vld [tilespmem:s20+$0x34E0];
	[tilespmem:s20+$0x3400] =	vst v18;
	v18 =	vmul.f32 v59, v62  }
0x82: {  	[tilespmem:s20+$0x33A0] =	vst v57;
	v60 =	vmul.f32 v52, v51;
	v36 =	vld [tilespmem:s20+$0x3490]  }
0x83: {  	v48 =	vld [tilespmem:s20+$0x3510];
	[tilespmem:s20+$0x3420] =	vst v18;
	v18 =	vmul.f32 v63, v62  }
0x84: {  	v50 =	vmul.f32 v42, v41;
	[tilespmem:s20+$0x33C0] =	vst v60;
	v39 =	vld [tilespmem:s20+$0x34B0]  }
0x85: {  	v61 =	vld [tilespmem:s20+$0x3430];
	[tilespmem:s20+$0x3440] =	vst v18;
	v18 =	vmul.f32 v33, v62  }
0x86: {  	v52 =	vperm.xlane v19, v11;
	v54 =	vmul.f32 v45, v41;
	[tilespmem:s20+$0x34C0] =	vst v50;
	v43 =	vld [tilespmem:s20+$0x34D0]  }
0x87: {  	v32 =	vld [tilespmem:s20+$0x3450];
	[tilespmem:s20+$0x3460] =	vst v18;
	v18 =	vmul.f32 v36, v41  }
0x88: {  	[tilespmem:s20+$0x34E0] =	vst v54;
	v57 =	vmul.f32 v48, v52;
	v46 =	vld [tilespmem:s20+$0x3500]  }
0x89: {  	v55 =	vld [tilespmem:s20+$0x3550];
	[tilespmem:s20+$0x3490] =	vst v18;
	v18 =	vmul.f32 v39, v41  }
0x8a: {  	v34 =	vmul.f32 v58, v62;
	[tilespmem:s20+$0x3510] =	vst v57;
	v49 =	vld [tilespmem:s20+$0x3520]  }
0x8b: {  	v58 =	vld [tilespmem:s20+$0x3580];
	[tilespmem:s20+$0x34B0] =	vst v18;
	v18 =	vmul.f32 v43, v41  }
0x8c: {  	v37 =	vmul.f32 v61, v62;
	[tilespmem:s20+$0x3410] =	vst v34;
	v53 =	vld [tilespmem:s20+$0x3540]  }
0x8d: {  	v61 =	vld [tilespmem:s20+$0x35A0];
	[tilespmem:s20+$0x34D0] =	vst v18;
	v18 =	vmul.f32 v46, v52  }
0x8e: {  	[tilespmem:s20+$0x3430] =	vst v37;
	v40 =	vmul.f32 v32, v62;
	v32 =	vperm.xlane v19, v12;
	v56 =	vld [tilespmem:s20+$0x3560]  }
0x8f: {  	v51 =	vld [tilespmem:s20+$0x3530];
	[tilespmem:s20+$0x3500] =	vst v18;
	v18 =	vmul.f32 v49, v52  }
0x90: {  	[tilespmem:s20+$0x3450] =	vst v40;
	v35 =	vmul.f32 v58, v32;
	v59 =	vld [tilespmem:s20+$0x3590]  }
0x91: {  	v44 =	vld [tilespmem:s20+$0x3640];
	[tilespmem:s20+$0x3520] =	vst v18;
	v18 =	vmul.f32 v53, v52  }
0x92: {  	v38 =	vmul.f32 v61, v32;
	[tilespmem:s20+$0x3580] =	vst v35;
	v62 =	vld [tilespmem:s20+$0x35B0]  }
0x93: {  	v33 =	vld [tilespmem:s20+$0x35C0];
	[tilespmem:s20+$0x3540] =	vst v18;
	v18 =	vmul.f32 v56, v52  }
0x94: {  	v34 =	vld [tilespmem:s20+$0x35D0];
	[tilespmem:s20+$0x35A0] =	vst v38;
	v60 =	vmul.f32 v51, v52  }
0x95: {  	v36 =	vld [tilespmem:s20+$0x35E0];
	[tilespmem:s20+$0x3560] =	vst v18;
	v18 =	vmul.f32 v59, v32  }
0x96: {  	v37 =	vld [tilespmem:s20+$0x3600];
	v63 =	vmul.f32 v55, v52;
	[tilespmem:s20+$0x3530] =	vst v60  }
0x97: {  	v42 =	vld [tilespmem:s20+$0x3630];
	[tilespmem:s20+$0x3590] =	vst v18;
	v18 =	vmul.f32 v62, v32  }
0x98: {  	v40 =	vld [tilespmem:s20+$0x3620];
	[tilespmem:s20+$0x3550] =	vst v63;
	v41 =	vmul.f32 v33, v32  }
0x99: {  	v39 =	vld [tilespmem:s20+$0x3610];
	v43 =	vperm.xlane v19, v13;
	[tilespmem:s20+$0x35B0] =	vst v18;
	v18 =	vmul.f32 v34, v32  }
0x9a: {  	v47 =	vld [tilespmem:s20+$0x3660];
	v45 =	vmul.f32 v36, v32;
	[tilespmem:s20+$0x35C0] =	vst v41  }
0x9b: {  	v46 =	vld [tilespmem:s20+$0x3650];
	[tilespmem:s20+$0x35D0] =	vst v18;
	v18 =	vmul.f32 v37, v43  }
0x9c: {  	v50 =	vld [tilespmem:s20+$0x3690];
	v51 =	vmul.f32 v42, v43;
	[tilespmem:s20+$0x35E0] =	vst v45  }
0x9d: {  	v49 =	vld [tilespmem:s20+$0x3680];
	[tilespmem:s20+$0x3600] =	vst v18;
	v18 =	vmul.f32 v40, v43  }
0x9e: {  	v57 =	vld [tilespmem:s20+$0x36D0];
	v48 =	vmul.f32 v39, v43;
	[tilespmem:s20+$0x3630] =	vst v51  }
0x9f: {  	v52 =	vld [tilespmem:s20+$0x36A0];
	[tilespmem:s20+$0x3620] =	vst v18;
	v18 =	vmul.f32 v44, v43  }
0xa0: {  	v55 =	vperm.xlane v19, v14;
	[tilespmem:s20+$0x3610] =	vst v48;
	v53 =	vld [tilespmem:s20+$0x36B0];
	v54 =	vmul.f32 v46, v43  }
0xa1: {  	v56 =	vld [tilespmem:s20+$0x36C0];
	[tilespmem:s20+$0x3640] =	vst v18;
	v18 =	vmul.f32 v47, v43  }
0xa2: {  	[tilespmem:s20+$0x3650] =	vst v54;
	v58 =	vmul.f32 v49, v55;
	v59 =	vld [tilespmem:s20+$0x36E0]  }
0xa3: {  	v35 =	vld [tilespmem:s20+$0x3740];
	[tilespmem:s20+$0x3660] =	vst v18;
	v18 =	vmul.f32 v50, v55  }
0xa4: {  	v60 =	vld [tilespmem:s20+$0x3700];
	[tilespmem:s20+$0x3680] =	vst v58;
	v61 =	vmul.f32 v52, v55  }
0xa5: {  	v63 =	vld [tilespmem:s20+$0x3720];
	[tilespmem:s20+$0x3690] =	vst v18;
	v18 =	vmul.f32 v53, v55  }
0xa6: {  	v62 =	vld [tilespmem:s20+$0x3710];
	v32 =	vmul.f32 v56, v55;
	v34 =	vperm.xlane v19, v15;
	[tilespmem:s20+$0x36A0] =	vst v61  }
0xa7: {  	v36 =	vmul.f32 v59, v55;
	v59 =	vld [tilespmem:s20+$0x37A0];
	[tilespmem:s20+$0x36B0] =	vst v18;
	v18 =	vmul.f32 v57, v55  }
0xa8: {  	s21 =	sor.u32 $0x10, s21;
	v61 =	vld [tilespmem:s20+$0x37C0];
	[tilespmem:s20+$0x36C0] =	vst v32  }
0xa9: {  	s5 =	sshll.u32 s21, $0x7;
	v38 =	vmul.f32 v60, v34;
	[tilespmem:s20+$0x36D0] =	vst v18;
	v18 =	vld.idx.msk [tilespmem:v17+s21+$0x0 ss:$0x1], $0xffff  }
0xaa: {  	s5 =	sand.u32 $0x3FFFF800, s5;
	v41 =	vmul.f32 v63, v34;
	v60 =	vld [tilespmem:s20+$0x37B0];
	[tilespmem:s20+$0x36E0] =	vst v36  }
0xab: {  	v42 =	vld [tilespmem:s5+$0x3000];
	v19 =	vperm.xlane v19, v16;
	v45 =	vmul.f32 v35, v34;
	[tilespmem:s20+$0x3700] =	vst v38  }
0xac: {  	v39 =	vmul.f32 v62, v34;
	[tilespmem:s20+$0x3720] =	vst v41;
	v44 =	vld [tilespmem:s5+$0x3010]  }
0xad: {  	v46 =	vld [tilespmem:s5+$0x3020];
	[tilespmem:s20+$0x3740] =	vst v45;
	v28 =	vmul.f32 v59, v19  }
0xae: {  	v49 =	vld [tilespmem:s5+$0x3030];
	[tilespmem:s20+$0x3710] =	vst v39;
	v31 =	vmul.f32 v61, v19;
	v48 =	vperm.xlane v18, v1  }
0xaf: {  	v29 =	vmul.f32 v60, v19;
	[tilespmem:s20+$0x37A0] =	vst v28;
	v50 =	vld [tilespmem:s5+$0x3040]  }
0xb0: {  	v52 =	vld [tilespmem:s5+$0x3050];
	[tilespmem:s20+$0x37C0] =	vst v31;
	v51 =	vmul.f32 v42, v48  }
0xb1: {  	v54 =	vld [tilespmem:s5+$0x3060];
	[tilespmem:s20+$0x37B0] =	vst v29;
	v53 =	vmul.f32 v44, v48  }
0xb2: {  	v33 =	vld [tilespmem:s20+$0x3730];
	v56 =	vmul.f32 v46, v48;
	[tilespmem:s5+$0x3000] =	vst v51  }
0xb3: {  	v37 =	vld [tilespmem:s20+$0x3750];
	v58 =	vmul.f32 v49, v48;
	[tilespmem:s5+$0x3010] =	vst v53  }
0xb4: {  	v62 =	vld [tilespmem:s20+$0x37D0];
	v23 =	vmul.f32 v50, v48;
	[tilespmem:s5+$0x3020] =	vst v56  }
0xb5: {  	v40 =	vld [tilespmem:s20+$0x3760];
	v24 =	vmul.f32 v52, v48;
	[tilespmem:s5+$0x3030] =	vst v58  }
0xb6: {  	v55 =	vld [tilespmem:s20+$0x3780];
	v22 =	vmul.f32 v54, v48;
	[tilespmem:s5+$0x3040] =	vst v23  }
0xb7: {  	v43 =	vmul.f32 v33, v34;
	v57 =	vld [tilespmem:s20+$0x3790];
	[tilespmem:s5+$0x3050] =	vst v24  }
0xb8: {  	v63 =	vld [tilespmem:s20+$0x37E0];
	v47 =	vmul.f32 v37, v34;
	[tilespmem:s5+$0x3060] =	vst v22  }
0xb9: {  	v33 =	vmul.f32 v62, v19;
	[tilespmem:s20+$0x3730] =	vst v43;
	v22 =	vld [tilespmem:s20+$0x3880]  }
0xba: {  	v21 =	vmul.f32 v40, v34;
	[tilespmem:s20+$0x3750] =	vst v47;
	v30 =	vld [tilespmem:s20+$0x3890]  }
0xbb: {  	[tilespmem:s20+$0x37D0] =	vst v33;
	v20 =	vmul.f32 v55, v19;
	v32 =	vld [tilespmem:s20+$0x38A0]  }
0xbc: {  	[tilespmem:s20+$0x3760] =	vst v21;
	v21 =	vmul.f32 v57, v19;
	v34 =	vperm.xlane v18, v2;
	v35 =	vld [tilespmem:s20+$0x38B0]  }
0xbd: {  	v19 =	vmul.f32 v63, v19;
	[tilespmem:s20+$0x3780] =	vst v20;
	v36 =	vld [tilespmem:s20+$0x38C0]  }
0xbe: {  	[tilespmem:s20+$0x3790] =	vst v21;
	v38 =	vld [tilespmem:s20+$0x38D0];
	v37 =	vmul.f32 v22, v34  }
0xbf: {  	[tilespmem:s20+$0x37E0] =	vst v19;
	v39 =	vld [tilespmem:s20+$0x38E0];
	v19 =	vmul.f32 v30, v34  }
0xc0: {  	v41 =	vld [tilespmem:s20+$0x3900];
	v40 =	vmul.f32 v32, v34;
	[tilespmem:s20+$0x3880] =	vst v37  }
0xc1: {  	v42 =	vld [tilespmem:s20+$0x3910];
	[tilespmem:s20+$0x3890] =	vst v19;
	v19 =	vmul.f32 v35, v34  }
0xc2: {  	v43 =	vld [tilespmem:s20+$0x3920];
	v20 =	vmul.f32 v36, v34;
	[tilespmem:s20+$0x38A0] =	vst v40  }
0xc3: {  	v44 =	vperm.xlane v18, v3;
	v45 =	vld [tilespmem:s20+$0x3930];
	[tilespmem:s20+$0x38B0] =	vst v19;
	v19 =	vmul.f32 v38, v34  }
0xc4: {  	v47 =	vld [tilespmem:s20+$0x3940];
	v46 =	vmul.f32 v39, v34;
	[tilespmem:s20+$0x38C0] =	vst v20  }
0xc5: {  	v48 =	vld [tilespmem:s20+$0x3950];
	[tilespmem:s20+$0x38D0] =	vst v19;
	v19 =	vmul.f32 v41, v44  }
0xc6: {  	v50 =	vld [tilespmem:s20+$0x3960];
	v49 =	vmul.f32 v42, v44;
	[tilespmem:s20+$0x38E0] =	vst v46  }
0xc7: {  	v51 =	vld [tilespmem:s20+$0x3980];
	[tilespmem:s20+$0x3900] =	vst v19;
	v19 =	vmul.f32 v43, v44  }
0xc8: {  	v53 =	vld [tilespmem:s20+$0x3990];
	v52 =	vmul.f32 v45, v44;
	[tilespmem:s20+$0x3910] =	vst v49  }
0xc9: {  	v54 =	vld [tilespmem:s20+$0x39A0];
	[tilespmem:s20+$0x3920] =	vst v19;
	v19 =	vmul.f32 v47, v44  }
0xca: {  	v56 =	vperm.xlane v18, v4;
	v57 =	vld [tilespmem:s20+$0x39B0];
	v55 =	vmul.f32 v48, v44;
	[tilespmem:s20+$0x3930] =	vst v52  }
0xcb: {  	v58 =	vld [tilespmem:s20+$0x39C0];
	[tilespmem:s20+$0x3940] =	vst v19;
	v19 =	vmul.f32 v50, v44  }
0xcc: {  	v60 =	vld [tilespmem:s20+$0x39D0];
	v59 =	vmul.f32 v51, v56;
	[tilespmem:s20+$0x3950] =	vst v55  }
0xcd: {  	v61 =	vld [tilespmem:s20+$0x39E0];
	[tilespmem:s20+$0x3960] =	vst v19;
	v19 =	vmul.f32 v53, v56  }
0xce: {  	v63 =	vld [tilespmem:s20+$0x3A00];
	v62 =	vmul.f32 v54, v56;
	[tilespmem:s20+$0x3980] =	vst v59  }
0xcf: {  	v30 =	vld [tilespmem:s20+$0x3A10];
	[tilespmem:s20+$0x3990] =	vst v19;
	v19 =	vmul.f32 v57, v56  }
0xd0: {  	v31 =	vmul.f32 v58, v56;
	v32 =	vld [tilespmem:s20+$0x3A20];
	[tilespmem:s20+$0x39A0] =	vst v62  }
0xd1: {  	v33 =	vperm.xlane v18, v5;
	v40 =	vld [tilespmem:s20+$0x3A80];
	[tilespmem:s20+$0x39B0] =	vst v19;
	v19 =	vmul.f32 v60, v56  }
0xd2: {  	v36 =	vld [tilespmem:s20+$0x3A40];
	[tilespmem:s20+$0x39C0] =	vst v31;
	v35 =	vmul.f32 v61, v56  }
0xd3: {  	v34 =	vld [tilespmem:s20+$0x3A30];
	[tilespmem:s20+$0x39D0] =	vst v19;
	v19 =	vmul.f32 v63, v33  }
0xd4: {  	v39 =	vld [tilespmem:s20+$0x3A60];
	v45 =	vperm.xlane v18, v6;
	[tilespmem:s20+$0x39E0] =	vst v35;
	v38 =	vmul.f32 v30, v33  }
0xd5: {  	v37 =	vld [tilespmem:s20+$0x3A50];
	[tilespmem:s20+$0x3A00] =	vst v19;
	v19 =	vmul.f32 v32, v33  }
0xd6: {  	v42 =	vld [tilespmem:s20+$0x3A90];
	[tilespmem:s20+$0x3A10] =	vst v38;
	v48 =	vmul.f32 v40, v45  }
0xd7: {  	v43 =	vld [tilespmem:s20+$0x3AA0];
	[tilespmem:s20+$0x3A20] =	vst v19;
	v19 =	vmul.f32 v36, v33  }
0xd8: {  	v46 =	vld [tilespmem:s20+$0x3AB0];
	v41 =	vmul.f32 v34, v33;
	[tilespmem:s20+$0x3A80] =	vst v48  }
0xd9: {  	v47 =	vld [tilespmem:s20+$0x3AC0];
	[tilespmem:s20+$0x3A40] =	vst v19;
	v19 =	vmul.f32 v39, v33  }
0xda: {  	v49 =	vld [tilespmem:s20+$0x3AD0];
	[tilespmem:s20+$0x3A30] =	vst v41;
	v44 =	vmul.f32 v37, v33  }
0xdb: {  	v50 =	vld [tilespmem:s20+$0x3AE0];
	[tilespmem:s20+$0x3A60] =	vst v19;
	v19 =	vmul.f32 v42, v45  }
0xdc: {  	v52 =	vld [tilespmem:s20+$0x3B00];
	v51 =	vmul.f32 v43, v45;
	[tilespmem:s20+$0x3A50] =	vst v44  }
0xdd: {  	v53 =	vld [tilespmem:s20+$0x3B10];
	[tilespmem:s20+$0x3A90] =	vst v19;
	v19 =	vmul.f32 v46, v45  }
0xde: {  	v55 =	vld [tilespmem:s20+$0x3B20];
	[tilespmem:s20+$0x3AA0] =	vst v51;
	v54 =	vmul.f32 v47, v45  }
0xdf: {  	v57 =	vld [tilespmem:s20+$0x3B30];
	v56 =	vperm.xlane v18, v7;
	[tilespmem:s20+$0x3AB0] =	vst v19;
	v19 =	vmul.f32 v49, v45  }
0xe0: {  	v59 =	vld [tilespmem:s20+$0x3B40];
	[tilespmem:s20+$0x3AC0] =	vst v54;
	v58 =	vmul.f32 v50, v45  }
0xe1: {  	v60 =	vld [tilespmem:s20+$0x3B50];
	[tilespmem:s20+$0x3AD0] =	vst v19;
	v19 =	vmul.f32 v52, v56  }
0xe2: {  	v62 =	vld [tilespmem:s20+$0x3B60];
	[tilespmem:s20+$0x3AE0] =	vst v58;
	v61 =	vmul.f32 v53, v56  }
0xe3: {  	v63 =	vld [tilespmem:s20+$0x3B80];
	[tilespmem:s20+$0x3B00] =	vst v19;
	v19 =	vmul.f32 v55, v56  }
0xe4: {  	v30 =	vld [tilespmem:s20+$0x3B90];
	v29 =	vmul.f32 v57, v56;
	[tilespmem:s20+$0x3B10] =	vst v61  }
0xe5: {  	v31 =	vld [tilespmem:s20+$0x3BA0];
	[tilespmem:s20+$0x3B20] =	vst v19;
	v19 =	vmul.f32 v59, v56  }
0xe6: {  	v34 =	vld [tilespmem:s20+$0x3BB0];
	[tilespmem:s20+$0x3B30] =	vst v29;
	v32 =	vmul.f32 v60, v56;
	v33 =	vperm.xlane v18, v8  }
0xe7: {  	v35 =	vld [tilespmem:s20+$0x3BC0];
	[tilespmem:s20+$0x3B40] =	vst v19;
	v19 =	vmul.f32 v62, v56  }
0xe8: {  	v37 =	vld [tilespmem:s20+$0x3BD0];
	[tilespmem:s20+$0x3B50] =	vst v32;
	v36 =	vmul.f32 v63, v33  }
0xe9: {  	v38 =	vld [tilespmem:s20+$0x3BE0];
	[tilespmem:s20+$0x3B60] =	vst v19;
	v19 =	vmul.f32 v30, v33  }
0xea: {  	v40 =	vld [tilespmem:s20+$0x3C00];
	v39 =	vmul.f32 v31, v33;
	[tilespmem:s20+$0x3B80] =	vst v36  }
0xeb: {  	v41 =	vld [tilespmem:s20+$0x3C10];
	[tilespmem:s20+$0x3B90] =	vst v19;
	v19 =	vmul.f32 v34, v33  }
0xec: {  	v43 =	vld [tilespmem:s20+$0x3C20];
	v42 =	vmul.f32 v35, v33;
	[tilespmem:s20+$0x3BA0] =	vst v39  }
0xed: {  	v48 =	vld [tilespmem:s20+$0x3C50];
	v44 =	vperm.xlane v18, v9;
	[tilespmem:s20+$0x3BB0] =	vst v19;
	v19 =	vmul.f32 v37, v33  }
0xee: {  	v47 =	vld [tilespmem:s20+$0x3C40];
	[tilespmem:s20+$0x3BC0] =	vst v42;
	v46 =	vmul.f32 v38, v33  }
0xef: {  	v45 =	vld [tilespmem:s20+$0x3C30];
	[tilespmem:s20+$0x3BD0] =	vst v19;
	v19 =	vmul.f32 v40, v44  }
0xf0: {  	v50 =	vld [tilespmem:s20+$0x3C60];
	[tilespmem:s20+$0x3BE0] =	vst v46;
	v49 =	vmul.f32 v41, v44  }
0xf1: {  	v51 =	vld [tilespmem:s20+$0x3C80];
	[tilespmem:s20+$0x3C00] =	vst v19;
	v19 =	vmul.f32 v43, v44  }
0xf2: {  	v53 =	vld [tilespmem:s20+$0x3C90];
	[tilespmem:s20+$0x3C10] =	vst v49;
	v55 =	vmul.f32 v48, v44  }
0xf3: {  	v54 =	vld [tilespmem:s20+$0x3CA0];
	[tilespmem:s20+$0x3C20] =	vst v19;
	v19 =	vmul.f32 v47, v44  }
0xf4: {  	v57 =	vld [tilespmem:s20+$0x3CB0];
	v52 =	vmul.f32 v45, v44;
	[tilespmem:s20+$0x3C50] =	vst v55;
	v56 =	vperm.xlane v18, v10  }
0xf5: {  	v58 =	vld [tilespmem:s20+$0x3CC0];
	[tilespmem:s20+$0x3C40] =	vst v19;
	v19 =	vmul.f32 v50, v44  }
0xf6: {  	v60 =	vld [tilespmem:s20+$0x3CD0];
	[tilespmem:s20+$0x3C30] =	vst v52;
	v59 =	vmul.f32 v51, v56  }
0xf7: {  	v61 =	vld [tilespmem:s20+$0x3CE0];
	[tilespmem:s20+$0x3C60] =	vst v19;
	v19 =	vmul.f32 v53, v56  }
0xf8: {  	v63 =	vld [tilespmem:s20+$0x3D00];
	v62 =	vmul.f32 v54, v56;
	[tilespmem:s20+$0x3C80] =	vst v59  }
0xf9: {  	v30 =	vld [tilespmem:s20+$0x3D10];
	[tilespmem:s20+$0x3C90] =	vst v19;
	v19 =	vmul.f32 v57, v56  }
0xfa: {  	v32 =	vld [tilespmem:s20+$0x3D20];
	v31 =	vmul.f32 v58, v56;
	[tilespmem:s20+$0x3CA0] =	vst v62  }
0xfb: {  	v34 =	vld [tilespmem:s20+$0x3D30];
	v33 =	vperm.xlane v18, v11;
	[tilespmem:s20+$0x3CB0] =	vst v19;
	v19 =	vmul.f32 v60, v56  }
0xfc: {  	v36 =	vld [tilespmem:s20+$0x3D40];
	v35 =	vmul.f32 v61, v56;
	[tilespmem:s20+$0x3CC0] =	vst v31  }
0xfd: {  	v40 =	vld [tilespmem:s20+$0x3D80];
	[tilespmem:s20+$0x3CD0] =	vst v19;
	v19 =	vmul.f32 v63, v33  }
0xfe: {  	v39 =	vld [tilespmem:s20+$0x3D60];
	[tilespmem:s20+$0x3CE0] =	vst v35;
	v38 =	vmul.f32 v30, v33  }
0xff: {  	v37 =	vld [tilespmem:s20+$0x3D50];
	[tilespmem:s20+$0x3D00] =	vst v19;
	v19 =	vmul.f32 v32, v33  }
0x100: {  	v42 =	vld [tilespmem:s20+$0x3D90];
	v45 =	vperm.xlane v18, v12;
	v41 =	vmul.f32 v34, v33;
	[tilespmem:s20+$0x3D10] =	vst v38  }
0x101: {  	v43 =	vld [tilespmem:s20+$0x3DA0];
	[tilespmem:s20+$0x3D20] =	vst v19;
	v19 =	vmul.f32 v36, v33  }
0x102: {  	v46 =	vld [tilespmem:s20+$0x3DB0];
	[tilespmem:s20+$0x3D30] =	vst v41;
	v48 =	vmul.f32 v40, v45  }
0x103: {  	v47 =	vld [tilespmem:s20+$0x3DC0];
	[tilespmem:s20+$0x3D40] =	vst v19;
	v19 =	vmul.f32 v39, v33  }
0x104: {  	v49 =	vld [tilespmem:s20+$0x3DD0];
	v44 =	vmul.f32 v37, v33;
	[tilespmem:s20+$0x3D80] =	vst v48  }
0x105: {  	v50 =	vld [tilespmem:s20+$0x3DE0];
	[tilespmem:s20+$0x3D60] =	vst v19;
	v19 =	vmul.f32 v42, v45  }
0x106: {  	v52 =	vld [tilespmem:s20+$0x3E00];
	v51 =	vmul.f32 v43, v45;
	[tilespmem:s20+$0x3D50] =	vst v44  }
0x107: {  	v53 =	vld [tilespmem:s20+$0x3E10];
	[tilespmem:s20+$0x3D90] =	vst v19;
	v19 =	vmul.f32 v46, v45  }
0x108: {  	v55 =	vld [tilespmem:s20+$0x3E20];
	[tilespmem:s20+$0x3DA0] =	vst v51;
	v54 =	vmul.f32 v47, v45  }
0x109: {  	v57 =	vld [tilespmem:s20+$0x3E30];
	v56 =	vperm.xlane v18, v13;
	[tilespmem:s20+$0x3DB0] =	vst v19;
	v19 =	vmul.f32 v49, v45  }
0x10a: {  	v59 =	vld [tilespmem:s20+$0x3E40];
	[tilespmem:s20+$0x3DC0] =	vst v54;
	v58 =	vmul.f32 v50, v45  }
0x10b: {  	v63 =	vld [tilespmem:s20+$0x3E80];
	[tilespmem:s20+$0x3DD0] =	vst v19;
	v19 =	vmul.f32 v52, v56  }
0x10c: {  	v62 =	vld [tilespmem:s20+$0x3E60];
	[tilespmem:s20+$0x3DE0] =	vst v58;
	v61 =	vmul.f32 v53, v56  }
0x10d: {  	v60 =	vld [tilespmem:s20+$0x3E50];
	[tilespmem:s20+$0x3E00] =	vst v19;
	v19 =	vmul.f32 v55, v56  }
0x10e: {  	v31 =	vld [tilespmem:s20+$0x3E90];
	v34 =	vperm.xlane v18, v14;
	v30 =	vmul.f32 v57, v56;
	[tilespmem:s20+$0x3E10] =	vst v61  }
0x10f: {  	v32 =	vld [tilespmem:s20+$0x3EA0];
	[tilespmem:s20+$0x3E20] =	vst v19;
	v19 =	vmul.f32 v59, v56  }
0x110: {  	v35 =	vld [tilespmem:s20+$0x3EB0];
	[tilespmem:s20+$0x3E30] =	vst v30;
	v37 =	vmul.f32 v63, v34  }
0x111: {  	v36 =	vld [tilespmem:s20+$0x3EC0];
	[tilespmem:s20+$0x3E40] =	vst v19;
	v19 =	vmul.f32 v62, v56  }
0x112: {  	v38 =	vld [tilespmem:s20+$0x3ED0];
	v33 =	vmul.f32 v60, v56;
	[tilespmem:s20+$0x3E80] =	vst v37  }
0x113: {  	v39 =	vld [tilespmem:s20+$0x3EE0];
	[tilespmem:s20+$0x3E60] =	vst v19;
	v19 =	vmul.f32 v31, v34  }
0x114: {  	v41 =	vld [tilespmem:s20+$0x3F00];
	v40 =	vmul.f32 v32, v34;
	[tilespmem:s20+$0x3E50] =	vst v33  }
0x115: {  	v42 =	vld [tilespmem:s20+$0x3F10];
	[tilespmem:s20+$0x3E90] =	vst v19;
	v19 =	vmul.f32 v35, v34  }
0x116: {  	v44 =	vld [tilespmem:s20+$0x3F20];
	[tilespmem:s20+$0x3EA0] =	vst v40;
	v43 =	vmul.f32 v36, v34  }
0x117: {  	v58 =	vld [tilespmem:s20+$0x3FC0];
	v45 =	vperm.xlane v18, v15;
	[tilespmem:s20+$0x3EB0] =	vst v19;
	v19 =	vmul.f32 v38, v34  }
0x118: {  	v48 =	vld [tilespmem:s20+$0x3F40];
	[tilespmem:s20+$0x3EC0] =	vst v43;
	v47 =	vmul.f32 v39, v34  }
0x119: {  	v46 =	vld [tilespmem:s20+$0x3F30];
	[tilespmem:s20+$0x3ED0] =	vst v19;
	v19 =	vmul.f32 v41, v45  }
0x11a: {  	v51 =	vld [tilespmem:s20+$0x3F60];
	v18 =	vperm.xlane v18, v16;
	[tilespmem:s20+$0x3EE0] =	vst v47;
	v50 =	vmul.f32 v42, v45  }
0x11b: {  	v52 =	vld [tilespmem:s20+$0x3F80];
	[tilespmem:s20+$0x3F00] =	vst v19;
	v19 =	vmul.f32 v44, v45  }
0x11c: {  	v54 =	vld [tilespmem:s20+$0x3F90];
	v63 =	vmul.f32 v58, v18;
	[tilespmem:s20+$0x3F10] =	vst v50  }
0x11d: {  	v49 =	vld [tilespmem:s20+$0x3F50];
	[tilespmem:s20+$0x3F20] =	vst v19;
	v19 =	vmul.f32 v48, v45  }
0x11e: {  	v57 =	vld [tilespmem:s20+$0x3FB0];
	v53 =	vmul.f32 v46, v45;
	[tilespmem:s20+$0x3FC0] =	vst v63  }
0x11f: {  	v55 =	vld [tilespmem:s20+$0x3FA0];
	[tilespmem:s20+$0x3F40] =	vst v19;
	v19 =	vmul.f32 v51, v45  }
0x120: {  	v60 =	vld [tilespmem:s20+$0x3FD0];
	[tilespmem:s20+$0x3F30] =	vst v53;
	v59 =	vmul.f32 v52, v18  }
0x121: {  	v61 =	vld [tilespmem:s20+$0x3FE0];
	[tilespmem:s20+$0x3F60] =	vst v19;
	v19 =	vmul.f32 v54, v18  }
0x122: {  	v56 =	vmul.f32 v49, v45;
	[tilespmem:s20+$0x3F80] =	vst v59  }
0x123: {  	p0 =	slt.u32 s3, $0x6;
	[tilespmem:s20+$0x3F90] =	vst v19;
	v19 =	vmul.f32 v57, v18  }
.Ltmp2:
0x124: {  	v62 =	vmul.f32 v55, v18;
	[tilespmem:s20+$0x3F50] =	vst v56;
	(pc) =	sbr.rel @p0 .LBB2_8-.Ltmp2, $4  }
0x125: {  	[tilespmem:s20+$0x3FB0] =	vst v19;
	v19 =	vmul.f32 v60, v18  }
0x126: {  	[tilespmem:s20+$0x3FA0] =	vst v62;
	v18 =	vmul.f32 v61, v18  }
0x127: {  	s21 =	sadd.s32 $0x2, s3;
	[tilespmem:s20+$0x3FD0] =	vst v19  }
0x128: {  	s3 =	smov.u32 s21;
	[tilespmem:s20+$0x3FE0] =	vst v18  }
0x129: {  	s3 =	sshll.u32 s17, $0xA  }
0x12a: {  	s5 =	sshrl.u32 s3, $0x2  }
0x12b: {  	s5 =	sadd.s32 $0x1000, s5  }
0x12c: {  	[spmem:s1] =	stream.indirect.scatter.add.f32 [tilespmem:s28], [sflag:$0x3], $0x80, s5, s26, $0xb8;
	[tilespmem:$0x1F800] =	vst v63  }
0x12d: {  	p0 =	seq.s32 s17, $0xF;
	s21 =	sadd.s32 $0x2000, s0;
	_ =	swait.ge [sflag:s19], $0x4000  }
0x12e: {  	s3 =	sshrl.u32 @!p0 s3, $0x2;
	s20 =	simm.s32 @!p0 $0x3000;
	[sflag:s19] =	ssyncset.done $0x0  }
0x12f: {  	s3 =	sadd.s32 @!p0 $0x100, s3;
	s5 =	simm.s32 @!p0 $0x80;
	[sflag:s19] =	ssyncadd.s32 $0xFFFFC000  }
0x130: {  	[tilespmem:s20], [sflag:$0x1] =	stream.indirect.gather @!p0 [hbm4b:s4+s5], $0x80, s3, s5, $0xb8;
	[tilespmem:$0x1F800] =	vst v63  }
0x131: {  	v17 =	vmov s21;
	_ =	swait.ge [sflag:s31], $0x4000  }
0x132: {  	[sflag:s31] =	ssyncset.done $0x0  }
0x133: {  	s3 =	simm.s32 $0x0;
	[sflag:s31] =	ssyncadd.s32 $0xFFFFC000  }
.LBB2_10:
0x134: {  	s21 =	sshll.u32 s3, $0x4  }
0x135: {  	s20 =	sshll.u32 s3, $0xB;
	s5 =	sand.u32 $0x3FFFFFF0, s21  }
0x136: {  	s20 =	sand.u32 $0x3FFFF800, s20;
	v19 =	vld.idx.msk [tilespmem:v17+s5+$0x0 ss:$0x1], $0xffff  }
0x137: {  	v18 =	vld [tilespmem:s20+$0x7000]  }
0x138: {  	v20 =	vld [tilespmem:s20+$0x7010]  }
0x139: {  	v21 =	vld [tilespmem:s20+$0x7020]  }
0x13a: {  	v22 =	vld [tilespmem:s20+$0x7030]  }
0x13b: {  	v24 =	vld [tilespmem:s20+$0x7040];
	v23 =	vperm.xlane v19, v1  }
0x13c: {  	v25 =	vld [tilespmem:s20+$0x7050]  }
0x13d: {  	v26 =	vld [tilespmem:s20+$0x7060];
	v18 =	vmul.f32 v18, v23  }
0x13e: {  	v27 =	vld [tilespmem:s20+$0x7080];
	v20 =	vmul.f32 v20, v23  }
0x13f: {  	v44 =	vld [tilespmem:s20+$0x7090];
	[tilespmem:s20+$0x7000] =	vst v18;
	v18 =	vmul.f32 v21, v23  }
0x140: {  	v46 =	vld [tilespmem:s20+$0x70A0];
	v45 =	vmul.f32 v22, v23;
	[tilespmem:s20+$0x7010] =	vst v20  }
0x141: {  	v47 =	vld [tilespmem:s20+$0x70B0];
	[tilespmem:s20+$0x7020] =	vst v18;
	v18 =	vmul.f32 v24, v23  }
0x142: {  	v28 =	vld [tilespmem:s20+$0x70C0];
	v49 =	vperm.xlane v19, v2;
	v48 =	vmul.f32 v25, v23;
	[tilespmem:s20+$0x7030] =	vst v45  }
0x143: {  	v50 =	vld [tilespmem:s20+$0x70D0];
	[tilespmem:s20+$0x7040] =	vst v18;
	v18 =	vmul.f32 v26, v23  }
0x144: {  	v52 =	vld [tilespmem:s20+$0x70E0];
	v51 =	vmul.f32 v27, v49;
	[tilespmem:s20+$0x7050] =	vst v48  }
0x145: {  	v53 =	vld [tilespmem:s20+$0x7100];
	[tilespmem:s20+$0x7060] =	vst v18;
	v18 =	vmul.f32 v44, v49  }
0x146: {  	v55 =	vld [tilespmem:s20+$0x7110];
	v54 =	vmul.f32 v46, v49;
	[tilespmem:s20+$0x7080] =	vst v51  }
0x147: {  	v56 =	vld [tilespmem:s20+$0x7120];
	[tilespmem:s20+$0x7090] =	vst v18;
	v18 =	vmul.f32 v47, v49  }
0x148: {  	v58 =	vld [tilespmem:s20+$0x7130];
	v57 =	vmul.f32 v28, v49;
	[tilespmem:s20+$0x70A0] =	vst v54  }
0x149: {  	v60 =	vld [tilespmem:s20+$0x7140];
	v59 =	vperm.xlane v19, v3;
	[tilespmem:s20+$0x70B0] =	vst v18;
	v18 =	vmul.f32 v50, v49  }
0x14a: {  	v62 =	vld [tilespmem:s20+$0x7150];
	v61 =	vmul.f32 v52, v49;
	[tilespmem:s20+$0x70C0] =	vst v57  }
0x14b: {  	v63 =	vld [tilespmem:s20+$0x7160];
	[tilespmem:s20+$0x70D0] =	vst v18;
	v18 =	vmul.f32 v53, v59  }
0x14c: {  	v33 =	vld [tilespmem:s20+$0x7180];
	v32 =	vmul.f32 v55, v59;
	[tilespmem:s20+$0x70E0] =	vst v61  }
0x14d: {  	v34 =	vld [tilespmem:s20+$0x7190];
	[tilespmem:s20+$0x7100] =	vst v18;
	v18 =	vmul.f32 v56, v59  }
0x14e: {  	v36 =	vld [tilespmem:s20+$0x71A0];
	v35 =	vmul.f32 v58, v59;
	[tilespmem:s20+$0x7110] =	vst v32  }
0x14f: {  	v43 =	vld [tilespmem:s20+$0x71E0];
	[tilespmem:s20+$0x7120] =	vst v18;
	v18 =	vmul.f32 v60, v59  }
0x150: {  	v37 =	vld [tilespmem:s20+$0x71B0];
	v39 =	vperm.xlane v19, v4;
	v38 =	vmul.f32 v62, v59;
	[tilespmem:s20+$0x7130] =	vst v35  }
0x151: {  	v40 =	vld [tilespmem:s20+$0x71C0];
	[tilespmem:s20+$0x7140] =	vst v18;
	v18 =	vmul.f32 v63, v59  }
0x152: {  	v41 =	vld [tilespmem:s20+$0x71D0];
	v42 =	vmul.f32 v33, v39;
	[tilespmem:s20+$0x7150] =	vst v38  }
0x153: {  	v30 =	vld [tilespmem:s20+$0x72D0];
	[tilespmem:s20+$0x7160] =	vst v18;
	v18 =	vmul.f32 v34, v39  }
0x154: {  	v52 =	vmul.f32 v43, v39;
	[tilespmem:s20+$0x7180] =	vst v42;
	v44 =	vld [tilespmem:s20+$0x7200]  }
0x155: {  	v46 =	vld [tilespmem:s20+$0x7210];
	[tilespmem:s20+$0x7190] =	vst v18;
	v18 =	vmul.f32 v37, v39  }
0x156: {  	v45 =	vmul.f32 v36, v39;
	[tilespmem:s20+$0x71E0] =	vst v52;
	v47 =	vld [tilespmem:s20+$0x7220]  }
0x157: {  	v49 =	vld [tilespmem:s20+$0x7230];
	v50 =	vperm.xlane v19, v5;
	[tilespmem:s20+$0x71B0] =	vst v18;
	v18 =	vmul.f32 v41, v39  }
0x158: {  	v48 =	vmul.f32 v40, v39;
	v51 =	vld [tilespmem:s20+$0x7240];
	[tilespmem:s20+$0x71A0] =	vst v45  }
0x159: {  	v53 =	vld [tilespmem:s20+$0x7250];
	[tilespmem:s20+$0x71D0] =	vst v18;
	v18 =	vmul.f32 v44, v50  }
0x15a: {  	v54 =	vld [tilespmem:s20+$0x7260];
	[tilespmem:s20+$0x71C0] =	vst v48;
	v55 =	vmul.f32 v46, v50  }
0x15b: {  	v56 =	vld [tilespmem:s20+$0x7280];
	[tilespmem:s20+$0x7200] =	vst v18;
	v18 =	vmul.f32 v47, v50  }
0x15c: {  	v57 =	vld [tilespmem:s20+$0x7290];
	[tilespmem:s20+$0x7210] =	vst v55;
	v58 =	vmul.f32 v49, v50  }
0x15d: {  	v59 =	vld [tilespmem:s20+$0x72A0];
	[tilespmem:s20+$0x7220] =	vst v18;
	v18 =	vmul.f32 v51, v50  }
0x15e: {  	v62 =	vperm.xlane v19, v6;
	v60 =	vld [tilespmem:s20+$0x72B0];
	[tilespmem:s20+$0x7230] =	vst v58;
	v61 =	vmul.f32 v53, v50  }
0x15f: {  	v63 =	vld [tilespmem:s20+$0x72C0];
	[tilespmem:s20+$0x7240] =	vst v18;
	v18 =	vmul.f32 v54, v50  }
0x160: {  	v33 =	vld [tilespmem:s20+$0x7300];
	[tilespmem:s20+$0x7250] =	vst v61;
	v31 =	vmul.f32 v56, v62  }
0x161: {  	v32 =	vld [tilespmem:s20+$0x72E0];
	[tilespmem:s20+$0x7260] =	vst v18;
	v18 =	vmul.f32 v57, v62  }
0x162: {  	v35 =	vld [tilespmem:s20+$0x7310];
	[tilespmem:s20+$0x7280] =	vst v31;
	v34 =	vmul.f32 v59, v62  }
0x163: {  	v43 =	vld [tilespmem:s20+$0x7360];
	[tilespmem:s20+$0x7290] =	vst v18;
	v18 =	vmul.f32 v60, v62  }
0x164: {  	v36 =	vld [tilespmem:s20+$0x7320];
	v37 =	vmul.f32 v63, v62;
	[tilespmem:s20+$0x72A0] =	vst v34  }
0x165: {  	v38 =	vld [tilespmem:s20+$0x7330];
	v39 =	vperm.xlane v19, v7;
	[tilespmem:s20+$0x72B0] =	vst v18;
	v18 =	vmul.f32 v30, v62  }
0x166: {  	v40 =	vld [tilespmem:s20+$0x7340];
	v41 =	vmul.f32 v32, v62;
	[tilespmem:s20+$0x72C0] =	vst v37  }
0x167: {  	v44 =	vmul.f32 v35, v39;
	v35 =	vld [tilespmem:s20+$0x7480];
	[tilespmem:s20+$0x72D0] =	vst v18;
	v18 =	vmul.f32 v33, v39  }
0x168: {  	v42 =	vld [tilespmem:s20+$0x7350];
	[tilespmem:s20+$0x72E0] =	vst v41  }
0x169: {  	v52 =	vld [tilespmem:s20+$0x73C0];
	[tilespmem:s20+$0x7300] =	vst v18;
	v18 =	vmul.f32 v36, v39  }
0x16a: {  	v46 =	vld [tilespmem:s20+$0x7390];
	v41 =	vperm.xlane v19, v10;
	[tilespmem:s20+$0x7310] =	vst v44;
	v47 =	vmul.f32 v38, v39  }
0x16b: {  	v45 =	vld [tilespmem:s20+$0x7380];
	[tilespmem:s20+$0x7320] =	vst v18;
	v18 =	vmul.f32 v40, v39  }
0x16c: {  	v49 =	vld [tilespmem:s20+$0x73B0];
	[tilespmem:s20+$0x7330] =	vst v47;
	v44 =	vmul.f32 v35, v41  }
0x16d: {  	v55 =	vld [tilespmem:s20+$0x73E0];
	v51 =	vperm.xlane v19, v8;
	[tilespmem:s20+$0x7340] =	vst v18;
	v18 =	vmul.f32 v43, v39  }
0x16e: {  	v53 =	vld [tilespmem:s20+$0x73D0];
	v50 =	vmul.f32 v42, v39;
	[tilespmem:s20+$0x7480] =	vst v44  }
0x16f: {  	v38 =	vld [tilespmem:s20+$0x74A0];
	[tilespmem:s20+$0x7360] =	vst v18;
	v18 =	vmul.f32 v46, v51  }
0x170: {  	v56 =	vld [tilespmem:s20+$0x7400];
	v54 =	vmul.f32 v45, v51;
	[tilespmem:s20+$0x7350] =	vst v50  }
0x171: {  	v48 =	vld [tilespmem:s20+$0x73A0];
	[tilespmem:s20+$0x7390] =	vst v18;
	v18 =	vmul.f32 v49, v51  }
0x172: {  	v59 =	vld [tilespmem:s20+$0x7420];
	v31 =	vmul.f32 v55, v51;
	[tilespmem:s20+$0x7380] =	vst v54  }
0x173: {  	v58 =	vld [tilespmem:s20+$0x7410];
	v62 =	vperm.xlane v19, v9;
	[tilespmem:s20+$0x73B0] =	vst v18;
	v18 =	vmul.f32 v53, v51  }
0x174: {  	v63 =	vld [tilespmem:s20+$0x7440];
	v47 =	vmul.f32 v38, v41;
	[tilespmem:s20+$0x73E0] =	vst v31  }
0x175: {  	v42 =	vld [tilespmem:s20+$0x74C0];
	[tilespmem:s20+$0x73D0] =	vst v18;
	v18 =	vmul.f32 v56, v62  }
0x176: {  	v57 =	vmul.f32 v48, v51;
	[tilespmem:s20+$0x74A0] =	vst v47;
	v33 =	vld [tilespmem:s20+$0x7460]  }
0x177: {  	v45 =	vld [tilespmem:s20+$0x74E0];
	[tilespmem:s20+$0x7400] =	vst v18;
	v18 =	vmul.f32 v59, v62  }
0x178: {  	[tilespmem:s20+$0x73A0] =	vst v57;
	v60 =	vmul.f32 v52, v51;
	v36 =	vld [tilespmem:s20+$0x7490]  }
0x179: {  	v48 =	vld [tilespmem:s20+$0x7510];
	[tilespmem:s20+$0x7420] =	vst v18;
	v18 =	vmul.f32 v63, v62  }
0x17a: {  	v50 =	vmul.f32 v42, v41;
	[tilespmem:s20+$0x73C0] =	vst v60;
	v39 =	vld [tilespmem:s20+$0x74B0]  }
0x17b: {  	v61 =	vld [tilespmem:s20+$0x7430];
	[tilespmem:s20+$0x7440] =	vst v18;
	v18 =	vmul.f32 v33, v62  }
0x17c: {  	v52 =	vperm.xlane v19, v11;
	v54 =	vmul.f32 v45, v41;
	[tilespmem:s20+$0x74C0] =	vst v50;
	v43 =	vld [tilespmem:s20+$0x74D0]  }
0x17d: {  	v32 =	vld [tilespmem:s20+$0x7450];
	[tilespmem:s20+$0x7460] =	vst v18;
	v18 =	vmul.f32 v36, v41  }
0x17e: {  	[tilespmem:s20+$0x74E0] =	vst v54;
	v57 =	vmul.f32 v48, v52;
	v46 =	vld [tilespmem:s20+$0x7500]  }
0x17f: {  	v55 =	vld [tilespmem:s20+$0x7550];
	[tilespmem:s20+$0x7490] =	vst v18;
	v18 =	vmul.f32 v39, v41  }
0x180: {  	v34 =	vmul.f32 v58, v62;
	[tilespmem:s20+$0x7510] =	vst v57;
	v49 =	vld [tilespmem:s20+$0x7520]  }
0x181: {  	v58 =	vld [tilespmem:s20+$0x7580];
	[tilespmem:s20+$0x74B0] =	vst v18;
	v18 =	vmul.f32 v43, v41  }
0x182: {  	v37 =	vmul.f32 v61, v62;
	[tilespmem:s20+$0x7410] =	vst v34;
	v53 =	vld [tilespmem:s20+$0x7540]  }
0x183: {  	v61 =	vld [tilespmem:s20+$0x75A0];
	[tilespmem:s20+$0x74D0] =	vst v18;
	v18 =	vmul.f32 v46, v52  }
0x184: {  	[tilespmem:s20+$0x7430] =	vst v37;
	v40 =	vmul.f32 v32, v62;
	v32 =	vperm.xlane v19, v12;
	v56 =	vld [tilespmem:s20+$0x7560]  }
0x185: {  	v51 =	vld [tilespmem:s20+$0x7530];
	[tilespmem:s20+$0x7500] =	vst v18;
	v18 =	vmul.f32 v49, v52  }
0x186: {  	[tilespmem:s20+$0x7450] =	vst v40;
	v35 =	vmul.f32 v58, v32;
	v59 =	vld [tilespmem:s20+$0x7590]  }
0x187: {  	v44 =	vld [tilespmem:s20+$0x7640];
	[tilespmem:s20+$0x7520] =	vst v18;
	v18 =	vmul.f32 v53, v52  }
0x188: {  	v38 =	vmul.f32 v61, v32;
	[tilespmem:s20+$0x7580] =	vst v35;
	v62 =	vld [tilespmem:s20+$0x75B0]  }
0x189: {  	v33 =	vld [tilespmem:s20+$0x75C0];
	[tilespmem:s20+$0x7540] =	vst v18;
	v18 =	vmul.f32 v56, v52  }
0x18a: {  	v34 =	vld [tilespmem:s20+$0x75D0];
	[tilespmem:s20+$0x75A0] =	vst v38;
	v60 =	vmul.f32 v51, v52  }
0x18b: {  	v36 =	vld [tilespmem:s20+$0x75E0];
	[tilespmem:s20+$0x7560] =	vst v18;
	v18 =	vmul.f32 v59, v32  }
0x18c: {  	v37 =	vld [tilespmem:s20+$0x7600];
	v63 =	vmul.f32 v55, v52;
	[tilespmem:s20+$0x7530] =	vst v60  }
0x18d: {  	v42 =	vld [tilespmem:s20+$0x7630];
	[tilespmem:s20+$0x7590] =	vst v18;
	v18 =	vmul.f32 v62, v32  }
0x18e: {  	v40 =	vld [tilespmem:s20+$0x7620];
	[tilespmem:s20+$0x7550] =	vst v63;
	v41 =	vmul.f32 v33, v32  }
0x18f: {  	v39 =	vld [tilespmem:s20+$0x7610];
	v43 =	vperm.xlane v19, v13;
	[tilespmem:s20+$0x75B0] =	vst v18;
	v18 =	vmul.f32 v34, v32  }
0x190: {  	v47 =	vld [tilespmem:s20+$0x7660];
	v45 =	vmul.f32 v36, v32;
	[tilespmem:s20+$0x75C0] =	vst v41  }
0x191: {  	v46 =	vld [tilespmem:s20+$0x7650];
	[tilespmem:s20+$0x75D0] =	vst v18;
	v18 =	vmul.f32 v37, v43  }
0x192: {  	v50 =	vld [tilespmem:s20+$0x7690];
	v51 =	vmul.f32 v42, v43;
	[tilespmem:s20+$0x75E0] =	vst v45  }
0x193: {  	v49 =	vld [tilespmem:s20+$0x7680];
	[tilespmem:s20+$0x7600] =	vst v18;
	v18 =	vmul.f32 v40, v43  }
0x194: {  	v57 =	vld [tilespmem:s20+$0x76D0];
	v48 =	vmul.f32 v39, v43;
	[tilespmem:s20+$0x7630] =	vst v51  }
0x195: {  	v52 =	vld [tilespmem:s20+$0x76A0];
	[tilespmem:s20+$0x7620] =	vst v18;
	v18 =	vmul.f32 v44, v43  }
0x196: {  	v55 =	vperm.xlane v19, v14;
	[tilespmem:s20+$0x7610] =	vst v48;
	v53 =	vld [tilespmem:s20+$0x76B0];
	v54 =	vmul.f32 v46, v43  }
0x197: {  	v56 =	vld [tilespmem:s20+$0x76C0];
	[tilespmem:s20+$0x7640] =	vst v18;
	v18 =	vmul.f32 v47, v43  }
0x198: {  	[tilespmem:s20+$0x7650] =	vst v54;
	v58 =	vmul.f32 v49, v55;
	v59 =	vld [tilespmem:s20+$0x76E0]  }
0x199: {  	v35 =	vld [tilespmem:s20+$0x7740];
	[tilespmem:s20+$0x7660] =	vst v18;
	v18 =	vmul.f32 v50, v55  }
0x19a: {  	v60 =	vld [tilespmem:s20+$0x7700];
	[tilespmem:s20+$0x7680] =	vst v58;
	v61 =	vmul.f32 v52, v55  }
0x19b: {  	v63 =	vld [tilespmem:s20+$0x7720];
	[tilespmem:s20+$0x7690] =	vst v18;
	v18 =	vmul.f32 v53, v55  }
0x19c: {  	v62 =	vld [tilespmem:s20+$0x7710];
	v32 =	vmul.f32 v56, v55;
	v34 =	vperm.xlane v19, v15;
	[tilespmem:s20+$0x76A0] =	vst v61  }
0x19d: {  	v36 =	vmul.f32 v59, v55;
	v59 =	vld [tilespmem:s20+$0x77A0];
	[tilespmem:s20+$0x76B0] =	vst v18;
	v18 =	vmul.f32 v57, v55  }
0x19e: {  	s21 =	sor.u32 $0x10, s21;
	v61 =	vld [tilespmem:s20+$0x77C0];
	[tilespmem:s20+$0x76C0] =	vst v32  }
0x19f: {  	s5 =	sshll.u32 s21, $0x7;
	v38 =	vmul.f32 v60, v34;
	[tilespmem:s20+$0x76D0] =	vst v18;
	v18 =	vld.idx.msk [tilespmem:v17+s21+$0x0 ss:$0x1], $0xffff  }
0x1a0: {  	s5 =	sand.u32 $0x3FFFF800, s5;
	v41 =	vmul.f32 v63, v34;
	v60 =	vld [tilespmem:s20+$0x77B0];
	[tilespmem:s20+$0x76E0] =	vst v36  }
0x1a1: {  	v42 =	vld [tilespmem:s5+$0x7000];
	v19 =	vperm.xlane v19, v16;
	v45 =	vmul.f32 v35, v34;
	[tilespmem:s20+$0x7700] =	vst v38  }
0x1a2: {  	v39 =	vmul.f32 v62, v34;
	[tilespmem:s20+$0x7720] =	vst v41;
	v44 =	vld [tilespmem:s5+$0x7010]  }
0x1a3: {  	v46 =	vld [tilespmem:s5+$0x7020];
	[tilespmem:s20+$0x7740] =	vst v45;
	v28 =	vmul.f32 v59, v19  }
0x1a4: {  	v49 =	vld [tilespmem:s5+$0x7030];
	[tilespmem:s20+$0x7710] =	vst v39;
	v31 =	vmul.f32 v61, v19;
	v48 =	vperm.xlane v18, v1  }
0x1a5: {  	v29 =	vmul.f32 v60, v19;
	[tilespmem:s20+$0x77A0] =	vst v28;
	v50 =	vld [tilespmem:s5+$0x7040]  }
0x1a6: {  	v52 =	vld [tilespmem:s5+$0x7050];
	[tilespmem:s20+$0x77C0] =	vst v31;
	v51 =	vmul.f32 v42, v48  }
0x1a7: {  	v54 =	vld [tilespmem:s5+$0x7060];
	[tilespmem:s20+$0x77B0] =	vst v29;
	v53 =	vmul.f32 v44, v48  }
0x1a8: {  	v33 =	vld [tilespmem:s20+$0x7730];
	v56 =	vmul.f32 v46, v48;
	[tilespmem:s5+$0x7000] =	vst v51  }
0x1a9: {  	v37 =	vld [tilespmem:s20+$0x7750];
	v58 =	vmul.f32 v49, v48;
	[tilespmem:s5+$0x7010] =	vst v53  }
0x1aa: {  	v62 =	vld [tilespmem:s20+$0x77D0];
	v23 =	vmul.f32 v50, v48;
	[tilespmem:s5+$0x7020] =	vst v56  }
0x1ab: {  	v40 =	vld [tilespmem:s20+$0x7760];
	v24 =	vmul.f32 v52, v48;
	[tilespmem:s5+$0x7030] =	vst v58  }
0x1ac: {  	v55 =	vld [tilespmem:s20+$0x7780];
	v22 =	vmul.f32 v54, v48;
	[tilespmem:s5+$0x7040] =	vst v23  }
0x1ad: {  	v43 =	vmul.f32 v33, v34;
	v57 =	vld [tilespmem:s20+$0x7790];
	[tilespmem:s5+$0x7050] =	vst v24  }
0x1ae: {  	v63 =	vld [tilespmem:s20+$0x77E0];
	v47 =	vmul.f32 v37, v34;
	[tilespmem:s5+$0x7060] =	vst v22  }
0x1af: {  	v33 =	vmul.f32 v62, v19;
	[tilespmem:s20+$0x7730] =	vst v43;
	v22 =	vld [tilespmem:s20+$0x7880]  }
0x1b0: {  	v21 =	vmul.f32 v40, v34;
	[tilespmem:s20+$0x7750] =	vst v47;
	v30 =	vld [tilespmem:s20+$0x7890]  }
0x1b1: {  	[tilespmem:s20+$0x77D0] =	vst v33;
	v20 =	vmul.f32 v55, v19;
	v32 =	vld [tilespmem:s20+$0x78A0]  }
0x1b2: {  	[tilespmem:s20+$0x7760] =	vst v21;
	v21 =	vmul.f32 v57, v19;
	v34 =	vperm.xlane v18, v2;
	v35 =	vld [tilespmem:s20+$0x78B0]  }
0x1b3: {  	v19 =	vmul.f32 v63, v19;
	[tilespmem:s20+$0x7780] =	vst v20;
	v36 =	vld [tilespmem:s20+$0x78C0]  }
0x1b4: {  	[tilespmem:s20+$0x7790] =	vst v21;
	v38 =	vld [tilespmem:s20+$0x78D0];
	v37 =	vmul.f32 v22, v34  }
0x1b5: {  	[tilespmem:s20+$0x77E0] =	vst v19;
	v39 =	vld [tilespmem:s20+$0x78E0];
	v19 =	vmul.f32 v30, v34  }
0x1b6: {  	v41 =	vld [tilespmem:s20+$0x7900];
	v40 =	vmul.f32 v32, v34;
	[tilespmem:s20+$0x7880] =	vst v37  }
0x1b7: {  	v42 =	vld [tilespmem:s20+$0x7910];
	[tilespmem:s20+$0x7890] =	vst v19;
	v19 =	vmul.f32 v35, v34  }
0x1b8: {  	v43 =	vld [tilespmem:s20+$0x7920];
	v20 =	vmul.f32 v36, v34;
	[tilespmem:s20+$0x78A0] =	vst v40  }
0x1b9: {  	v44 =	vperm.xlane v18, v3;
	v45 =	vld [tilespmem:s20+$0x7930];
	[tilespmem:s20+$0x78B0] =	vst v19;
	v19 =	vmul.f32 v38, v34  }
0x1ba: {  	v47 =	vld [tilespmem:s20+$0x7940];
	v46 =	vmul.f32 v39, v34;
	[tilespmem:s20+$0x78C0] =	vst v20  }
0x1bb: {  	v48 =	vld [tilespmem:s20+$0x7950];
	[tilespmem:s20+$0x78D0] =	vst v19;
	v19 =	vmul.f32 v41, v44  }
0x1bc: {  	v50 =	vld [tilespmem:s20+$0x7960];
	v49 =	vmul.f32 v42, v44;
	[tilespmem:s20+$0x78E0] =	vst v46  }
0x1bd: {  	v51 =	vld [tilespmem:s20+$0x7980];
	[tilespmem:s20+$0x7900] =	vst v19;
	v19 =	vmul.f32 v43, v44  }
0x1be: {  	v53 =	vld [tilespmem:s20+$0x7990];
	v52 =	vmul.f32 v45, v44;
	[tilespmem:s20+$0x7910] =	vst v49  }
0x1bf: {  	v54 =	vld [tilespmem:s20+$0x79A0];
	[tilespmem:s20+$0x7920] =	vst v19;
	v19 =	vmul.f32 v47, v44  }
0x1c0: {  	v56 =	vperm.xlane v18, v4;
	v57 =	vld [tilespmem:s20+$0x79B0];
	v55 =	vmul.f32 v48, v44;
	[tilespmem:s20+$0x7930] =	vst v52  }
0x1c1: {  	v58 =	vld [tilespmem:s20+$0x79C0];
	[tilespmem:s20+$0x7940] =	vst v19;
	v19 =	vmul.f32 v50, v44  }
0x1c2: {  	v60 =	vld [tilespmem:s20+$0x79D0];
	v59 =	vmul.f32 v51, v56;
	[tilespmem:s20+$0x7950] =	vst v55  }
0x1c3: {  	v61 =	vld [tilespmem:s20+$0x79E0];
	[tilespmem:s20+$0x7960] =	vst v19;
	v19 =	vmul.f32 v53, v56  }
0x1c4: {  	v63 =	vld [tilespmem:s20+$0x7A00];
	v62 =	vmul.f32 v54, v56;
	[tilespmem:s20+$0x7980] =	vst v59  }
0x1c5: {  	v30 =	vld [tilespmem:s20+$0x7A10];
	[tilespmem:s20+$0x7990] =	vst v19;
	v19 =	vmul.f32 v57, v56  }
0x1c6: {  	v31 =	vmul.f32 v58, v56;
	v32 =	vld [tilespmem:s20+$0x7A20];
	[tilespmem:s20+$0x79A0] =	vst v62  }
0x1c7: {  	v33 =	vperm.xlane v18, v5;
	v40 =	vld [tilespmem:s20+$0x7A80];
	[tilespmem:s20+$0x79B0] =	vst v19;
	v19 =	vmul.f32 v60, v56  }
0x1c8: {  	v36 =	vld [tilespmem:s20+$0x7A40];
	[tilespmem:s20+$0x79C0] =	vst v31;
	v35 =	vmul.f32 v61, v56  }
0x1c9: {  	v34 =	vld [tilespmem:s20+$0x7A30];
	[tilespmem:s20+$0x79D0] =	vst v19;
	v19 =	vmul.f32 v63, v33  }
0x1ca: {  	v39 =	vld [tilespmem:s20+$0x7A60];
	v45 =	vperm.xlane v18, v6;
	[tilespmem:s20+$0x79E0] =	vst v35;
	v38 =	vmul.f32 v30, v33  }
0x1cb: {  	v37 =	vld [tilespmem:s20+$0x7A50];
	[tilespmem:s20+$0x7A00] =	vst v19;
	v19 =	vmul.f32 v32, v33  }
0x1cc: {  	v42 =	vld [tilespmem:s20+$0x7A90];
	[tilespmem:s20+$0x7A10] =	vst v38;
	v48 =	vmul.f32 v40, v45  }
0x1cd: {  	v43 =	vld [tilespmem:s20+$0x7AA0];
	[tilespmem:s20+$0x7A20] =	vst v19;
	v19 =	vmul.f32 v36, v33  }
0x1ce: {  	v46 =	vld [tilespmem:s20+$0x7AB0];
	v41 =	vmul.f32 v34, v33;
	[tilespmem:s20+$0x7A80] =	vst v48  }
0x1cf: {  	v47 =	vld [tilespmem:s20+$0x7AC0];
	[tilespmem:s20+$0x7A40] =	vst v19;
	v19 =	vmul.f32 v39, v33  }
0x1d0: {  	v49 =	vld [tilespmem:s20+$0x7AD0];
	[tilespmem:s20+$0x7A30] =	vst v41;
	v44 =	vmul.f32 v37, v33  }
0x1d1: {  	v50 =	vld [tilespmem:s20+$0x7AE0];
	[tilespmem:s20+$0x7A60] =	vst v19;
	v19 =	vmul.f32 v42, v45  }
0x1d2: {  	v52 =	vld [tilespmem:s20+$0x7B00];
	v51 =	vmul.f32 v43, v45;
	[tilespmem:s20+$0x7A50] =	vst v44  }
0x1d3: {  	v53 =	vld [tilespmem:s20+$0x7B10];
	[tilespmem:s20+$0x7A90] =	vst v19;
	v19 =	vmul.f32 v46, v45  }
0x1d4: {  	v55 =	vld [tilespmem:s20+$0x7B20];
	[tilespmem:s20+$0x7AA0] =	vst v51;
	v54 =	vmul.f32 v47, v45  }
0x1d5: {  	v57 =	vld [tilespmem:s20+$0x7B30];
	v56 =	vperm.xlane v18, v7;
	[tilespmem:s20+$0x7AB0] =	vst v19;
	v19 =	vmul.f32 v49, v45  }
0x1d6: {  	v59 =	vld [tilespmem:s20+$0x7B40];
	[tilespmem:s20+$0x7AC0] =	vst v54;
	v58 =	vmul.f32 v50, v45  }
0x1d7: {  	v60 =	vld [tilespmem:s20+$0x7B50];
	[tilespmem:s20+$0x7AD0] =	vst v19;
	v19 =	vmul.f32 v52, v56  }
0x1d8: {  	v62 =	vld [tilespmem:s20+$0x7B60];
	[tilespmem:s20+$0x7AE0] =	vst v58;
	v61 =	vmul.f32 v53, v56  }
0x1d9: {  	v63 =	vld [tilespmem:s20+$0x7B80];
	[tilespmem:s20+$0x7B00] =	vst v19;
	v19 =	vmul.f32 v55, v56  }
0x1da: {  	v30 =	vld [tilespmem:s20+$0x7B90];
	v29 =	vmul.f32 v57, v56;
	[tilespmem:s20+$0x7B10] =	vst v61  }
0x1db: {  	v31 =	vld [tilespmem:s20+$0x7BA0];
	[tilespmem:s20+$0x7B20] =	vst v19;
	v19 =	vmul.f32 v59, v56  }
0x1dc: {  	v34 =	vld [tilespmem:s20+$0x7BB0];
	[tilespmem:s20+$0x7B30] =	vst v29;
	v32 =	vmul.f32 v60, v56;
	v33 =	vperm.xlane v18, v8  }
0x1dd: {  	v35 =	vld [tilespmem:s20+$0x7BC0];
	[tilespmem:s20+$0x7B40] =	vst v19;
	v19 =	vmul.f32 v62, v56  }
0x1de: {  	v37 =	vld [tilespmem:s20+$0x7BD0];
	[tilespmem:s20+$0x7B50] =	vst v32;
	v36 =	vmul.f32 v63, v33  }
0x1df: {  	v38 =	vld [tilespmem:s20+$0x7BE0];
	[tilespmem:s20+$0x7B60] =	vst v19;
	v19 =	vmul.f32 v30, v33  }
0x1e0: {  	v40 =	vld [tilespmem:s20+$0x7C00];
	v39 =	vmul.f32 v31, v33;
	[tilespmem:s20+$0x7B80] =	vst v36  }
0x1e1: {  	v41 =	vld [tilespmem:s20+$0x7C10];
	[tilespmem:s20+$0x7B90] =	vst v19;
	v19 =	vmul.f32 v34, v33  }
0x1e2: {  	v43 =	vld [tilespmem:s20+$0x7C20];
	v42 =	vmul.f32 v35, v33;
	[tilespmem:s20+$0x7BA0] =	vst v39  }
0x1e3: {  	v48 =	vld [tilespmem:s20+$0x7C50];
	v44 =	vperm.xlane v18, v9;
	[tilespmem:s20+$0x7BB0] =	vst v19;
	v19 =	vmul.f32 v37, v33  }
0x1e4: {  	v47 =	vld [tilespmem:s20+$0x7C40];
	[tilespmem:s20+$0x7BC0] =	vst v42;
	v46 =	vmul.f32 v38, v33  }
0x1e5: {  	v45 =	vld [tilespmem:s20+$0x7C30];
	[tilespmem:s20+$0x7BD0] =	vst v19;
	v19 =	vmul.f32 v40, v44  }
0x1e6: {  	v50 =	vld [tilespmem:s20+$0x7C60];
	[tilespmem:s20+$0x7BE0] =	vst v46;
	v49 =	vmul.f32 v41, v44  }
0x1e7: {  	v51 =	vld [tilespmem:s20+$0x7C80];
	[tilespmem:s20+$0x7C00] =	vst v19;
	v19 =	vmul.f32 v43, v44  }
0x1e8: {  	v53 =	vld [tilespmem:s20+$0x7C90];
	[tilespmem:s20+$0x7C10] =	vst v49;
	v55 =	vmul.f32 v48, v44  }
0x1e9: {  	v54 =	vld [tilespmem:s20+$0x7CA0];
	[tilespmem:s20+$0x7C20] =	vst v19;
	v19 =	vmul.f32 v47, v44  }
0x1ea: {  	v57 =	vld [tilespmem:s20+$0x7CB0];
	v52 =	vmul.f32 v45, v44;
	[tilespmem:s20+$0x7C50] =	vst v55;
	v56 =	vperm.xlane v18, v10  }
0x1eb: {  	v58 =	vld [tilespmem:s20+$0x7CC0];
	[tilespmem:s20+$0x7C40] =	vst v19;
	v19 =	vmul.f32 v50, v44  }
0x1ec: {  	v60 =	vld [tilespmem:s20+$0x7CD0];
	[tilespmem:s20+$0x7C30] =	vst v52;
	v59 =	vmul.f32 v51, v56  }
0x1ed: {  	v61 =	vld [tilespmem:s20+$0x7CE0];
	[tilespmem:s20+$0x7C60] =	vst v19;
	v19 =	vmul.f32 v53, v56  }
0x1ee: {  	v63 =	vld [tilespmem:s20+$0x7D00];
	v62 =	vmul.f32 v54, v56;
	[tilespmem:s20+$0x7C80] =	vst v59  }
0x1ef: {  	v30 =	vld [tilespmem:s20+$0x7D10];
	[tilespmem:s20+$0x7C90] =	vst v19;
	v19 =	vmul.f32 v57, v56  }
0x1f0: {  	v32 =	vld [tilespmem:s20+$0x7D20];
	v31 =	vmul.f32 v58, v56;
	[tilespmem:s20+$0x7CA0] =	vst v62  }
0x1f1: {  	v34 =	vld [tilespmem:s20+$0x7D30];
	v33 =	vperm.xlane v18, v11;
	[tilespmem:s20+$0x7CB0] =	vst v19;
	v19 =	vmul.f32 v60, v56  }
0x1f2: {  	v36 =	vld [tilespmem:s20+$0x7D40];
	v35 =	vmul.f32 v61, v56;
	[tilespmem:s20+$0x7CC0] =	vst v31  }
0x1f3: {  	v40 =	vld [tilespmem:s20+$0x7D80];
	[tilespmem:s20+$0x7CD0] =	vst v19;
	v19 =	vmul.f32 v63, v33  }
0x1f4: {  	v39 =	vld [tilespmem:s20+$0x7D60];
	[tilespmem:s20+$0x7CE0] =	vst v35;
	v38 =	vmul.f32 v30, v33  }
0x1f5: {  	v37 =	vld [tilespmem:s20+$0x7D50];
	[tilespmem:s20+$0x7D00] =	vst v19;
	v19 =	vmul.f32 v32, v33  }
0x1f6: {  	v42 =	vld [tilespmem:s20+$0x7D90];
	v45 =	vperm.xlane v18, v12;
	v41 =	vmul.f32 v34, v33;
	[tilespmem:s20+$0x7D10] =	vst v38  }
0x1f7: {  	v43 =	vld [tilespmem:s20+$0x7DA0];
	[tilespmem:s20+$0x7D20] =	vst v19;
	v19 =	vmul.f32 v36, v33  }
0x1f8: {  	v46 =	vld [tilespmem:s20+$0x7DB0];
	[tilespmem:s20+$0x7D30] =	vst v41;
	v48 =	vmul.f32 v40, v45  }
0x1f9: {  	v47 =	vld [tilespmem:s20+$0x7DC0];
	[tilespmem:s20+$0x7D40] =	vst v19;
	v19 =	vmul.f32 v39, v33  }
0x1fa: {  	v49 =	vld [tilespmem:s20+$0x7DD0];
	v44 =	vmul.f32 v37, v33;
	[tilespmem:s20+$0x7D80] =	vst v48  }
0x1fb: {  	v50 =	vld [tilespmem:s20+$0x7DE0];
	[tilespmem:s20+$0x7D60] =	vst v19;
	v19 =	vmul.f32 v42, v45  }
0x1fc: {  	v52 =	vld [tilespmem:s20+$0x7E00];
	v51 =	vmul.f32 v43, v45;
	[tilespmem:s20+$0x7D50] =	vst v44  }
0x1fd: {  	v53 =	vld [tilespmem:s20+$0x7E10];
	[tilespmem:s20+$0x7D90] =	vst v19;
	v19 =	vmul.f32 v46, v45  }
0x1fe: {  	v55 =	vld [tilespmem:s20+$0x7E20];
	[tilespmem:s20+$0x7DA0] =	vst v51;
	v54 =	vmul.f32 v47, v45  }
0x1ff: {  	v57 =	vld [tilespmem:s20+$0x7E30];
	v56 =	vperm.xlane v18, v13;
	[tilespmem:s20+$0x7DB0] =	vst v19;
	v19 =	vmul.f32 v49, v45  }
0x200: {  	v59 =	vld [tilespmem:s20+$0x7E40];
	[tilespmem:s20+$0x7DC0] =	vst v54;
	v58 =	vmul.f32 v50, v45  }
0x201: {  	v63 =	vld [tilespmem:s20+$0x7E80];
	[tilespmem:s20+$0x7DD0] =	vst v19;
	v19 =	vmul.f32 v52, v56  }
0x202: {  	v62 =	vld [tilespmem:s20+$0x7E60];
	[tilespmem:s20+$0x7DE0] =	vst v58;
	v61 =	vmul.f32 v53, v56  }
0x203: {  	v60 =	vld [tilespmem:s20+$0x7E50];
	[tilespmem:s20+$0x7E00] =	vst v19;
	v19 =	vmul.f32 v55, v56  }
0x204: {  	v31 =	vld [tilespmem:s20+$0x7E90];
	v34 =	vperm.xlane v18, v14;
	v30 =	vmul.f32 v57, v56;
	[tilespmem:s20+$0x7E10] =	vst v61  }
0x205: {  	v32 =	vld [tilespmem:s20+$0x7EA0];
	[tilespmem:s20+$0x7E20] =	vst v19;
	v19 =	vmul.f32 v59, v56  }
0x206: {  	v35 =	vld [tilespmem:s20+$0x7EB0];
	[tilespmem:s20+$0x7E30] =	vst v30;
	v37 =	vmul.f32 v63, v34  }
0x207: {  	v36 =	vld [tilespmem:s20+$0x7EC0];
	[tilespmem:s20+$0x7E40] =	vst v19;
	v19 =	vmul.f32 v62, v56  }
0x208: {  	v38 =	vld [tilespmem:s20+$0x7ED0];
	v33 =	vmul.f32 v60, v56;
	[tilespmem:s20+$0x7E80] =	vst v37  }
0x209: {  	v39 =	vld [tilespmem:s20+$0x7EE0];
	[tilespmem:s20+$0x7E60] =	vst v19;
	v19 =	vmul.f32 v31, v34  }
0x20a: {  	v41 =	vld [tilespmem:s20+$0x7F00];
	v40 =	vmul.f32 v32, v34;
	[tilespmem:s20+$0x7E50] =	vst v33  }
0x20b: {  	v42 =	vld [tilespmem:s20+$0x7F10];
	[tilespmem:s20+$0x7E90] =	vst v19;
	v19 =	vmul.f32 v35, v34  }
0x20c: {  	v44 =	vld [tilespmem:s20+$0x7F20];
	[tilespmem:s20+$0x7EA0] =	vst v40;
	v43 =	vmul.f32 v36, v34  }
0x20d: {  	v58 =	vld [tilespmem:s20+$0x7FC0];
	v45 =	vperm.xlane v18, v15;
	[tilespmem:s20+$0x7EB0] =	vst v19;
	v19 =	vmul.f32 v38, v34  }
0x20e: {  	v48 =	vld [tilespmem:s20+$0x7F40];
	[tilespmem:s20+$0x7EC0] =	vst v43;
	v47 =	vmul.f32 v39, v34  }
0x20f: {  	v46 =	vld [tilespmem:s20+$0x7F30];
	[tilespmem:s20+$0x7ED0] =	vst v19;
	v19 =	vmul.f32 v41, v45  }
0x210: {  	v51 =	vld [tilespmem:s20+$0x7F60];
	v18 =	vperm.xlane v18, v16;
	[tilespmem:s20+$0x7EE0] =	vst v47;
	v50 =	vmul.f32 v42, v45  }
0x211: {  	v52 =	vld [tilespmem:s20+$0x7F80];
	[tilespmem:s20+$0x7F00] =	vst v19;
	v19 =	vmul.f32 v44, v45  }
0x212: {  	v54 =	vld [tilespmem:s20+$0x7F90];
	v63 =	vmul.f32 v58, v18;
	[tilespmem:s20+$0x7F10] =	vst v50  }
0x213: {  	v49 =	vld [tilespmem:s20+$0x7F50];
	[tilespmem:s20+$0x7F20] =	vst v19;
	v19 =	vmul.f32 v48, v45  }
0x214: {  	v57 =	vld [tilespmem:s20+$0x7FB0];
	v53 =	vmul.f32 v46, v45;
	[tilespmem:s20+$0x7FC0] =	vst v63  }
0x215: {  	v55 =	vld [tilespmem:s20+$0x7FA0];
	[tilespmem:s20+$0x7F40] =	vst v19;
	v19 =	vmul.f32 v51, v45  }
0x216: {  	v60 =	vld [tilespmem:s20+$0x7FD0];
	[tilespmem:s20+$0x7F30] =	vst v53;
	v59 =	vmul.f32 v52, v18  }
0x217: {  	v61 =	vld [tilespmem:s20+$0x7FE0];
	[tilespmem:s20+$0x7F60] =	vst v19;
	v19 =	vmul.f32 v54, v18  }
0x218: {  	v56 =	vmul.f32 v49, v45;
	[tilespmem:s20+$0x7F80] =	vst v59  }
0x219: {  	p0 =	slt.u32 s3, $0x6;
	[tilespmem:s20+$0x7F90] =	vst v19;
	v19 =	vmul.f32 v57, v18  }
.Ltmp3:
0x21a: {  	v62 =	vmul.f32 v55, v18;
	[tilespmem:s20+$0x7F50] =	vst v56;
	(pc) =	sbr.rel @p0 .LBB2_10-.Ltmp3, $4  }
0x21b: {  	[tilespmem:s20+$0x7FB0] =	vst v19;
	v19 =	vmul.f32 v60, v18  }
0x21c: {  	[tilespmem:s20+$0x7FA0] =	vst v62;
	v18 =	vmul.f32 v61, v18  }
0x21d: {  	s21 =	sadd.s32 $0x2, s3;
	[tilespmem:s20+$0x7FD0] =	vst v19  }
0x21e: {  	s3 =	smov.u32 s21;
	[tilespmem:s20+$0x7FE0] =	vst v18  }
0x21f: {  	s17 =	sadd.s32 $0x1, s17  }
0x220: {  	p0 =	sne.s32 s17, $0x10  }
.Ltmp4:
0x221: {  	s0 =	sadd.s32 $0x1000, s0;
	(pc) =	sbr.rel @p0 .LBB2_7-.Ltmp4, $4  }
0x222: {  	[spmem:s1] =	stream.indirect.scatter.add.f32 [tilespmem:s29], [sflag:$0x3], $0x80, s0, s26, $0xb8;
	[tilespmem:$0x1F800] =	vst v63  }
0x223: {  	_ =	swait.ge [sflag:s19], $0x4000  }
0x224: {  	[sflag:s19] =	ssyncset.done $0x0  }
0x225: {  	[sflag:s19] =	ssyncadd.s32 $0xFFFFC000  }
0x226: {  	s0 =	smul.u32 $0x140000, s2;
	_ =	sdelay $0x1  }
0x227: {  	s0 =	sadd.s32 s13, s0  }
0x228: {  	s5 =	stileid.u32;
	s3 =	sadd.s32 s8, s0  }
0x229: {  	[bflag:$0x0] =	sbarrier.arrive $0xFFFF;
	s5 =	sshll.u32 s5, $0x6;
	s3 =	sshrl.u32 s3, $0x3  }
0x22a: {  	s17 =	sshrl.u32 s10, $0x3;
	s5 =	sor.u32 $0x1C03, s5;
	s3 =	sadd.s32 s9, s3  }
0x22b: {  	[hbm:s3], [sflag:s5] =	dma.local [spmem:s17], $0x800  }
0x22c: {  	s17 =	sadd.s32 s11, s0;
	_ =	swait.ge [sflag:s19], $0x800  }
0x22d: {  	s3 =	sshrl.u32 s17, $0x3;
	[sflag:s19] =	ssyncset.done $0x0  }
0x22e: {  	s3 =	sadd.s32 s9, s3;
	[sflag:s19] =	ssyncadd.s32 $0xFFFFF800  }
0x22f: {  	[hbm:s3], [sflag:s5] =	dma.local [spmem:s22], $0x800  }
0x230: {  	s20 =	sadd.s32 s14, s0;
	_ =	swait.ge [sflag:s19], $0x800  }
0x231: {  	s3 =	sshrl.u32 s20, $0x3;
	[sflag:s19] =	ssyncset.done $0x0  }
0x232: {  	s3 =	sadd.s32 s9, s3;
	[sflag:s19] =	ssyncadd.s32 $0xFFFFF800  }
0x233: {  	[hbm:s3], [sflag:s5] =	dma.local [spmem:s23], $0x800  }
0x234: {  	s21 =	sadd.s32 s15, s0;
	_ =	swait.ge [sflag:s19], $0x800  }
0x235: {  	s3 =	sshrl.u32 s21, $0x3;
	[sflag:s19] =	ssyncset.done $0x0  }
0x236: {  	s3 =	sadd.s32 s9, s3;
	[sflag:s19] =	ssyncadd.s32 $0xFFFFF800  }
0x237: {  	[hbm:s3], [sflag:s5] =	dma.local [spmem:s24], $0x800  }
0x238: {  	s2 =	sadd.s32 $0x1, s2;
	s0 =	sadd.s32 s16, s0;
	_ =	swait.ge [sflag:s19], $0x800  }
0x239: {  	p0 =	sne.s32 s2, $0xA;
	s0 =	sshrl.u32 s0, $0x3;
	[sflag:s19] =	ssyncset.done $0x0  }
.Ltmp5:
0x23a: {  	s0 =	sadd.s32 s9, s0;
	[sflag:s19] =	ssyncadd.s32 $0xFFFFF800;
	(pc) =	sbr.rel @p0 .LBB2_4-.Ltmp5, $4  }
0x23b: {  	[hbm:s0], [sflag:s5] =	dma.local [spmem:s25], $0x800  }
0x23c: {  	_ =	swait.ge [sflag:s19], $0x800  }
0x23d: {  	[sflag:s19] =	ssyncset.done $0x0  }
0x23e: {  	[sflag:s19] =	ssyncadd.s32 $0xFFFFF800  }
0x23f: {  	s2 =	rddreg [dreg:$0x5]  }
0x240: {  	s0 =	rddreg [dreg:$0x4];
	s2 =	sadd.s32 $0x1, s2  }
0x241: {  	p0 =	sne.s32 s2, s0  }
.Ltmp6:
0x242: {  	_ = 	snop;
	(pc) =	sbr.rel @p0 .LBB2_1-.Ltmp6, $1  }
0x243: {  	_ =	sdelay $0x3  }
0x244: {  	_ =	sfence.sel $0x180000  }
0x245: {  	[bflag:$0x0] =	sbarrier.arrive $0xFFFF  }
0x246: {  	_ =	strace $0x90000047  }
0x247: {  	s0 =	stileid.u32;
	[bflag:$0x2] =	sbarrier.arrive $0xFFFF  }
0x248: {  	p0 =	sne.s32 s0, $0x0;
	s0 =	rddreg [dreg:$0x2]  }
0x249: {  	s0 =	sadd.s32 @!p0 $0x100000, s0  }
0x24a: {  	[sflag:s0] =	ssyncadd.tile.s32 @!p0 $0x1;
	_ =	shalt  }
.Lfunc_end2:
_tile_overlayer_lowered:
.L_overlay_start_2:
0x24b: {  	(tag) =	ssettag $0x2  }
0x24c: {  	s0 =	rddreg [dreg:$0x0];
	s2 =	stileid.u32  }
0x24d: {  	s1 =	rddreg [dreg:$0x1];
	p0 =	sne.s32 s2, $0x0  }
0x24e: {  	s3 =	rddreg [dreg:$0x2];
	[bflag:$0x3] =	sbarrier.arrive $0xFFFF;
	s2 =	simm.s32 @!p0 $0x1C03  }
0x24f: {  	[timem:s3], [sflag:s2] =	dma.local @!p0 [hbm:s0], s1  }
0x250: {  	s0 =	simm.s32 @!p0 $0x3  }
0x251: {  	_ =	swait.ge @!p0 [sflag:s0], s1  }
0x252: {  	s1 =	ssub.s32 @!p0 $0x0, s1;
	[sflag:s0] =	ssyncset.done @!p0 $0x0  }
0x253: {  	[sflag:s0] =	ssyncadd.s32 @!p0 s1  }
0x254: {  	[bflag:$0x3] =	sbarrier.arrive $0xFFFF  }
0x255: {  	_ =	shalt  }

// kernel: kernel.9.cloned.1.call-start
scs
__scs_entry_jumppad:
0x0: {  	(pc) =	sbr.rel $0x88, $3  }
0x1: {  	(tag) =	ssettag $0x0;
	lr =	simm.s32 $0x1  }
0x2: {  	[smem:$0x3F96] =	sst lr;
	_ =	strace $0xD0000000  }
0x3: {  	_ = 	snop  }
0x4: {  	_ = 	snop  }
0x5: {  	_ = 	snop  }
0x6: {  	_ = 	snop  }
0x7: {  	_ = 	snop  }
__scs_overlays_trampoline_lowered:
0x8: {  	[smem:$0x3FA5] =	sst s0  }
0x9: {  	[smem:$0x3FA6] =	sst s1  }
0xa: {  	[smem:$0x3FA7] =	sst s2  }
0xb: {  	[smem:$0x3FA8] =	sst s3  }
0xc: {  	[smem:$0x3FA9] =	sst s4  }
0xd: {  	[smem:$0x3FAA] =	sst s5  }
0xe: {  	[smem:$0x3FAB] =	sst s6  }
0xf: {  	[smem:$0x3FAC] =	sst s7  }
0x10: {  	[smem:$0x3FAD] =	sst s8  }
0x11: {  	[smem:$0x3FAE] =	sst s9;
	s0 =	simm.s32 @!p0 $0x0  }
0x12: {  	s1 =	sld [smem:$0x3F94];
	s0 =	simm.s32 @p0 $0x1  }
0x13: {  	[smem:$0x3FAF] =	sst s0;
	s0 =	simm.s32 @!p1 $0x0  }
0x14: {  	s2 =	sld [smem:$0x3F93];
	s0 =	simm.s32 @p1 $0x1  }
0x15: {  	[smem:$0x3FB0] =	sst s0;
	s0 =	simm.s32 @!p2 $0x0  }
0x16: {  	s3 =	sld [smem:$0x3FDB];
	s0 =	simm.s32 @p2 $0x1  }
0x17: {  	s4 =	simm.s32 $0x1BF5;
	[smem:$0x3FB2] =	sst s0  }
0x18: {  	s0 =	sld [smem:$0x3F95];
	_ =	swait.ge [sflag:s4], $0x0  }
0x19: {  	s7 =	sld [smem:$0x3F96]  }
0x1a: {  	s8 =	sadd.s32 $0xFFFFE003, lr  }
0x1b: {  	s9 =	sadd.s32 $0xFFFFFEF7, lr;
	s5 =	simm.s32 $0xFFFFFFFF;
	p2 =	slt.u32 s8, $0xFFFFF086  }
0x1c: {  	p1 =	slt.u32 s9, $0xF7A;
	s5 =	simm.s32 @!p2 $0x0  }
0x1d: {  	s5 =	simm.s32 @p1 $0x1;
	p0 =	seq.s32 s7, s2  }
0x1e: {  	s7 =	smul.u32 @!p0 $0xF7A, s2;
	p2 =	seq.s32 @!p0 s5, $0x0  }
0x1f: {  	s9 =	smul.u32 $0xF7A, s1;
	s8 =	simm.s32 @!p0 $0x1BF5;
	p2 =	por !p2, p0  }
0x20: {  	[sflag:s8] =	ssyncset.s32 @!p0 $0xFFFFF086;
	s6 =	sadd.s32 @!p0 s3, s7;
	s7 =	simm.s32 @!p0 $0x108  }
0x21: {  	s3 =	sadd.s32 s3, s9;
	s6 =	sadd.s32 @!p0 $0x88, s6;
	s7 =	simm.s32 @p2 $0x1082  }
0x22: {  	[simem:s7], [sflag:s8] =	dma.local @!p0 [hbm:s6], $0xF7A  }
0x23: {  	s9 =	sor.u32 $0xD0000000, s2;
	s6 =	simm.s32 $0x108;
	_ =	swait.ge @!p0 [sflag:s8], $0x0  }
0x24: {  	s3 =	sadd.s32 $0x88, s3;
	s6 =	simm.s32 @!p1 $0x1082;
	[sflag:s4] =	ssyncset.s32 $0xFFFFF086  }
0x25: {  	[simem:s6], [sflag:s4] =	dma.local [hbm:s3], $0xF7A  }
0x26: {  	[smem:$0x3F96] =	sst s1;
	(tag) =	ssettag s2;
	_ =	strace s9  }
0x27: {  	s1 =	sld [smem:$0x3FA6]  }
0x28: {  	s2 =	sld [smem:$0x3FA7]  }
0x29: {  	s4 =	sld [smem:$0x3FA9]  }
0x2a: {  	p0 =	seq.s32 s5, $0x0;
	s5 =	sld [smem:$0x3FAA]  }
0x2b: {  	s6 =	sld [smem:$0x3FAB]  }
0x2c: {  	s7 =	sld [smem:$0x3FAC]  }
0x2d: {  	s3 =	simm.s32 $0x108;
	s8 =	sld [smem:$0x3FAD]  }
0x2e: {  	s3 =	simm.s32 @!p0 $0x1082;
	s9 =	sld [smem:$0x3FAE]  }
0x2f: {  	lr =	sadd.s32 s0, s3;
	s0 =	sld [smem:$0x3FA5]  }
0x30: {  	s3 =	sld [smem:$0x3FA8]  }
0x31: {  	[smem:$0x3FB1] =	sst s10  }
0x32: {  	s10 =	sld [smem:$0x3FAF];
	_ =	sdelay $0x3  }
0x33: {  	p0 =	seq.s32 s10, $0x1;
	s10 =	sld [smem:$0x3FB1];
	_ =	sdelay $0x3  }
0x34: {  	[smem:$0x3FB1] =	sst s10  }
0x35: {  	s10 =	sld [smem:$0x3FB0];
	_ =	sdelay $0x3  }
0x36: {  	p1 =	seq.s32 s10, $0x1;
	s10 =	sld [smem:$0x3FB1];
	_ =	sdelay $0x3  }
0x37: {  	[smem:$0x3FB1] =	sst s10  }
0x38: {  	s10 =	sld [smem:$0x3FB2]  }
0x39: {  	_ = 	snop;
	(pc) =	sbr.ind lr, $3  }
0x3a: {  	_ = 	snop  }
0x3b: {  	_ = 	snop  }
0x3c: {  	p2 =	seq.s32 s10, $0x1;
	s10 =	sld [smem:$0x3FB1]  }
0x3d: {  	_ =	shalt  }
0x3e: {  	_ =	shalt  }
0x3f: {  	_ =	shalt  }
0x40: {  	_ =	shalt  }
0x41: {  	_ =	shalt  }
0x42: {  	_ =	shalt  }
0x43: {  	_ =	shalt  }
0x44: {  	_ =	shalt  }
0x45: {  	_ =	shalt  }
0x46: {  	_ =	shalt  }
0x47: {  	_ =	shalt  }
0x48: {  	_ =	shalt  }
0x49: {  	_ =	shalt  }
0x4a: {  	_ =	shalt  }
0x4b: {  	_ =	shalt  }
0x4c: {  	_ =	shalt  }
0x4d: {  	_ =	shalt  }
0x4e: {  	_ =	shalt  }
0x4f: {  	_ =	shalt  }
0x50: {  	_ =	shalt  }
0x51: {  	_ =	shalt  }
0x52: {  	_ =	shalt  }
0x53: {  	_ =	shalt  }
0x54: {  	_ =	shalt  }
0x55: {  	_ =	shalt  }
0x56: {  	_ =	shalt  }
0x57: {  	_ =	shalt  }
0x58: {  	_ =	shalt  }
0x59: {  	_ =	shalt  }
0x5a: {  	_ =	shalt  }
0x5b: {  	_ =	shalt  }
0x5c: {  	_ =	shalt  }
0x5d: {  	_ =	shalt  }
0x5e: {  	_ =	shalt  }
0x5f: {  	_ =	shalt  }
0x60: {  	_ =	shalt  }
0x61: {  	_ =	shalt  }
0x62: {  	_ =	shalt  }
0x63: {  	_ =	shalt  }
0x64: {  	_ =	shalt  }
0x65: {  	_ =	shalt  }
0x66: {  	_ =	shalt  }
0x67: {  	_ =	shalt  }
0x68: {  	_ =	shalt  }
0x69: {  	_ =	shalt  }
0x6a: {  	_ =	shalt  }
0x6b: {  	_ =	shalt  }
0x6c: {  	_ =	shalt  }
0x6d: {  	_ =	shalt  }
0x6e: {  	_ =	shalt  }
0x6f: {  	_ =	shalt  }
0x70: {  	_ =	shalt  }
0x71: {  	_ =	shalt  }
0x72: {  	_ =	shalt  }
0x73: {  	_ =	shalt  }
0x74: {  	_ =	shalt  }
0x75: {  	_ =	shalt  }
0x76: {  	_ =	shalt  }
0x77: {  	_ =	shalt  }
0x78: {  	_ =	shalt  }
0x79: {  	_ =	shalt  }
0x7a: {  	_ =	shalt  }
0x7b: {  	_ =	shalt  }
0x7c: {  	_ =	shalt  }
0x7d: {  	_ =	shalt  }
0x7e: {  	_ =	shalt  }
0x7f: {  	_ =	shalt  }
0x80: {  	_ =	shalt  }
0x81: {  	_ =	shalt  }
0x82: {  	_ =	shalt  }
0x83: {  	_ =	shalt  }
0x84: {  	_ =	shalt  }
0x85: {  	_ =	shalt  }
0x86: {  	_ =	shalt  }
0x87: {  	_ =	shalt  }
.Lfunc_end0:
.L_simem_size_0:
called_computation.1_lowered:
.L_overlay_start_0:
0x88: {  	s2 =	sld [smem:$0x3FD9]  }
0x89: {  	s3 =	sld [smem:$0x3FFE];
	_ =	sdelay $0x1  }
0x8a: {  	s1 =	srdreg.scid  }
0x8b: {  	s0 =	sand.u32 $0x1, s1  }
0x8c: {  	s17 =	sshll.u32 s0, $0xA;
	s2 =	sadd.s32 s3, s2  }
0x8d: {  	s2 =	sadd.s32 s2, s17  }
0x8e: {  	[smem:$0x3FBD] =	sst s2  }
0x8f: {  	_ = 	snop  }
0x90: {  	s2 =	sld [smem:$0x3FD0];
	(tm) =	ssettm $0x1  }
0x91: {  	s18 =	sld [smem:$0x3FFB];
	_ =	sdelay $0x3  }
0x92: {  	_ =	strace s18  }
0x93: {  	s3 =	sld [smem:$0x3FFC];
	_ =	sdelay $0x3  }
0x94: {  	_ =	strace s3  }
0x95: {  	s3 =	sld [smem:$0x3FFD];
	_ =	sdelay $0x3  }
0x96: {  	_ =	strace s3  }
0x97: {  	_ =	strace $0x8FFFFFFF  }
0x98: {  	s19 =	sld [smem:$0x3FDB];
	_ =	sdelay $0x1  }
0x99: {  	s4 =	simm.s32 $_scs_section_size  }
0x9a: {  	s5 =	simm.s32 $_size__tile_overlayer_lowered;
	s6 =	simm.s32 $_tile_overlayer_lowered  }
0x9b: {  	s22 =	simm.s32 $0x1BFF;
	s21 =	sshll.u32 s6, $0x1;
	s3 =	sadd.s32 s4, s19  }
0x9c: {  	s7 =	simm.s32 $0x0;
	s20 =	sshll.u32 s5, $0x1;
	s5 =	sadd.s32 s21, s3  }
0x9d: {  	[timem:s7], [sflag:s22] =	dma.local [hbm:s5], s20  }
0x9e: {  	_ =	swait.ge [sflag:s22], s20  }
0x9f: {  	s4 =	ssub.s32 $0x0, s20;
	[sflag:s22] =	ssyncset.done $0x0  }
0xa0: {  	[sflag:s22] =	ssyncadd.s32 s4;
	_ =	sdelay $0x1  }
0xa1: {  	s23 =	simm.s32 $0x1B8B  }
0xa2: {  	_ =	swait.ge [sflag:s23], $0x1  }
0xa3: {  	[sflag:s23] =	ssyncset.done $0x0  }
0xa4: {  	s25 =	simm.s32 $0x1B8E;
	s24 =	sld [smem:$0x3FFE];
	[sflag:s23] =	ssyncadd.s32 $0xFFFFFFFF  }
0xa5: {  	s26 =	simm.s32 $execute0_lowered;
	[smem:$0x3FD2] =	sst s25  }
0xa6: {  	s5 =	sshll.u32 s26, $0x1;
	_ =	strace $0x80000049;
	[dreg:$0x1] =	wrdreg $0xFFFFFFFF  }
0xa7: {  	s28 =	simm.s32 $_size_execute0_lowered;
	s3 =	sadd.s32 s3, s5;
	[dreg:$0x0] =	wrdreg $0x0  }
0xa8: {  	s5 =	sshll.u32 s28, $0x1;
	[dreg:$0x2] =	wrdreg s3  }
0xa9: {  	[dreg:$0x3] =	wrdreg s5  }
0xaa: {  	[dreg:$0x4] =	wrdreg $0xC0  }
0xab: {  	_ =	task [dreg:s7], $0x5FFFF  }
0xac: {  	[dreg:$0x1] =	wrdreg $0xFFFFFFFF  }
0xad: {  	[dreg:$0x0] =	wrdreg $0x60  }
0xae: {  	[dreg:$0x2] =	wrdreg s24  }
0xaf: {  	[dreg:$0x3] =	wrdreg s2  }
0xb0: {  	[dreg:$0x4] =	wrdreg $0x9  }
0xb1: {  	_ =	task.clear_ibuf [dreg:s7], $0x5FFFF;
	_ =	strace $0x90000049  }
0xb2: {  	s29 =	simm.s32 $0x9;
	_ =	strace $0x8000004B  }
0xb3: {  	_ =	swait.ge [sflag:s29], $0x1  }
0xb4: {  	[sflag:s29] =	ssyncadd.s32 $0xFFFFFFFF  }
0xb5: {  	_ =	strace $0x9000004B  }
0xb6: {  	_ =	sfence  }
0xb7: {  	s30 =	sld [smem:$0x0];
	_ =	sdelay $0x2  }
0xb8: {  	s31 =	sshll.u32 s1, $0xD;
	s1 =	sshrl.u32 s1, $0x2  }
0xb9: {  	s3 =	sand.u32 $0x4000, s31;
	s1 =	sadd.s32 s1, s30  }
0xba: {  	s0 =	sor.u32 s3, s0;
	s1 =	sshll.u32 s1, $0x11  }
0xbb: {  	s0 =	sor.u32 s1, s0  }
0xbc: {  	s0 =	sadd.s32 $0x8F2B, s0  }
0xbd: {  	[sflag:s0] =	ssyncadd.remote.s32 $0x1  }
0xbe: {  	_ =	sfence.sel $0xFFFF  }
0xbf: {  	[dreg:$0x0] =	wrdreg $0xFFFFFFFF;
	(pc) =	sbr.abs _section_cstart, $3  }
0xc0: {  	[dreg:$0x1] =	wrdreg $0xFFFFFFFF  }
0xc1: {  	_ =	task.clear_ibuf [dreg:s7], $0x2FFFF;
	_ =	strace $0x9FFFFFFF  }
0xc2: {  	(tm) =	ssettm $0x7FFFFFFF  }
0xc3: {  	_ =	shalt  }
tec
execute0_lowered:
.L_overlay_start_1:
0x0: {  	(tag) =	ssettag $0x1  }
0x1: {  	s1 =	rddreg [dreg:$0x0]  }
0x2: {  	s0 =	srdreg.scid;
	s4 =	rddreg [dreg:$0x1]  }
0x3: {  	s2 =	stileid.u32;
	s6 =	simm.s32 $0x0;
	s0 =	sand.u32 $0x1, s0  }
0x4: {  	[smem:$0x7FF] =	sst s6;
	s25 =	sadd.s32 $0x4800, s1;
	s26 =	sadd.s32 $0x54800, s1  }
0x5: {  	s28 =	sadd.s32 $0x523200, s1;
	s3 =	sshll.u32 s0, $0x4;
	_ =	strace $0x8000004A  }
0x6: {  	[dreg:$0x4] =	wrdreg s25;
	s0 =	ssub.s32 $0x2, s0;
	s5 =	sor.u32 s2, s3  }
0x7: {  	[dreg:$0x5] =	wrdreg s26;
	s9 =	sshrl.u32 s0, $0x1;
	s31 =	smul.u32 $0x14000, s5  }
0x8: {  	[dreg:$0x6] =	wrdreg s28;
	s7 =	smul.u32 $0x280, s5;
	s0 =	ssub.s32 s0, s9  }
0x9: {  	s0 =	smax.u32 s0, $0x1;
	[dreg:$0xa] =	wrdreg s31  }
0xa: {  	s8 =	sadd.s32 s7, s1;
	s1 =	sadd.s32 $0x7C800, s1;
	[dreg:$0xb] =	wrdreg s0  }
0xb: {  	v2 =	vlaneseq.u32;
	s30 =	sadd.s32 s4, s7;
	[dreg:$0x7] =	wrdreg s1  }
0xc: {  	vm0 =	vmmov $0xffff;
	v1 =	vshrl.u32 v2, $0x3;
	s29 =	sadd.s32 $0x523400, s8;
	[dreg:$0x9] =	wrdreg s30  }
0xd: {  	v0 =	vand.u32 $0x7, v2;
	v2 =	vor.u32 $0x8, v2;
	v1 =	vmul.u32 $0x8, v1;
	s1 =	simm.s32 $0x0;
	[dreg:$0x8] =	wrdreg s29  }
.LBB2_1:
0xe: {  	[dreg:$0xc] =	wrdreg s1  }
0xf: {  	s0 =	simm.s32 $0x0;
	s8 =	rddreg [dreg:$0x8];
	s2 =	simm.s32 $0x5  }
0x10: {  	[tilespmem:s0], [sflag:$0x5] =	stream.linear.gather [hbm4b:s8+s0], $0x1400, $0x38;
	[tilespmem:$0x1B080] =	vst v63  }
0x11: {  	_ =	swait.ge [sflag:s2], $0x1400  }
0x12: {  	[sflag:s2] =	ssyncset.done $0x0  }
0x13: {  	s3 =	simm.s32 $0x1400;
	s9 =	rddreg [dreg:$0x9];
	[sflag:s2] =	ssyncadd.s32 $0xFFFFEC00  }
0x14: {  	[tilespmem:s3], [sflag:$0x5] =	stream.linear.gather [hbm4b:s9+s0], $0x1400, $0x38;
	[tilespmem:$0x1B080] =	vst v63  }
0x15: {  	_ =	swait.ge [sflag:s2], $0x1400  }
0x16: {  	[sflag:s2] =	ssyncset.done $0x0  }
0x17: {  	s4 =	simm.s32 $0x1B000;
	s10 =	rddreg [dreg:$0x6];
	[sflag:s2] =	ssyncadd.s32 $0xFFFFEC00  }
0x18: {  	[tilespmem:s4], [sflag:$0x5] =	stream.linear.gather [hbm4b:s10+s0], $0x80, $0x38;
	[tilespmem:$0x1B080] =	vst v63  }
0x19: {  	_ =	swait.ge [sflag:s2], $0x80  }
0x1a: {  	[sflag:s2] =	ssyncset.done $0x0  }
0x1b: {  	[sflag:s2] =	ssyncadd.s32 $0xFFFFFF80  }
0x1c: {  	v3 =	vld [tilespmem:$0x0];
	_ =	sdelay $0x4  }
0x1d: {  	v4 =	vshll.u32 v3, $0x1  }
0x1e: {  	v3 =	vand.u32 $0x7, v3;
	v4 =	vand.u32 $0xFFFFFFF0, v4  }
0x1f: {  	v3 =	vor.u32 v3, v4  }
0x20: {  	v4 =	vperm.xlane v3, v0;
	_ =	sdelay $0x1  }
0x21: {  	v3 =	vperm.xlane v3, v2;
	v5 =	vadd.s32 v1, v4;
	_ =	sdelay $0x1  }
0x22: {  	v6 =	vadd.s32 v1, v3;
	_ =	sdelay $0x1  }
0x23: {  	s12 =	simm.s32 $0x2800;
	s11 =	rddreg [dreg:$0x4];
	v3 =	vld [tilespmem:$0x1B000]  }
0x24: {  	v4 =	vld [tilespmem:$0x1B010];
	[tilespmem:s12], [sflag:$0x1] =	stream.indirect_vreg.gather [hbm4b:s11+s0], $0x80, v5, vm0, $0xb8  }
0x25: {  	s13 =	simm.s32 $0x3000  }
0x26: {  	[tilespmem:s13], [sflag:$0x1] =	stream.indirect_vreg.gather [hbm4b:s11+s0], $0x80, v6, vm0, $0xb8;
	[tilespmem:$0x1B080] =	vst v63  }
0x27: {  	v5 =	vld [tilespmem:$0x10];
	_ =	sdelay $0x4  }
0x28: {  	v6 =	vshll.u32 v5, $0x1  }
0x29: {  	v5 =	vand.u32 $0x7, v5;
	v6 =	vand.u32 $0xFFFFFFF0, v6  }
0x2a: {  	v5 =	vor.u32 v5, v6  }
0x2b: {  	v6 =	vperm.xlane v5, v0;
	_ =	sdelay $0x1  }
0x2c: {  	v5 =	vperm.xlane v5, v2;
	v6 =	vadd.s32 v1, v6;
	_ =	sdelay $0x1  }
0x2d: {  	v5 =	vadd.s32 v1, v5;
	_ =	sdelay $0x1  }
0x2e: {  	s14 =	simm.s32 $0x3800  }
0x2f: {  	[tilespmem:s14], [sflag:$0x1] =	stream.indirect_vreg.gather [hbm4b:s11+s0], $0x80, v6, vm0, $0xb8;
	[tilespmem:$0x1B080] =	vst v63  }
0x30: {  	s15 =	simm.s32 $0x4000  }
0x31: {  	[tilespmem:s15], [sflag:$0x1] =	stream.indirect_vreg.gather [hbm4b:s11+s0], $0x80, v5, vm0, $0xb8;
	[tilespmem:$0x1B080] =	vst v63  }
0x32: {  	v5 =	vld [tilespmem:$0x20];
	_ =	sdelay $0x4  }
0x33: {  	v6 =	vshll.u32 v5, $0x1  }
0x34: {  	v5 =	vand.u32 $0x7, v5;
	v6 =	vand.u32 $0xFFFFFFF0, v6  }
0x35: {  	v5 =	vor.u32 v5, v6  }
0x36: {  	v6 =	vperm.xlane v5, v0;
	_ =	sdelay $0x1  }
0x37: {  	v5 =	vperm.xlane v5, v2;
	v6 =	vadd.s32 v1, v6;
	_ =	sdelay $0x1  }
0x38: {  	v5 =	vadd.s32 v1, v5;
	_ =	sdelay $0x1  }
0x39: {  	s16 =	simm.s32 $0x4800  }
0x3a: {  	[tilespmem:s16], [sflag:$0x1] =	stream.indirect_vreg.gather [hbm4b:s11+s0], $0x80, v6, vm0, $0xb8;
	[tilespmem:$0x1B080] =	vst v63  }
0x3b: {  	s17 =	simm.s32 $0x5000  }
0x3c: {  	[tilespmem:s17], [sflag:$0x1] =	stream.indirect_vreg.gather [hbm4b:s11+s0], $0x80, v5, vm0, $0xb8;
	[tilespmem:$0x1B080] =	vst v63  }
0x3d: {  	v5 =	vld [tilespmem:$0x30];
	_ =	sdelay $0x4  }
0x3e: {  	v6 =	vshll.u32 v5, $0x1  }
0x3f: {  	v5 =	vand.u32 $0x7, v5;
	v6 =	vand.u32 $0xFFFFFFF0, v6  }
0x40: {  	v5 =	vor.u32 v5, v6  }
0x41: {  	v6 =	vperm.xlane v5, v0;
	_ =	sdelay $0x1  }
0x42: {  	v5 =	vperm.xlane v5, v2;
	v6 =	vadd.s32 v1, v6;
	_ =	sdelay $0x1  }
0x43: {  	v5 =	vadd.s32 v1, v5;
	_ =	sdelay $0x1  }
0x44: {  	s18 =	simm.s32 $0x5800  }
0x45: {  	[tilespmem:s18], [sflag:$0x1] =	stream.indirect_vreg.gather [hbm4b:s11+s0], $0x80, v6, vm0, $0xb8;
	[tilespmem:$0x1B080] =	vst v63  }
0x46: {  	s19 =	simm.s32 $0x6000  }
0x47: {  	[tilespmem:s19], [sflag:$0x1] =	stream.indirect_vreg.gather [hbm4b:s11+s0], $0x80, v5, vm0, $0xb8;
	[tilespmem:$0x1B080] =	vst v63  }
0x48: {  	v5 =	vld [tilespmem:$0x40];
	_ =	sdelay $0x4  }
0x49: {  	v6 =	vshll.u32 v5, $0x1  }
0x4a: {  	v5 =	vand.u32 $0x7, v5;
	v6 =	vand.u32 $0xFFFFFFF0, v6  }
0x4b: {  	v5 =	vor.u32 v5, v6  }
0x4c: {  	v6 =	vperm.xlane v5, v0;
	_ =	sdelay $0x1  }
0x4d: {  	v5 =	vperm.xlane v5, v2;
	v6 =	vadd.s32 v1, v6;
	_ =	sdelay $0x1  }
0x4e: {  	v5 =	vadd.s32 v1, v5;
	_ =	sdelay $0x1  }
0x4f: {  	s20 =	simm.s32 $0x6800  }
0x50: {  	[tilespmem:s20], [sflag:$0x1] =	stream.indirect_vreg.gather [hbm4b:s11+s0], $0x80, v6, vm0, $0xb8;
	[tilespmem:$0x1B080] =	vst v63  }
0x51: {  	s21 =	simm.s32 $0x7000  }
0x52: {  	[tilespmem:s21], [sflag:$0x1] =	stream.indirect_vreg.gather [hbm4b:s11+s0], $0x80, v5, vm0, $0xb8;
	[tilespmem:$0x1B080] =	vst v63  }
0x53: {  	v5 =	vld [tilespmem:$0x50];
	_ =	sdelay $0x4  }
0x54: {  	v6 =	vshll.u32 v5, $0x1  }
0x55: {  	v5 =	vand.u32 $0x7, v5;
	v6 =	vand.u32 $0xFFFFFFF0, v6  }
0x56: {  	v5 =	vor.u32 v5, v6  }
0x57: {  	v6 =	vperm.xlane v5, v0;
	_ =	sdelay $0x1  }
0x58: {  	v5 =	vperm.xlane v5, v2;
	v6 =	vadd.s32 v1, v6;
	_ =	sdelay $0x1  }
0x59: {  	v5 =	vadd.s32 v1, v5;
	_ =	sdelay $0x1  }
0x5a: {  	s22 =	simm.s32 $0x7800  }
0x5b: {  	[tilespmem:s22], [sflag:$0x1] =	stream.indirect_vreg.gather [hbm4b:s11+s0], $0x80, v6, vm0, $0xb8;
	[tilespmem:$0x1B080] =	vst v63  }
0x5c: {  	s23 =	simm.s32 $0x8000  }
0x5d: {  	[tilespmem:s23], [sflag:$0x1] =	stream.indirect_vreg.gather [hbm4b:s11+s0], $0x80, v5, vm0, $0xb8;
	[tilespmem:$0x1B080] =	vst v63  }
0x5e: {  	v5 =	vld [tilespmem:$0x60];
	_ =	sdelay $0x4  }
0x5f: {  	v6 =	vshll.u32 v5, $0x1  }
0x60: {  	v5 =	vand.u32 $0x7, v5;
	v6 =	vand.u32 $0xFFFFFFF0, v6  }
0x61: {  	v5 =	vor.u32 v5, v6  }
0x62: {  	v6 =	vperm.xlane v5, v0;
	_ =	sdelay $0x1  }
0x63: {  	v5 =	vperm.xlane v5, v2;
	v6 =	vadd.s32 v1, v6;
	_ =	sdelay $0x1  }
0x64: {  	v5 =	vadd.s32 v1, v5;
	_ =	sdelay $0x1  }
0x65: {  	s24 =	simm.s32 $0x8800  }
0x66: {  	[tilespmem:s24], [sflag:$0x1] =	stream.indirect_vreg.gather [hbm4b:s11+s0], $0x80, v6, vm0, $0xb8;
	[tilespmem:$0x1B080] =	vst v63  }
0x67: {  	s25 =	simm.s32 $0x9000  }
0x68: {  	[tilespmem:s25], [sflag:$0x1] =	stream.indirect_vreg.gather [hbm4b:s11+s0], $0x80, v5, vm0, $0xb8;
	[tilespmem:$0x1B080] =	vst v63  }
0x69: {  	v5 =	vld [tilespmem:$0x70];
	_ =	sdelay $0x4  }
0x6a: {  	v6 =	vshll.u32 v5, $0x1  }
0x6b: {  	v5 =	vand.u32 $0x7, v5;
	v6 =	vand.u32 $0xFFFFFFF0, v6  }
0x6c: {  	v5 =	vor.u32 v5, v6  }
0x6d: {  	v6 =	vperm.xlane v5, v0;
	_ =	sdelay $0x1  }
0x6e: {  	v5 =	vperm.xlane v5, v2;
	v6 =	vadd.s32 v1, v6;
	_ =	sdelay $0x1  }
0x6f: {  	v5 =	vadd.s32 v1, v5;
	_ =	sdelay $0x1  }
0x70: {  	s26 =	simm.s32 $0x9800  }
0x71: {  	[tilespmem:s26], [sflag:$0x1] =	stream.indirect_vreg.gather [hbm4b:s11+s0], $0x80, v6, vm0, $0xb8;
	[tilespmem:$0x1B080] =	vst v63  }
0x72: {  	s28 =	simm.s32 $0xA000;
	s30 =	simm.s32 $0x80  }
0x73: {  	[tilespmem:s28], [sflag:$0x1] =	stream.indirect_vreg.gather [hbm4b:s11+s0], $0x80, v5, vm0, $0xb8;
	[tilespmem:$0x1B080] =	vst v63  }
0x74: {  	s31 =	simm.s32 $0x12800;
	s1 =	simm.s32 $0x0;
	s29 =	rddreg [dreg:$0x5]  }
0x75: {  	[tilespmem:s31], [sflag:$0x3] =	stream.indirect.gather [hbm4b:s29+s30], $0x80, s3, s30, $0xb8;
	[tilespmem:$0x1B080] =	vst v63  }
.LBB2_2:
0x76: {  	s0 =	sshllo.u32 s1, $0x1  }
0x77: {  	s4 =	sshll.u32 s0, $0x7  }
0x78: {  	v5 =	vld [tilespmem:s4+$0x0];
	_ =	sdelay $0x4  }
0x79: {  	v6 =	vshll.u32 v5, $0x1  }
0x7a: {  	v5 =	vand.u32 $0x7, v5;
	v6 =	vand.u32 $0xFFFFFFF0, v6  }
0x7b: {  	v5 =	vor.u32 v5, v6  }
0x7c: {  	v6 =	vperm.xlane v5, v0;
	_ =	sdelay $0x1  }
0x7d: {  	v5 =	vperm.xlane v5, v2;
	v6 =	vadd.s32 v1, v6;
	_ =	sdelay $0x1  }
0x7e: {  	v5 =	vadd.s32 v1, v5  }
0x7f: {  	[dreg:$0xd] =	wrdreg s1  }
0x80: {  	s1 =	simm.s32 $0x0;
	s28 =	rddreg [dreg:$0x4];
	s2 =	simm.s32 $0xA800  }
0x81: {  	[tilespmem:s2], [sflag:$0x2] =	stream.indirect_vreg.gather [hbm4b:s28+s1], $0x80, v6, vm0, $0xb8;
	[tilespmem:$0x1B080] =	vst v63  }
0x82: {  	s29 =	simm.s32 $0xB000  }
0x83: {  	[tilespmem:s29], [sflag:$0x2] =	stream.indirect_vreg.gather [hbm4b:s28+s1], $0x80, v5, vm0, $0xb8;
	[tilespmem:$0x1B080] =	vst v63  }
0x84: {  	v5 =	vld [tilespmem:s4+$0x10];
	_ =	sdelay $0x4  }
0x85: {  	v6 =	vshll.u32 v5, $0x1  }
0x86: {  	v5 =	vand.u32 $0x7, v5;
	v6 =	vand.u32 $0xFFFFFFF0, v6  }
0x87: {  	v5 =	vor.u32 v5, v6  }
0x88: {  	v6 =	vperm.xlane v5, v0;
	_ =	sdelay $0x1  }
0x89: {  	v5 =	vperm.xlane v5, v2;
	v6 =	vadd.s32 v1, v6;
	_ =	sdelay $0x1  }
0x8a: {  	v5 =	vadd.s32 v1, v5;
	_ =	sdelay $0x1  }
0x8b: {  	s30 =	simm.s32 $0xB800  }
0x8c: {  	[tilespmem:s30], [sflag:$0x2] =	stream.indirect_vreg.gather [hbm4b:s28+s1], $0x80, v6, vm0, $0xb8;
	[tilespmem:$0x1B080] =	vst v63  }
0x8d: {  	s31 =	simm.s32 $0xC000  }
0x8e: {  	[tilespmem:s31], [sflag:$0x2] =	stream.indirect_vreg.gather [hbm4b:s28+s1], $0x80, v5, vm0, $0xb8;
	[tilespmem:$0x1B080] =	vst v63  }
0x8f: {  	v5 =	vld [tilespmem:s4+$0x20];
	_ =	sdelay $0x4  }
0x90: {  	v6 =	vshll.u32 v5, $0x1  }
0x91: {  	v5 =	vand.u32 $0x7, v5;
	v6 =	vand.u32 $0xFFFFFFF0, v6  }
0x92: {  	v5 =	vor.u32 v5, v6  }
0x93: {  	v6 =	vperm.xlane v5, v0;
	_ =	sdelay $0x1  }
0x94: {  	v5 =	vperm.xlane v5, v2;
	v6 =	vadd.s32 v1, v6;
	_ =	sdelay $0x1  }
0x95: {  	v5 =	vadd.s32 v1, v5;
	_ =	sdelay $0x1  }
0x96: {  	s3 =	simm.s32 $0xC800  }
0x97: {  	[tilespmem:s3], [sflag:$0x2] =	stream.indirect_vreg.gather [hbm4b:s28+s1], $0x80, v6, vm0, $0xb8;
	[tilespmem:$0x1B080] =	vst v63  }
0x98: {  	s5 =	simm.s32 $0xD000  }
0x99: {  	[tilespmem:s5], [sflag:$0x2] =	stream.indirect_vreg.gather [hbm4b:s28+s1], $0x80, v5, vm0, $0xb8;
	[tilespmem:$0x1B080] =	vst v63  }
0x9a: {  	v5 =	vld [tilespmem:s4+$0x30];
	_ =	sdelay $0x4  }
0x9b: {  	v6 =	vshll.u32 v5, $0x1  }
0x9c: {  	v5 =	vand.u32 $0x7, v5;
	v6 =	vand.u32 $0xFFFFFFF0, v6  }
0x9d: {  	v5 =	vor.u32 v5, v6  }
0x9e: {  	v6 =	vperm.xlane v5, v0;
	_ =	sdelay $0x1  }
0x9f: {  	v5 =	vperm.xlane v5, v2;
	v6 =	vadd.s32 v1, v6;
	_ =	sdelay $0x1  }
0xa0: {  	v5 =	vadd.s32 v1, v5;
	_ =	sdelay $0x1  }
0xa1: {  	s6 =	simm.s32 $0xD800  }
0xa2: {  	[tilespmem:s6], [sflag:$0x2] =	stream.indirect_vreg.gather [hbm4b:s28+s1], $0x80, v6, vm0, $0xb8;
	[tilespmem:$0x1B080] =	vst v63  }
0xa3: {  	s7 =	simm.s32 $0xE000  }
0xa4: {  	[tilespmem:s7], [sflag:$0x2] =	stream.indirect_vreg.gather [hbm4b:s28+s1], $0x80, v5, vm0, $0xb8;
	[tilespmem:$0x1B080] =	vst v63  }
0xa5: {  	v5 =	vld [tilespmem:s4+$0x40];
	_ =	sdelay $0x4  }
0xa6: {  	v6 =	vshll.u32 v5, $0x1  }
0xa7: {  	v5 =	vand.u32 $0x7, v5;
	v6 =	vand.u32 $0xFFFFFFF0, v6  }
0xa8: {  	v5 =	vor.u32 v5, v6  }
0xa9: {  	v6 =	vperm.xlane v5, v0;
	_ =	sdelay $0x1  }
0xaa: {  	v5 =	vperm.xlane v5, v2;
	v6 =	vadd.s32 v1, v6;
	_ =	sdelay $0x1  }
0xab: {  	v5 =	vadd.s32 v1, v5;
	_ =	sdelay $0x1  }
0xac: {  	s8 =	simm.s32 $0xE800  }
0xad: {  	[tilespmem:s8], [sflag:$0x2] =	stream.indirect_vreg.gather [hbm4b:s28+s1], $0x80, v6, vm0, $0xb8;
	[tilespmem:$0x1B080] =	vst v63  }
0xae: {  	s9 =	simm.s32 $0xF000  }
0xaf: {  	[tilespmem:s9], [sflag:$0x2] =	stream.indirect_vreg.gather [hbm4b:s28+s1], $0x80, v5, vm0, $0xb8;
	[tilespmem:$0x1B080] =	vst v63  }
0xb0: {  	v5 =	vld [tilespmem:s4+$0x50];
	_ =	sdelay $0x4  }
0xb1: {  	v6 =	vshll.u32 v5, $0x1  }
0xb2: {  	v5 =	vand.u32 $0x7, v5;
	v6 =	vand.u32 $0xFFFFFFF0, v6  }
0xb3: {  	v5 =	vor.u32 v5, v6  }
0xb4: {  	v6 =	vperm.xlane v5, v0;
	_ =	sdelay $0x1  }
0xb5: {  	v5 =	vperm.xlane v5, v2;
	v6 =	vadd.s32 v1, v6;
	_ =	sdelay $0x1  }
0xb6: {  	v5 =	vadd.s32 v1, v5;
	_ =	sdelay $0x1  }
0xb7: {  	s10 =	simm.s32 $0xF800  }
0xb8: {  	[tilespmem:s10], [sflag:$0x2] =	stream.indirect_vreg.gather [hbm4b:s28+s1], $0x80, v6, vm0, $0xb8;
	[tilespmem:$0x1B080] =	vst v63  }
0xb9: {  	s11 =	simm.s32 $0x10000  }
0xba: {  	[tilespmem:s11], [sflag:$0x2] =	stream.indirect_vreg.gather [hbm4b:s28+s1], $0x80, v5, vm0, $0xb8;
	[tilespmem:$0x1B080] =	vst v63  }
0xbb: {  	v5 =	vld [tilespmem:s4+$0x60];
	_ =	sdelay $0x4  }
0xbc: {  	v6 =	vshll.u32 v5, $0x1  }
0xbd: {  	v5 =	vand.u32 $0x7, v5;
	v6 =	vand.u32 $0xFFFFFFF0, v6  }
0xbe: {  	v5 =	vor.u32 v5, v6  }
0xbf: {  	v6 =	vperm.xlane v5, v0;
	_ =	sdelay $0x1  }
0xc0: {  	v5 =	vperm.xlane v5, v2;
	v6 =	vadd.s32 v1, v6;
	_ =	sdelay $0x1  }
0xc1: {  	v5 =	vadd.s32 v1, v5;
	_ =	sdelay $0x1  }
0xc2: {  	s12 =	simm.s32 $0x10800  }
0xc3: {  	[tilespmem:s12], [sflag:$0x2] =	stream.indirect_vreg.gather [hbm4b:s28+s1], $0x80, v6, vm0, $0xb8;
	[tilespmem:$0x1B080] =	vst v63  }
0xc4: {  	s13 =	simm.s32 $0x11000  }
0xc5: {  	[tilespmem:s13], [sflag:$0x2] =	stream.indirect_vreg.gather [hbm4b:s28+s1], $0x80, v5, vm0, $0xb8;
	[tilespmem:$0x1B080] =	vst v63  }
0xc6: {  	v5 =	vld [tilespmem:s4+$0x70];
	_ =	sdelay $0x4  }
0xc7: {  	v6 =	vshll.u32 v5, $0x1  }
0xc8: {  	v5 =	vand.u32 $0x7, v5;
	v6 =	vand.u32 $0xFFFFFFF0, v6  }
0xc9: {  	v5 =	vor.u32 v5, v6  }
0xca: {  	v6 =	vperm.xlane v5, v0;
	_ =	sdelay $0x1  }
0xcb: {  	v5 =	vperm.xlane v5, v2;
	v6 =	vadd.s32 v1, v6;
	_ =	sdelay $0x1  }
0xcc: {  	v5 =	vadd.s32 v1, v5;
	_ =	sdelay $0x1  }
0xcd: {  	s14 =	simm.s32 $0x11800;
	s15 =	simm.s32 $0x12000  }
0xce: {  	[tilespmem:s14], [sflag:$0x2] =	stream.indirect_vreg.gather [hbm4b:s28+s1], $0x80, v6, vm0, $0xb8;
	[tilespmem:$0x1B080] =	vst v63  }
0xcf: {  	s16 =	rddreg [dreg:$0x5];
	s17 =	simm.s32 $0x80;
	s18 =	simm.s32 $0x1  }
0xd0: {  	[tilespmem:s15], [sflag:$0x2] =	stream.indirect_vreg.gather [hbm4b:s28+s1], $0x80, v5, vm0, $0xb8;
	[tilespmem:$0x1B080] =	vst v63  }
0xd1: {  	[dreg:$0xe] =	wrdreg s0;
	s3 =	simm.s32 $0x16800;
	s4 =	sadd.s32 $0x1400, s4  }
0xd2: {  	[tilespmem:s3], [sflag:$0x4] =	stream.indirect.gather [hbm4b:s16+s17], $0x80, s4, s17, $0xb8;
	[tilespmem:$0x1B080] =	vst v63  }
0xd3: {  	_ =	swait.ge [sflag:s18], $0x8000  }
0xd4: {  	[sflag:s18] =	ssyncset.done $0x0  }
0xd5: {  	s19 =	simm.s32 $0x3;
	[sflag:s18] =	ssyncadd.s32 $0xFFFF8000  }
0xd6: {  	_ =	swait.ge [sflag:s19], $0x4000  }
0xd7: {  	[sflag:s19] =	ssyncset.done $0x0  }
0xd8: {  	s15 =	simm.s32 $0x12900;
	[sflag:s19] =	ssyncadd.s32 $0xFFFFC000  }
0xd9: {  	v5 =	vld [tilespmem:s15+$0xC0]  }
0xda: {  	v6 =	vld [tilespmem:s15+$0xB0]  }
0xdb: {  	s20 =	sand.u32 $0x7800, s1;
	s13 =	simm.s32 $0x180;
	v7 =	vld [tilespmem:s15+$0xA0]  }
0xdc: {  	s5 =	sand.u32 $0x7, s1;
	s7 =	sand.u32 $0x380, s13;
	s4 =	sadd.s32 $0x2800, s20;
	v8 =	vld [tilespmem:s15+$0x80]  }
0xdd: {  	s5 =	sshll.u32 s5, $0x7;
	s7 =	sor.u32 s7, s4;
	v9 =	vld [tilespmem:s15+$0x90]  }
0xde: {  	s5 =	sadd.s32 $0x0, s5;
	v10 =	vld [tilespmem:s7+$0x0]  }
0xdf: {  	s8 =	sadd.s32 $0x180, s5;
	v11 =	vld [tilespmem:s7+$0x10]  }
0xe0: {  	s10 =	sor.u32 $0x400, s8;
	v12 =	vld [tilespmem:s7+$0x20]  }
0xe1: {  	s21 =	sor.u32 $0x410, s8;
	v13 =	vld [tilespmem:s10+$0x2800]  }
0xe2: {  	v14 =	vld [tilespmem:s21+$0x2800]  }
0xe3: {  	s22 =	sor.u32 $0x420, s8;
	v15 =	vld [tilespmem:s7+$0x30]  }
0xe4: {  	v16 =	vld [tilespmem:s22+$0x2800]  }
0xe5: {  	s5 =	sadd.s32 $0x80, s5;
	s12 =	sor.u32 $0x430, s8;
	v17 =	vld [tilespmem:s7+$0x40]  }
0xe6: {  	s25 =	sor.u32 $0x400, s5;
	v18 =	vld [tilespmem:s12+$0x2800]  }
0xe7: {  	s8 =	sor.u32 $0x440, s8;
	v19 =	vld [tilespmem:s25+$0x2800]  }
0xe8: {  	s26 =	sor.u32 $0x410, s5;
	v20 =	vld [tilespmem:s8+$0x2800]  }
0xe9: {  	v21 =	vld [tilespmem:s26+$0x2800]  }
0xea: {  	v29 =	vld [tilespmem:s15+$0xFFFFFF20]  }
0xeb: {  	s23 =	sand.u32 $0x3, s1;
	s2 =	simm.s32 $0x80;
	v30 =	vld [tilespmem:s15+$0xFFFFFFA0]  }
0xec: {  	s24 =	sshll.u32 s23, $0x8;
	s3 =	sand.u32 $0x280, s2;
	s18 =	sor.u32 $0x430, s5;
	v31 =	vld [tilespmem:s15+$0x20]  }
0xed: {  	s7 =	sadd.s32 $0x0, s24;
	s10 =	sor.u32 s3, s4;
	v56 =	vld [tilespmem:s18+$0x2800]  }
0xee: {  	p0 =	por $0x0, $0x0;
	s7 =	sadd.s32 $0x100, s7;
	v28 =	vld [tilespmem:s10+$0x0]  }
0xef: {  	s31 =	simm.s32 $0x0;
	s12 =	simm.s32 $0x1;
	v35 =	vld [tilespmem:s10+$0x30];
	s29 =	sor.u32 $0x400, s7  }
0xf0: {  	s0 =	sand.u32 $0x200, s31;
	s12 =	simm.s32 @!p0 $0x0;
	s30 =	sor.u32 $0x410, s7;
	v22 =	vld [tilespmem:s29+$0x2800]  }
0xf1: {  	s28 =	sshll.u32 s12, $0x9;
	s12 =	sor.u32 s0, s4;
	v23 =	vld [tilespmem:s30+$0x2800]  }
0xf2: {  	v26 =	vld [tilespmem:s12+$0x0];
	v10 =	vmul.f32 v10, v8;
	v11 =	vmul.f32 v11, v9  }
0xf3: {  	s19 =	sor.u32 $0x430, s7;
	v27 =	vld [tilespmem:s12+$0x10];
	v8 =	vmul.f32 v13, v8;
	v9 =	vmul.f32 v14, v9  }
0xf4: {  	s8 =	sadd.s32 $0x0, s28;
	v57 =	vld [tilespmem:s19+$0x2800];
	v10 =	vadd.f32 v11, v10;
	v11 =	vmul.f32 v12, v7  }
0xf5: {  	v34 =	vld [tilespmem:s12+$0x30];
	s14 =	sor.u32 $0x400, s8;
	v8 =	vadd.f32 v9, v8;
	v7 =	vmul.f32 v16, v7  }
0xf6: {  	s16 =	sor.u32 $0x410, s8;
	v24 =	vld [tilespmem:s14+$0x2800];
	v10 =	vadd.f32 v11, v10;
	v11 =	vmul.f32 v15, v6  }
0xf7: {  	v25 =	vld [tilespmem:s16+$0x2800];
	v7 =	vadd.f32 v7, v8;
	v6 =	vmul.f32 v18, v6  }
0xf8: {  	s6 =	simm.s32 $0x100;
	v13 =	vld [tilespmem:s10+$0x10];
	v10 =	vadd.f32 v11, v10;
	v11 =	vmul.f32 v17, v5  }
0xf9: {  	s20 =	sor.u32 $0x430, s8;
	s14 =	sand.u32 $0x300, s6;
	v14 =	vld [tilespmem:s15+$0xFFFFFF00];
	v6 =	vadd.f32 v6, v7;
	v5 =	vmul.f32 v20, v5  }
0xfa: {  	v33 =	vld [tilespmem:s20+$0x2800];
	s4 =	sor.u32 s14, s4;
	v10 =	vadd.f32 v11, v10  }
0xfb: {  	v12 =	vld [tilespmem:s4+$0x0];
	v5 =	vadd.f32 v5, v6  }
0xfc: {  	s11 =	sor.u32 $0x420, s7;
	v9 =	vld [tilespmem:s4+$0x10];
	(xrf2) =	vadd.scan.msk.f32 $0xffff, v10  }
0xfd: {  	v16 =	vld [tilespmem:s11+$0x2800];
	(xrf2) =	vadd.scan.msk.f32 $0xffff, v5  }
0xfe: {  	v8 =	vld [tilespmem:s15+$0xFFFFFF10]  }
0xff: {  	v15 =	vld [tilespmem:s15+$0xFFFFFF80]  }
0x100: {  	v7 =	vld [tilespmem:s15+$0xFFFFFF90]  }
0x101: {  	v11 =	vld [tilespmem:s15+$0x0]  }
0x102: {  	v26 =	vmul.f32 v26, v14;
	v6 =	vld [tilespmem:s15+$0x10]  }
0x103: {  	s17 =	sor.u32 $0x420, s8;
	v18 =	vld [tilespmem:s10+$0x20];
	v14 =	vmul.f32 v24, v14;
	v27 =	vmul.f32 v27, v8  }
0x104: {  	v8 =	vmul.f32 v25, v8;
	v28 =	vmul.f32 v28, v15;
	v5 =	vld [tilespmem:s17+$0x2800]  }
0x105: {  	s9 =	sor.u32 $0x420, s5;
	v17 =	vld [tilespmem:s12+$0x20];
	v15 =	vmul.f32 v19, v15;
	v21 =	vmul.f32 v21, v7  }
0x106: {  	v10 =	vld [tilespmem:s9+$0x2800];
	v7 =	vmul.f32 v13, v7;
	v22 =	vmul.f32 v22, v11;
	v32, _, _ =	vpop (xrf2)  }
0x107: {  	v20 =	vld [tilespmem:s4+$0x20];
	v11 =	vmul.f32 v12, v11;
	v58 =	vmul.f32 v23, v6;
	v19, _, _ =	vpop (xrf2)  }
0x108: {  	v8 =	vadd.f32 v8, v14;
	v13 =	vld [tilespmem:s4+$0x30];
	v32 =	vbroadcast v32, $0xF;
	v19 =	vbroadcast v19, $0xF  }
0x109: {  	v26 =	vadd.f32 v27, v26;
	v12 =	vld [tilespmem:s15+$0xFFFFFF30];
	v6 =	vmul.f32 v9, v6;
	v5 =	vmul.f32 v5, v29  }
0x10a: {  	s5 =	sor.u32 $0x440, s5;
	v15 =	vadd.f32 v21, v15;
	v9 =	vld [tilespmem:s15+$0xFFFFFFB0];
	v14 =	vmul.f32 v32, v3;
	v19 =	vmul.f32 v19, v4  }
0x10b: {  	s7 =	sor.u32 $0x440, s7;
	v60 =	vadd.f32 v6, v11;
	v6 =	vld [tilespmem:s5+$0x2800];
	v10 =	vmul.f32 v10, v30;
	v8 =	vadd.f32 v5, v8  }
0x10c: {  	v5 =	vld [tilespmem:s7+$0x2800];
	v59 =	vadd.f32 v19, v14;
	v14 =	vadd.f32 v7, v28;
	v7 =	vmul.f32 v17, v29  }
0x10d: {  	s22 =	sand.u32 $0x1E00, s1;
	s21 =	sor.u32 $0x440, s8;
	v21 =	vadd.f32 v58, v22;
	v11 =	vmul.f32 v18, v30;
	v19 =	vld [tilespmem:s15+$0x30]  }
0x10e: {  	s24 =	simm.s32 $0x0;
	s23 =	sshrl.u32 s22, $0x2;
	v16 =	vmul.f32 v16, v31;
	v10 =	vadd.f32 v10, v15;
	v18 =	vadd.f32 v7, v26;
	v7 =	vld [tilespmem:s21+$0x2800]  }
0x10f: {  	p0 =	por !p0, !p0;
	s25 =	sor.u32 $0x1A800, s23;
	s28 =	simm.s32 $0x10;
	v17 =	vmul.f32 v20, v31;
	v20 =	vadd.f32 v11, v14;
	v14 =	vmul.f32 v33, v12;
	v11 =	vld [tilespmem:s12+$0x40]  }
0x110: {  	s29 =	simm.s32 $0x20;
	s8 =	simm.s32 $0x0;
	s30 =	sand.u32 $0x50, s28;
	v16 =	vadd.f32 v16, v21;
	v15 =	vmul.f32 v34, v12;
	v61 =	vmul.f32 v35, v9;
	v12 =	vld [tilespmem:s10+$0x40]  }
0x111: {  	s31 =	sand.u32 $0x60, s29;
	s5 =	sand.u32 $0x40, s24;
	s7 =	simm.s32 $0x30;
	v62 =	vmul.f32 v56, v9;
	v17 =	vadd.f32 v17, v60;
	v8 =	vadd.f32 v14, v8;
	v14 =	vld [tilespmem:s4+$0x40]  }
0x112: {  	s16 =	simm.s32 $0x0;
	s14 =	sor.u32 s5, s25;
	s26 =	sand.u32 $0x70, s7;
	v9 =	vadd.f32 v15, v18;
	v18 =	vld [tilespmem:s15+$0xFFFFFFC0];
	v13 =	vmul.f32 v13, v19;
	v63 =	vmul.f32 v57, v19  }
0x113: {  	s5 =	sor.u32 s31, s25;
	s17 =	sor.u32 s26, s25;
	s12 =	sor.u32 s30, s25;
	v15 =	vadd.f32 v62, v10;
	v10 =	vadd.f32 v61, v20;
	v19 =	vld [tilespmem:s15+$0xFFFFFF40]  }
0x114: {  	s10 =	simm.s32 $0x2;
	[tilespmem:s17+$0x0] =	vst v59;
	s17 =	simm.s32 $0x0;
	v16 =	vadd.f32 v63, v16;
	v13 =	vadd.f32 v13, v17;
	v17 =	vld [tilespmem:s15+$0x40];
	s15 =	simm.s32 $0x12B00  }
.LBB2_3:
0x115: {  	s4 =	simm.s32 $0x1  }
0x116: {  	s18 =	sand.u32 $0x3, s10;
	v20 =	vld [tilespmem:s15+$0xC0];
	s4 =	simm.s32 @!p0 $0x0  }
0x117: {  	s1 =	sadd.s32 $0x400, s1;
	s18 =	sshll.u32 s18, $0x8;
	s19 =	sshll.u32 s4, $0x9;
	v21 =	vld [tilespmem:s15+$0xB0]  }
0x118: {  	s13 =	sadd.s32 $0x200, s13;
	s16 =	sadd.s32 $0x4, s16;
	s4 =	sand.u32 $0x7800, s1;
	v11 =	vmul.f32 v11, v19;
	v7 =	vmul.f32 v7, v19;
	v22 =	vld [tilespmem:s15+$0xA0]  }
0x119: {  	s20 =	sand.u32 $0x7, s16;
	s21 =	sand.u32 $0x380, s13;
	s4 =	sadd.s32 $0x2800, s4;
	v12 =	vmul.f32 v12, v18;
	v6 =	vmul.f32 v6, v18;
	v19 =	vld [tilespmem:s15+$0x80]  }
0x11a: {  	s8 =	sadd.s32 $0x4, s8;
	s20 =	sshll.u32 s20, $0x7;
	s21 =	sor.u32 s21, s4;
	v7 =	vadd.f32 v7, v8;
	v8 =	vmul.f32 v14, v17;
	v5 =	vmul.f32 v5, v17;
	v18 =	vld [tilespmem:s15+$0x90]  }
0x11b: {  	p1 =	slt.u32 s8, $0x7C;
	s18 =	sadd.s32 s1, s18;
	s20 =	sadd.s32 s20, s1;
	v9 =	vadd.f32 v11, v9;
	v6 =	vadd.f32 v6, v15;
	v14 =	vld [tilespmem:s21+$0x0]  }
0x11c: {  	s22 =	sadd.s32 $0xFFFFFE80, s13;
	s23 =	sadd.s32 $0xFFFFFF00, s13;
	s26 =	sadd.s32 $0x180, s20;
	v10 =	vadd.f32 v12, v10;
	v5 =	vadd.f32 v5, v16;
	v11 =	vld [tilespmem:s21+$0x10]  }
0x11d: {  	s29 =	sadd.s32 $0x80, s20;
	s20 =	sadd.s32 $0xFFFFFF80, s13;
	s24 =	sor.u32 $0x400, s26;
	v8 =	vadd.f32 v8, v13;
	v12 =	vld [tilespmem:s21+$0x20];
	(xrf2) =	vadd.scan.msk.f32 $0xffff, v6  }
0x11e: {  	s6 =	sadd.s32 s19, s1;
	s9 =	sadd.s32 $0x100, s18;
	s18 =	sor.u32 $0x410, s26;
	v6 =	vld [tilespmem:s24+$0x2800]  }
0x11f: {  	s19 =	sand.u32 $0x200, s22;
	s22 =	sand.u32 $0x280, s23;
	s23 =	sand.u32 $0x300, s20;
	v13 =	vld [tilespmem:s18+$0x2800]  }
0x120: {  	s28 =	sor.u32 $0x400, s29;
	s11 =	sor.u32 $0x410, s29;
	s18 =	sor.u32 $0x420, s26;
	v15 =	vld [tilespmem:s21+$0x30];
	(xrf2) =	vadd.scan.msk.f32 $0xffff, v5  }
0x121: {  	s0 =	sor.u32 $0x400, s6;
	s2 =	sor.u32 $0x400, s9;
	s30 =	sor.u32 $0x410, s9;
	v5 =	vmul.f32 v14, v19;
	v11 =	vmul.f32 v11, v18;
	v14 =	vld [tilespmem:s18+$0x2800]  }
0x122: {  	s19 =	sor.u32 s19, s4;
	s3 =	sor.u32 $0x410, s6;
	s24 =	sor.u32 $0x430, s26;
	v16 =	vld [tilespmem:s21+$0x40]  }
0x123: {  	s20 =	sor.u32 s22, s4;
	s25 =	sor.u32 $0x420, s29;
	s18 =	sor.u32 s23, s4;
	v5 =	vadd.f32 v11, v5;
	v11 =	vmul.f32 v12, v22;
	v12 =	vld [tilespmem:s24+$0x2800];
	(xrf2) =	vadd.scan.msk.f32 $0xffff, v7  }
0x124: {  	s21 =	sor.u32 $0x440, s26;
	s24 =	sor.u32 $0x420, s6;
	v6 =	vmul.f32 v6, v19;
	v7 =	vld [tilespmem:s28+$0x2800];
	s28 =	sor.u32 $0x420, s9;
	v13 =	vmul.f32 v13, v18  }
0x125: {  	s31 =	sor.u32 $0x430, s6;
	s4 =	sor.u32 $0x430, s29;
	s26 =	sor.u32 $0x430, s9;
	v5 =	vadd.f32 v11, v5;
	v11 =	vmul.f32 v15, v21;
	v15 =	vld [tilespmem:s21+$0x2800]  }
0x126: {  	s22 =	sor.u32 $0x440, s9;
	s23 =	sor.u32 $0x440, s29;
	s21 =	sor.u32 $0x440, s6;
	v17 =	vld [tilespmem:s11+$0x2800];
	v6 =	vadd.f32 v13, v6;
	v13 =	vmul.f32 v14, v22;
	(xrf2) =	vadd.scan.msk.f32 $0xffff, v9  }
0x127: {  	v9 =	vld [tilespmem:s2+$0x2800];
	v5 =	vadd.f32 v11, v5;
	v11 =	vmul.f32 v16, v20;
	v14, _, _ =	vpop (xrf2)  }
0x128: {  	v16 =	vld [tilespmem:s30+$0x2800];
	v6 =	vadd.f32 v13, v6;
	v12 =	vmul.f32 v12, v21;
	v13 =	vbroadcast v14, $0xF  }
0x129: {  	v14 =	vld [tilespmem:s0+$0x2800];
	v5 =	vadd.f32 v11, v5  }
0x12a: {  	v11 =	vld [tilespmem:s3+$0x2800];
	v6 =	vadd.f32 v12, v6;
	v12 =	vmul.f32 v15, v20;
	v13 =	vmul.f32 v13, v4;
	v15, _, _ =	vpop (xrf2)  }
0x12b: {  	v18 =	vld [tilespmem:s19+$0x0];
	(xrf2) =	vadd.scan.msk.f32 $0xffff, v5;
	v5 =	vbroadcast v15, $0xF  }
0x12c: {  	v15 =	vld [tilespmem:s19+$0x10];
	v6 =	vadd.f32 v12, v6  }
0x12d: {  	v12 =	vld [tilespmem:s20+$0x0];
	v5 =	vmul.f32 v5, v4;
	v19, _, _ =	vpop (xrf2)  }
0x12e: {  	v20 =	vld [tilespmem:s20+$0x10];
	(xrf2) =	vadd.scan.msk.f32 $0xffff, v6;
	v6 =	vbroadcast v19, $0xF  }
0x12f: {  	v19 =	vld [tilespmem:s18+$0x0]  }
0x130: {  	v21 =	vld [tilespmem:s18+$0x10];
	v6 =	vmul.f32 v6, v4;
	v22, _, _ =	vpop (xrf2)  }
0x131: {  	v23 =	vld [tilespmem:s15+$0xFFFFFF00];
	v22 =	vbroadcast v22, $0xF;
	(xrf2) =	vadd.scan.msk.f32 $0xffff, v10  }
0x132: {  	v10 =	vld [tilespmem:s15+$0xFFFFFF10]  }
0x133: {  	v24 =	vld [tilespmem:s15+$0xFFFFFF80];
	v22 =	vmul.f32 v22, v3  }
0x134: {  	v25 =	vld [tilespmem:s15+$0xFFFFFF90];
	(xrf2) =	vadd.scan.msk.f32 $0xffff, v8  }
0x135: {  	v8 =	vld [tilespmem:s15+$0x0];
	v26, _, _ =	vpop (xrf2);
	v6 =	vadd.f32 v6, v22  }
0x136: {  	v18 =	vmul.f32 v18, v23;
	v14 =	vmul.f32 v14, v23;
	v22 =	vld [tilespmem:s15+$0x10]  }
0x137: {  	v15 =	vmul.f32 v15, v10;
	v10 =	vmul.f32 v11, v10;
	v11 =	vld [tilespmem:s25+$0x2800];
	[tilespmem:s14+$0x0] =	vst v6  }
0x138: {  	v6 =	vmul.f32 v12, v24;
	v7 =	vmul.f32 v7, v24;
	v12 =	vld [tilespmem:s28+$0x2800];
	v23, _, _ =	vpop (xrf2)  }
0x139: {  	v24 =	vbroadcast v26, $0xF;
	v10 =	vadd.f32 v10, v14;
	v14 =	vld [tilespmem:s24+$0x2800];
	v23 =	vbroadcast v23, $0xF  }
0x13a: {  	s17 =	sadd.s32 $0x100, s17;
	v15 =	vadd.f32 v15, v18;
	v17 =	vmul.f32 v17, v25;
	v18 =	vld [tilespmem:s19+$0x20];
	v9 =	vmul.f32 v9, v8  }
0x13b: {  	s0 =	sand.u32 $0x1E00, s17;
	v24 =	vmul.f32 v24, v3;
	v26 =	vld [tilespmem:s20+$0x20];
	v23 =	vmul.f32 v23, v4;
	v27, _, _ =	vpop (xrf2)  }
0x13c: {  	s7 =	sadd.s32 $0x40, s7;
	s0 =	sshrl.u32 s0, $0x2;
	v20 =	vmul.f32 v20, v25;
	v7 =	vadd.f32 v17, v7;
	v16 =	vmul.f32 v16, v22;
	v17 =	vld [tilespmem:s18+$0x20]  }
0x13d: {  	s2 =	sadd.s32 $0xFFFFFFD0, s7;
	s3 =	sand.u32 $0x70, s7;
	s0 =	sor.u32 $0x1A800, s0;
	v8 =	vmul.f32 v19, v8;
	v19 =	vmul.f32 v21, v22;
	v25 =	vld [tilespmem:s15+$0xFFFFFF20];
	v21 =	vadd.f32 v23, v24  }
0x13e: {  	s9 =	sadd.s32 $0xFFFFFFF0, s7;
	s6 =	sadd.s32 $0xFFFFFFE0, s7;
	s3 =	sor.u32 s3, s0;
	v6 =	vadd.f32 v20, v6;
	v9 =	vadd.f32 v16, v9;
	v16 =	vbroadcast v27, $0xF;
	v20 =	vld [tilespmem:s15+$0xFFFFFFA0];
	v22, _, _ =	vpop (xrf2)  }
0x13f: {  	s9 =	sand.u32 $0x60, s9;
	s6 =	sand.u32 $0x50, s6;
	s2 =	sand.u32 $0x40, s2;
	v8 =	vadd.f32 v19, v8;
	v19 =	vld [tilespmem:s15+$0x20];
	[tilespmem:s3+$0x0] =	vst v21;
	v21 =	vbroadcast v22, $0xF  }
0x140: {  	s14 =	sor.u32 s2, s0;
	s2 =	sor.u32 s6, s0;
	s0 =	sor.u32 s9, s0;
	v16 =	vmul.f32 v16, v3;
	v22 =	vld [tilespmem:s4+$0x2800]  }
0x141: {  	v23 =	vld [tilespmem:s26+$0x2800];
	v21 =	vmul.f32 v21, v3  }
0x142: {  	v13 =	vadd.f32 v13, v16;
	v18 =	vmul.f32 v18, v25;
	v14 =	vmul.f32 v14, v25;
	v24 =	vld [tilespmem:s31+$0x2800]  }
0x143: {  	v16 =	vld [tilespmem:s19+$0x30];
	v25 =	vmul.f32 v26, v20;
	v11 =	vmul.f32 v11, v20;
	v5 =	vadd.f32 v5, v21  }
0x144: {  	v10 =	vadd.f32 v14, v10;
	v14 =	vld [tilespmem:s20+$0x30];
	v17 =	vmul.f32 v17, v19;
	v12 =	vmul.f32 v12, v19;
	[tilespmem:s12+$0x0] =	vst v13;
	s12 =	smov.u32 s2  }
0x145: {  	v13 =	vadd.f32 v18, v15;
	v15 =	vadd.f32 v11, v7;
	v18 =	vld [tilespmem:s18+$0x30];
	[tilespmem:s5+$0x0] =	vst v5;
	s5 =	smov.u32 s0  }
0x146: {  	v20 =	vadd.f32 v25, v6;
	v7 =	vld [tilespmem:s15+$0xFFFFFF30];
	v21 =	vadd.f32 v12, v9  }
0x147: {  	v17 =	vadd.f32 v17, v8;
	v9 =	vld [tilespmem:s15+$0xFFFFFFB0]  }
0x148: {  	v19 =	vld [tilespmem:s15+$0x30]  }
0x149: {  	v6 =	vld [tilespmem:s23+$0x2800]  }
0x14a: {  	v5 =	vld [tilespmem:s22+$0x2800]  }
0x14b: {  	v16 =	vmul.f32 v16, v7;
	v8 =	vmul.f32 v24, v7;
	v7 =	vld [tilespmem:s21+$0x2800]  }
0x14c: {  	v11 =	vld [tilespmem:s19+$0x40];
	v24 =	vmul.f32 v14, v9;
	v14 =	vmul.f32 v22, v9  }
.Ltmp0:
0x14d: {  	v8 =	vadd.f32 v8, v10;
	v12 =	vld [tilespmem:s20+$0x40];
	v22 =	vmul.f32 v18, v19;
	v18 =	vmul.f32 v23, v19;
	(pc) =	sbr.rel @p1 .LBB2_3-.Ltmp0, $4  }
0x14e: {  	v9 =	vadd.f32 v16, v13;
	v15 =	vadd.f32 v14, v15;
	v14 =	vld [tilespmem:s18+$0x40]  }
0x14f: {  	v10 =	vadd.f32 v24, v20;
	v19 =	vld [tilespmem:s15+$0xFFFFFF40];
	v16 =	vadd.f32 v18, v21  }
0x150: {  	v13 =	vadd.f32 v22, v17;
	v18 =	vld [tilespmem:s15+$0xFFFFFFC0]  }
0x151: {  	s10 =	sadd.s32 $0x2, s10;
	p0 =	por !p0, !p0;
	v17 =	vld [tilespmem:s15+$0x40];
	s15 =	sadd.s32 $0x200, s15  }
0x152: {  	_ =	sdelay $0x2  }
0x153: {  	v6 =	vmul.f32 v6, v18  }
0x154: {  	v5 =	vmul.f32 v5, v17  }
0x155: {  	v7 =	vmul.f32 v7, v19;
	v6 =	vadd.f32 v6, v15  }
0x156: {  	v11 =	vmul.f32 v11, v19;
	v5 =	vadd.f32 v5, v16  }
0x157: {  	v12 =	vmul.f32 v12, v18;
	v7 =	vadd.f32 v7, v8;
	(xrf2) =	vadd.scan.msk.f32 $0xffff, v6  }
0x158: {  	v60 =	vadd.f32 v11, v9;
	v6 =	vmul.f32 v14, v17;
	(xrf2) =	vadd.scan.msk.f32 $0xffff, v5  }
0x159: {  	v5 =	vadd.f32 v12, v10;
	(xrf2) =	vadd.scan.msk.f32 $0xffff, v7  }
0x15a: {  	v6 =	vadd.f32 v6, v13;
	(xrf2) =	vadd.scan.msk.f32 $0xffff, v60  }
0x15b: {  	(xrf2) =	vadd.scan.msk.f32 $0xffff, v5  }
0x15c: {  	(xrf2) =	vadd.scan.msk.f32 $0xffff, v6;
	_ =	sdelay $0x4  }
0x15d: {  	v5, _, _ =	vpop (xrf2)  }
0x15e: {  	v6, _, _ =	vpop (xrf2)  }
0x15f: {  	v7, _, _ =	vpop (xrf2)  }
0x160: {  	v5 =	vbroadcast v5, $0xF;
	v7 =	vbroadcast v7, $0xF;
	v8, _, _ =	vpop (xrf2)  }
0x161: {  	v6 =	vbroadcast v6, $0xF;
	v8 =	vbroadcast v8, $0xF;
	v61, _, _ =	vpop (xrf2)  }
0x162: {  	v7 =	vmul.f32 v7, v4;
	v9 =	vbroadcast v61, $0xF;
	v62, _, _ =	vpop (xrf2)  }
0x163: {  	v8 =	vmul.f32 v8, v3;
	v10 =	vbroadcast v62, $0xF  }
0x164: {  	v5 =	vmul.f32 v5, v4;
	v9 =	vmul.f32 v9, v3  }
0x165: {  	v6 =	vmul.f32 v6, v4;
	v7 =	vadd.f32 v7, v8;
	v63 =	vmul.f32 v10, v3  }
0x166: {  	v5 =	vadd.f32 v5, v9  }
0x167: {  	s3 =	rddreg [dreg:$0xd];
	[tilespmem:s14+$0x0] =	vst v7;
	v6 =	vadd.f32 v6, v63  }
0x168: {  	s0 =	sshll.u32 s3, $0xC;
	s1 =	rddreg [dreg:$0xa];
	[tilespmem:s12+$0x0] =	vst v5  }
0x169: {  	s30 =	simm.s32 $0x0;
	s2 =	simm.s32 $0x1A800;
	s0 =	sadd.s32 s1, s0;
	[tilespmem:s5+$0x0] =	vst v6  }
0x16a: {  	p0 =	seq.s32 s3, $0x13;
	s0 =	sshrl.u32 s0, $0x3;
	s29 =	rddreg [dreg:$0x7]  }
.Ltmp1:
0x16b: {  	s31 =	simm.s32 $0x5;
	s0 =	sadd.s32 s29, s0;
	(pc) =	sbr.rel @p0 .LBB2_6-.Ltmp1, $4  }
0x16c: {  	[hbm4b:s0+s30] =	stream.linear.scatter [tilespmem:s2], [sflag:$0x5], $0x800, $0x38;
	[tilespmem:$0x1B080] =	vst v63  }
0x16d: {  	_ =	swait.ge [sflag:s31], $0x800  }
0x16e: {  	[sflag:s31] =	ssyncset.done $0x0  }
0x16f: {  	[sflag:s31] =	ssyncadd.s32 $0xFFFFF800  }
0x170: {  	s1 =	sshll.u32 s3, $0x8  }
0x171: {  	v5 =	vld [tilespmem:s1+$0x100];
	_ =	sdelay $0x4  }
0x172: {  	v6 =	vshll.u32 v5, $0x1  }
0x173: {  	v5 =	vand.u32 $0x7, v5;
	v6 =	vand.u32 $0xFFFFFFF0, v6  }
0x174: {  	v5 =	vor.u32 v5, v6  }
0x175: {  	v6 =	vperm.xlane v5, v0;
	_ =	sdelay $0x1  }
0x176: {  	v5 =	vperm.xlane v5, v2;
	v6 =	vadd.s32 v1, v6;
	_ =	sdelay $0x1  }
0x177: {  	v5 =	vadd.s32 v1, v5;
	_ =	sdelay $0x1  }
0x178: {  	s0 =	simm.s32 $0x0;
	s2 =	rddreg [dreg:$0x4];
	s11 =	simm.s32 $0x2800  }
0x179: {  	[tilespmem:s11], [sflag:$0x1] =	stream.indirect_vreg.gather [hbm4b:s2+s0], $0x80, v6, vm0, $0xb8;
	[tilespmem:$0x1B080] =	vst v63  }
0x17a: {  	s12 =	simm.s32 $0x3000  }
0x17b: {  	[tilespmem:s12], [sflag:$0x1] =	stream.indirect_vreg.gather [hbm4b:s2+s0], $0x80, v5, vm0, $0xb8;
	[tilespmem:$0x1B080] =	vst v63  }
0x17c: {  	v5 =	vld [tilespmem:s1+$0x110];
	_ =	sdelay $0x4  }
0x17d: {  	v6 =	vshll.u32 v5, $0x1  }
0x17e: {  	v5 =	vand.u32 $0x7, v5;
	v6 =	vand.u32 $0xFFFFFFF0, v6  }
0x17f: {  	v5 =	vor.u32 v5, v6  }
0x180: {  	v6 =	vperm.xlane v5, v0;
	_ =	sdelay $0x1  }
0x181: {  	v5 =	vperm.xlane v5, v2;
	v6 =	vadd.s32 v1, v6;
	_ =	sdelay $0x1  }
0x182: {  	v5 =	vadd.s32 v1, v5;
	_ =	sdelay $0x1  }
0x183: {  	s13 =	simm.s32 $0x3800  }
0x184: {  	[tilespmem:s13], [sflag:$0x1] =	stream.indirect_vreg.gather [hbm4b:s2+s0], $0x80, v6, vm0, $0xb8;
	[tilespmem:$0x1B080] =	vst v63  }
0x185: {  	s14 =	simm.s32 $0x4000  }
0x186: {  	[tilespmem:s14], [sflag:$0x1] =	stream.indirect_vreg.gather [hbm4b:s2+s0], $0x80, v5, vm0, $0xb8;
	[tilespmem:$0x1B080] =	vst v63  }
0x187: {  	v5 =	vld [tilespmem:s1+$0x120];
	_ =	sdelay $0x4  }
0x188: {  	v6 =	vshll.u32 v5, $0x1  }
0x189: {  	v5 =	vand.u32 $0x7, v5;
	v6 =	vand.u32 $0xFFFFFFF0, v6  }
0x18a: {  	v5 =	vor.u32 v5, v6  }
0x18b: {  	v6 =	vperm.xlane v5, v0;
	_ =	sdelay $0x1  }
0x18c: {  	v5 =	vperm.xlane v5, v2;
	v6 =	vadd.s32 v1, v6;
	_ =	sdelay $0x1  }
0x18d: {  	v5 =	vadd.s32 v1, v5;
	_ =	sdelay $0x1  }
0x18e: {  	s15 =	simm.s32 $0x4800  }
0x18f: {  	[tilespmem:s15], [sflag:$0x1] =	stream.indirect_vreg.gather [hbm4b:s2+s0], $0x80, v6, vm0, $0xb8;
	[tilespmem:$0x1B080] =	vst v63  }
0x190: {  	s16 =	simm.s32 $0x5000  }
0x191: {  	[tilespmem:s16], [sflag:$0x1] =	stream.indirect_vreg.gather [hbm4b:s2+s0], $0x80, v5, vm0, $0xb8;
	[tilespmem:$0x1B080] =	vst v63  }
0x192: {  	v5 =	vld [tilespmem:s1+$0x130];
	_ =	sdelay $0x4  }
0x193: {  	v6 =	vshll.u32 v5, $0x1  }
0x194: {  	v5 =	vand.u32 $0x7, v5;
	v6 =	vand.u32 $0xFFFFFFF0, v6  }
0x195: {  	v5 =	vor.u32 v5, v6  }
0x196: {  	v6 =	vperm.xlane v5, v0;
	_ =	sdelay $0x1  }
0x197: {  	v5 =	vperm.xlane v5, v2;
	v6 =	vadd.s32 v1, v6;
	_ =	sdelay $0x1  }
0x198: {  	v5 =	vadd.s32 v1, v5;
	_ =	sdelay $0x1  }
0x199: {  	s17 =	simm.s32 $0x5800  }
0x19a: {  	[tilespmem:s17], [sflag:$0x1] =	stream.indirect_vreg.gather [hbm4b:s2+s0], $0x80, v6, vm0, $0xb8;
	[tilespmem:$0x1B080] =	vst v63  }
0x19b: {  	s18 =	simm.s32 $0x6000  }
0x19c: {  	[tilespmem:s18], [sflag:$0x1] =	stream.indirect_vreg.gather [hbm4b:s2+s0], $0x80, v5, vm0, $0xb8;
	[tilespmem:$0x1B080] =	vst v63  }
0x19d: {  	v5 =	vld [tilespmem:s1+$0x140];
	_ =	sdelay $0x4  }
0x19e: {  	v6 =	vshll.u32 v5, $0x1  }
0x19f: {  	v5 =	vand.u32 $0x7, v5;
	v6 =	vand.u32 $0xFFFFFFF0, v6  }
0x1a0: {  	v5 =	vor.u32 v5, v6  }
0x1a1: {  	v6 =	vperm.xlane v5, v0;
	_ =	sdelay $0x1  }
0x1a2: {  	v5 =	vperm.xlane v5, v2;
	v6 =	vadd.s32 v1, v6;
	_ =	sdelay $0x1  }
0x1a3: {  	v5 =	vadd.s32 v1, v5;
	_ =	sdelay $0x1  }
0x1a4: {  	s19 =	simm.s32 $0x6800  }
0x1a5: {  	[tilespmem:s19], [sflag:$0x1] =	stream.indirect_vreg.gather [hbm4b:s2+s0], $0x80, v6, vm0, $0xb8;
	[tilespmem:$0x1B080] =	vst v63  }
0x1a6: {  	s20 =	simm.s32 $0x7000  }
0x1a7: {  	[tilespmem:s20], [sflag:$0x1] =	stream.indirect_vreg.gather [hbm4b:s2+s0], $0x80, v5, vm0, $0xb8;
	[tilespmem:$0x1B080] =	vst v63  }
0x1a8: {  	v5 =	vld [tilespmem:s1+$0x150];
	_ =	sdelay $0x4  }
0x1a9: {  	v6 =	vshll.u32 v5, $0x1  }
0x1aa: {  	v5 =	vand.u32 $0x7, v5;
	v6 =	vand.u32 $0xFFFFFFF0, v6  }
0x1ab: {  	v5 =	vor.u32 v5, v6  }
0x1ac: {  	v6 =	vperm.xlane v5, v0;
	_ =	sdelay $0x1  }
0x1ad: {  	v5 =	vperm.xlane v5, v2;
	v6 =	vadd.s32 v1, v6;
	_ =	sdelay $0x1  }
0x1ae: {  	v5 =	vadd.s32 v1, v5;
	_ =	sdelay $0x1  }
0x1af: {  	s21 =	simm.s32 $0x7800  }
0x1b0: {  	[tilespmem:s21], [sflag:$0x1] =	stream.indirect_vreg.gather [hbm4b:s2+s0], $0x80, v6, vm0, $0xb8;
	[tilespmem:$0x1B080] =	vst v63  }
0x1b1: {  	s22 =	simm.s32 $0x8000  }
0x1b2: {  	[tilespmem:s22], [sflag:$0x1] =	stream.indirect_vreg.gather [hbm4b:s2+s0], $0x80, v5, vm0, $0xb8;
	[tilespmem:$0x1B080] =	vst v63  }
0x1b3: {  	v5 =	vld [tilespmem:s1+$0x160];
	_ =	sdelay $0x4  }
0x1b4: {  	v6 =	vshll.u32 v5, $0x1  }
0x1b5: {  	v5 =	vand.u32 $0x7, v5;
	v6 =	vand.u32 $0xFFFFFFF0, v6  }
0x1b6: {  	v5 =	vor.u32 v5, v6  }
0x1b7: {  	v6 =	vperm.xlane v5, v0;
	_ =	sdelay $0x1  }
0x1b8: {  	v5 =	vperm.xlane v5, v2;
	v6 =	vadd.s32 v1, v6;
	_ =	sdelay $0x1  }
0x1b9: {  	v5 =	vadd.s32 v1, v5;
	_ =	sdelay $0x1  }
0x1ba: {  	s23 =	simm.s32 $0x8800  }
0x1bb: {  	[tilespmem:s23], [sflag:$0x1] =	stream.indirect_vreg.gather [hbm4b:s2+s0], $0x80, v6, vm0, $0xb8;
	[tilespmem:$0x1B080] =	vst v63  }
0x1bc: {  	s24 =	simm.s32 $0x9000  }
0x1bd: {  	[tilespmem:s24], [sflag:$0x1] =	stream.indirect_vreg.gather [hbm4b:s2+s0], $0x80, v5, vm0, $0xb8;
	[tilespmem:$0x1B080] =	vst v63  }
0x1be: {  	v5 =	vld [tilespmem:s1+$0x170];
	_ =	sdelay $0x4  }
0x1bf: {  	v6 =	vshll.u32 v5, $0x1  }
0x1c0: {  	v5 =	vand.u32 $0x7, v5;
	v6 =	vand.u32 $0xFFFFFFF0, v6  }
0x1c1: {  	v5 =	vor.u32 v5, v6  }
0x1c2: {  	v6 =	vperm.xlane v5, v0;
	_ =	sdelay $0x1  }
0x1c3: {  	v5 =	vperm.xlane v5, v2;
	v6 =	vadd.s32 v1, v6;
	_ =	sdelay $0x1  }
0x1c4: {  	v5 =	vadd.s32 v1, v5;
	_ =	sdelay $0x1  }
0x1c5: {  	s25 =	simm.s32 $0x9800  }
0x1c6: {  	[tilespmem:s25], [sflag:$0x1] =	stream.indirect_vreg.gather [hbm4b:s2+s0], $0x80, v6, vm0, $0xb8;
	[tilespmem:$0x1B080] =	vst v63  }
0x1c7: {  	s26 =	simm.s32 $0xA000;
	s29 =	rddreg [dreg:$0x5]  }
0x1c8: {  	[tilespmem:s26], [sflag:$0x1] =	stream.indirect_vreg.gather [hbm4b:s2+s0], $0x80, v5, vm0, $0xb8;
	[tilespmem:$0x1B080] =	vst v63  }
0x1c9: {  	s30 =	simm.s32 $0x80;
	s31 =	simm.s32 $0x12800;
	s28 =	sadd.s32 $0x1500, s1  }
0x1ca: {  	[tilespmem:s31], [sflag:$0x3] =	stream.indirect.gather [hbm4b:s29+s30], $0x80, s28, s30, $0xb8;
	[tilespmem:$0x1B080] =	vst v63  }
.LBB2_6:
0x1cb: {  	s0 =	simm.s32 $0x2  }
0x1cc: {  	_ =	swait.ge [sflag:s0], $0x8000  }
0x1cd: {  	[sflag:s0] =	ssyncset.done $0x0  }
0x1ce: {  	s11 =	simm.s32 $0x4;
	[sflag:s0] =	ssyncadd.s32 $0xFFFF8000  }
0x1cf: {  	_ =	swait.ge [sflag:s11], $0x4000  }
0x1d0: {  	[sflag:s11] =	ssyncset.done $0x0  }
0x1d1: {  	s15 =	simm.s32 $0x16900;
	[sflag:s11] =	ssyncadd.s32 $0xFFFFC000  }
0x1d2: {  	v5 =	vld [tilespmem:s15+$0xC0]  }
0x1d3: {  	s1 =	simm.s32 $0x0;
	v6 =	vld [tilespmem:s15+$0xB0]  }
0x1d4: {  	s13 =	simm.s32 $0x180;
	s12 =	sand.u32 $0x7800, s1;
	v7 =	vld [tilespmem:s15+$0xA0]  }
0x1d5: {  	s2 =	sand.u32 $0x7, s1;
	s3 =	sand.u32 $0x380, s13;
	s0 =	sadd.s32 $0xA800, s12;
	v8 =	vld [tilespmem:s15+$0x80]  }
0x1d6: {  	s2 =	sshll.u32 s2, $0x7;
	s3 =	sor.u32 s3, s0;
	v9 =	vld [tilespmem:s15+$0x90]  }
0x1d7: {  	s2 =	sadd.s32 $0x0, s2;
	v10 =	vld [tilespmem:s3+$0x0]  }
0x1d8: {  	s4 =	sadd.s32 $0x180, s2;
	v11 =	vld [tilespmem:s3+$0x10]  }
0x1d9: {  	s5 =	sor.u32 $0x400, s4;
	v12 =	vld [tilespmem:s3+$0x20]  }
0x1da: {  	s14 =	sor.u32 $0x410, s4;
	v13 =	vld [tilespmem:s5+$0xA800]  }
0x1db: {  	v14 =	vld [tilespmem:s14+$0xA800]  }
0x1dc: {  	s16 =	sor.u32 $0x420, s4;
	v15 =	vld [tilespmem:s3+$0x30]  }
0x1dd: {  	v16 =	vld [tilespmem:s16+$0xA800]  }
0x1de: {  	s7 =	sadd.s32 $0x80, s2;
	s18 =	sor.u32 $0x430, s4;
	v17 =	vld [tilespmem:s3+$0x40]  }
0x1df: {  	s20 =	sor.u32 $0x400, s7;
	v18 =	vld [tilespmem:s18+$0xA800]  }
0x1e0: {  	s24 =	simm.s32 $0x0;
	s4 =	sor.u32 $0x440, s4;
	v19 =	vld [tilespmem:s20+$0xA800]  }
0x1e1: {  	s26 =	sand.u32 $0x200, s24;
	s21 =	sor.u32 $0x410, s7;
	v20 =	vld [tilespmem:s4+$0xA800]  }
0x1e2: {  	s10 =	sor.u32 s26, s0;
	v21 =	vld [tilespmem:s21+$0xA800]  }
0x1e3: {  	v26 =	vld [tilespmem:s10+$0x0]  }
0x1e4: {  	v27 =	vld [tilespmem:s10+$0x10]  }
0x1e5: {  	v29 =	vld [tilespmem:s15+$0xFFFFFF20]  }
0x1e6: {  	p0 =	por $0x0, $0x0;
	s29 =	simm.s32 $0x80;
	v30 =	vld [tilespmem:s15+$0xFFFFFFA0]  }
0x1e7: {  	s31 =	simm.s32 $0x100;
	s17 =	sand.u32 $0x3, s1;
	s30 =	sand.u32 $0x280, s29;
	v31 =	vld [tilespmem:s15+$0x20]  }
0x1e8: {  	s19 =	sshll.u32 s17, $0x8;
	s2 =	simm.s32 $0x1;
	s4 =	sor.u32 s30, s0;
	v34 =	vld [tilespmem:s10+$0x30]  }
0x1e9: {  	s2 =	simm.s32 @!p0 $0x0;
	s3 =	sadd.s32 $0x0, s19;
	s19 =	sor.u32 $0x430, s7;
	v28 =	vld [tilespmem:s4+$0x0]  }
0x1ea: {  	s2 =	sshll.u32 s2, $0x9;
	s11 =	sand.u32 $0x300, s31;
	v55 =	vld [tilespmem:s19+$0xA800]  }
0x1eb: {  	s12 =	sadd.s32 $0x0, s2;
	s14 =	sor.u32 s11, s0;
	v35 =	vld [tilespmem:s4+$0x30];
	v10 =	vmul.f32 v10, v8;
	v11 =	vmul.f32 v11, v9  }
0x1ec: {  	s25 =	sor.u32 $0x400, s12;
	v57 =	vld [tilespmem:s14+$0x30];
	v8 =	vmul.f32 v13, v8;
	v9 =	vmul.f32 v14, v9  }
0x1ed: {  	s28 =	sor.u32 $0x410, s12;
	v24 =	vld [tilespmem:s25+$0xA800];
	v10 =	vadd.f32 v11, v10;
	v11 =	vmul.f32 v12, v7  }
0x1ee: {  	s8 =	sadd.s32 $0x100, s3;
	s21 =	sor.u32 $0x430, s12;
	v25 =	vld [tilespmem:s28+$0xA800];
	v8 =	vadd.f32 v9, v8;
	v7 =	vmul.f32 v16, v7  }
0x1ef: {  	s22 =	sor.u32 $0x400, s8;
	v33 =	vld [tilespmem:s21+$0xA800];
	v10 =	vadd.f32 v11, v10;
	v11 =	vmul.f32 v15, v6  }
0x1f0: {  	s23 =	sor.u32 $0x410, s8;
	v22 =	vld [tilespmem:s22+$0xA800];
	v7 =	vadd.f32 v7, v8;
	v6 =	vmul.f32 v18, v6  }
0x1f1: {  	s20 =	sor.u32 $0x430, s8;
	v23 =	vld [tilespmem:s23+$0xA800];
	v10 =	vadd.f32 v11, v10;
	v11 =	vmul.f32 v17, v5  }
0x1f2: {  	v56 =	vld [tilespmem:s20+$0xA800];
	v6 =	vadd.f32 v6, v7;
	v5 =	vmul.f32 v20, v5  }
0x1f3: {  	v13 =	vld [tilespmem:s4+$0x10];
	v10 =	vadd.f32 v11, v10  }
0x1f4: {  	v14 =	vld [tilespmem:s15+$0xFFFFFF00];
	v5 =	vadd.f32 v5, v6  }
0x1f5: {  	v12 =	vld [tilespmem:s14+$0x0];
	(xrf2) =	vadd.scan.msk.f32 $0xffff, v10  }
0x1f6: {  	v9 =	vld [tilespmem:s14+$0x10];
	(xrf2) =	vadd.scan.msk.f32 $0xffff, v5  }
0x1f7: {  	v8 =	vld [tilespmem:s15+$0xFFFFFF10]  }
0x1f8: {  	v15 =	vld [tilespmem:s15+$0xFFFFFF80]  }
0x1f9: {  	v7 =	vld [tilespmem:s15+$0xFFFFFF90]  }
0x1fa: {  	v11 =	vld [tilespmem:s15+$0x0]  }
0x1fb: {  	s17 =	sor.u32 $0x420, s8;
	v26 =	vmul.f32 v26, v14;
	v6 =	vld [tilespmem:s15+$0x10]  }
0x1fc: {  	s18 =	sor.u32 $0x420, s12;
	v16 =	vld [tilespmem:s17+$0xA800];
	v14 =	vmul.f32 v24, v14;
	v27 =	vmul.f32 v27, v8  }
0x1fd: {  	v8 =	vmul.f32 v25, v8;
	v28 =	vmul.f32 v28, v15;
	v5 =	vld [tilespmem:s18+$0xA800]  }
0x1fe: {  	s16 =	sor.u32 $0x420, s7;
	v18 =	vld [tilespmem:s4+$0x20];
	v15 =	vmul.f32 v19, v15;
	v21 =	vmul.f32 v21, v7  }
0x1ff: {  	v10 =	vld [tilespmem:s16+$0xA800];
	v7 =	vmul.f32 v13, v7;
	v22 =	vmul.f32 v22, v11;
	v32, _, _ =	vpop (xrf2)  }
0x200: {  	v17 =	vld [tilespmem:s10+$0x20];
	v11 =	vmul.f32 v12, v11;
	v58 =	vmul.f32 v23, v6;
	v19, _, _ =	vpop (xrf2)  }
0x201: {  	v20 =	vld [tilespmem:s14+$0x20];
	v8 =	vadd.f32 v8, v14;
	v32 =	vbroadcast v32, $0xF;
	v19 =	vbroadcast v19, $0xF  }
0x202: {  	v13 =	vadd.f32 v27, v26;
	v12 =	vld [tilespmem:s15+$0xFFFFFF30];
	v6 =	vmul.f32 v9, v6;
	v5 =	vmul.f32 v5, v29  }
0x203: {  	s22 =	sor.u32 $0x440, s7;
	v15 =	vadd.f32 v21, v15;
	v9 =	vld [tilespmem:s15+$0xFFFFFFB0];
	v14 =	vmul.f32 v32, v3;
	v19 =	vmul.f32 v19, v4  }
0x204: {  	s23 =	sor.u32 $0x440, s8;
	v60 =	vadd.f32 v6, v11;
	v6 =	vld [tilespmem:s22+$0xA800];
	v10 =	vmul.f32 v10, v30;
	v8 =	vadd.f32 v5, v8  }
0x205: {  	v5 =	vld [tilespmem:s23+$0xA800];
	v59 =	vadd.f32 v19, v14;
	v14 =	vadd.f32 v7, v28;
	v7 =	vmul.f32 v17, v29  }
0x206: {  	s24 =	sor.u32 $0x440, s12;
	v21 =	vadd.f32 v58, v22;
	v11 =	vmul.f32 v18, v30;
	v19 =	vld [tilespmem:s15+$0x30]  }
0x207: {  	s6 =	simm.s32 $0x10;
	s9 =	simm.s32 $0x20;
	p0 =	por !p0, !p0;
	v16 =	vmul.f32 v16, v31;
	v10 =	vadd.f32 v10, v15;
	v18 =	vadd.f32 v7, v13;
	v7 =	vld [tilespmem:s24+$0xA800]  }
0x208: {  	s31 =	sand.u32 $0x60, s9;
	s30 =	sand.u32 $0x50, s6;
	s25 =	sand.u32 $0x1E00, s1;
	v17 =	vmul.f32 v20, v31;
	v20 =	vadd.f32 v11, v14;
	v14 =	vmul.f32 v33, v12;
	v11 =	vld [tilespmem:s10+$0x40]  }
0x209: {  	s28 =	simm.s32 $0x0;
	s7 =	simm.s32 $0x30;
	s26 =	sshrl.u32 s25, $0x2;
	v16 =	vadd.f32 v16, v21;
	v61 =	vmul.f32 v35, v9;
	v12 =	vmul.f32 v34, v12;
	v13 =	vld [tilespmem:s4+$0x40]  }
0x20a: {  	s8 =	simm.s32 $0x0;
	s2 =	sor.u32 $0x1A800, s26;
	s29 =	sand.u32 $0x70, s7;
	v15 =	vmul.f32 v55, v9;
	v17 =	vadd.f32 v17, v60;
	v8 =	vadd.f32 v14, v8;
	v14 =	vld [tilespmem:s14+$0x40]  }
0x20b: {  	s0 =	sand.u32 $0x40, s28;
	s3 =	sor.u32 s29, s2;
	s6 =	sor.u32 s30, s2;
	v9 =	vadd.f32 v12, v18;
	v18 =	vld [tilespmem:s15+$0xFFFFFFC0];
	v62 =	vmul.f32 v57, v19;
	v63 =	vmul.f32 v56, v19  }
0x20c: {  	s5 =	sor.u32 s31, s2;
	s17 =	simm.s32 $0x0;
	s16 =	simm.s32 $0x0;
	v15 =	vadd.f32 v15, v10;
	v10 =	vadd.f32 v61, v20;
	v19 =	vld [tilespmem:s15+$0xFFFFFF40]  }
0x20d: {  	s10 =	simm.s32 $0x2;
	[tilespmem:s3+$0x0] =	vst v59;
	s14 =	sor.u32 s0, s2;
	v16 =	vadd.f32 v63, v16;
	v12 =	vadd.f32 v62, v17;
	v17 =	vld [tilespmem:s15+$0x40];
	s15 =	simm.s32 $0x16B00  }
.LBB2_7:
0x20e: {  	v20 =	vld [tilespmem:s15+$0xC0]  }
0x20f: {  	v21 =	vld [tilespmem:s15+$0xB0]  }
0x210: {  	v22 =	vld [tilespmem:s15+$0xA0]  }
0x211: {  	v23 =	vld [tilespmem:s15+$0xFFFFFF00]  }
0x212: {  	s1 =	sadd.s32 $0x400, s1;
	v24 =	vld [tilespmem:s15+$0xFFFFFF80]  }
0x213: {  	s13 =	sadd.s32 $0x200, s13;
	v25 =	vld [tilespmem:s15+$0xFFFFFF90];
	s3 =	sand.u32 $0x7800, s1  }
0x214: {  	s16 =	sadd.s32 $0x4, s16;
	s11 =	sand.u32 $0x380, s13;
	s4 =	sadd.s32 $0xA800, s3;
	v11 =	vmul.f32 v11, v19;
	v7 =	vmul.f32 v7, v19;
	v19 =	vld [tilespmem:s15+$0x80]  }
0x215: {  	s9 =	sand.u32 $0x7, s16;
	s3 =	sor.u32 s11, s4;
	v13 =	vmul.f32 v13, v18;
	v6 =	vmul.f32 v6, v18;
	v18 =	vld [tilespmem:s15+$0x90]  }
0x216: {  	[dreg:$0x3] =	wrdreg s6;
	s6 =	sshll.u32 s9, $0x7;
	v7 =	vadd.f32 v7, v8;
	v8 =	vmul.f32 v14, v17;
	v14 =	vld [tilespmem:s3+$0x0]  }
0x217: {  	s6 =	sadd.s32 s6, s1;
	v9 =	vadd.f32 v11, v9;
	v11 =	vld [tilespmem:s3+$0x10]  }
0x218: {  	s21 =	sadd.s32 $0x180, s6;
	v6 =	vadd.f32 v6, v15;
	v10 =	vadd.f32 v13, v10;
	v13 =	vld [tilespmem:s3+$0x20]  }
0x219: {  	v5 =	vmul.f32 v5, v17;
	s19 =	sor.u32 $0x400, s21;
	v15 =	vld [tilespmem:s3+$0x30]  }
0x21a: {  	s12 =	sor.u32 $0x410, s21;
	(xrf2) =	vadd.scan.msk.f32 $0xffff, v6;
	v6 =	vld [tilespmem:s19+$0xA800]  }
0x21b: {  	v5 =	vadd.f32 v5, v16;
	v8 =	vadd.f32 v8, v12;
	v12 =	vld [tilespmem:s12+$0xA800]  }
0x21c: {  	s6 =	sadd.s32 $0x80, s6;
	s20 =	sor.u32 $0x420, s21;
	v16 =	vld [tilespmem:s3+$0x40]  }
0x21d: {  	s23 =	sor.u32 $0x410, s6;
	(xrf2) =	vadd.scan.msk.f32 $0xffff, v5;
	v5 =	vmul.f32 v14, v19;
	v11 =	vmul.f32 v11, v18;
	v14 =	vld [tilespmem:s20+$0xA800]  }
0x21e: {  	s24 =	sor.u32 $0x430, s21;
	v17 =	vld [tilespmem:s23+$0xA800]  }
0x21f: {  	s2 =	sand.u32 $0x3, s10;
	s22 =	sor.u32 $0x400, s6;
	(xrf2) =	vadd.scan.msk.f32 $0xffff, v7;
	v5 =	vadd.f32 v11, v5;
	v11 =	vmul.f32 v13, v22;
	v13 =	vld [tilespmem:s24+$0xA800]  }
0x220: {  	s2 =	sshll.u32 s2, $0x8;
	s18 =	sadd.s32 $0xFFFFFF80, s13;
	s21 =	sor.u32 $0x440, s21;
	v7 =	vld [tilespmem:s22+$0xA800];
	(xrf2) =	vadd.scan.msk.f32 $0xffff, v9;
	v6 =	vmul.f32 v6, v19;
	v12 =	vmul.f32 v12, v18  }
0x221: {  	s2 =	sadd.s32 s1, s2;
	s18 =	sand.u32 $0x300, s18;
	v5 =	vadd.f32 v11, v5;
	v11 =	vmul.f32 v15, v21;
	v15 =	vld [tilespmem:s21+$0xA800]  }
0x222: {  	v49 =	vld [tilespmem:s15+$0x10];
	s9 =	sadd.s32 $0xFFFFFE80, s13;
	s2 =	sadd.s32 $0x100, s2;
	s18 =	sor.u32 s18, s4;
	v6 =	vadd.f32 v12, v6;
	v12 =	vmul.f32 v14, v22  }
0x223: {  	s0 =	simm.s32 $0x1;
	s9 =	sand.u32 $0x200, s9;
	s30 =	sor.u32 $0x400, s2;
	v47 =	vld [tilespmem:s18+$0x10]  }
0x224: {  	s0 =	simm.s32 @!p0 $0x0;
	s19 =	sor.u32 s9, s4;
	v9 =	vld [tilespmem:s30+$0xA800];
	v17 =	vmul.f32 v17, v25;
	v6 =	vadd.f32 v12, v6;
	v12 =	vmul.f32 v13, v21  }
0x225: {  	s0 =	sshll.u32 s0, $0x9;
	s12 =	sor.u32 $0x410, s2;
	v18 =	vld [tilespmem:s19+$0x0];
	v7 =	vmul.f32 v7, v24;
	v5 =	vadd.f32 v11, v5;
	v11 =	vmul.f32 v16, v20  }
0x226: {  	s0 =	sadd.s32 s0, s1;
	v16 =	vld [tilespmem:s12+$0xA800];
	v6 =	vadd.f32 v12, v6;
	v12 =	vmul.f32 v15, v20  }
0x227: {  	s29 =	sor.u32 $0x400, s0;
	v7 =	vadd.f32 v17, v7;
	v17 =	vld [tilespmem:s18+$0x20];
	v14, _, _ =	vpop (xrf2);
	v5 =	vadd.f32 v11, v5  }
0x228: {  	s9 =	sor.u32 $0x410, s0;
	v13 =	vbroadcast v14, $0xF;
	v14 =	vld [tilespmem:s29+$0xA800];
	v15, _, _ =	vpop (xrf2);
	v6 =	vadd.f32 v12, v6  }
0x229: {  	s11 =	sadd.s32 $0xFFFFFF00, s13;
	v11 =	vld [tilespmem:s9+$0xA800];
	(xrf2) =	vadd.scan.msk.f32 $0xffff, v5;
	v19, _, _ =	vpop (xrf2)  }
0x22a: {  	s11 =	sand.u32 $0x280, s11;
	v5 =	vbroadcast v15, $0xF;
	v15 =	vld [tilespmem:s19+$0x10];
	v48, _, _ =	vpop (xrf2);
	(xrf2) =	vadd.scan.msk.f32 $0xffff, v6  }
0x22b: {  	s20 =	sor.u32 s11, s4;
	v22 =	vbroadcast v48, $0xF;
	v6 =	vbroadcast v19, $0xF;
	(xrf2) =	vadd.scan.msk.f32 $0xffff, v10;
	v10 =	vld [tilespmem:s15+$0xFFFFFF10]  }
0x22c: {  	v12 =	vld [tilespmem:s20+$0x0]  }
0x22d: {  	v20 =	vld [tilespmem:s20+$0x10];
	v22 =	vmul.f32 v22, v3;
	v6 =	vmul.f32 v6, v4;
	(xrf2) =	vadd.scan.msk.f32 $0xffff, v8  }
0x22e: {  	v8 =	vld [tilespmem:s15+$0x0]  }
0x22f: {  	s25 =	sor.u32 $0x420, s6;
	v19 =	vld [tilespmem:s18+$0x0];
	v6 =	vadd.f32 v6, v22  }
0x230: {  	s28 =	sor.u32 $0x420, s2;
	v15 =	vmul.f32 v15, v10;
	v10 =	vmul.f32 v11, v10;
	v11 =	vld [tilespmem:s25+$0xA800]  }
0x231: {  	v14 =	vmul.f32 v14, v23;
	[tilespmem:s14+$0x0] =	vst v6;
	v6 =	vmul.f32 v12, v24;
	v12 =	vld [tilespmem:s28+$0xA800]  }
0x232: {  	s24 =	sor.u32 $0x420, s0;
	v18 =	vmul.f32 v18, v23;
	v53 =	vld [tilespmem:s15+$0xFFFFFF20]  }
0x233: {  	v20 =	vmul.f32 v20, v25;
	v9 =	vmul.f32 v9, v8;
	v10 =	vadd.f32 v10, v14;
	v14 =	vld [tilespmem:s24+$0xA800]  }
0x234: {  	v26, _, _ =	vpop (xrf2);
	v8 =	vmul.f32 v19, v8;
	v19 =	vmul.f32 v47, v49;
	v15 =	vadd.f32 v15, v18;
	v18 =	vld [tilespmem:s19+$0x20]  }
0x235: {  	v6 =	vadd.f32 v20, v6;
	v20 =	vld [tilespmem:s15+$0xFFFFFFA0];
	v50, _, _ =	vpop (xrf2)  }
0x236: {  	s26 =	sor.u32 $0x430, s2;
	v16 =	vmul.f32 v16, v49;
	v8 =	vadd.f32 v19, v8;
	v19 =	vld [tilespmem:s15+$0x20];
	v27, _, _ =	vpop (xrf2)  }
0x237: {  	v58 =	vld [tilespmem:s26+$0xA800];
	v13 =	vmul.f32 v13, v4;
	v5 =	vmul.f32 v5, v4;
	v55, _, _ =	vpop (xrf2)  }
0x238: {  	s4 =	sor.u32 $0x430, s6;
	v52 =	vld [tilespmem:s20+$0x20];
	v9 =	vadd.f32 v16, v9;
	v16 =	vbroadcast v27, $0xF;
	v56 =	vbroadcast v55, $0xF  }
0x239: {  	s31 =	sor.u32 $0x430, s0;
	v57 =	vld [tilespmem:s4+$0xA800];
	v18 =	vmul.f32 v18, v53;
	v14 =	vmul.f32 v14, v53  }
0x23a: {  	v59 =	vld [tilespmem:s31+$0xA800];
	v11 =	vmul.f32 v11, v20;
	v16 =	vmul.f32 v16, v3  }
0x23b: {  	v17 =	vmul.f32 v17, v19;
	v12 =	vmul.f32 v12, v19;
	v19 =	vld [tilespmem:s18+$0x30]  }
0x23c: {  	v21 =	vmul.f32 v56, v3;
	v10 =	vadd.f32 v14, v10;
	v14 =	vld [tilespmem:s20+$0x30];
	v15 =	vadd.f32 v18, v15  }
0x23d: {  	v18 =	vadd.f32 v11, v7;
	v7 =	vld [tilespmem:s15+$0xFFFFFF30];
	v13 =	vadd.f32 v13, v16  }
0x23e: {  	s31 =	rddreg [dreg:$0x3];
	v11 =	vld [tilespmem:s19+$0x40];
	v5 =	vadd.f32 v5, v21  }
0x23f: {  	v16 =	vld [tilespmem:s19+$0x30];
	[tilespmem:s31+$0x0] =	vst v13  }
0x240: {  	v60 =	vmul.f32 v52, v20;
	v12 =	vadd.f32 v12, v9;
	[tilespmem:s5+$0x0] =	vst v5;
	v9 =	vld [tilespmem:s15+$0xFFFFFFB0]  }
0x241: {  	s8 =	sadd.s32 $0x4, s8;
	s17 =	sadd.s32 $0x100, s17;
	s22 =	sor.u32 $0x440, s6;
	v51 =	vbroadcast v26, $0xF;
	v23 =	vbroadcast v50, $0xF;
	v61 =	vld [tilespmem:s15+$0x30]  }
0x242: {  	s7 =	sadd.s32 $0x40, s7;
	s10 =	sadd.s32 $0x2, s10;
	p1 =	slt.u32 s8, $0x7C;
	v20 =	vadd.f32 v60, v6;
	v6 =	vld [tilespmem:s22+$0xA800]  }
0x243: {  	p0 =	por !p0, !p0;
	s11 =	sor.u32 $0x440, s2;
	s29 =	sadd.s32 $0xFFFFFFF0, s7;
	v24 =	vmul.f32 v51, v3;
	v23 =	vmul.f32 v23, v4;
	v13 =	vld [tilespmem:s20+$0x40]  }
0x244: {  	s21 =	sor.u32 $0x440, s0;
	s9 =	sand.u32 $0x60, s29;
	s14 =	sand.u32 $0x1E00, s17;
	v17 =	vadd.f32 v17, v8;
	v5 =	vld [tilespmem:s11+$0xA800];
	v8 =	vmul.f32 v59, v7;
	v16 =	vmul.f32 v16, v7  }
.Ltmp2:
0x245: {  	s25 =	sand.u32 $0x70, s7;
	s0 =	sshrl.u32 s14, $0x2;
	v7 =	vld [tilespmem:s21+$0xA800];
	v62 =	vmul.f32 v14, v9;
	v14 =	vmul.f32 v57, v9;
	(pc) =	sbr.rel @p1 .LBB2_7-.Ltmp2, $4  }
0x246: {  	s28 =	sadd.s32 $0xFFFFFFE0, s7;
	s24 =	sadd.s32 $0xFFFFFFD0, s7;
	s0 =	sor.u32 $0x1A800, s0;
	v54 =	vadd.f32 v23, v24;
	v63 =	vmul.f32 v19, v61;
	v19 =	vld [tilespmem:s15+$0xFFFFFF40]  }
0x247: {  	s6 =	sand.u32 $0x50, s28;
	s3 =	sor.u32 s25, s0;
	s2 =	sand.u32 $0x40, s24;
	v9 =	vadd.f32 v16, v15;
	v21 =	vmul.f32 v58, v61;
	v15 =	vadd.f32 v14, v18;
	v14 =	vld [tilespmem:s18+$0x40]  }
0x248: {  	s30 =	sor.u32 s6, s0;
	s14 =	sor.u32 s2, s0;
	s0 =	sor.u32 s9, s0;
	v8 =	vadd.f32 v8, v10;
	v10 =	vadd.f32 v62, v20;
	v18 =	vld [tilespmem:s15+$0xFFFFFFC0]  }
0x249: {  	s6 =	smov.u32 s30;
	[tilespmem:s3+$0x0] =	vst v54;
	s5 =	smov.u32 s0;
	v16 =	vadd.f32 v21, v12;
	v12 =	vadd.f32 v63, v17;
	v17 =	vld [tilespmem:s15+$0x40];
	s15 =	sadd.s32 $0x200, s15  }
0x24a: {  	_ =	sdelay $0x2  }
0x24b: {  	v6 =	vmul.f32 v6, v18  }
0x24c: {  	v5 =	vmul.f32 v5, v17  }
0x24d: {  	v7 =	vmul.f32 v7, v19;
	v6 =	vadd.f32 v6, v15  }
0x24e: {  	v11 =	vmul.f32 v11, v19;
	v5 =	vadd.f32 v5, v16  }
0x24f: {  	v13 =	vmul.f32 v13, v18;
	v7 =	vadd.f32 v7, v8;
	(xrf2) =	vadd.scan.msk.f32 $0xffff, v6  }
0x250: {  	v60 =	vadd.f32 v11, v9;
	v6 =	vmul.f32 v14, v17;
	(xrf2) =	vadd.scan.msk.f32 $0xffff, v5  }
0x251: {  	v5 =	vadd.f32 v13, v10;
	(xrf2) =	vadd.scan.msk.f32 $0xffff, v7  }
0x252: {  	v6 =	vadd.f32 v6, v12;
	(xrf2) =	vadd.scan.msk.f32 $0xffff, v60  }
0x253: {  	(xrf2) =	vadd.scan.msk.f32 $0xffff, v5  }
0x254: {  	(xrf2) =	vadd.scan.msk.f32 $0xffff, v6;
	_ =	sdelay $0x4  }
0x255: {  	v5, _, _ =	vpop (xrf2)  }
0x256: {  	v6, _, _ =	vpop (xrf2)  }
0x257: {  	v7, _, _ =	vpop (xrf2)  }
0x258: {  	v5 =	vbroadcast v5, $0xF;
	v7 =	vbroadcast v7, $0xF;
	v8, _, _ =	vpop (xrf2)  }
0x259: {  	v6 =	vbroadcast v6, $0xF;
	v8 =	vbroadcast v8, $0xF;
	v61, _, _ =	vpop (xrf2)  }
0x25a: {  	v7 =	vmul.f32 v7, v4;
	v9 =	vbroadcast v61, $0xF;
	v62, _, _ =	vpop (xrf2)  }
0x25b: {  	v8 =	vmul.f32 v8, v3;
	v10 =	vbroadcast v62, $0xF  }
0x25c: {  	v5 =	vmul.f32 v5, v4;
	v9 =	vmul.f32 v9, v3  }
0x25d: {  	v6 =	vmul.f32 v6, v4;
	v7 =	vadd.f32 v7, v8;
	v63 =	vmul.f32 v10, v3  }
0x25e: {  	v5 =	vadd.f32 v5, v9  }
0x25f: {  	s0 =	rddreg [dreg:$0xe];
	[tilespmem:s14+$0x0] =	vst v7;
	v6 =	vadd.f32 v6, v63  }
0x260: {  	s0 =	sshll.u32 s0, $0xB;
	s1 =	rddreg [dreg:$0xa];
	[tilespmem:s6+$0x0] =	vst v5  }
0x261: {  	s0 =	sadd.s32 s1, s0;
	[tilespmem:s5+$0x0] =	vst v6  }
0x262: {  	s29 =	simm.s32 $0x0;
	s0 =	sshrl.u32 s0, $0x3;
	s28 =	rddreg [dreg:$0x7]  }
0x263: {  	s2 =	simm.s32 $0x1A800;
	s30 =	simm.s32 $0x5;
	s0 =	sadd.s32 s28, s0  }
0x264: {  	[hbm4b:s0+s29] =	stream.linear.scatter [tilespmem:s2], [sflag:$0x5], $0x800, $0x38;
	[tilespmem:$0x1B080] =	vst v63  }
0x265: {  	_ =	swait.ge [sflag:s30], $0x800  }
0x266: {  	s31 =	rddreg [dreg:$0xd]  }
0x267: {  	s1 =	sadd.s32 $0x1, s31  }
0x268: {  	p0 =	sne.s32 s1, $0x14  }
.Ltmp3:
0x269: {  	_ = 	snop;
	(pc) =	sbr.rel @p0 .LBB2_2-.Ltmp3, $3  }
0x26a: {  	_ =	sdelay $0x1  }
0x26b: {  	[sflag:s30] =	ssyncset.done $0x0  }
0x26c: {  	[sflag:s30] =	ssyncadd.s32 $0xFFFFF800  }
0x26d: {  	s1 =	rddreg [dreg:$0xc]  }
0x26e: {  	s0 =	rddreg [dreg:$0xb];
	s1 =	sadd.s32 $0x1, s1  }
0x26f: {  	p0 =	sne.s32 s1, s0  }
.Ltmp4:
0x270: {  	_ = 	snop;
	(pc) =	sbr.rel @p0 .LBB2_1-.Ltmp4, $1  }
0x271: {  	_ =	sdelay $0x3  }
0x272: {  	_ =	sfence.sel $0x180000  }
0x273: {  	[bflag:$0x0] =	sbarrier.arrive $0xFFFF  }
0x274: {  	_ =	strace $0x9000004A  }
0x275: {  	s0 =	stileid.u32;
	[bflag:$0x2] =	sbarrier.arrive $0xFFFF  }
0x276: {  	p0 =	sne.s32 s0, $0x0;
	s0 =	rddreg [dreg:$0x2]  }
0x277: {  	s0 =	sadd.s32 @!p0 $0x100000, s0  }
0x278: {  	[sflag:s0] =	ssyncadd.tile.s32 @!p0 $0x1;
	_ =	shalt  }
.Lfunc_end2:
_tile_overlayer_lowered:
.L_overlay_start_2:
0x279: {  	(tag) =	ssettag $0x2  }
0x27a: {  	s0 =	rddreg [dreg:$0x0];
	s2 =	stileid.u32  }
0x27b: {  	s1 =	rddreg [dreg:$0x1];
	p0 =	sne.s32 s2, $0x0  }
0x27c: {  	s3 =	rddreg [dreg:$0x2];
	[bflag:$0x3] =	sbarrier.arrive $0xFFFF;
	s2 =	simm.s32 @!p0 $0x1C05  }
0x27d: {  	[timem:s3], [sflag:s2] =	dma.local @!p0 [hbm:s0], s1  }
0x27e: {  	s0 =	simm.s32 @!p0 $0x5  }
0x27f: {  	_ =	swait.ge @!p0 [sflag:s0], s1  }
0x280: {  	s1 =	ssub.s32 @!p0 $0x0, s1;
	[sflag:s0] =	ssyncset.done @!p0 $0x0  }
0x281: {  	[sflag:s0] =	ssyncadd.s32 @!p0 s1  }
0x282: {  	[bflag:$0x3] =	sbarrier.arrive $0xFFFF  }
0x283: {  	_ =	shalt  }

</sc_bundles>
